<compile_context>
chip_gen: v7x
topology: tpu7x:2x2x1
jax: 0.10.2.dev20260603
libtpu: 0.0.44.dev20260713+nightly
codegen_flags: <defaults>
</compile_context>

<pallas_src>
import functools
import math

import jax
import jax.numpy as jnp
from jax import lax
from jax.experimental import pallas as pl
from jax.experimental.pallas import tpu as pltpu
from jax.experimental.pallas import tpu_sc as plsc

PAD = 0
SMOOTH = 0.1


def _sc_gather_part(n_rows, vocab):
    eps = SMOOTH / (vocab - 2)
    coef = (1.0 - SMOOTH) - eps
    rows_per_w = 16
    n_workers = n_rows // rows_per_w
    mesh = plsc.VectorSubcoreMesh(core_axis_name="c", subcore_axis_name="s", num_cores=1)

    @functools.partial(
        pl.kernel,
        mesh=mesh,
        out_type=[
            jax.ShapeDtypeStruct((n_workers, 16), jnp.float32),
            jax.ShapeDtypeStruct((16,), jnp.float32),
        ],
        scratch_types=[
            pltpu.VMEM((16,), jnp.int32),
            pltpu.VMEM((16, 8, 128), jnp.float32),
            pltpu.VMEM((16,), jnp.float32),
            pltpu.VMEM((16, 16), jnp.float32),
            pltpu.SemaphoreType.DMA,
        ],
    )
    def k(lp_hbm, tgt_hbm, parts_hbm, fin_hbm, tgt_v, blk_v, part_v, all_v, sem):
        c = lax.axis_index("c")
        s = lax.axis_index("s")
        lanes = lax.iota(jnp.int32, 16)

        @pl.when((c == 0) & (s < n_workers))
        def _():
            base = s * rows_per_w
            pltpu.async_copy(
                tgt_hbm.at[pl.ds(base, rows_per_w)], tgt_v, sem
            ).wait()
            tv = tgt_v[...]
            amax = ((vocab - 128) // 128) * 128
            handles = []
            c0s = []
            for i in range(rows_per_w):
                t_i = tv[i]
                c0 = jnp.minimum((t_i // 128) * 128, amax)
                c0s.append(c0)
                r0 = base + 8 * (i // 8)
                handles.append(pltpu.async_copy(
                    lp_hbm.at[pl.ds(r0, 8), pl.ds(c0, 128)],
                    blk_v.at[i], sem,
                ))
            for h in handles:
                h.wait()
            acc = jnp.zeros((16,), jnp.float32)
            for i in range(rows_per_w):
                t_i = tv[i]
                w_live = jnp.where(t_i != PAD, 1.0, 0.0)
                wv = jnp.full((16,), w_live, jnp.float32)
                cc_v = jnp.full((16,), t_i - c0s[i], jnp.int32)
                for q in range(8):
                    chunk = blk_v[i, i % 8, pl.ds(16 * q, 16)]
                    colv = 16 * q + lanes
                    acc += jnp.where(colv == cc_v, -coef * wv * chunk, 0.0)
            part_v[...] = acc
            pltpu.async_copy(part_v, parts_hbm.at[s], sem).wait()

        plsc.subcore_barrier()

        @pl.when((c == 0) & (s == 0))
        def _():
            pltpu.async_copy(parts_hbm, all_v, sem).wait()
            tot = jnp.zeros((16,), jnp.float32)
            for j in range(n_workers):
                tot += all_v[j]
            dn = lax.GatherDimensionNumbers(
                offset_dims=(), collapsed_slice_dims=(0,),
                start_index_map=(0,),
            )
            for st in (8, 4, 2, 1):
                tot = tot + lax.gather(
                    tot, (lanes ^ st).reshape(16, 1), dn,
                    slice_sizes=(1,),
                    mode=lax.GatherScatterMode.PROMISE_IN_BOUNDS,
                )
            part_v[...] = tot
            pltpu.async_copy(part_v, fin_hbm, sem).wait()

    return k


def _tc_dense_part(n_rows, vocab, row_blk):
    eps = SMOOTH / (vocab - 2)
    c_row = (1.0 - SMOOTH) * math.log(1.0 - SMOOTH) + SMOOTH * math.log(eps)
    nsteps = n_rows // row_blk

    coef = (1.0 - SMOOTH) - eps
    edge_lo = ((vocab - 128) // 128) * 128 + 128

    def body(t_ref, lp_ref, out_ref, acc_ref):
        i = pl.program_id(0)

        @pl.when(i == 0)
        def _():
            acc_ref[...] = jnp.zeros_like(acc_ref)

        s = jnp.sum(lp_ref[...], axis=1, keepdims=True)
        z = lp_ref[:, 0:1]
        per_row = jnp.where(t_ref[...] != PAD, c_row + eps * z - eps * s, 0.0)
        total = jnp.sum(per_row)
        if edge_lo < vocab:
            tail = lp_ref[:, vocab - 128:]
            cid = (vocab - 128) + lax.broadcasted_iota(
                jnp.int32, (row_blk, 128), 1
            )
            m = (t_ref[...] >= edge_lo) & (cid == t_ref[...])
            total += jnp.sum(jnp.where(m, -coef * tail, 0.0))
        acc_ref[...] += total.reshape(1, 1)

        @pl.when(i == nsteps - 1)
        def _():
            out_ref[...] = acc_ref[...]

    return pl.pallas_call(
        body,
        grid=(nsteps,),
        in_specs=[
            pl.BlockSpec((row_blk, 1), lambda i: (i, 0)),
            pl.BlockSpec((row_blk, vocab), lambda i: (i, 0)),
        ],
        out_specs=pl.BlockSpec((1, 1), lambda i: (0, 0)),
        out_shape=jax.ShapeDtypeStruct((1, 1), jnp.float32),
        scratch_shapes=[pltpu.VMEM((1, 1), jnp.float32)],
        compiler_params=pltpu.CompilerParams(
            dimension_semantics=("arbitrary",),
        ),
    )


def kernel(log_probs, target):
    vocab = log_probs.shape[-1]
    lp2 = log_probs.reshape(-1, vocab)
    n_rows = lp2.shape[0]
    tgt = target.reshape(-1)

    row_blk = 32 if n_rows % 32 == 0 else n_rows
    a = _tc_dense_part(n_rows, vocab, row_blk)(tgt.reshape(n_rows, 1), lp2)
    _, b = _sc_gather_part(n_rows, vocab)(lp2, tgt)
    return a[0, 0] + b[0]

# --- scband reference (transcript-rebuilt; emitter-appended) ---
"""Pipeline reference for scband-xent-loss-10943576670717 (READ-ONLY COPY).

The authoritative reference and input builder live on the scoring server;
editing this copy changes nothing except your own understanding.
"""

import jax, jax.numpy as jnp
import numpy as np

PAD_INDEX = 0
SMOOTHING = 0.1


def setup_inputs(seed: int = 0) -> dict:
    key = jax.random.key(seed)
    k1, k2 = jax.random.split(key)
    log_probs = jax.random.normal(k1, (16, 16, 100000), dtype=jnp.float32)
    target = jax.random.randint(k2, (16, 16), 0, 100000, dtype=jnp.int32)
    return {"log_probs": log_probs, "target": target}


def _smooth_target(target_flat, vocab_size):
    n = target_flat.shape[0]
    smooth = jnp.full((n, vocab_size), SMOOTHING / (vocab_size - 2), dtype=jnp.float32)
    smooth = smooth.at[jnp.arange(n), target_flat].set(1.0 - SMOOTHING)
    smooth = smooth.at[:, PAD_INDEX].set(0.0)
    smooth = jnp.where((target_flat == PAD_INDEX)[:, None], 0.0, smooth)
    return smooth


def reference(log_probs, target):
    vocab_size = log_probs.shape[-1]
    lp = log_probs.reshape(-1, vocab_size)
    t = target.reshape(-1)
    smooth = _smooth_target(t, vocab_size)
    # torch.nn.KLDivLoss(reduction='sum'): sum(target * (log(target) - input)), 0*log(0)=0
    safe = jnp.where(smooth > 0, smooth, 1.0)
    loss_el = jnp.where(smooth > 0, smooth * (jnp.log(safe) - lp), 0.0)
    return jnp.sum(loss_el)

if __name__ == "__main__":
    import jax
    _d = setup_inputs()
    print(jax.jit(kernel)(*tuple(_d.values())))

</pallas_src>

<mosaic_0001>
#map = affine_map<(d0, d1) -> (0, 0)>
#map1 = affine_map<(d0, d1) -> (0)>
module attributes {stable_mosaic.version = 14 : i64} {
  func.func @k(%arg0: i32, %arg1: i32, %arg2: memref<256x100000xf32, #tpu.memory_space<hbm>>, %arg3: memref<256xi32, #tpu.memory_space<hbm>>, %arg4: memref<16x16xf32, #tpu.memory_space<hbm>>, %arg5: memref<16xf32, #tpu.memory_space<hbm>>, %arg6: memref<16xi32, #tpu.memory_space<vmem>>, %arg7: memref<16x8x128xf32, #tpu.memory_space<vmem>>, %arg8: memref<16xf32, #tpu.memory_space<vmem>>, %arg9: memref<16x16xf32, #tpu.memory_space<vmem>>, %arg10: memref<!tpu.dma_semaphore, #tpu.memory_space<semaphore_mem>>) attributes {dimension_semantics = [#tpu.dimension_semantics<core_parallel>, #tpu.dimension_semantics<subcore_parallel>], iteration_bounds = array<i64: 1, 16>, scalar_prefetch = 0 : i64, scratch_operands = 5 : i64, tpu.core_type = #tpu.core_type<sc_vector_subcore>, window_params = [{transform_indices = #map}, {transform_indices = #map1}, {transform_indices = #map}, {transform_indices = #map1}]} {
    %iota3A = tpu.iota {dimensions = array<i32: 0>} : vector<16xi32>
    %eq3A = arith.constant 0 : i32
    %eq3A_0 = arith.cmpi eq, %arg0, %eq3A : i32
    %lt3A = arith.constant 16 : i32
    %lt3A_1 = arith.cmpi slt, %arg1, %lt3A : i32
    %and3A = arith.andi %eq3A_0, %lt3A_1 : i1
    %convert_element_type3A = arith.extui %and3A : i1 to i32
    %cond3A = arith.constant 0 : i32
    %cond3A_2 = arith.cmpi ne, %convert_element_type3A, %cond3A : i32
    scf.if %cond3A_2 {
      %mul3A = arith.constant 16 : i32
      %mul3A_11 = arith.muli %arg1, %mul3A : i32
      %dma_start3A = tpu.memref_slice %arg3[%mul3A_11] : memref<256xi32, #tpu.memory_space<hbm>> -> memref<16xi32, #tpu.memory_space<hbm>>
      %dma_start3A_12 = tpu.memref_slice %arg3[%mul3A_11] : memref<256xi32, #tpu.memory_space<hbm>> -> memref<16xi32, #tpu.memory_space<hbm>>
      tpu.enqueue_dma source(%dma_start3A_12 : memref<16xi32, #tpu.memory_space<hbm>>) target(%arg6 : memref<16xi32, #tpu.memory_space<vmem>>) target_semaphore(%arg10 : memref<!tpu.dma_semaphore, #tpu.memory_space<semaphore_mem>>)
      %dma_wait3A = tpu.memref_slice %arg3[%mul3A_11] : memref<256xi32, #tpu.memory_space<hbm>> -> memref<16xi32, #tpu.memory_space<hbm>>
      %dma_wait3A_13 = tpu.memref_slice %arg3[%mul3A_11] : memref<256xi32, #tpu.memory_space<hbm>> -> memref<16xi32, #tpu.memory_space<hbm>>
      tpu.wait_dma2 semaphore(%arg10 : memref<!tpu.dma_semaphore, #tpu.memory_space<semaphore_mem>>) src(%dma_wait3A_13 : memref<16xi32, #tpu.memory_space<hbm>>) dst(%arg6 : memref<16xi32, #tpu.memory_space<vmem>>)
      %get3A = arith.constant 0 : index
      %get3A_14 = tpu.vector_load %arg6[%get3A] {strides = array<i32>} : memref<16xi32, #tpu.memory_space<vmem>>, vector<16xi32>,
      %get3A_15 = vector.shape_cast %get3A_14 : vector<16xi32> to vector<16xi32>
      %slice3A = vector.extract_strided_slice %get3A_15 {offsets = [0], sizes = [1], strides = [1]} : vector<16xi32> to vector<1xi32>
      %squeeze3A = vector.extract %slice3A[0] : i32 from vector<1xi32>
      %jit3A = arith.constant 128 : i32
      %div3A = arith.divsi %squeeze3A, %jit3A : i32
      %sign3A = arith.constant 0 : i32
      %sign3A_16 = arith.cmpi sgt, %squeeze3A, %sign3A : i32
      %sign3A_17 = arith.extui %sign3A_16 : i1 to i32
      %sign3A_18 = arith.constant 0 : i32
      %sign3A_19 = arith.cmpi slt, %squeeze3A, %sign3A_18 : i32
      %sign3A_20 = arith.extui %sign3A_19 : i1 to i32
      %sign3A_21 = arith.subi %sign3A_17, %sign3A_20 : i32
      %sign3A_22 = arith.constant 0 : i32
      %sign3A_23 = arith.cmpi sgt, %jit3A, %sign3A_22 : i32
      %sign3A_24 = arith.extui %sign3A_23 : i1 to i32
      %sign3A_25 = arith.constant 0 : i32
      %sign3A_26 = arith.cmpi slt, %jit3A, %sign3A_25 : i32
      %sign3A_27 = arith.extui %sign3A_26 : i1 to i32
      %sign3A_28 = arith.subi %sign3A_24, %sign3A_27 : i32
      %ne3A = arith.cmpi ne, %sign3A_21, %sign3A_28 : i32
      %rem3A = arith.remsi %squeeze3A, %jit3A : i32
      %ne3A_29 = arith.constant 0 : i32
      %ne3A_30 = arith.cmpi ne, %rem3A, %ne3A_29 : i32
      %and3A_31 = arith.andi %ne3A, %ne3A_30 : i1
      %sub3A = arith.constant 1 : i32
      %sub3A_32 = arith.subi %div3A, %sub3A : i32
      %select_n3A = arith.select %and3A_31, %sub3A_32, %div3A : i32
      %mul3A_33 = arith.constant 128 : i32
      %mul3A_34 = arith.muli %select_n3A, %mul3A_33 : i32
      %min3A = arith.constant 99840 : i32
      %min3A_35 = arith.minsi %mul3A_34, %min3A : i32
      %add3A = arith.constant 0 : i32
      %add3A_36 = arith.addi %mul3A_11, %add3A : i32
      %dma_start3A_37 = arith.constant 0 : i32
      %dma_start3A_38 = arith.constant 0 : i32
      %dma_start3A_39 = arith.constant 0 : i32
      %dma_start3A_40 = tpu.memref_slice %arg7[%dma_start3A_37, %dma_start3A_38, %dma_start3A_39] : memref<16x8x128xf32, #tpu.memory_space<vmem>> -> memref<1x8x128xf32, #tpu.memory_space<vmem>>
      %dma_start3A_41 = tpu.memref_squeeze %dma_start3A_40 : memref<1x8x128xf32, #tpu.memory_space<vmem>> -> memref<8x128xf32, #tpu.memory_space<vmem>>
      %dma_start3A_42 = tpu.memref_slice %arg2[%add3A_36, %min3A_35] : memref<256x100000xf32, #tpu.memory_space<hbm>> -> memref<8x128xf32, #tpu.memory_space<hbm>>
      %dma_start3A_43 = arith.constant 0 : i32
      %dma_start3A_44 = arith.constant 0 : i32
      %dma_start3A_45 = tpu.memref_slice %arg7[%dma_start3A_37, %dma_start3A_43, %dma_start3A_44] : memref<16x8x128xf32, #tpu.memory_space<vmem>> -> memref<1x8x128xf32, #tpu.memory_space<vmem>>
      %dma_start3A_46 = tpu.memref_squeeze %dma_start3A_45 : memref<1x8x128xf32, #tpu.memory_space<vmem>> -> memref<8x128xf32, #tpu.memory_space<vmem>>
      %dma_start3A_47 = tpu.memref_slice %arg2[%add3A_36, %min3A_35] : memref<256x100000xf32, #tpu.memory_space<hbm>> -> memref<8x128xf32, #tpu.memory_space<hbm>>
      tpu.enqueue_dma source(%dma_start3A_47 : memref<8x128xf32, #tpu.memory_space<hbm>>) target(%dma_start3A_46 : memref<8x128xf32, #tpu.memory_space<vmem>>) target_semaphore(%arg10 : memref<!tpu.dma_semaphore, #tpu.memory_space<semaphore_mem>>)
      %slice3A_48 = vector.extract_strided_slice %get3A_15 {offsets = [1], sizes = [1], strides = [1]} : vector<16xi32> to vector<1xi32>
      %squeeze3A_49 = vector.extract %slice3A_48[0] : i32 from vector<1xi32>
      %jit3A_50 = arith.constant 128 : i32
      %div3A_51 = arith.divsi %squeeze3A_49, %jit3A_50 : i32
      %sign3A_52 = arith.constant 0 : i32
      %sign3A_53 = arith.cmpi sgt, %squeeze3A_49, %sign3A_52 : i32
      %sign3A_54 = arith.extui %sign3A_53 : i1 to i32
      %sign3A_55 = arith.constant 0 : i32
      %sign3A_56 = arith.cmpi slt, %squeeze3A_49, %sign3A_55 : i32
      %sign3A_57 = arith.extui %sign3A_56 : i1 to i32
      %sign3A_58 = arith.subi %sign3A_54, %sign3A_57 : i32
      %sign3A_59 = arith.constant 0 : i32
      %sign3A_60 = arith.cmpi sgt, %jit3A_50, %sign3A_59 : i32
      %sign3A_61 = arith.extui %sign3A_60 : i1 to i32
      %sign3A_62 = arith.constant 0 : i32
      %sign3A_63 = arith.cmpi slt, %jit3A_50, %sign3A_62 : i32
      %sign3A_64 = arith.extui %sign3A_63 : i1 to i32
      %sign3A_65 = arith.subi %sign3A_61, %sign3A_64 : i32
      %ne3A_66 = arith.cmpi ne, %sign3A_58, %sign3A_65 : i32
      %rem3A_67 = arith.remsi %squeeze3A_49, %jit3A_50 : i32
      %ne3A_68 = arith.constant 0 : i32
      %ne3A_69 = arith.cmpi ne, %rem3A_67, %ne3A_68 : i32
      %and3A_70 = arith.andi %ne3A_66, %ne3A_69 : i1
      %sub3A_71 = arith.constant 1 : i32
      %sub3A_72 = arith.subi %div3A_51, %sub3A_71 : i32
      %select_n3A_73 = arith.select %and3A_70, %sub3A_72, %div3A_51 : i32
      %mul3A_74 = arith.constant 128 : i32
      %mul3A_75 = arith.muli %select_n3A_73, %mul3A_74 : i32
      %min3A_76 = arith.constant 99840 : i32
      %min3A_77 = arith.minsi %mul3A_75, %min3A_76 : i32
      %add3A_78 = arith.constant 0 : i32
      %add3A_79 = arith.addi %mul3A_11, %add3A_78 : i32
      %dma_start3A_80 = arith.constant 1 : i32
      %dma_start3A_81 = arith.constant 0 : i32
      %dma_start3A_82 = arith.constant 0 : i32
      %dma_start3A_83 = tpu.memref_slice %arg7[%dma_start3A_80, %dma_start3A_81, %dma_start3A_82] : memref<16x8x128xf32, #tpu.memory_space<vmem>> -> memref<1x8x128xf32, #tpu.memory_space<vmem>>
      %dma_start3A_84 = tpu.memref_squeeze %dma_start3A_83 : memref<1x8x128xf32, #tpu.memory_space<vmem>> -> memref<8x128xf32, #tpu.memory_space<vmem>>
      %dma_start3A_85 = tpu.memref_slice %arg2[%add3A_79, %min3A_77] : memref<256x100000xf32, #tpu.memory_space<hbm>> -> memref<8x128xf32, #tpu.memory_space<hbm>>
      %dma_start3A_86 = arith.constant 0 : i32
      %dma_start3A_87 = arith.constant 0 : i32
      %dma_start3A_88 = tpu.memref_slice %arg7[%dma_start3A_80, %dma_start3A_86, %dma_start3A_87] : memref<16x8x128xf32, #tpu.memory_space<vmem>> -> memref<1x8x128xf32, #tpu.memory_space<vmem>>
      %dma_start3A_89 = tpu.memref_squeeze %dma_start3A_88 : memref<1x8x128xf32, #tpu.memory_space<vmem>> -> memref<8x128xf32, #tpu.memory_space<vmem>>
      %dma_start3A_90 = tpu.memref_slice %arg2[%add3A_79, %min3A_77] : memref<256x100000xf32, #tpu.memory_space<hbm>> -> memref<8x128xf32, #tpu.memory_space<hbm>>
      tpu.enqueue_dma source(%dma_start3A_90 : memref<8x128xf32, #tpu.memory_space<hbm>>) target(%dma_start3A_89 : memref<8x128xf32, #tpu.memory_space<vmem>>) target_semaphore(%arg10 : memref<!tpu.dma_semaphore, #tpu.memory_space<semaphore_mem>>)
      %slice3A_91 = vector.extract_strided_slice %get3A_15 {offsets = [2], sizes = [1], strides = [1]} : vector<16xi32> to vector<1xi32>
      %squeeze3A_92 = vector.extract %slice3A_91[0] : i32 from vector<1xi32>
      %jit3A_93 = arith.constant 128 : i32
      %div3A_94 = arith.divsi %squeeze3A_92, %jit3A_93 : i32
      %sign3A_95 = arith.constant 0 : i32
      %sign3A_96 = arith.cmpi sgt, %squeeze3A_92, %sign3A_95 : i32
      %sign3A_97 = arith.extui %sign3A_96 : i1 to i32
      %sign3A_98 = arith.constant 0 : i32
      %sign3A_99 = arith.cmpi slt, %squeeze3A_92, %sign3A_98 : i32
      %sign3A_100 = arith.extui %sign3A_99 : i1 to i32
      %sign3A_101 = arith.subi %sign3A_97, %sign3A_100 : i32
      %sign3A_102 = arith.constant 0 : i32
      %sign3A_103 = arith.cmpi sgt, %jit3A_93, %sign3A_102 : i32
      %sign3A_104 = arith.extui %sign3A_103 : i1 to i32
      %sign3A_105 = arith.constant 0 : i32
      %sign3A_106 = arith.cmpi slt, %jit3A_93, %sign3A_105 : i32
      %sign3A_107 = arith.extui %sign3A_106 : i1 to i32
      %sign3A_108 = arith.subi %sign3A_104, %sign3A_107 : i32
      %ne3A_109 = arith.cmpi ne, %sign3A_101, %sign3A_108 : i32
      %rem3A_110 = arith.remsi %squeeze3A_92, %jit3A_93 : i32
      %ne3A_111 = arith.constant 0 : i32
      %ne3A_112 = arith.cmpi ne, %rem3A_110, %ne3A_111 : i32
      %and3A_113 = arith.andi %ne3A_109, %ne3A_112 : i1
      %sub3A_114 = arith.constant 1 : i32
      %sub3A_115 = arith.subi %div3A_94, %sub3A_114 : i32
      %select_n3A_116 = arith.select %and3A_113, %sub3A_115, %div3A_94 : i32
      %mul3A_117 = arith.constant 128 : i32
      %mul3A_118 = arith.muli %select_n3A_116, %mul3A_117 : i32
      %min3A_119 = arith.constant 99840 : i32
      %min3A_120 = arith.minsi %mul3A_118, %min3A_119 : i32
      %add3A_121 = arith.constant 0 : i32
      %add3A_122 = arith.addi %mul3A_11, %add3A_121 : i32
      %dma_start3A_123 = arith.constant 2 : i32
      %dma_start3A_124 = arith.constant 0 : i32
      %dma_start3A_125 = arith.constant 0 : i32
      %dma_start3A_126 = tpu.memref_slice %arg7[%dma_start3A_123, %dma_start3A_124, %dma_start3A_125] : memref<16x8x128xf32, #tpu.memory_space<vmem>> -> memref<1x8x128xf32, #tpu.memory_space<vmem>>
      %dma_start3A_127 = tpu.memref_squeeze %dma_start3A_126 : memref<1x8x128xf32, #tpu.memory_space<vmem>> -> memref<8x128xf32, #tpu.memory_space<vmem>>
      %dma_start3A_128 = tpu.memref_slice %arg2[%add3A_122, %min3A_120] : memref<256x100000xf32, #tpu.memory_space<hbm>> -> memref<8x128xf32, #tpu.memory_space<hbm>>
      %dma_start3A_129 = arith.constant 0 : i32
      %dma_start3A_130 = arith.constant 0 : i32
      %dma_start3A_131 = tpu.memref_slice %arg7[%dma_start3A_123, %dma_start3A_129, %dma_start3A_130] : memref<16x8x128xf32, #tpu.memory_space<vmem>> -> memref<1x8x128xf32, #tpu.memory_space<vmem>>
      %dma_start3A_132 = tpu.memref_squeeze %dma_start3A_131 : memref<1x8x128xf32, #tpu.memory_space<vmem>> -> memref<8x128xf32, #tpu.memory_space<vmem>>
      %dma_start3A_133 = tpu.memref_slice %arg2[%add3A_122, %min3A_120] : memref<256x100000xf32, #tpu.memory_space<hbm>> -> memref<8x128xf32, #tpu.memory_space<hbm>>
      tpu.enqueue_dma source(%dma_start3A_133 : memref<8x128xf32, #tpu.memory_space<hbm>>) target(%dma_start3A_132 : memref<8x128xf32, #tpu.memory_space<vmem>>) target_semaphore(%arg10 : memref<!tpu.dma_semaphore, #tpu.memory_space<semaphore_mem>>)
      %slice3A_134 = vector.extract_strided_slice %get3A_15 {offsets = [3], sizes = [1], strides = [1]} : vector<16xi32> to vector<1xi32>
      %squeeze3A_135 = vector.extract %slice3A_134[0] : i32 from vector<1xi32>
      %jit3A_136 = arith.constant 128 : i32
      %div3A_137 = arith.divsi %squeeze3A_135, %jit3A_136 : i32
      %sign3A_138 = arith.constant 0 : i32
      %sign3A_139 = arith.cmpi sgt, %squeeze3A_135, %sign3A_138 : i32
      %sign3A_140 = arith.extui %sign3A_139 : i1 to i32
      %sign3A_141 = arith.constant 0 : i32
      %sign3A_142 = arith.cmpi slt, %squeeze3A_135, %sign3A_141 : i32
      %sign3A_143 = arith.extui %sign3A_142 : i1 to i32
      %sign3A_144 = arith.subi %sign3A_140, %sign3A_143 : i32
      %sign3A_145 = arith.constant 0 : i32
      %sign3A_146 = arith.cmpi sgt, %jit3A_136, %sign3A_145 : i32
      %sign3A_147 = arith.extui %sign3A_146 : i1 to i32
      %sign3A_148 = arith.constant 0 : i32
      %sign3A_149 = arith.cmpi slt, %jit3A_136, %sign3A_148 : i32
      %sign3A_150 = arith.extui %sign3A_149 : i1 to i32
      %sign3A_151 = arith.subi %sign3A_147, %sign3A_150 : i32
      %ne3A_152 = arith.cmpi ne, %sign3A_144, %sign3A_151 : i32
      %rem3A_153 = arith.remsi %squeeze3A_135, %jit3A_136 : i32
      %ne3A_154 = arith.constant 0 : i32
      %ne3A_155 = arith.cmpi ne, %rem3A_153, %ne3A_154 : i32
      %and3A_156 = arith.andi %ne3A_152, %ne3A_155 : i1
      %sub3A_157 = arith.constant 1 : i32
      %sub3A_158 = arith.subi %div3A_137, %sub3A_157 : i32
      %select_n3A_159 = arith.select %and3A_156, %sub3A_158, %div3A_137 : i32
      %mul3A_160 = arith.constant 128 : i32
      %mul3A_161 = arith.muli %select_n3A_159, %mul3A_160 : i32
      %min3A_162 = arith.constant 99840 : i32
      %min3A_163 = arith.minsi %mul3A_161, %min3A_162 : i32
      %add3A_164 = arith.constant 0 : i32
      %add3A_165 = arith.addi %mul3A_11, %add3A_164 : i32
      %dma_start3A_166 = arith.constant 3 : i32
      %dma_start3A_167 = arith.constant 0 : i32
      %dma_start3A_168 = arith.constant 0 : i32
      %dma_start3A_169 = tpu.memref_slice %arg7[%dma_start3A_166, %dma_start3A_167, %dma_start3A_168] : memref<16x8x128xf32, #tpu.memory_space<vmem>> -> memref<1x8x128xf32, #tpu.memory_space<vmem>>
      %dma_start3A_170 = tpu.memref_squeeze %dma_start3A_169 : memref<1x8x128xf32, #tpu.memory_space<vmem>> -> memref<8x128xf32, #tpu.memory_space<vmem>>
      %dma_start3A_171 = tpu.memref_slice %arg2[%add3A_165, %min3A_163] : memref<256x100000xf32, #tpu.memory_space<hbm>> -> memref<8x128xf32, #tpu.memory_space<hbm>>
      %dma_start3A_172 = arith.constant 0 : i32
      %dma_start3A_173 = arith.constant 0 : i32
      %dma_start3A_174 = tpu.memref_slice %arg7[%dma_start3A_166, %dma_start3A_172, %dma_start3A_173] : memref<16x8x128xf32, #tpu.memory_space<vmem>> -> memref<1x8x128xf32, #tpu.memory_space<vmem>>
      %dma_start3A_175 = tpu.memref_squeeze %dma_start3A_174 : memref<1x8x128xf32, #tpu.memory_space<vmem>> -> memref<8x128xf32, #tpu.memory_space<vmem>>
      %dma_start3A_176 = tpu.memref_slice %arg2[%add3A_165, %min3A_163] : memref<256x100000xf32, #tpu.memory_space<hbm>> -> memref<8x128xf32, #tpu.memory_space<hbm>>
      tpu.enqueue_dma source(%dma_start3A_176 : memref<8x128xf32, #tpu.memory_space<hbm>>) target(%dma_start3A_175 : memref<8x128xf32, #tpu.memory_space<vmem>>) target_semaphore(%arg10 : memref<!tpu.dma_semaphore, #tpu.memory_space<semaphore_mem>>)
      %slice3A_177 = vector.extract_strided_slice %get3A_15 {offsets = [4], sizes = [1], strides = [1]} : vector<16xi32> to vector<1xi32>
      %squeeze3A_178 = vector.extract %slice3A_177[0] : i32 from vector<1xi32>
      %jit3A_179 = arith.constant 128 : i32
      %div3A_180 = arith.divsi %squeeze3A_178, %jit3A_179 : i32
      %sign3A_181 = arith.constant 0 : i32
      %sign3A_182 = arith.cmpi sgt, %squeeze3A_178, %sign3A_181 : i32
      %sign3A_183 = arith.extui %sign3A_182 : i1 to i32
      %sign3A_184 = arith.constant 0 : i32
      %sign3A_185 = arith.cmpi slt, %squeeze3A_178, %sign3A_184 : i32
      %sign3A_186 = arith.extui %sign3A_185 : i1 to i32
      %sign3A_187 = arith.subi %sign3A_183, %sign3A_186 : i32
      %sign3A_188 = arith.constant 0 : i32
      %sign3A_189 = arith.cmpi sgt, %jit3A_179, %sign3A_188 : i32
      %sign3A_190 = arith.extui %sign3A_189 : i1 to i32
      %sign3A_191 = arith.constant 0 : i32
      %sign3A_192 = arith.cmpi slt, %jit3A_179, %sign3A_191 : i32
      %sign3A_193 = arith.extui %sign3A_192 : i1 to i32
      %sign3A_194 = arith.subi %sign3A_190, %sign3A_193 : i32
      %ne3A_195 = arith.cmpi ne, %sign3A_187, %sign3A_194 : i32
      %rem3A_196 = arith.remsi %squeeze3A_178, %jit3A_179 : i32
      %ne3A_197 = arith.constant 0 : i32
      %ne3A_198 = arith.cmpi ne, %rem3A_196, %ne3A_197 : i32
      %and3A_199 = arith.andi %ne3A_195, %ne3A_198 : i1
      %sub3A_200 = arith.constant 1 : i32
      %sub3A_201 = arith.subi %div3A_180, %sub3A_200 : i32
      %select_n3A_202 = arith.select %and3A_199, %sub3A_201, %div3A_180 : i32
      %mul3A_203 = arith.constant 128 : i32
      %mul3A_204 = arith.muli %select_n3A_202, %mul3A_203 : i32
      %min3A_205 = arith.constant 99840 : i32
      %min3A_206 = arith.minsi %mul3A_204, %min3A_205 : i32
      %add3A_207 = arith.constant 0 : i32
      %add3A_208 = arith.addi %mul3A_11, %add3A_207 : i32
      %dma_start3A_209 = arith.constant 4 : i32
      %dma_start3A_210 = arith.constant 0 : i32
      %dma_start3A_211 = arith.constant 0 : i32
      %dma_start3A_212 = tpu.memref_slice %arg7[%dma_start3A_209, %dma_start3A_210, %dma_start3A_211] : memref<16x8x128xf32, #tpu.memory_space<vmem>> -> memref<1x8x128xf32, #tpu.memory_space<vmem>>
      %dma_start3A_213 = tpu.memref_squeeze %dma_start3A_212 : memref<1x8x128xf32, #tpu.memory_space<vmem>> -> memref<8x128xf32, #tpu.memory_space<vmem>>
      %dma_start3A_214 = tpu.memref_slice %arg2[%add3A_208, %min3A_206] : memref<256x100000xf32, #tpu.memory_space<hbm>> -> memref<8x128xf32, #tpu.memory_space<hbm>>
      %dma_start3A_215 = arith.constant 0 : i32
      %dma_start3A_216 = arith.constant 0 : i32
      %dma_start3A_217 = tpu.memref_slice %arg7[%dma_start3A_209, %dma_start3A_215, %dma_start3A_216] : memref<16x8x128xf32, #tpu.memory_space<vmem>> -> memref<1x8x128xf32, #tpu.memory_space<vmem>>
      %dma_start3A_218 = tpu.memref_squeeze %dma_start3A_217 : memref<1x8x128xf32, #tpu.memory_space<vmem>> -> memref<8x128xf32, #tpu.memory_space<vmem>>
      %dma_start3A_219 = tpu.memref_slice %arg2[%add3A_208, %min3A_206] : memref<256x100000xf32, #tpu.memory_space<hbm>> -> memref<8x128xf32, #tpu.memory_space<hbm>>
      tpu.enqueue_dma source(%dma_start3A_219 : memref<8x128xf32, #tpu.memory_space<hbm>>) target(%dma_start3A_218 : memref<8x128xf32, #tpu.memory_space<vmem>>) target_semaphore(%arg10 : memref<!tpu.dma_semaphore, #tpu.memory_space<semaphore_mem>>)
      %slice3A_220 = vector.extract_strided_slice %get3A_15 {offsets = [5], sizes = [1], strides = [1]} : vector<16xi32> to vector<1xi32>
      %squeeze3A_221 = vector.extract %slice3A_220[0] : i32 from vector<1xi32>
      %jit3A_222 = arith.constant 128 : i32
      %div3A_223 = arith.divsi %squeeze3A_221, %jit3A_222 : i32
      %sign3A_224 = arith.constant 0 : i32
      %sign3A_225 = arith.cmpi sgt, %squeeze3A_221, %sign3A_224 : i32
      %sign3A_226 = arith.extui %sign3A_225 : i1 to i32
      %sign3A_227 = arith.constant 0 : i32
      %sign3A_228 = arith.cmpi slt, %squeeze3A_221, %sign3A_227 : i32
      %sign3A_229 = arith.extui %sign3A_228 : i1 to i32
      %sign3A_230 = arith.subi %sign3A_226, %sign3A_229 : i32
      %sign3A_231 = arith.constant 0 : i32
      %sign3A_232 = arith.cmpi sgt, %jit3A_222, %sign3A_231 : i32
      %sign3A_233 = arith.extui %sign3A_232 : i1 to i32
      %sign3A_234 = arith.constant 0 : i32
      %sign3A_235 = arith.cmpi slt, %jit3A_222, %sign3A_234 : i32
      %sign3A_236 = arith.extui %sign3A_235 : i1 to i32
      %sign3A_237 = arith.subi %sign3A_233, %sign3A_236 : i32
      %ne3A_238 = arith.cmpi ne, %sign3A_230, %sign3A_237 : i32
      %rem3A_239 = arith.remsi %squeeze3A_221, %jit3A_222 : i32
      %ne3A_240 = arith.constant 0 : i32
      %ne3A_241 = arith.cmpi ne, %rem3A_239, %ne3A_240 : i32
      %and3A_242 = arith.andi %ne3A_238, %ne3A_241 : i1
      %sub3A_243 = arith.constant 1 : i32
      %sub3A_244 = arith.subi %div3A_223, %sub3A_243 : i32
      %select_n3A_245 = arith.select %and3A_242, %sub3A_244, %div3A_223 : i32
      %mul3A_246 = arith.constant 128 : i32
      %mul3A_247 = arith.muli %select_n3A_245, %mul3A_246 : i32
      %min3A_248 = arith.constant 99840 : i32
      %min3A_249 = arith.minsi %mul3A_247, %min3A_248 : i32
      %add3A_250 = arith.constant 0 : i32
      %add3A_251 = arith.addi %mul3A_11, %add3A_250 : i32
      %dma_start3A_252 = arith.constant 5 : i32
      %dma_start3A_253 = arith.constant 0 : i32
      %dma_start3A_254 = arith.constant 0 : i32
      %dma_start3A_255 = tpu.memref_slice %arg7[%dma_start3A_252, %dma_start3A_253, %dma_start3A_254] : memref<16x8x128xf32, #tpu.memory_space<vmem>> -> memref<1x8x128xf32, #tpu.memory_space<vmem>>
      %dma_start3A_256 = tpu.memref_squeeze %dma_start3A_255 : memref<1x8x128xf32, #tpu.memory_space<vmem>> -> memref<8x128xf32, #tpu.memory_space<vmem>>
      %dma_start3A_257 = tpu.memref_slice %arg2[%add3A_251, %min3A_249] : memref<256x100000xf32, #tpu.memory_space<hbm>> -> memref<8x128xf32, #tpu.memory_space<hbm>>
      %dma_start3A_258 = arith.constant 0 : i32
      %dma_start3A_259 = arith.constant 0 : i32
      %dma_start3A_260 = tpu.memref_slice %arg7[%dma_start3A_252, %dma_start3A_258, %dma_start3A_259] : memref<16x8x128xf32, #tpu.memory_space<vmem>> -> memref<1x8x128xf32, #tpu.memory_space<vmem>>
      %dma_start3A_261 = tpu.memref_squeeze %dma_start3A_260 : memref<1x8x128xf32, #tpu.memory_space<vmem>> -> memref<8x128xf32, #tpu.memory_space<vmem>>
      %dma_start3A_262 = tpu.memref_slice %arg2[%add3A_251, %min3A_249] : memref<256x100000xf32, #tpu.memory_space<hbm>> -> memref<8x128xf32, #tpu.memory_space<hbm>>
      tpu.enqueue_dma source(%dma_start3A_262 : memref<8x128xf32, #tpu.memory_space<hbm>>) target(%dma_start3A_261 : memref<8x128xf32, #tpu.memory_space<vmem>>) target_semaphore(%arg10 : memref<!tpu.dma_semaphore, #tpu.memory_space<semaphore_mem>>)
      %slice3A_263 = vector.extract_strided_slice %get3A_15 {offsets = [6], sizes = [1], strides = [1]} : vector<16xi32> to vector<1xi32>
      %squeeze3A_264 = vector.extract %slice3A_263[0] : i32 from vector<1xi32>
      %jit3A_265 = arith.constant 128 : i32
      %div3A_266 = arith.divsi %squeeze3A_264, %jit3A_265 : i32
      %sign3A_267 = arith.constant 0 : i32
      %sign3A_268 = arith.cmpi sgt, %squeeze3A_264, %sign3A_267 : i32
      %sign3A_269 = arith.extui %sign3A_268 : i1 to i32
      %sign3A_270 = arith.constant 0 : i32
      %sign3A_271 = arith.cmpi slt, %squeeze3A_264, %sign3A_270 : i32
      %sign3A_272 = arith.extui %sign3A_271 : i1 to i32
      %sign3A_273 = arith.subi %sign3A_269, %sign3A_272 : i32
      %sign3A_274 = arith.constant 0 : i32
      %sign3A_275 = arith.cmpi sgt, %jit3A_265, %sign3A_274 : i32
      %sign3A_276 = arith.extui %sign3A_275 : i1 to i32
      %sign3A_277 = arith.constant 0 : i32
      %sign3A_278 = arith.cmpi slt, %jit3A_265, %sign3A_277 : i32
      %sign3A_279 = arith.extui %sign3A_278 : i1 to i32
      %sign3A_280 = arith.subi %sign3A_276, %sign3A_279 : i32
      %ne3A_281 = arith.cmpi ne, %sign3A_273, %sign3A_280 : i32
      %rem3A_282 = arith.remsi %squeeze3A_264, %jit3A_265 : i32
      %ne3A_283 = arith.constant 0 : i32
      %ne3A_284 = arith.cmpi ne, %rem3A_282, %ne3A_283 : i32
      %and3A_285 = arith.andi %ne3A_281, %ne3A_284 : i1
      %sub3A_286 = arith.constant 1 : i32
      %sub3A_287 = arith.subi %div3A_266, %sub3A_286 : i32
      %select_n3A_288 = arith.select %and3A_285, %sub3A_287, %div3A_266 : i32
      %mul3A_289 = arith.constant 128 : i32
      %mul3A_290 = arith.muli %select_n3A_288, %mul3A_289 : i32
      %min3A_291 = arith.constant 99840 : i32
      %min3A_292 = arith.minsi %mul3A_290, %min3A_291 : i32
      %add3A_293 = arith.constant 0 : i32
      %add3A_294 = arith.addi %mul3A_11, %add3A_293 : i32
      %dma_start3A_295 = arith.constant 6 : i32
      %dma_start3A_296 = arith.constant 0 : i32
      %dma_start3A_297 = arith.constant 0 : i32
      %dma_start3A_298 = tpu.memref_slice %arg7[%dma_start3A_295, %dma_start3A_296, %dma_start3A_297] : memref<16x8x128xf32, #tpu.memory_space<vmem>> -> memref<1x8x128xf32, #tpu.memory_space<vmem>>
      %dma_start3A_299 = tpu.memref_squeeze %dma_start3A_298 : memref<1x8x128xf32, #tpu.memory_space<vmem>> -> memref<8x128xf32, #tpu.memory_space<vmem>>
      %dma_start3A_300 = tpu.memref_slice %arg2[%add3A_294, %min3A_292] : memref<256x100000xf32, #tpu.memory_space<hbm>> -> memref<8x128xf32, #tpu.memory_space<hbm>>
      %dma_start3A_301 = arith.constant 0 : i32
      %dma_start3A_302 = arith.constant 0 : i32
      %dma_start3A_303 = tpu.memref_slice %arg7[%dma_start3A_295, %dma_start3A_301, %dma_start3A_302] : memref<16x8x128xf32, #tpu.memory_space<vmem>> -> memref<1x8x128xf32, #tpu.memory_space<vmem>>
      %dma_start3A_304 = tpu.memref_squeeze %dma_start3A_303 : memref<1x8x128xf32, #tpu.memory_space<vmem>> -> memref<8x128xf32, #tpu.memory_space<vmem>>
      %dma_start3A_305 = tpu.memref_slice %arg2[%add3A_294, %min3A_292] : memref<256x100000xf32, #tpu.memory_space<hbm>> -> memref<8x128xf32, #tpu.memory_space<hbm>>
      tpu.enqueue_dma source(%dma_start3A_305 : memref<8x128xf32, #tpu.memory_space<hbm>>) target(%dma_start3A_304 : memref<8x128xf32, #tpu.memory_space<vmem>>) target_semaphore(%arg10 : memref<!tpu.dma_semaphore, #tpu.memory_space<semaphore_mem>>)
      %slice3A_306 = vector.extract_strided_slice %get3A_15 {offsets = [7], sizes = [1], strides = [1]} : vector<16xi32> to vector<1xi32>
      %squeeze3A_307 = vector.extract %slice3A_306[0] : i32 from vector<1xi32>
      %jit3A_308 = arith.constant 128 : i32
      %div3A_309 = arith.divsi %squeeze3A_307, %jit3A_308 : i32
      %sign3A_310 = arith.constant 0 : i32
      %sign3A_311 = arith.cmpi sgt, %squeeze3A_307, %sign3A_310 : i32
      %sign3A_312 = arith.extui %sign3A_311 : i1 to i32
      %sign3A_313 = arith.constant 0 : i32
      %sign3A_314 = arith.cmpi slt, %squeeze3A_307, %sign3A_313 : i32
      %sign3A_315 = arith.extui %sign3A_314 : i1 to i32
      %sign3A_316 = arith.subi %sign3A_312, %sign3A_315 : i32
      %sign3A_317 = arith.constant 0 : i32
      %sign3A_318 = arith.cmpi sgt, %jit3A_308, %sign3A_317 : i32
      %sign3A_319 = arith.extui %sign3A_318 : i1 to i32
      %sign3A_320 = arith.constant 0 : i32
      %sign3A_321 = arith.cmpi slt, %jit3A_308, %sign3A_320 : i32
      %sign3A_322 = arith.extui %sign3A_321 : i1 to i32
      %sign3A_323 = arith.subi %sign3A_319, %sign3A_322 : i32
      %ne3A_324 = arith.cmpi ne, %sign3A_316, %sign3A_323 : i32
      %rem3A_325 = arith.remsi %squeeze3A_307, %jit3A_308 : i32
      %ne3A_326 = arith.constant 0 : i32
      %ne3A_327 = arith.cmpi ne, %rem3A_325, %ne3A_326 : i32
      %and3A_328 = arith.andi %ne3A_324, %ne3A_327 : i1
      %sub3A_329 = arith.constant 1 : i32
      %sub3A_330 = arith.subi %div3A_309, %sub3A_329 : i32
      %select_n3A_331 = arith.select %and3A_328, %sub3A_330, %div3A_309 : i32
      %mul3A_332 = arith.constant 128 : i32
      %mul3A_333 = arith.muli %select_n3A_331, %mul3A_332 : i32
      %min3A_334 = arith.constant 99840 : i32
      %min3A_335 = arith.minsi %mul3A_333, %min3A_334 : i32
      %add3A_336 = arith.constant 0 : i32
      %add3A_337 = arith.addi %mul3A_11, %add3A_336 : i32
      %dma_start3A_338 = arith.constant 7 : i32
      %dma_start3A_339 = arith.constant 0 : i32
      %dma_start3A_340 = arith.constant 0 : i32
      %dma_start3A_341 = tpu.memref_slice %arg7[%dma_start3A_338, %dma_start3A_339, %dma_start3A_340] : memref<16x8x128xf32, #tpu.memory_space<vmem>> -> memref<1x8x128xf32, #tpu.memory_space<vmem>>
      %dma_start3A_342 = tpu.memref_squeeze %dma_start3A_341 : memref<1x8x128xf32, #tpu.memory_space<vmem>> -> memref<8x128xf32, #tpu.memory_space<vmem>>
      %dma_start3A_343 = tpu.memref_slice %arg2[%add3A_337, %min3A_335] : memref<256x100000xf32, #tpu.memory_space<hbm>> -> memref<8x128xf32, #tpu.memory_space<hbm>>
      %dma_start3A_344 = arith.constant 0 : i32
      %dma_start3A_345 = arith.constant 0 : i32
      %dma_start3A_346 = tpu.memref_slice %arg7[%dma_start3A_338, %dma_start3A_344, %dma_start3A_345] : memref<16x8x128xf32, #tpu.memory_space<vmem>> -> memref<1x8x128xf32, #tpu.memory_space<vmem>>
      %dma_start3A_347 = tpu.memref_squeeze %dma_start3A_346 : memref<1x8x128xf32, #tpu.memory_space<vmem>> -> memref<8x128xf32, #tpu.memory_space<vmem>>
      %dma_start3A_348 = tpu.memref_slice %arg2[%add3A_337, %min3A_335] : memref<256x100000xf32, #tpu.memory_space<hbm>> -> memref<8x128xf32, #tpu.memory_space<hbm>>
      tpu.enqueue_dma source(%dma_start3A_348 : memref<8x128xf32, #tpu.memory_space<hbm>>) target(%dma_start3A_347 : memref<8x128xf32, #tpu.memory_space<vmem>>) target_semaphore(%arg10 : memref<!tpu.dma_semaphore, #tpu.memory_space<semaphore_mem>>)
      %slice3A_349 = vector.extract_strided_slice %get3A_15 {offsets = [8], sizes = [1], strides = [1]} : vector<16xi32> to vector<1xi32>
      %squeeze3A_350 = vector.extract %slice3A_349[0] : i32 from vector<1xi32>
      %jit3A_351 = arith.constant 128 : i32
      %div3A_352 = arith.divsi %squeeze3A_350, %jit3A_351 : i32
      %sign3A_353 = arith.constant 0 : i32
      %sign3A_354 = arith.cmpi sgt, %squeeze3A_350, %sign3A_353 : i32
      %sign3A_355 = arith.extui %sign3A_354 : i1 to i32
      %sign3A_356 = arith.constant 0 : i32
      %sign3A_357 = arith.cmpi slt, %squeeze3A_350, %sign3A_356 : i32
      %sign3A_358 = arith.extui %sign3A_357 : i1 to i32
      %sign3A_359 = arith.subi %sign3A_355, %sign3A_358 : i32
      %sign3A_360 = arith.constant 0 : i32
      %sign3A_361 = arith.cmpi sgt, %jit3A_351, %sign3A_360 : i32
      %sign3A_362 = arith.extui %sign3A_361 : i1 to i32
      %sign3A_363 = arith.constant 0 : i32
      %sign3A_364 = arith.cmpi slt, %jit3A_351, %sign3A_363 : i32
      %sign3A_365 = arith.extui %sign3A_364 : i1 to i32
      %sign3A_366 = arith.subi %sign3A_362, %sign3A_365 : i32
      %ne3A_367 = arith.cmpi ne, %sign3A_359, %sign3A_366 : i32
      %rem3A_368 = arith.remsi %squeeze3A_350, %jit3A_351 : i32
      %ne3A_369 = arith.constant 0 : i32
      %ne3A_370 = arith.cmpi ne, %rem3A_368, %ne3A_369 : i32
      %and3A_371 = arith.andi %ne3A_367, %ne3A_370 : i1
      %sub3A_372 = arith.constant 1 : i32
      %sub3A_373 = arith.subi %div3A_352, %sub3A_372 : i32
      %select_n3A_374 = arith.select %and3A_371, %sub3A_373, %div3A_352 : i32
      %mul3A_375 = arith.constant 128 : i32
      %mul3A_376 = arith.muli %select_n3A_374, %mul3A_375 : i32
      %min3A_377 = arith.constant 99840 : i32
      %min3A_378 = arith.minsi %mul3A_376, %min3A_377 : i32
      %add3A_379 = arith.constant 8 : i32
      %add3A_380 = arith.addi %mul3A_11, %add3A_379 : i32
      %dma_start3A_381 = arith.constant 8 : i32
      %dma_start3A_382 = arith.constant 0 : i32
      %dma_start3A_383 = arith.constant 0 : i32
      %dma_start3A_384 = tpu.memref_slice %arg7[%dma_start3A_381, %dma_start3A_382, %dma_start3A_383] : memref<16x8x128xf32, #tpu.memory_space<vmem>> -> memref<1x8x128xf32, #tpu.memory_space<vmem>>
      %dma_start3A_385 = tpu.memref_squeeze %dma_start3A_384 : memref<1x8x128xf32, #tpu.memory_space<vmem>> -> memref<8x128xf32, #tpu.memory_space<vmem>>
      %dma_start3A_386 = tpu.memref_slice %arg2[%add3A_380, %min3A_378] : memref<256x100000xf32, #tpu.memory_space<hbm>> -> memref<8x128xf32, #tpu.memory_space<hbm>>
      %dma_start3A_387 = arith.constant 0 : i32
      %dma_start3A_388 = arith.constant 0 : i32
      %dma_start3A_389 = tpu.memref_slice %arg7[%dma_start3A_381, %dma_start3A_387, %dma_start3A_388] : memref<16x8x128xf32, #tpu.memory_space<vmem>> -> memref<1x8x128xf32, #tpu.memory_space<vmem>>
      %dma_start3A_390 = tpu.memref_squeeze %dma_start3A_389 : memref<1x8x128xf32, #tpu.memory_space<vmem>> -> memref<8x128xf32, #tpu.memory_space<vmem>>
      %dma_start3A_391 = tpu.memref_slice %arg2[%add3A_380, %min3A_378] : memref<256x100000xf32, #tpu.memory_space<hbm>> -> memref<8x128xf32, #tpu.memory_space<hbm>>
      tpu.enqueue_dma source(%dma_start3A_391 : memref<8x128xf32, #tpu.memory_space<hbm>>) target(%dma_start3A_390 : memref<8x128xf32, #tpu.memory_space<vmem>>) target_semaphore(%arg10 : memref<!tpu.dma_semaphore, #tpu.memory_space<semaphore_mem>>)
      %slice3A_392 = vector.extract_strided_slice %get3A_15 {offsets = [9], sizes = [1], strides = [1]} : vector<16xi32> to vector<1xi32>
      %squeeze3A_393 = vector.extract %slice3A_392[0] : i32 from vector<1xi32>
      %jit3A_394 = arith.constant 128 : i32
      %div3A_395 = arith.divsi %squeeze3A_393, %jit3A_394 : i32
      %sign3A_396 = arith.constant 0 : i32
      %sign3A_397 = arith.cmpi sgt, %squeeze3A_393, %sign3A_396 : i32
      %sign3A_398 = arith.extui %sign3A_397 : i1 to i32
      %sign3A_399 = arith.constant 0 : i32
      %sign3A_400 = arith.cmpi slt, %squeeze3A_393, %sign3A_399 : i32
      %sign3A_401 = arith.extui %sign3A_400 : i1 to i32
      %sign3A_402 = arith.subi %sign3A_398, %sign3A_401 : i32
      %sign3A_403 = arith.constant 0 : i32
      %sign3A_404 = arith.cmpi sgt, %jit3A_394, %sign3A_403 : i32
      %sign3A_405 = arith.extui %sign3A_404 : i1 to i32
      %sign3A_406 = arith.constant 0 : i32
      %sign3A_407 = arith.cmpi slt, %jit3A_394, %sign3A_406 : i32
      %sign3A_408 = arith.extui %sign3A_407 : i1 to i32
      %sign3A_409 = arith.subi %sign3A_405, %sign3A_408 : i32
      %ne3A_410 = arith.cmpi ne, %sign3A_402, %sign3A_409 : i32
      %rem3A_411 = arith.remsi %squeeze3A_393, %jit3A_394 : i32
      %ne3A_412 = arith.constant 0 : i32
      %ne3A_413 = arith.cmpi ne, %rem3A_411, %ne3A_412 : i32
      %and3A_414 = arith.andi %ne3A_410, %ne3A_413 : i1
      %sub3A_415 = arith.constant 1 : i32
      %sub3A_416 = arith.subi %div3A_395, %sub3A_415 : i32
      %select_n3A_417 = arith.select %and3A_414, %sub3A_416, %div3A_395 : i32
      %mul3A_418 = arith.constant 128 : i32
      %mul3A_419 = arith.muli %select_n3A_417, %mul3A_418 : i32
      %min3A_420 = arith.constant 99840 : i32
      %min3A_421 = arith.minsi %mul3A_419, %min3A_420 : i32
      %add3A_422 = arith.constant 8 : i32
      %add3A_423 = arith.addi %mul3A_11, %add3A_422 : i32
      %dma_start3A_424 = arith.constant 9 : i32
      %dma_start3A_425 = arith.constant 0 : i32
      %dma_start3A_426 = arith.constant 0 : i32
      %dma_start3A_427 = tpu.memref_slice %arg7[%dma_start3A_424, %dma_start3A_425, %dma_start3A_426] : memref<16x8x128xf32, #tpu.memory_space<vmem>> -> memref<1x8x128xf32, #tpu.memory_space<vmem>>
      %dma_start3A_428 = tpu.memref_squeeze %dma_start3A_427 : memref<1x8x128xf32, #tpu.memory_space<vmem>> -> memref<8x128xf32, #tpu.memory_space<vmem>>
      %dma_start3A_429 = tpu.memref_slice %arg2[%add3A_423, %min3A_421] : memref<256x100000xf32, #tpu.memory_space<hbm>> -> memref<8x128xf32, #tpu.memory_space<hbm>>
      %dma_start3A_430 = arith.constant 0 : i32
      %dma_start3A_431 = arith.constant 0 : i32
      %dma_start3A_432 = tpu.memref_slice %arg7[%dma_start3A_424, %dma_start3A_430, %dma_start3A_431] : memref<16x8x128xf32, #tpu.memory_space<vmem>> -> memref<1x8x128xf32, #tpu.memory_space<vmem>>
      %dma_start3A_433 = tpu.memref_squeeze %dma_start3A_432 : memref<1x8x128xf32, #tpu.memory_space<vmem>> -> memref<8x128xf32, #tpu.memory_space<vmem>>
      %dma_start3A_434 = tpu.memref_slice %arg2[%add3A_423, %min3A_421] : memref<256x100000xf32, #tpu.memory_space<hbm>> -> memref<8x128xf32, #tpu.memory_space<hbm>>
      tpu.enqueue_dma source(%dma_start3A_434 : memref<8x128xf32, #tpu.memory_space<hbm>>) target(%dma_start3A_433 : memref<8x128xf32, #tpu.memory_space<vmem>>) target_semaphore(%arg10 : memref<!tpu.dma_semaphore, #tpu.memory_space<semaphore_mem>>)
      %slice3A_435 = vector.extract_strided_slice %get3A_15 {offsets = [10], sizes = [1], strides = [1]} : vector<16xi32> to vector<1xi32>
      %squeeze3A_436 = vector.extract %slice3A_435[0] : i32 from vector<1xi32>
      %jit3A_437 = arith.constant 128 : i32
      %div3A_438 = arith.divsi %squeeze3A_436, %jit3A_437 : i32
      %sign3A_439 = arith.constant 0 : i32
      %sign3A_440 = arith.cmpi sgt, %squeeze3A_436, %sign3A_439 : i32
      %sign3A_441 = arith.extui %sign3A_440 : i1 to i32
      %sign3A_442 = arith.constant 0 : i32
      %sign3A_443 = arith.cmpi slt, %squeeze3A_436, %sign3A_442 : i32
      %sign3A_444 = arith.extui %sign3A_443 : i1 to i32
      %sign3A_445 = arith.subi %sign3A_441, %sign3A_444 : i32
      %sign3A_446 = arith.constant 0 : i32
      %sign3A_447 = arith.cmpi sgt, %jit3A_437, %sign3A_446 : i32
      %sign3A_448 = arith.extui %sign3A_447 : i1 to i32
      %sign3A_449 = arith.constant 0 : i32
      %sign3A_450 = arith.cmpi slt, %jit3A_437, %sign3A_449 : i32
      %sign3A_451 = arith.extui %sign3A_450 : i1 to i32
      %sign3A_452 = arith.subi %sign3A_448, %sign3A_451 : i32
      %ne3A_453 = arith.cmpi ne, %sign3A_445, %sign3A_452 : i32
      %rem3A_454 = arith.remsi %squeeze3A_436, %jit3A_437 : i32
      %ne3A_455 = arith.constant 0 : i32
      %ne3A_456 = arith.cmpi ne, %rem3A_454, %ne3A_455 : i32
      %and3A_457 = arith.andi %ne3A_453, %ne3A_456 : i1
      %sub3A_458 = arith.constant 1 : i32
      %sub3A_459 = arith.subi %div3A_438, %sub3A_458 : i32
      %select_n3A_460 = arith.select %and3A_457, %sub3A_459, %div3A_438 : i32
      %mul3A_461 = arith.constant 128 : i32
      %mul3A_462 = arith.muli %select_n3A_460, %mul3A_461 : i32
      %min3A_463 = arith.constant 99840 : i32
      %min3A_464 = arith.minsi %mul3A_462, %min3A_463 : i32
      %add3A_465 = arith.constant 8 : i32
      %add3A_466 = arith.addi %mul3A_11, %add3A_465 : i32
      %dma_start3A_467 = arith.constant 10 : i32
      %dma_start3A_468 = arith.constant 0 : i32
      %dma_start3A_469 = arith.constant 0 : i32
      %dma_start3A_470 = tpu.memref_slice %arg7[%dma_start3A_467, %dma_start3A_468, %dma_start3A_469] : memref<16x8x128xf32, #tpu.memory_space<vmem>> -> memref<1x8x128xf32, #tpu.memory_space<vmem>>
      %dma_start3A_471 = tpu.memref_squeeze %dma_start3A_470 : memref<1x8x128xf32, #tpu.memory_space<vmem>> -> memref<8x128xf32, #tpu.memory_space<vmem>>
      %dma_start3A_472 = tpu.memref_slice %arg2[%add3A_466, %min3A_464] : memref<256x100000xf32, #tpu.memory_space<hbm>> -> memref<8x128xf32, #tpu.memory_space<hbm>>
      %dma_start3A_473 = arith.constant 0 : i32
      %dma_start3A_474 = arith.constant 0 : i32
      %dma_start3A_475 = tpu.memref_slice %arg7[%dma_start3A_467, %dma_start3A_473, %dma_start3A_474] : memref<16x8x128xf32, #tpu.memory_space<vmem>> -> memref<1x8x128xf32, #tpu.memory_space<vmem>>
      %dma_start3A_476 = tpu.memref_squeeze %dma_start3A_475 : memref<1x8x128xf32, #tpu.memory_space<vmem>> -> memref<8x128xf32, #tpu.memory_space<vmem>>
      %dma_start3A_477 = tpu.memref_slice %arg2[%add3A_466, %min3A_464] : memref<256x100000xf32, #tpu.memory_space<hbm>> -> memref<8x128xf32, #tpu.memory_space<hbm>>
      tpu.enqueue_dma source(%dma_start3A_477 : memref<8x128xf32, #tpu.memory_space<hbm>>) target(%dma_start3A_476 : memref<8x128xf32, #tpu.memory_space<vmem>>) target_semaphore(%arg10 : memref<!tpu.dma_semaphore, #tpu.memory_space<semaphore_mem>>)
      %slice3A_478 = vector.extract_strided_slice %get3A_15 {offsets = [11], sizes = [1], strides = [1]} : vector<16xi32> to vector<1xi32>
      %squeeze3A_479 = vector.extract %slice3A_478[0] : i32 from vector<1xi32>
      %jit3A_480 = arith.constant 128 : i32
      %div3A_481 = arith.divsi %squeeze3A_479, %jit3A_480 : i32
      %sign3A_482 = arith.constant 0 : i32
      %sign3A_483 = arith.cmpi sgt, %squeeze3A_479, %sign3A_482 : i32
      %sign3A_484 = arith.extui %sign3A_483 : i1 to i32
      %sign3A_485 = arith.constant 0 : i32
      %sign3A_486 = arith.cmpi slt, %squeeze3A_479, %sign3A_485 : i32
      %sign3A_487 = arith.extui %sign3A_486 : i1 to i32
      %sign3A_488 = arith.subi %sign3A_484, %sign3A_487 : i32
      %sign3A_489 = arith.constant 0 : i32
      %sign3A_490 = arith.cmpi sgt, %jit3A_480, %sign3A_489 : i32
      %sign3A_491 = arith.extui %sign3A_490 : i1 to i32
      %sign3A_492 = arith.constant 0 : i32
      %sign3A_493 = arith.cmpi slt, %jit3A_480, %sign3A_492 : i32
      %sign3A_494 = arith.extui %sign3A_493 : i1 to i32
      %sign3A_495 = arith.subi %sign3A_491, %sign3A_494 : i32
      %ne3A_496 = arith.cmpi ne, %sign3A_488, %sign3A_495 : i32
      %rem3A_497 = arith.remsi %squeeze3A_479, %jit3A_480 : i32
      %ne3A_498 = arith.constant 0 : i32
      %ne3A_499 = arith.cmpi ne, %rem3A_497, %ne3A_498 : i32
      %and3A_500 = arith.andi %ne3A_496, %ne3A_499 : i1
      %sub3A_501 = arith.constant 1 : i32
      %sub3A_502 = arith.subi %div3A_481, %sub3A_501 : i32
      %select_n3A_503 = arith.select %and3A_500, %sub3A_502, %div3A_481 : i32
      %mul3A_504 = arith.constant 128 : i32
      %mul3A_505 = arith.muli %select_n3A_503, %mul3A_504 : i32
      %min3A_506 = arith.constant 99840 : i32
      %min3A_507 = arith.minsi %mul3A_505, %min3A_506 : i32
      %add3A_508 = arith.constant 8 : i32
      %add3A_509 = arith.addi %mul3A_11, %add3A_508 : i32
      %dma_start3A_510 = arith.constant 11 : i32
      %dma_start3A_511 = arith.constant 0 : i32
      %dma_start3A_512 = arith.constant 0 : i32
      %dma_start3A_513 = tpu.memref_slice %arg7[%dma_start3A_510, %dma_start3A_511, %dma_start3A_512] : memref<16x8x128xf32, #tpu.memory_space<vmem>> -> memref<1x8x128xf32, #tpu.memory_space<vmem>>
      %dma_start3A_514 = tpu.memref_squeeze %dma_start3A_513 : memref<1x8x128xf32, #tpu.memory_space<vmem>> -> memref<8x128xf32, #tpu.memory_space<vmem>>
      %dma_start3A_515 = tpu.memref_slice %arg2[%add3A_509, %min3A_507] : memref<256x100000xf32, #tpu.memory_space<hbm>> -> memref<8x128xf32, #tpu.memory_space<hbm>>
      %dma_start3A_516 = arith.constant 0 : i32
      %dma_start3A_517 = arith.constant 0 : i32
      %dma_start3A_518 = tpu.memref_slice %arg7[%dma_start3A_510, %dma_start3A_516, %dma_start3A_517] : memref<16x8x128xf32, #tpu.memory_space<vmem>> -> memref<1x8x128xf32, #tpu.memory_space<vmem>>
      %dma_start3A_519 = tpu.memref_squeeze %dma_start3A_518 : memref<1x8x128xf32, #tpu.memory_space<vmem>> -> memref<8x128xf32, #tpu.memory_space<vmem>>
      %dma_start3A_520 = tpu.memref_slice %arg2[%add3A_509, %min3A_507] : memref<256x100000xf32, #tpu.memory_space<hbm>> -> memref<8x128xf32, #tpu.memory_space<hbm>>
      tpu.enqueue_dma source(%dma_start3A_520 : memref<8x128xf32, #tpu.memory_space<hbm>>) target(%dma_start3A_519 : memref<8x128xf32, #tpu.memory_space<vmem>>) target_semaphore(%arg10 : memref<!tpu.dma_semaphore, #tpu.memory_space<semaphore_mem>>)
      %slice3A_521 = vector.extract_strided_slice %get3A_15 {offsets = [12], sizes = [1], strides = [1]} : vector<16xi32> to vector<1xi32>
      %squeeze3A_522 = vector.extract %slice3A_521[0] : i32 from vector<1xi32>
      %jit3A_523 = arith.constant 128 : i32
      %div3A_524 = arith.divsi %squeeze3A_522, %jit3A_523 : i32
      %sign3A_525 = arith.constant 0 : i32
      %sign3A_526 = arith.cmpi sgt, %squeeze3A_522, %sign3A_525 : i32
      %sign3A_527 = arith.extui %sign3A_526 : i1 to i32
      %sign3A_528 = arith.constant 0 : i32
      %sign3A_529 = arith.cmpi slt, %squeeze3A_522, %sign3A_528 : i32
      %sign3A_530 = arith.extui %sign3A_529 : i1 to i32
      %sign3A_531 = arith.subi %sign3A_527, %sign3A_530 : i32
      %sign3A_532 = arith.constant 0 : i32
      %sign3A_533 = arith.cmpi sgt, %jit3A_523, %sign3A_532 : i32
      %sign3A_534 = arith.extui %sign3A_533 : i1 to i32
      %sign3A_535 = arith.constant 0 : i32
      %sign3A_536 = arith.cmpi slt, %jit3A_523, %sign3A_535 : i32
      %sign3A_537 = arith.extui %sign3A_536 : i1 to i32
      %sign3A_538 = arith.subi %sign3A_534, %sign3A_537 : i32
      %ne3A_539 = arith.cmpi ne, %sign3A_531, %sign3A_538 : i32
      %rem3A_540 = arith.remsi %squeeze3A_522, %jit3A_523 : i32
      %ne3A_541 = arith.constant 0 : i32
      %ne3A_542 = arith.cmpi ne, %rem3A_540, %ne3A_541 : i32
      %and3A_543 = arith.andi %ne3A_539, %ne3A_542 : i1
      %sub3A_544 = arith.constant 1 : i32
      %sub3A_545 = arith.subi %div3A_524, %sub3A_544 : i32
      %select_n3A_546 = arith.select %and3A_543, %sub3A_545, %div3A_524 : i32
      %mul3A_547 = arith.constant 128 : i32
      %mul3A_548 = arith.muli %select_n3A_546, %mul3A_547 : i32
      %min3A_549 = arith.constant 99840 : i32
      %min3A_550 = arith.minsi %mul3A_548, %min3A_549 : i32
      %add3A_551 = arith.constant 8 : i32
      %add3A_552 = arith.addi %mul3A_11, %add3A_551 : i32
      %dma_start3A_553 = arith.constant 12 : i32
      %dma_start3A_554 = arith.constant 0 : i32
      %dma_start3A_555 = arith.constant 0 : i32
      %dma_start3A_556 = tpu.memref_slice %arg7[%dma_start3A_553, %dma_start3A_554, %dma_start3A_555] : memref<16x8x128xf32, #tpu.memory_space<vmem>> -> memref<1x8x128xf32, #tpu.memory_space<vmem>>
      %dma_start3A_557 = tpu.memref_squeeze %dma_start3A_556 : memref<1x8x128xf32, #tpu.memory_space<vmem>> -> memref<8x128xf32, #tpu.memory_space<vmem>>
      %dma_start3A_558 = tpu.memref_slice %arg2[%add3A_552, %min3A_550] : memref<256x100000xf32, #tpu.memory_space<hbm>> -> memref<8x128xf32, #tpu.memory_space<hbm>>
      %dma_start3A_559 = arith.constant 0 : i32
      %dma_start3A_560 = arith.constant 0 : i32
      %dma_start3A_561 = tpu.memref_slice %arg7[%dma_start3A_553, %dma_start3A_559, %dma_start3A_560] : memref<16x8x128xf32, #tpu.memory_space<vmem>> -> memref<1x8x128xf32, #tpu.memory_space<vmem>>
      %dma_start3A_562 = tpu.memref_squeeze %dma_start3A_561 : memref<1x8x128xf32, #tpu.memory_space<vmem>> -> memref<8x128xf32, #tpu.memory_space<vmem>>
      %dma_start3A_563 = tpu.memref_slice %arg2[%add3A_552, %min3A_550] : memref<256x100000xf32, #tpu.memory_space<hbm>> -> memref<8x128xf32, #tpu.memory_space<hbm>>
      tpu.enqueue_dma source(%dma_start3A_563 : memref<8x128xf32, #tpu.memory_space<hbm>>) target(%dma_start3A_562 : memref<8x128xf32, #tpu.memory_space<vmem>>) target_semaphore(%arg10 : memref<!tpu.dma_semaphore, #tpu.memory_space<semaphore_mem>>)
      %slice3A_564 = vector.extract_strided_slice %get3A_15 {offsets = [13], sizes = [1], strides = [1]} : vector<16xi32> to vector<1xi32>
      %squeeze3A_565 = vector.extract %slice3A_564[0] : i32 from vector<1xi32>
      %jit3A_566 = arith.constant 128 : i32
      %div3A_567 = arith.divsi %squeeze3A_565, %jit3A_566 : i32
      %sign3A_568 = arith.constant 0 : i32
      %sign3A_569 = arith.cmpi sgt, %squeeze3A_565, %sign3A_568 : i32
      %sign3A_570 = arith.extui %sign3A_569 : i1 to i32
      %sign3A_571 = arith.constant 0 : i32
      %sign3A_572 = arith.cmpi slt, %squeeze3A_565, %sign3A_571 : i32
      %sign3A_573 = arith.extui %sign3A_572 : i1 to i32
      %sign3A_574 = arith.subi %sign3A_570, %sign3A_573 : i32
      %sign3A_575 = arith.constant 0 : i32
      %sign3A_576 = arith.cmpi sgt, %jit3A_566, %sign3A_575 : i32
      %sign3A_577 = arith.extui %sign3A_576 : i1 to i32
      %sign3A_578 = arith.constant 0 : i32
      %sign3A_579 = arith.cmpi slt, %jit3A_566, %sign3A_578 : i32
      %sign3A_580 = arith.extui %sign3A_579 : i1 to i32
      %sign3A_581 = arith.subi %sign3A_577, %sign3A_580 : i32
      %ne3A_582 = arith.cmpi ne, %sign3A_574, %sign3A_581 : i32
      %rem3A_583 = arith.remsi %squeeze3A_565, %jit3A_566 : i32
      %ne3A_584 = arith.constant 0 : i32
      %ne3A_585 = arith.cmpi ne, %rem3A_583, %ne3A_584 : i32
      %and3A_586 = arith.andi %ne3A_582, %ne3A_585 : i1
      %sub3A_587 = arith.constant 1 : i32
      %sub3A_588 = arith.subi %div3A_567, %sub3A_587 : i32
      %select_n3A_589 = arith.select %and3A_586, %sub3A_588, %div3A_567 : i32
      %mul3A_590 = arith.constant 128 : i32
      %mul3A_591 = arith.muli %select_n3A_589, %mul3A_590 : i32
      %min3A_592 = arith.constant 99840 : i32
      %min3A_593 = arith.minsi %mul3A_591, %min3A_592 : i32
      %add3A_594 = arith.constant 8 : i32
      %add3A_595 = arith.addi %mul3A_11, %add3A_594 : i32
      %dma_start3A_596 = arith.constant 13 : i32
      %dma_start3A_597 = arith.constant 0 : i32
      %dma_start3A_598 = arith.constant 0 : i32
      %dma_start3A_599 = tpu.memref_slice %arg7[%dma_start3A_596, %dma_start3A_597, %dma_start3A_598] : memref<16x8x128xf32, #tpu.memory_space<vmem>> -> memref<1x8x128xf32, #tpu.memory_space<vmem>>
      %dma_start3A_600 = tpu.memref_squeeze %dma_start3A_599 : memref<1x8x128xf32, #tpu.memory_space<vmem>> -> memref<8x128xf32, #tpu.memory_space<vmem>>
      %dma_start3A_601 = tpu.memref_slice %arg2[%add3A_595, %min3A_593] : memref<256x100000xf32, #tpu.memory_space<hbm>> -> memref<8x128xf32, #tpu.memory_space<hbm>>
      %dma_start3A_602 = arith.constant 0 : i32
      %dma_start3A_603 = arith.constant 0 : i32
      %dma_start3A_604 = tpu.memref_slice %arg7[%dma_start3A_596, %dma_start3A_602, %dma_start3A_603] : memref<16x8x128xf32, #tpu.memory_space<vmem>> -> memref<1x8x128xf32, #tpu.memory_space<vmem>>
      %dma_start3A_605 = tpu.memref_squeeze %dma_start3A_604 : memref<1x8x128xf32, #tpu.memory_space<vmem>> -> memref<8x128xf32, #tpu.memory_space<vmem>>
      %dma_start3A_606 = tpu.memref_slice %arg2[%add3A_595, %min3A_593] : memref<256x100000xf32, #tpu.memory_space<hbm>> -> memref<8x128xf32, #tpu.memory_space<hbm>>
      tpu.enqueue_dma source(%dma_start3A_606 : memref<8x128xf32, #tpu.memory_space<hbm>>) target(%dma_start3A_605 : memref<8x128xf32, #tpu.memory_space<vmem>>) target_semaphore(%arg10 : memref<!tpu.dma_semaphore, #tpu.memory_space<semaphore_mem>>)
      %slice3A_607 = vector.extract_strided_slice %get3A_15 {offsets = [14], sizes = [1], strides = [1]} : vector<16xi32> to vector<1xi32>
      %squeeze3A_608 = vector.extract %slice3A_607[0] : i32 from vector<1xi32>
      %jit3A_609 = arith.constant 128 : i32
      %div3A_610 = arith.divsi %squeeze3A_608, %jit3A_609 : i32
      %sign3A_611 = arith.constant 0 : i32
      %sign3A_612 = arith.cmpi sgt, %squeeze3A_608, %sign3A_611 : i32
      %sign3A_613 = arith.extui %sign3A_612 : i1 to i32
      %sign3A_614 = arith.constant 0 : i32
      %sign3A_615 = arith.cmpi slt, %squeeze3A_608, %sign3A_614 : i32
      %sign3A_616 = arith.extui %sign3A_615 : i1 to i32
      %sign3A_617 = arith.subi %sign3A_613, %sign3A_616 : i32
      %sign3A_618 = arith.constant 0 : i32
      %sign3A_619 = arith.cmpi sgt, %jit3A_609, %sign3A_618 : i32
      %sign3A_620 = arith.extui %sign3A_619 : i1 to i32
      %sign3A_621 = arith.constant 0 : i32
      %sign3A_622 = arith.cmpi slt, %jit3A_609, %sign3A_621 : i32
      %sign3A_623 = arith.extui %sign3A_622 : i1 to i32
      %sign3A_624 = arith.subi %sign3A_620, %sign3A_623 : i32
      %ne3A_625 = arith.cmpi ne, %sign3A_617, %sign3A_624 : i32
      %rem3A_626 = arith.remsi %squeeze3A_608, %jit3A_609 : i32
      %ne3A_627 = arith.constant 0 : i32
      %ne3A_628 = arith.cmpi ne, %rem3A_626, %ne3A_627 : i32
      %and3A_629 = arith.andi %ne3A_625, %ne3A_628 : i1
      %sub3A_630 = arith.constant 1 : i32
      %sub3A_631 = arith.subi %div3A_610, %sub3A_630 : i32
      %select_n3A_632 = arith.select %and3A_629, %sub3A_631, %div3A_610 : i32
      %mul3A_633 = arith.constant 128 : i32
      %mul3A_634 = arith.muli %select_n3A_632, %mul3A_633 : i32
      %min3A_635 = arith.constant 99840 : i32
      %min3A_636 = arith.minsi %mul3A_634, %min3A_635 : i32
      %add3A_637 = arith.constant 8 : i32
      %add3A_638 = arith.addi %mul3A_11, %add3A_637 : i32
      %dma_start3A_639 = arith.constant 14 : i32
      %dma_start3A_640 = arith.constant 0 : i32
      %dma_start3A_641 = arith.constant 0 : i32
      %dma_start3A_642 = tpu.memref_slice %arg7[%dma_start3A_639, %dma_start3A_640, %dma_start3A_641] : memref<16x8x128xf32, #tpu.memory_space<vmem>> -> memref<1x8x128xf32, #tpu.memory_space<vmem>>
      %dma_start3A_643 = tpu.memref_squeeze %dma_start3A_642 : memref<1x8x128xf32, #tpu.memory_space<vmem>> -> memref<8x128xf32, #tpu.memory_space<vmem>>
      %dma_start3A_644 = tpu.memref_slice %arg2[%add3A_638, %min3A_636] : memref<256x100000xf32, #tpu.memory_space<hbm>> -> memref<8x128xf32, #tpu.memory_space<hbm>>
      %dma_start3A_645 = arith.constant 0 : i32
      %dma_start3A_646 = arith.constant 0 : i32
      %dma_start3A_647 = tpu.memref_slice %arg7[%dma_start3A_639, %dma_start3A_645, %dma_start3A_646] : memref<16x8x128xf32, #tpu.memory_space<vmem>> -> memref<1x8x128xf32, #tpu.memory_space<vmem>>
      %dma_start3A_648 = tpu.memref_squeeze %dma_start3A_647 : memref<1x8x128xf32, #tpu.memory_space<vmem>> -> memref<8x128xf32, #tpu.memory_space<vmem>>
      %dma_start3A_649 = tpu.memref_slice %arg2[%add3A_638, %min3A_636] : memref<256x100000xf32, #tpu.memory_space<hbm>> -> memref<8x128xf32, #tpu.memory_space<hbm>>
      tpu.enqueue_dma source(%dma_start3A_649 : memref<8x128xf32, #tpu.memory_space<hbm>>) target(%dma_start3A_648 : memref<8x128xf32, #tpu.memory_space<vmem>>) target_semaphore(%arg10 : memref<!tpu.dma_semaphore, #tpu.memory_space<semaphore_mem>>)
      %slice3A_650 = vector.extract_strided_slice %get3A_15 {offsets = [15], sizes = [1], strides = [1]} : vector<16xi32> to vector<1xi32>
      %squeeze3A_651 = vector.extract %slice3A_650[0] : i32 from vector<1xi32>
      %jit3A_652 = arith.constant 128 : i32
      %div3A_653 = arith.divsi %squeeze3A_651, %jit3A_652 : i32
      %sign3A_654 = arith.constant 0 : i32
      %sign3A_655 = arith.cmpi sgt, %squeeze3A_651, %sign3A_654 : i32
      %sign3A_656 = arith.extui %sign3A_655 : i1 to i32
      %sign3A_657 = arith.constant 0 : i32
      %sign3A_658 = arith.cmpi slt, %squeeze3A_651, %sign3A_657 : i32
      %sign3A_659 = arith.extui %sign3A_658 : i1 to i32
      %sign3A_660 = arith.subi %sign3A_656, %sign3A_659 : i32
      %sign3A_661 = arith.constant 0 : i32
      %sign3A_662 = arith.cmpi sgt, %jit3A_652, %sign3A_661 : i32
      %sign3A_663 = arith.extui %sign3A_662 : i1 to i32
      %sign3A_664 = arith.constant 0 : i32
      %sign3A_665 = arith.cmpi slt, %jit3A_652, %sign3A_664 : i32
      %sign3A_666 = arith.extui %sign3A_665 : i1 to i32
      %sign3A_667 = arith.subi %sign3A_663, %sign3A_666 : i32
      %ne3A_668 = arith.cmpi ne, %sign3A_660, %sign3A_667 : i32
      %rem3A_669 = arith.remsi %squeeze3A_651, %jit3A_652 : i32
      %ne3A_670 = arith.constant 0 : i32
      %ne3A_671 = arith.cmpi ne, %rem3A_669, %ne3A_670 : i32
      %and3A_672 = arith.andi %ne3A_668, %ne3A_671 : i1
      %sub3A_673 = arith.constant 1 : i32
      %sub3A_674 = arith.subi %div3A_653, %sub3A_673 : i32
      %select_n3A_675 = arith.select %and3A_672, %sub3A_674, %div3A_653 : i32
      %mul3A_676 = arith.constant 128 : i32
      %mul3A_677 = arith.muli %select_n3A_675, %mul3A_676 : i32
      %min3A_678 = arith.constant 99840 : i32
      %min3A_679 = arith.minsi %mul3A_677, %min3A_678 : i32
      %add3A_680 = arith.constant 8 : i32
      %add3A_681 = arith.addi %mul3A_11, %add3A_680 : i32
      %dma_start3A_682 = arith.constant 15 : i32
      %dma_start3A_683 = arith.constant 0 : i32
      %dma_start3A_684 = arith.constant 0 : i32
      %dma_start3A_685 = tpu.memref_slice %arg7[%dma_start3A_682, %dma_start3A_683, %dma_start3A_684] : memref<16x8x128xf32, #tpu.memory_space<vmem>> -> memref<1x8x128xf32, #tpu.memory_space<vmem>>
      %dma_start3A_686 = tpu.memref_squeeze %dma_start3A_685 : memref<1x8x128xf32, #tpu.memory_space<vmem>> -> memref<8x128xf32, #tpu.memory_space<vmem>>
      %dma_start3A_687 = tpu.memref_slice %arg2[%add3A_681, %min3A_679] : memref<256x100000xf32, #tpu.memory_space<hbm>> -> memref<8x128xf32, #tpu.memory_space<hbm>>
      %dma_start3A_688 = arith.constant 0 : i32
      %dma_start3A_689 = arith.constant 0 : i32
      %dma_start3A_690 = tpu.memref_slice %arg7[%dma_start3A_682, %dma_start3A_688, %dma_start3A_689] : memref<16x8x128xf32, #tpu.memory_space<vmem>> -> memref<1x8x128xf32, #tpu.memory_space<vmem>>
      %dma_start3A_691 = tpu.memref_squeeze %dma_start3A_690 : memref<1x8x128xf32, #tpu.memory_space<vmem>> -> memref<8x128xf32, #tpu.memory_space<vmem>>
      %dma_start3A_692 = tpu.memref_slice %arg2[%add3A_681, %min3A_679] : memref<256x100000xf32, #tpu.memory_space<hbm>> -> memref<8x128xf32, #tpu.memory_space<hbm>>
      tpu.enqueue_dma source(%dma_start3A_692 : memref<8x128xf32, #tpu.memory_space<hbm>>) target(%dma_start3A_691 : memref<8x128xf32, #tpu.memory_space<vmem>>) target_semaphore(%arg10 : memref<!tpu.dma_semaphore, #tpu.memory_space<semaphore_mem>>)
      %dma_wait3A_693 = arith.constant 0 : i32
      %dma_wait3A_694 = arith.constant 0 : i32
      %dma_wait3A_695 = arith.constant 0 : i32
      %dma_wait3A_696 = tpu.memref_slice %arg7[%dma_wait3A_693, %dma_wait3A_694, %dma_wait3A_695] : memref<16x8x128xf32, #tpu.memory_space<vmem>> -> memref<1x8x128xf32, #tpu.memory_space<vmem>>
      %dma_wait3A_697 = tpu.memref_squeeze %dma_wait3A_696 : memref<1x8x128xf32, #tpu.memory_space<vmem>> -> memref<8x128xf32, #tpu.memory_space<vmem>>
      %dma_wait3A_698 = tpu.memref_slice %arg2[%add3A_36, %min3A_35] : memref<256x100000xf32, #tpu.memory_space<hbm>> -> memref<8x128xf32, #tpu.memory_space<hbm>>
      %dma_wait3A_699 = arith.constant 0 : i32
      %dma_wait3A_700 = arith.constant 0 : i32
      %dma_wait3A_701 = tpu.memref_slice %arg7[%dma_wait3A_693, %dma_wait3A_699, %dma_wait3A_700] : memref<16x8x128xf32, #tpu.memory_space<vmem>> -> memref<1x8x128xf32, #tpu.memory_space<vmem>>
      %dma_wait3A_702 = tpu.memref_squeeze %dma_wait3A_701 : memref<1x8x128xf32, #tpu.memory_space<vmem>> -> memref<8x128xf32, #tpu.memory_space<vmem>>
      %dma_wait3A_703 = tpu.memref_slice %arg2[%add3A_36, %min3A_35] : memref<256x100000xf32, #tpu.memory_space<hbm>> -> memref<8x128xf32, #tpu.memory_space<hbm>>
      tpu.wait_dma2 semaphore(%arg10 : memref<!tpu.dma_semaphore, #tpu.memory_space<semaphore_mem>>) src(%dma_wait3A_703 : memref<8x128xf32, #tpu.memory_space<hbm>>) dst(%dma_wait3A_702 : memref<8x128xf32, #tpu.memory_space<vmem>>)
      %dma_wait3A_704 = arith.constant 1 : i32
      %dma_wait3A_705 = arith.constant 0 : i32
      %dma_wait3A_706 = arith.constant 0 : i32
      %dma_wait3A_707 = tpu.memref_slice %arg7[%dma_wait3A_704, %dma_wait3A_705, %dma_wait3A_706] : memref<16x8x128xf32, #tpu.memory_space<vmem>> -> memref<1x8x128xf32, #tpu.memory_space<vmem>>
      %dma_wait3A_708 = tpu.memref_squeeze %dma_wait3A_707 : memref<1x8x128xf32, #tpu.memory_space<vmem>> -> memref<8x128xf32, #tpu.memory_space<vmem>>
      %dma_wait3A_709 = tpu.memref_slice %arg2[%add3A_79, %min3A_77] : memref<256x100000xf32, #tpu.memory_space<hbm>> -> memref<8x128xf32, #tpu.memory_space<hbm>>
      %dma_wait3A_710 = arith.constant 0 : i32
      %dma_wait3A_711 = arith.constant 0 : i32
      %dma_wait3A_712 = tpu.memref_slice %arg7[%dma_wait3A_704, %dma_wait3A_710, %dma_wait3A_711] : memref<16x8x128xf32, #tpu.memory_space<vmem>> -> memref<1x8x128xf32, #tpu.memory_space<vmem>>
      %dma_wait3A_713 = tpu.memref_squeeze %dma_wait3A_712 : memref<1x8x128xf32, #tpu.memory_space<vmem>> -> memref<8x128xf32, #tpu.memory_space<vmem>>
      %dma_wait3A_714 = tpu.memref_slice %arg2[%add3A_79, %min3A_77] : memref<256x100000xf32, #tpu.memory_space<hbm>> -> memref<8x128xf32, #tpu.memory_space<hbm>>
      tpu.wait_dma2 semaphore(%arg10 : memref<!tpu.dma_semaphore, #tpu.memory_space<semaphore_mem>>) src(%dma_wait3A_714 : memref<8x128xf32, #tpu.memory_space<hbm>>) dst(%dma_wait3A_713 : memref<8x128xf32, #tpu.memory_space<vmem>>)
      %dma_wait3A_715 = arith.constant 2 : i32
      %dma_wait3A_716 = arith.constant 0 : i32
      %dma_wait3A_717 = arith.constant 0 : i32
      %dma_wait3A_718 = tpu.memref_slice %arg7[%dma_wait3A_715, %dma_wait3A_716, %dma_wait3A_717] : memref<16x8x128xf32, #tpu.memory_space<vmem>> -> memref<1x8x128xf32, #tpu.memory_space<vmem>>
      %dma_wait3A_719 = tpu.memref_squeeze %dma_wait3A_718 : memref<1x8x128xf32, #tpu.memory_space<vmem>> -> memref<8x128xf32, #tpu.memory_space<vmem>>
      %dma_wait3A_720 = tpu.memref_slice %arg2[%add3A_122, %min3A_120] : memref<256x100000xf32, #tpu.memory_space<hbm>> -> memref<8x128xf32, #tpu.memory_space<hbm>>
      %dma_wait3A_721 = arith.constant 0 : i32
      %dma_wait3A_722 = arith.constant 0 : i32
      %dma_wait3A_723 = tpu.memref_slice %arg7[%dma_wait3A_715, %dma_wait3A_721, %dma_wait3A_722] : memref<16x8x128xf32, #tpu.memory_space<vmem>> -> memref<1x8x128xf32, #tpu.memory_space<vmem>>
      %dma_wait3A_724 = tpu.memref_squeeze %dma_wait3A_723 : memref<1x8x128xf32, #tpu.memory_space<vmem>> -> memref<8x128xf32, #tpu.memory_space<vmem>>
      %dma_wait3A_725 = tpu.memref_slice %arg2[%add3A_122, %min3A_120] : memref<256x100000xf32, #tpu.memory_space<hbm>> -> memref<8x128xf32, #tpu.memory_space<hbm>>
      tpu.wait_dma2 semaphore(%arg10 : memref<!tpu.dma_semaphore, #tpu.memory_space<semaphore_mem>>) src(%dma_wait3A_725 : memref<8x128xf32, #tpu.memory_space<hbm>>) dst(%dma_wait3A_724 : memref<8x128xf32, #tpu.memory_space<vmem>>)
      %dma_wait3A_726 = arith.constant 3 : i32
      %dma_wait3A_727 = arith.constant 0 : i32
      %dma_wait3A_728 = arith.constant 0 : i32
      %dma_wait3A_729 = tpu.memref_slice %arg7[%dma_wait3A_726, %dma_wait3A_727, %dma_wait3A_728] : memref<16x8x128xf32, #tpu.memory_space<vmem>> -> memref<1x8x128xf32, #tpu.memory_space<vmem>>
      %dma_wait3A_730 = tpu.memref_squeeze %dma_wait3A_729 : memref<1x8x128xf32, #tpu.memory_space<vmem>> -> memref<8x128xf32, #tpu.memory_space<vmem>>
      %dma_wait3A_731 = tpu.memref_slice %arg2[%add3A_165, %min3A_163] : memref<256x100000xf32, #tpu.memory_space<hbm>> -> memref<8x128xf32, #tpu.memory_space<hbm>>
      %dma_wait3A_732 = arith.constant 0 : i32
      %dma_wait3A_733 = arith.constant 0 : i32
      %dma_wait3A_734 = tpu.memref_slice %arg7[%dma_wait3A_726, %dma_wait3A_732, %dma_wait3A_733] : memref<16x8x128xf32, #tpu.memory_space<vmem>> -> memref<1x8x128xf32, #tpu.memory_space<vmem>>
      %dma_wait3A_735 = tpu.memref_squeeze %dma_wait3A_734 : memref<1x8x128xf32, #tpu.memory_space<vmem>> -> memref<8x128xf32, #tpu.memory_space<vmem>>
      %dma_wait3A_736 = tpu.memref_slice %arg2[%add3A_165, %min3A_163] : memref<256x100000xf32, #tpu.memory_space<hbm>> -> memref<8x128xf32, #tpu.memory_space<hbm>>
      tpu.wait_dma2 semaphore(%arg10 : memref<!tpu.dma_semaphore, #tpu.memory_space<semaphore_mem>>) src(%dma_wait3A_736 : memref<8x128xf32, #tpu.memory_space<hbm>>) dst(%dma_wait3A_735 : memref<8x128xf32, #tpu.memory_space<vmem>>)
      %dma_wait3A_737 = arith.constant 4 : i32
      %dma_wait3A_738 = arith.constant 0 : i32
      %dma_wait3A_739 = arith.constant 0 : i32
      %dma_wait3A_740 = tpu.memref_slice %arg7[%dma_wait3A_737, %dma_wait3A_738, %dma_wait3A_739] : memref<16x8x128xf32, #tpu.memory_space<vmem>> -> memref<1x8x128xf32, #tpu.memory_space<vmem>>
      %dma_wait3A_741 = tpu.memref_squeeze %dma_wait3A_740 : memref<1x8x128xf32, #tpu.memory_space<vmem>> -> memref<8x128xf32, #tpu.memory_space<vmem>>
      %dma_wait3A_742 = tpu.memref_slice %arg2[%add3A_208, %min3A_206] : memref<256x100000xf32, #tpu.memory_space<hbm>> -> memref<8x128xf32, #tpu.memory_space<hbm>>
      %dma_wait3A_743 = arith.constant 0 : i32
      %dma_wait3A_744 = arith.constant 0 : i32
      %dma_wait3A_745 = tpu.memref_slice %arg7[%dma_wait3A_737, %dma_wait3A_743, %dma_wait3A_744] : memref<16x8x128xf32, #tpu.memory_space<vmem>> -> memref<1x8x128xf32, #tpu.memory_space<vmem>>
      %dma_wait3A_746 = tpu.memref_squeeze %dma_wait3A_745 : memref<1x8x128xf32, #tpu.memory_space<vmem>> -> memref<8x128xf32, #tpu.memory_space<vmem>>
      %dma_wait3A_747 = tpu.memref_slice %arg2[%add3A_208, %min3A_206] : memref<256x100000xf32, #tpu.memory_space<hbm>> -> memref<8x128xf32, #tpu.memory_space<hbm>>
      tpu.wait_dma2 semaphore(%arg10 : memref<!tpu.dma_semaphore, #tpu.memory_space<semaphore_mem>>) src(%dma_wait3A_747 : memref<8x128xf32, #tpu.memory_space<hbm>>) dst(%dma_wait3A_746 : memref<8x128xf32, #tpu.memory_space<vmem>>)
      %dma_wait3A_748 = arith.constant 5 : i32
      %dma_wait3A_749 = arith.constant 0 : i32
      %dma_wait3A_750 = arith.constant 0 : i32
      %dma_wait3A_751 = tpu.memref_slice %arg7[%dma_wait3A_748, %dma_wait3A_749, %dma_wait3A_750] : memref<16x8x128xf32, #tpu.memory_space<vmem>> -> memref<1x8x128xf32, #tpu.memory_space<vmem>>
      %dma_wait3A_752 = tpu.memref_squeeze %dma_wait3A_751 : memref<1x8x128xf32, #tpu.memory_space<vmem>> -> memref<8x128xf32, #tpu.memory_space<vmem>>
      %dma_wait3A_753 = tpu.memref_slice %arg2[%add3A_251, %min3A_249] : memref<256x100000xf32, #tpu.memory_space<hbm>> -> memref<8x128xf32, #tpu.memory_space<hbm>>
      %dma_wait3A_754 = arith.constant 0 : i32
      %dma_wait3A_755 = arith.constant 0 : i32
      %dma_wait3A_756 = tpu.memref_slice %arg7[%dma_wait3A_748, %dma_wait3A_754, %dma_wait3A_755] : memref<16x8x128xf32, #tpu.memory_space<vmem>> -> memref<1x8x128xf32, #tpu.memory_space<vmem>>
      %dma_wait3A_757 = tpu.memref_squeeze %dma_wait3A_756 : memref<1x8x128xf32, #tpu.memory_space<vmem>> -> memref<8x128xf32, #tpu.memory_space<vmem>>
      %dma_wait3A_758 = tpu.memref_slice %arg2[%add3A_251, %min3A_249] : memref<256x100000xf32, #tpu.memory_space<hbm>> -> memref<8x128xf32, #tpu.memory_space<hbm>>
      tpu.wait_dma2 semaphore(%arg10 : memref<!tpu.dma_semaphore, #tpu.memory_space<semaphore_mem>>) src(%dma_wait3A_758 : memref<8x128xf32, #tpu.memory_space<hbm>>) dst(%dma_wait3A_757 : memref<8x128xf32, #tpu.memory_space<vmem>>)
      %dma_wait3A_759 = arith.constant 6 : i32
      %dma_wait3A_760 = arith.constant 0 : i32
      %dma_wait3A_761 = arith.constant 0 : i32
      %dma_wait3A_762 = tpu.memref_slice %arg7[%dma_wait3A_759, %dma_wait3A_760, %dma_wait3A_761] : memref<16x8x128xf32, #tpu.memory_space<vmem>> -> memref<1x8x128xf32, #tpu.memory_space<vmem>>
      %dma_wait3A_763 = tpu.memref_squeeze %dma_wait3A_762 : memref<1x8x128xf32, #tpu.memory_space<vmem>> -> memref<8x128xf32, #tpu.memory_space<vmem>>
      %dma_wait3A_764 = tpu.memref_slice %arg2[%add3A_294, %min3A_292] : memref<256x100000xf32, #tpu.memory_space<hbm>> -> memref<8x128xf32, #tpu.memory_space<hbm>>
      %dma_wait3A_765 = arith.constant 0 : i32
      %dma_wait3A_766 = arith.constant 0 : i32
      %dma_wait3A_767 = tpu.memref_slice %arg7[%dma_wait3A_759, %dma_wait3A_765, %dma_wait3A_766] : memref<16x8x128xf32, #tpu.memory_space<vmem>> -> memref<1x8x128xf32, #tpu.memory_space<vmem>>
      %dma_wait3A_768 = tpu.memref_squeeze %dma_wait3A_767 : memref<1x8x128xf32, #tpu.memory_space<vmem>> -> memref<8x128xf32, #tpu.memory_space<vmem>>
      %dma_wait3A_769 = tpu.memref_slice %arg2[%add3A_294, %min3A_292] : memref<256x100000xf32, #tpu.memory_space<hbm>> -> memref<8x128xf32, #tpu.memory_space<hbm>>
      tpu.wait_dma2 semaphore(%arg10 : memref<!tpu.dma_semaphore, #tpu.memory_space<semaphore_mem>>) src(%dma_wait3A_769 : memref<8x128xf32, #tpu.memory_space<hbm>>) dst(%dma_wait3A_768 : memref<8x128xf32, #tpu.memory_space<vmem>>)
      %dma_wait3A_770 = arith.constant 7 : i32
      %dma_wait3A_771 = arith.constant 0 : i32
      %dma_wait3A_772 = arith.constant 0 : i32
      %dma_wait3A_773 = tpu.memref_slice %arg7[%dma_wait3A_770, %dma_wait3A_771, %dma_wait3A_772] : memref<16x8x128xf32, #tpu.memory_space<vmem>> -> memref<1x8x128xf32, #tpu.memory_space<vmem>>
      %dma_wait3A_774 = tpu.memref_squeeze %dma_wait3A_773 : memref<1x8x128xf32, #tpu.memory_space<vmem>> -> memref<8x128xf32, #tpu.memory_space<vmem>>
      %dma_wait3A_775 = tpu.memref_slice %arg2[%add3A_337, %min3A_335] : memref<256x100000xf32, #tpu.memory_space<hbm>> -> memref<8x128xf32, #tpu.memory_space<hbm>>
      %dma_wait3A_776 = arith.constant 0 : i32
      %dma_wait3A_777 = arith.constant 0 : i32
      %dma_wait3A_778 = tpu.memref_slice %arg7[%dma_wait3A_770, %dma_wait3A_776, %dma_wait3A_777] : memref<16x8x128xf32, #tpu.memory_space<vmem>> -> memref<1x8x128xf32, #tpu.memory_space<vmem>>
      %dma_wait3A_779 = tpu.memref_squeeze %dma_wait3A_778 : memref<1x8x128xf32, #tpu.memory_space<vmem>> -> memref<8x128xf32, #tpu.memory_space<vmem>>
      %dma_wait3A_780 = tpu.memref_slice %arg2[%add3A_337, %min3A_335] : memref<256x100000xf32, #tpu.memory_space<hbm>> -> memref<8x128xf32, #tpu.memory_space<hbm>>
      tpu.wait_dma2 semaphore(%arg10 : memref<!tpu.dma_semaphore, #tpu.memory_space<semaphore_mem>>) src(%dma_wait3A_780 : memref<8x128xf32, #tpu.memory_space<hbm>>) dst(%dma_wait3A_779 : memref<8x128xf32, #tpu.memory_space<vmem>>)
      %dma_wait3A_781 = arith.constant 8 : i32
      %dma_wait3A_782 = arith.constant 0 : i32
      %dma_wait3A_783 = arith.constant 0 : i32
      %dma_wait3A_784 = tpu.memref_slice %arg7[%dma_wait3A_781, %dma_wait3A_782, %dma_wait3A_783] : memref<16x8x128xf32, #tpu.memory_space<vmem>> -> memref<1x8x128xf32, #tpu.memory_space<vmem>>
      %dma_wait3A_785 = tpu.memref_squeeze %dma_wait3A_784 : memref<1x8x128xf32, #tpu.memory_space<vmem>> -> memref<8x128xf32, #tpu.memory_space<vmem>>
      %dma_wait3A_786 = tpu.memref_slice %arg2[%add3A_380, %min3A_378] : memref<256x100000xf32, #tpu.memory_space<hbm>> -> memref<8x128xf32, #tpu.memory_space<hbm>>
      %dma_wait3A_787 = arith.constant 0 : i32
      %dma_wait3A_788 = arith.constant 0 : i32
      %dma_wait3A_789 = tpu.memref_slice %arg7[%dma_wait3A_781, %dma_wait3A_787, %dma_wait3A_788] : memref<16x8x128xf32, #tpu.memory_space<vmem>> -> memref<1x8x128xf32, #tpu.memory_space<vmem>>
      %dma_wait3A_790 = tpu.memref_squeeze %dma_wait3A_789 : memref<1x8x128xf32, #tpu.memory_space<vmem>> -> memref<8x128xf32, #tpu.memory_space<vmem>>
      %dma_wait3A_791 = tpu.memref_slice %arg2[%add3A_380, %min3A_378] : memref<256x100000xf32, #tpu.memory_space<hbm>> -> memref<8x128xf32, #tpu.memory_space<hbm>>
      tpu.wait_dma2 semaphore(%arg10 : memref<!tpu.dma_semaphore, #tpu.memory_space<semaphore_mem>>) src(%dma_wait3A_791 : memref<8x128xf32, #tpu.memory_space<hbm>>) dst(%dma_wait3A_790 : memref<8x128xf32, #tpu.memory_space<vmem>>)
      %dma_wait3A_792 = arith.constant 9 : i32
      %dma_wait3A_793 = arith.constant 0 : i32
      %dma_wait3A_794 = arith.constant 0 : i32
      %dma_wait3A_795 = tpu.memref_slice %arg7[%dma_wait3A_792, %dma_wait3A_793, %dma_wait3A_794] : memref<16x8x128xf32, #tpu.memory_space<vmem>> -> memref<1x8x128xf32, #tpu.memory_space<vmem>>
      %dma_wait3A_796 = tpu.memref_squeeze %dma_wait3A_795 : memref<1x8x128xf32, #tpu.memory_space<vmem>> -> memref<8x128xf32, #tpu.memory_space<vmem>>
      %dma_wait3A_797 = tpu.memref_slice %arg2[%add3A_423, %min3A_421] : memref<256x100000xf32, #tpu.memory_space<hbm>> -> memref<8x128xf32, #tpu.memory_space<hbm>>
      %dma_wait3A_798 = arith.constant 0 : i32
      %dma_wait3A_799 = arith.constant 0 : i32
      %dma_wait3A_800 = tpu.memref_slice %arg7[%dma_wait3A_792, %dma_wait3A_798, %dma_wait3A_799] : memref<16x8x128xf32, #tpu.memory_space<vmem>> -> memref<1x8x128xf32, #tpu.memory_space<vmem>>
      %dma_wait3A_801 = tpu.memref_squeeze %dma_wait3A_800 : memref<1x8x128xf32, #tpu.memory_space<vmem>> -> memref<8x128xf32, #tpu.memory_space<vmem>>
      %dma_wait3A_802 = tpu.memref_slice %arg2[%add3A_423, %min3A_421] : memref<256x100000xf32, #tpu.memory_space<hbm>> -> memref<8x128xf32, #tpu.memory_space<hbm>>
      tpu.wait_dma2 semaphore(%arg10 : memref<!tpu.dma_semaphore, #tpu.memory_space<semaphore_mem>>) src(%dma_wait3A_802 : memref<8x128xf32, #tpu.memory_space<hbm>>) dst(%dma_wait3A_801 : memref<8x128xf32, #tpu.memory_space<vmem>>)
      %dma_wait3A_803 = arith.constant 10 : i32
      %dma_wait3A_804 = arith.constant 0 : i32
      %dma_wait3A_805 = arith.constant 0 : i32
      %dma_wait3A_806 = tpu.memref_slice %arg7[%dma_wait3A_803, %dma_wait3A_804, %dma_wait3A_805] : memref<16x8x128xf32, #tpu.memory_space<vmem>> -> memref<1x8x128xf32, #tpu.memory_space<vmem>>
      %dma_wait3A_807 = tpu.memref_squeeze %dma_wait3A_806 : memref<1x8x128xf32, #tpu.memory_space<vmem>> -> memref<8x128xf32, #tpu.memory_space<vmem>>
      %dma_wait3A_808 = tpu.memref_slice %arg2[%add3A_466, %min3A_464] : memref<256x100000xf32, #tpu.memory_space<hbm>> -> memref<8x128xf32, #tpu.memory_space<hbm>>
      %dma_wait3A_809 = arith.constant 0 : i32
      %dma_wait3A_810 = arith.constant 0 : i32
      %dma_wait3A_811 = tpu.memref_slice %arg7[%dma_wait3A_803, %dma_wait3A_809, %dma_wait3A_810] : memref<16x8x128xf32, #tpu.memory_space<vmem>> -> memref<1x8x128xf32, #tpu.memory_space<vmem>>
      %dma_wait3A_812 = tpu.memref_squeeze %dma_wait3A_811 : memref<1x8x128xf32, #tpu.memory_space<vmem>> -> memref<8x128xf32, #tpu.memory_space<vmem>>
      %dma_wait3A_813 = tpu.memref_slice %arg2[%add3A_466, %min3A_464] : memref<256x100000xf32, #tpu.memory_space<hbm>> -> memref<8x128xf32, #tpu.memory_space<hbm>>
      tpu.wait_dma2 semaphore(%arg10 : memref<!tpu.dma_semaphore, #tpu.memory_space<semaphore_mem>>) src(%dma_wait3A_813 : memref<8x128xf32, #tpu.memory_space<hbm>>) dst(%dma_wait3A_812 : memref<8x128xf32, #tpu.memory_space<vmem>>)
      %dma_wait3A_814 = arith.constant 11 : i32
      %dma_wait3A_815 = arith.constant 0 : i32
      %dma_wait3A_816 = arith.constant 0 : i32
      %dma_wait3A_817 = tpu.memref_slice %arg7[%dma_wait3A_814, %dma_wait3A_815, %dma_wait3A_816] : memref<16x8x128xf32, #tpu.memory_space<vmem>> -> memref<1x8x128xf32, #tpu.memory_space<vmem>>
      %dma_wait3A_818 = tpu.memref_squeeze %dma_wait3A_817 : memref<1x8x128xf32, #tpu.memory_space<vmem>> -> memref<8x128xf32, #tpu.memory_space<vmem>>
      %dma_wait3A_819 = tpu.memref_slice %arg2[%add3A_509, %min3A_507] : memref<256x100000xf32, #tpu.memory_space<hbm>> -> memref<8x128xf32, #tpu.memory_space<hbm>>
      %dma_wait3A_820 = arith.constant 0 : i32
      %dma_wait3A_821 = arith.constant 0 : i32
      %dma_wait3A_822 = tpu.memref_slice %arg7[%dma_wait3A_814, %dma_wait3A_820, %dma_wait3A_821] : memref<16x8x128xf32, #tpu.memory_space<vmem>> -> memref<1x8x128xf32, #tpu.memory_space<vmem>>
      %dma_wait3A_823 = tpu.memref_squeeze %dma_wait3A_822 : memref<1x8x128xf32, #tpu.memory_space<vmem>> -> memref<8x128xf32, #tpu.memory_space<vmem>>
      %dma_wait3A_824 = tpu.memref_slice %arg2[%add3A_509, %min3A_507] : memref<256x100000xf32, #tpu.memory_space<hbm>> -> memref<8x128xf32, #tpu.memory_space<hbm>>
      tpu.wait_dma2 semaphore(%arg10 : memref<!tpu.dma_semaphore, #tpu.memory_space<semaphore_mem>>) src(%dma_wait3A_824 : memref<8x128xf32, #tpu.memory_space<hbm>>) dst(%dma_wait3A_823 : memref<8x128xf32, #tpu.memory_space<vmem>>)
      %dma_wait3A_825 = arith.constant 12 : i32
      %dma_wait3A_826 = arith.constant 0 : i32
      %dma_wait3A_827 = arith.constant 0 : i32
      %dma_wait3A_828 = tpu.memref_slice %arg7[%dma_wait3A_825, %dma_wait3A_826, %dma_wait3A_827] : memref<16x8x128xf32, #tpu.memory_space<vmem>> -> memref<1x8x128xf32, #tpu.memory_space<vmem>>
      %dma_wait3A_829 = tpu.memref_squeeze %dma_wait3A_828 : memref<1x8x128xf32, #tpu.memory_space<vmem>> -> memref<8x128xf32, #tpu.memory_space<vmem>>
      %dma_wait3A_830 = tpu.memref_slice %arg2[%add3A_552, %min3A_550] : memref<256x100000xf32, #tpu.memory_space<hbm>> -> memref<8x128xf32, #tpu.memory_space<hbm>>
      %dma_wait3A_831 = arith.constant 0 : i32
      %dma_wait3A_832 = arith.constant 0 : i32
      %dma_wait3A_833 = tpu.memref_slice %arg7[%dma_wait3A_825, %dma_wait3A_831, %dma_wait3A_832] : memref<16x8x128xf32, #tpu.memory_space<vmem>> -> memref<1x8x128xf32, #tpu.memory_space<vmem>>
      %dma_wait3A_834 = tpu.memref_squeeze %dma_wait3A_833 : memref<1x8x128xf32, #tpu.memory_space<vmem>> -> memref<8x128xf32, #tpu.memory_space<vmem>>
      %dma_wait3A_835 = tpu.memref_slice %arg2[%add3A_552, %min3A_550] : memref<256x100000xf32, #tpu.memory_space<hbm>> -> memref<8x128xf32, #tpu.memory_space<hbm>>
      tpu.wait_dma2 semaphore(%arg10 : memref<!tpu.dma_semaphore, #tpu.memory_space<semaphore_mem>>) src(%dma_wait3A_835 : memref<8x128xf32, #tpu.memory_space<hbm>>) dst(%dma_wait3A_834 : memref<8x128xf32, #tpu.memory_space<vmem>>)
      %dma_wait3A_836 = arith.constant 13 : i32
      %dma_wait3A_837 = arith.constant 0 : i32
      %dma_wait3A_838 = arith.constant 0 : i32
      %dma_wait3A_839 = tpu.memref_slice %arg7[%dma_wait3A_836, %dma_wait3A_837, %dma_wait3A_838] : memref<16x8x128xf32, #tpu.memory_space<vmem>> -> memref<1x8x128xf32, #tpu.memory_space<vmem>>
      %dma_wait3A_840 = tpu.memref_squeeze %dma_wait3A_839 : memref<1x8x128xf32, #tpu.memory_space<vmem>> -> memref<8x128xf32, #tpu.memory_space<vmem>>
      %dma_wait3A_841 = tpu.memref_slice %arg2[%add3A_595, %min3A_593] : memref<256x100000xf32, #tpu.memory_space<hbm>> -> memref<8x128xf32, #tpu.memory_space<hbm>>
      %dma_wait3A_842 = arith.constant 0 : i32
      %dma_wait3A_843 = arith.constant 0 : i32
      %dma_wait3A_844 = tpu.memref_slice %arg7[%dma_wait3A_836, %dma_wait3A_842, %dma_wait3A_843] : memref<16x8x128xf32, #tpu.memory_space<vmem>> -> memref<1x8x128xf32, #tpu.memory_space<vmem>>
      %dma_wait3A_845 = tpu.memref_squeeze %dma_wait3A_844 : memref<1x8x128xf32, #tpu.memory_space<vmem>> -> memref<8x128xf32, #tpu.memory_space<vmem>>
      %dma_wait3A_846 = tpu.memref_slice %arg2[%add3A_595, %min3A_593] : memref<256x100000xf32, #tpu.memory_space<hbm>> -> memref<8x128xf32, #tpu.memory_space<hbm>>
      tpu.wait_dma2 semaphore(%arg10 : memref<!tpu.dma_semaphore, #tpu.memory_space<semaphore_mem>>) src(%dma_wait3A_846 : memref<8x128xf32, #tpu.memory_space<hbm>>) dst(%dma_wait3A_845 : memref<8x128xf32, #tpu.memory_space<vmem>>)
      %dma_wait3A_847 = arith.constant 14 : i32
      %dma_wait3A_848 = arith.constant 0 : i32
      %dma_wait3A_849 = arith.constant 0 : i32
      %dma_wait3A_850 = tpu.memref_slice %arg7[%dma_wait3A_847, %dma_wait3A_848, %dma_wait3A_849] : memref<16x8x128xf32, #tpu.memory_space<vmem>> -> memref<1x8x128xf32, #tpu.memory_space<vmem>>
      %dma_wait3A_851 = tpu.memref_squeeze %dma_wait3A_850 : memref<1x8x128xf32, #tpu.memory_space<vmem>> -> memref<8x128xf32, #tpu.memory_space<vmem>>
      %dma_wait3A_852 = tpu.memref_slice %arg2[%add3A_638, %min3A_636] : memref<256x100000xf32, #tpu.memory_space<hbm>> -> memref<8x128xf32, #tpu.memory_space<hbm>>
      %dma_wait3A_853 = arith.constant 0 : i32
      %dma_wait3A_854 = arith.constant 0 : i32
      %dma_wait3A_855 = tpu.memref_slice %arg7[%dma_wait3A_847, %dma_wait3A_853, %dma_wait3A_854] : memref<16x8x128xf32, #tpu.memory_space<vmem>> -> memref<1x8x128xf32, #tpu.memory_space<vmem>>
      %dma_wait3A_856 = tpu.memref_squeeze %dma_wait3A_855 : memref<1x8x128xf32, #tpu.memory_space<vmem>> -> memref<8x128xf32, #tpu.memory_space<vmem>>
      %dma_wait3A_857 = tpu.memref_slice %arg2[%add3A_638, %min3A_636] : memref<256x100000xf32, #tpu.memory_space<hbm>> -> memref<8x128xf32, #tpu.memory_space<hbm>>
      tpu.wait_dma2 semaphore(%arg10 : memref<!tpu.dma_semaphore, #tpu.memory_space<semaphore_mem>>) src(%dma_wait3A_857 : memref<8x128xf32, #tpu.memory_space<hbm>>) dst(%dma_wait3A_856 : memref<8x128xf32, #tpu.memory_space<vmem>>)
      %dma_wait3A_858 = arith.constant 15 : i32
      %dma_wait3A_859 = arith.constant 0 : i32
      %dma_wait3A_860 = arith.constant 0 : i32
      %dma_wait3A_861 = tpu.memref_slice %arg7[%dma_wait3A_858, %dma_wait3A_859, %dma_wait3A_860] : memref<16x8x128xf32, #tpu.memory_space<vmem>> -> memref<1x8x128xf32, #tpu.memory_space<vmem>>
      %dma_wait3A_862 = tpu.memref_squeeze %dma_wait3A_861 : memref<1x8x128xf32, #tpu.memory_space<vmem>> -> memref<8x128xf32, #tpu.memory_space<vmem>>
      %dma_wait3A_863 = tpu.memref_slice %arg2[%add3A_681, %min3A_679] : memref<256x100000xf32, #tpu.memory_space<hbm>> -> memref<8x128xf32, #tpu.memory_space<hbm>>
      %dma_wait3A_864 = arith.constant 0 : i32
      %dma_wait3A_865 = arith.constant 0 : i32
      %dma_wait3A_866 = tpu.memref_slice %arg7[%dma_wait3A_858, %dma_wait3A_864, %dma_wait3A_865] : memref<16x8x128xf32, #tpu.memory_space<vmem>> -> memref<1x8x128xf32, #tpu.memory_space<vmem>>
      %dma_wait3A_867 = tpu.memref_squeeze %dma_wait3A_866 : memref<1x8x128xf32, #tpu.memory_space<vmem>> -> memref<8x128xf32, #tpu.memory_space<vmem>>
      %dma_wait3A_868 = tpu.memref_slice %arg2[%add3A_681, %min3A_679] : memref<256x100000xf32, #tpu.memory_space<hbm>> -> memref<8x128xf32, #tpu.memory_space<hbm>>
      tpu.wait_dma2 semaphore(%arg10 : memref<!tpu.dma_semaphore, #tpu.memory_space<semaphore_mem>>) src(%dma_wait3A_868 : memref<8x128xf32, #tpu.memory_space<hbm>>) dst(%dma_wait3A_867 : memref<8x128xf32, #tpu.memory_space<vmem>>)
      %broadcast_in_dim3A = arith.constant 0.000000e+00 : f32
      %broadcast_in_dim3A_869 = vector.broadcast %broadcast_in_dim3A : f32 to vector<16xf32>
      %slice3A_870 = vector.extract_strided_slice %get3A_15 {offsets = [0], sizes = [1], strides = [1]} : vector<16xi32> to vector<1xi32>
      %squeeze3A_871 = vector.extract %slice3A_870[0] : i32 from vector<1xi32>
      %ne3A_872 = arith.constant 0 : i32
      %ne3A_873 = arith.cmpi ne, %squeeze3A_871, %ne3A_872 : i32
      %jit3A_874 = arith.constant 1.000000e+00 : f32
      %jit3A_875 = arith.constant 0.000000e+00 : f32
      %select_n3A_876 = arith.select %ne3A_873, %jit3A_874, %jit3A_875 : f32
      %broadcast_in_dim3A_877 = vector.broadcast %select_n3A_876 : f32 to vector<16xf32>
      %sub3A_878 = arith.subi %squeeze3A_871, %min3A_35 : i32
      %broadcast_in_dim3A_879 = vector.broadcast %sub3A_878 : i32 to vector<16xi32>
      %get3A_880 = arith.constant 0 : i32
      %get3A_881 = arith.constant 0 : i32
      %get3A_882 = arith.index_cast %get3A_880 : i32 to index
      %get3A_883 = arith.index_cast %get3A_881 : i32 to index
      %get3A_884 = arith.constant 0 : index
      %get3A_885 = tpu.vector_load %arg7[%get3A_882, %get3A_883, %get3A_884] {strides = array<i32>} : memref<16x8x128xf32, #tpu.memory_space<vmem>>, vector<1x1x16xf32>,
      %get3A_886 = vector.shape_cast %get3A_885 : vector<1x1x16xf32> to vector<16xf32>
      %add3A_887 = arith.constant 0 : i32
      %add3A_888 = vector.broadcast %add3A_887 : i32 to vector<16xi32>
      %add3A_889 = arith.addi %add3A_888, %iota3A : vector<16xi32>
      %eq3A_890 = arith.cmpi eq, %add3A_889, %broadcast_in_dim3A_879 : vector<16xi32>
      %mul3A_891 = arith.constant -8.999990e-01 : f32
      %mul3A_892 = vector.broadcast %mul3A_891 : f32 to vector<16xf32>
      %mul3A_893 = arith.mulf %mul3A_892, %broadcast_in_dim3A_877 : vector<16xf32>
      %mul3A_894 = arith.mulf %mul3A_893, %get3A_886 : vector<16xf32>
      %jit3A_895 = arith.constant 0.000000e+00 : f32
      %broadcast_in_dim3A_896 = vector.broadcast %jit3A_895 : f32 to vector<16xf32>
      %select_n3A_897 = arith.select %eq3A_890, %mul3A_894, %broadcast_in_dim3A_896 : vector<16xi1>, vector<16xf32>
      %add3A_898 = arith.addf %broadcast_in_dim3A_869, %select_n3A_897 : vector<16xf32>
      %get3A_899 = arith.constant 0 : i32
      %get3A_900 = arith.constant 0 : i32
      %get3A_901 = arith.index_cast %get3A_899 : i32 to index
      %get3A_902 = arith.index_cast %get3A_900 : i32 to index
      %get3A_903 = arith.constant 16 : index
      %get3A_904 = tpu.vector_load %arg7[%get3A_901, %get3A_902, %get3A_903] {strides = array<i32>} : memref<16x8x128xf32, #tpu.memory_space<vmem>>, vector<1x1x16xf32>,
      %get3A_905 = vector.shape_cast %get3A_904 : vector<1x1x16xf32> to vector<16xf32>
      %add3A_906 = arith.constant 16 : i32
      %add3A_907 = vector.broadcast %add3A_906 : i32 to vector<16xi32>
      %add3A_908 = arith.addi %add3A_907, %iota3A : vector<16xi32>
      %eq3A_909 = arith.cmpi eq, %add3A_908, %broadcast_in_dim3A_879 : vector<16xi32>
      %mul3A_910 = arith.constant -8.999990e-01 : f32
      %mul3A_911 = vector.broadcast %mul3A_910 : f32 to vector<16xf32>
      %mul3A_912 = arith.mulf %mul3A_911, %broadcast_in_dim3A_877 : vector<16xf32>
      %mul3A_913 = arith.mulf %mul3A_912, %get3A_905 : vector<16xf32>
      %jit3A_914 = arith.constant 0.000000e+00 : f32
      %broadcast_in_dim3A_915 = vector.broadcast %jit3A_914 : f32 to vector<16xf32>
      %select_n3A_916 = arith.select %eq3A_909, %mul3A_913, %broadcast_in_dim3A_915 : vector<16xi1>, vector<16xf32>
      %add3A_917 = arith.addf %add3A_898, %select_n3A_916 : vector<16xf32>
      %get3A_918 = arith.constant 0 : i32
      %get3A_919 = arith.constant 0 : i32
      %get3A_920 = arith.index_cast %get3A_918 : i32 to index
      %get3A_921 = arith.index_cast %get3A_919 : i32 to index
      %get3A_922 = arith.constant 32 : index
      %get3A_923 = tpu.vector_load %arg7[%get3A_920, %get3A_921, %get3A_922] {strides = array<i32>} : memref<16x8x128xf32, #tpu.memory_space<vmem>>, vector<1x1x16xf32>,
      %get3A_924 = vector.shape_cast %get3A_923 : vector<1x1x16xf32> to vector<16xf32>
      %add3A_925 = arith.constant 32 : i32
      %add3A_926 = vector.broadcast %add3A_925 : i32 to vector<16xi32>
      %add3A_927 = arith.addi %add3A_926, %iota3A : vector<16xi32>
      %eq3A_928 = arith.cmpi eq, %add3A_927, %broadcast_in_dim3A_879 : vector<16xi32>
      %mul3A_929 = arith.constant -8.999990e-01 : f32
      %mul3A_930 = vector.broadcast %mul3A_929 : f32 to vector<16xf32>
      %mul3A_931 = arith.mulf %mul3A_930, %broadcast_in_dim3A_877 : vector<16xf32>
      %mul3A_932 = arith.mulf %mul3A_931, %get3A_924 : vector<16xf32>
      %jit3A_933 = arith.constant 0.000000e+00 : f32
      %broadcast_in_dim3A_934 = vector.broadcast %jit3A_933 : f32 to vector<16xf32>
      %select_n3A_935 = arith.select %eq3A_928, %mul3A_932, %broadcast_in_dim3A_934 : vector<16xi1>, vector<16xf32>
      %add3A_936 = arith.addf %add3A_917, %select_n3A_935 : vector<16xf32>
      %get3A_937 = arith.constant 0 : i32
      %get3A_938 = arith.constant 0 : i32
      %get3A_939 = arith.index_cast %get3A_937 : i32 to index
      %get3A_940 = arith.index_cast %get3A_938 : i32 to index
      %get3A_941 = arith.constant 48 : index
      %get3A_942 = tpu.vector_load %arg7[%get3A_939, %get3A_940, %get3A_941] {strides = array<i32>} : memref<16x8x128xf32, #tpu.memory_space<vmem>>, vector<1x1x16xf32>,
      %get3A_943 = vector.shape_cast %get3A_942 : vector<1x1x16xf32> to vector<16xf32>
      %add3A_944 = arith.constant 48 : i32
      %add3A_945 = vector.broadcast %add3A_944 : i32 to vector<16xi32>
      %add3A_946 = arith.addi %add3A_945, %iota3A : vector<16xi32>
      %eq3A_947 = arith.cmpi eq, %add3A_946, %broadcast_in_dim3A_879 : vector<16xi32>
      %mul3A_948 = arith.constant -8.999990e-01 : f32
      %mul3A_949 = vector.broadcast %mul3A_948 : f32 to vector<16xf32>
      %mul3A_950 = arith.mulf %mul3A_949, %broadcast_in_dim3A_877 : vector<16xf32>
      %mul3A_951 = arith.mulf %mul3A_950, %get3A_943 : vector<16xf32>
      %jit3A_952 = arith.constant 0.000000e+00 : f32
      %broadcast_in_dim3A_953 = vector.broadcast %jit3A_952 : f32 to vector<16xf32>
      %select_n3A_954 = arith.select %eq3A_947, %mul3A_951, %broadcast_in_dim3A_953 : vector<16xi1>, vector<16xf32>
      %add3A_955 = arith.addf %add3A_936, %select_n3A_954 : vector<16xf32>
      %get3A_956 = arith.constant 0 : i32
      %get3A_957 = arith.constant 0 : i32
      %get3A_958 = arith.index_cast %get3A_956 : i32 to index
      %get3A_959 = arith.index_cast %get3A_957 : i32 to index
      %get3A_960 = arith.constant 64 : index
      %get3A_961 = tpu.vector_load %arg7[%get3A_958, %get3A_959, %get3A_960] {strides = array<i32>} : memref<16x8x128xf32, #tpu.memory_space<vmem>>, vector<1x1x16xf32>,
      %get3A_962 = vector.shape_cast %get3A_961 : vector<1x1x16xf32> to vector<16xf32>
      %add3A_963 = arith.constant 64 : i32
      %add3A_964 = vector.broadcast %add3A_963 : i32 to vector<16xi32>
      %add3A_965 = arith.addi %add3A_964, %iota3A : vector<16xi32>
      %eq3A_966 = arith.cmpi eq, %add3A_965, %broadcast_in_dim3A_879 : vector<16xi32>
      %mul3A_967 = arith.constant -8.999990e-01 : f32
      %mul3A_968 = vector.broadcast %mul3A_967 : f32 to vector<16xf32>
      %mul3A_969 = arith.mulf %mul3A_968, %broadcast_in_dim3A_877 : vector<16xf32>
      %mul3A_970 = arith.mulf %mul3A_969, %get3A_962 : vector<16xf32>
      %jit3A_971 = arith.constant 0.000000e+00 : f32
      %broadcast_in_dim3A_972 = vector.broadcast %jit3A_971 : f32 to vector<16xf32>
      %select_n3A_973 = arith.select %eq3A_966, %mul3A_970, %broadcast_in_dim3A_972 : vector<16xi1>, vector<16xf32>
      %add3A_974 = arith.addf %add3A_955, %select_n3A_973 : vector<16xf32>
      %get3A_975 = arith.constant 0 : i32
      %get3A_976 = arith.constant 0 : i32
      %get3A_977 = arith.index_cast %get3A_975 : i32 to index
      %get3A_978 = arith.index_cast %get3A_976 : i32 to index
      %get3A_979 = arith.constant 80 : index
      %get3A_980 = tpu.vector_load %arg7[%get3A_977, %get3A_978, %get3A_979] {strides = array<i32>} : memref<16x8x128xf32, #tpu.memory_space<vmem>>, vector<1x1x16xf32>,
      %get3A_981 = vector.shape_cast %get3A_980 : vector<1x1x16xf32> to vector<16xf32>
      %add3A_982 = arith.constant 80 : i32
      %add3A_983 = vector.broadcast %add3A_982 : i32 to vector<16xi32>
      %add3A_984 = arith.addi %add3A_983, %iota3A : vector<16xi32>
      %eq3A_985 = arith.cmpi eq, %add3A_984, %broadcast_in_dim3A_879 : vector<16xi32>
      %mul3A_986 = arith.constant -8.999990e-01 : f32
      %mul3A_987 = vector.broadcast %mul3A_986 : f32 to vector<16xf32>
      %mul3A_988 = arith.mulf %mul3A_987, %broadcast_in_dim3A_877 : vector<16xf32>
      %mul3A_989 = arith.mulf %mul3A_988, %get3A_981 : vector<16xf32>
      %jit3A_990 = arith.constant 0.000000e+00 : f32
      %broadcast_in_dim3A_991 = vector.broadcast %jit3A_990 : f32 to vector<16xf32>
      %select_n3A_992 = arith.select %eq3A_985, %mul3A_989, %broadcast_in_dim3A_991 : vector<16xi1>, vector<16xf32>
      %add3A_993 = arith.addf %add3A_974, %select_n3A_992 : vector<16xf32>
      %get3A_994 = arith.constant 0 : i32
      %get3A_995 = arith.constant 0 : i32
      %get3A_996 = arith.index_cast %get3A_994 : i32 to index
      %get3A_997 = arith.index_cast %get3A_995 : i32 to index
      %get3A_998 = arith.constant 96 : index
      %get3A_999 = tpu.vector_load %arg7[%get3A_996, %get3A_997, %get3A_998] {strides = array<i32>} : memref<16x8x128xf32, #tpu.memory_space<vmem>>, vector<1x1x16xf32>,
      %get3A_1000 = vector.shape_cast %get3A_999 : vector<1x1x16xf32> to vector<16xf32>
      %add3A_1001 = arith.constant 96 : i32
      %add3A_1002 = vector.broadcast %add3A_1001 : i32 to vector<16xi32>
      %add3A_1003 = arith.addi %add3A_1002, %iota3A : vector<16xi32>
      %eq3A_1004 = arith.cmpi eq, %add3A_1003, %broadcast_in_dim3A_879 : vector<16xi32>
      %mul3A_1005 = arith.constant -8.999990e-01 : f32
      %mul3A_1006 = vector.broadcast %mul3A_1005 : f32 to vector<16xf32>
      %mul3A_1007 = arith.mulf %mul3A_1006, %broadcast_in_dim3A_877 : vector<16xf32>
      %mul3A_1008 = arith.mulf %mul3A_1007, %get3A_1000 : vector<16xf32>
      %jit3A_1009 = arith.constant 0.000000e+00 : f32
      %broadcast_in_dim3A_1010 = vector.broadcast %jit3A_1009 : f32 to vector<16xf32>
      %select_n3A_1011 = arith.select %eq3A_1004, %mul3A_1008, %broadcast_in_dim3A_1010 : vector<16xi1>, vector<16xf32>
      %add3A_1012 = arith.addf %add3A_993, %select_n3A_1011 : vector<16xf32>
      %get3A_1013 = arith.constant 0 : i32
      %get3A_1014 = arith.constant 0 : i32
      %get3A_1015 = arith.index_cast %get3A_1013 : i32 to index
      %get3A_1016 = arith.index_cast %get3A_1014 : i32 to index
      %get3A_1017 = arith.constant 112 : index
      %get3A_1018 = tpu.vector_load %arg7[%get3A_1015, %get3A_1016, %get3A_1017] {strides = array<i32>} : memref<16x8x128xf32, #tpu.memory_space<vmem>>, vector<1x1x16xf32>,
      %get3A_1019 = vector.shape_cast %get3A_1018 : vector<1x1x16xf32> to vector<16xf32>
      %add3A_1020 = arith.constant 112 : i32
      %add3A_1021 = vector.broadcast %add3A_1020 : i32 to vector<16xi32>
      %add3A_1022 = arith.addi %add3A_1021, %iota3A : vector<16xi32>
      %eq3A_1023 = arith.cmpi eq, %add3A_1022, %broadcast_in_dim3A_879 : vector<16xi32>
      %mul3A_1024 = arith.constant -8.999990e-01 : f32
      %mul3A_1025 = vector.broadcast %mul3A_1024 : f32 to vector<16xf32>
      %mul3A_1026 = arith.mulf %mul3A_1025, %broadcast_in_dim3A_877 : vector<16xf32>
      %mul3A_1027 = arith.mulf %mul3A_1026, %get3A_1019 : vector<16xf32>
      %jit3A_1028 = arith.constant 0.000000e+00 : f32
      %broadcast_in_dim3A_1029 = vector.broadcast %jit3A_1028 : f32 to vector<16xf32>
      %select_n3A_1030 = arith.select %eq3A_1023, %mul3A_1027, %broadcast_in_dim3A_1029 : vector<16xi1>, vector<16xf32>
      %add3A_1031 = arith.addf %add3A_1012, %select_n3A_1030 : vector<16xf32>
      %slice3A_1032 = vector.extract_strided_slice %get3A_15 {offsets = [1], sizes = [1], strides = [1]} : vector<16xi32> to vector<1xi32>
      %squeeze3A_1033 = vector.extract %slice3A_1032[0] : i32 from vector<1xi32>
      %ne3A_1034 = arith.constant 0 : i32
      %ne3A_1035 = arith.cmpi ne, %squeeze3A_1033, %ne3A_1034 : i32
      %jit3A_1036 = arith.constant 1.000000e+00 : f32
      %jit3A_1037 = arith.constant 0.000000e+00 : f32
      %select_n3A_1038 = arith.select %ne3A_1035, %jit3A_1036, %jit3A_1037 : f32
      %broadcast_in_dim3A_1039 = vector.broadcast %select_n3A_1038 : f32 to vector<16xf32>
      %sub3A_1040 = arith.subi %squeeze3A_1033, %min3A_77 : i32
      %broadcast_in_dim3A_1041 = vector.broadcast %sub3A_1040 : i32 to vector<16xi32>
      %get3A_1042 = arith.constant 1 : i32
      %get3A_1043 = arith.constant 1 : i32
      %get3A_1044 = arith.index_cast %get3A_1042 : i32 to index
      %get3A_1045 = arith.index_cast %get3A_1043 : i32 to index
      %get3A_1046 = arith.constant 0 : index
      %get3A_1047 = tpu.vector_load %arg7[%get3A_1044, %get3A_1045, %get3A_1046] {strides = array<i32>} : memref<16x8x128xf32, #tpu.memory_space<vmem>>, vector<1x1x16xf32>,
      %get3A_1048 = vector.shape_cast %get3A_1047 : vector<1x1x16xf32> to vector<16xf32>
      %add3A_1049 = arith.constant 0 : i32
      %add3A_1050 = vector.broadcast %add3A_1049 : i32 to vector<16xi32>
      %add3A_1051 = arith.addi %add3A_1050, %iota3A : vector<16xi32>
      %eq3A_1052 = arith.cmpi eq, %add3A_1051, %broadcast_in_dim3A_1041 : vector<16xi32>
      %mul3A_1053 = arith.constant -8.999990e-01 : f32
      %mul3A_1054 = vector.broadcast %mul3A_1053 : f32 to vector<16xf32>
      %mul3A_1055 = arith.mulf %mul3A_1054, %broadcast_in_dim3A_1039 : vector<16xf32>
      %mul3A_1056 = arith.mulf %mul3A_1055, %get3A_1048 : vector<16xf32>
      %jit3A_1057 = arith.constant 0.000000e+00 : f32
      %broadcast_in_dim3A_1058 = vector.broadcast %jit3A_1057 : f32 to vector<16xf32>
      %select_n3A_1059 = arith.select %eq3A_1052, %mul3A_1056, %broadcast_in_dim3A_1058 : vector<16xi1>, vector<16xf32>
      %add3A_1060 = arith.addf %add3A_1031, %select_n3A_1059 : vector<16xf32>
      %get3A_1061 = arith.constant 1 : i32
      %get3A_1062 = arith.constant 1 : i32
      %get3A_1063 = arith.index_cast %get3A_1061 : i32 to index
      %get3A_1064 = arith.index_cast %get3A_1062 : i32 to index
      %get3A_1065 = arith.constant 16 : index
      %get3A_1066 = tpu.vector_load %arg7[%get3A_1063, %get3A_1064, %get3A_1065] {strides = array<i32>} : memref<16x8x128xf32, #tpu.memory_space<vmem>>, vector<1x1x16xf32>,
      %get3A_1067 = vector.shape_cast %get3A_1066 : vector<1x1x16xf32> to vector<16xf32>
      %add3A_1068 = arith.constant 16 : i32
      %add3A_1069 = vector.broadcast %add3A_1068 : i32 to vector<16xi32>
      %add3A_1070 = arith.addi %add3A_1069, %iota3A : vector<16xi32>
      %eq3A_1071 = arith.cmpi eq, %add3A_1070, %broadcast_in_dim3A_1041 : vector<16xi32>
      %mul3A_1072 = arith.constant -8.999990e-01 : f32
      %mul3A_1073 = vector.broadcast %mul3A_1072 : f32 to vector<16xf32>
      %mul3A_1074 = arith.mulf %mul3A_1073, %broadcast_in_dim3A_1039 : vector<16xf32>
      %mul3A_1075 = arith.mulf %mul3A_1074, %get3A_1067 : vector<16xf32>
      %jit3A_1076 = arith.constant 0.000000e+00 : f32
      %broadcast_in_dim3A_1077 = vector.broadcast %jit3A_1076 : f32 to vector<16xf32>
      %select_n3A_1078 = arith.select %eq3A_1071, %mul3A_1075, %broadcast_in_dim3A_1077 : vector<16xi1>, vector<16xf32>
      %add3A_1079 = arith.addf %add3A_1060, %select_n3A_1078 : vector<16xf32>
      %get3A_1080 = arith.constant 1 : i32
      %get3A_1081 = arith.constant 1 : i32
      %get3A_1082 = arith.index_cast %get3A_1080 : i32 to index
      %get3A_1083 = arith.index_cast %get3A_1081 : i32 to index
      %get3A_1084 = arith.constant 32 : index
      %get3A_1085 = tpu.vector_load %arg7[%get3A_1082, %get3A_1083, %get3A_1084] {strides = array<i32>} : memref<16x8x128xf32, #tpu.memory_space<vmem>>, vector<1x1x16xf32>,
      %get3A_1086 = vector.shape_cast %get3A_1085 : vector<1x1x16xf32> to vector<16xf32>
      %add3A_1087 = arith.constant 32 : i32
      %add3A_1088 = vector.broadcast %add3A_1087 : i32 to vector<16xi32>
      %add3A_1089 = arith.addi %add3A_1088, %iota3A : vector<16xi32>
      %eq3A_1090 = arith.cmpi eq, %add3A_1089, %broadcast_in_dim3A_1041 : vector<16xi32>
      %mul3A_1091 = arith.constant -8.999990e-01 : f32
      %mul3A_1092 = vector.broadcast %mul3A_1091 : f32 to vector<16xf32>
      %mul3A_1093 = arith.mulf %mul3A_1092, %broadcast_in_dim3A_1039 : vector<16xf32>
      %mul3A_1094 = arith.mulf %mul3A_1093, %get3A_1086 : vector<16xf32>
      %jit3A_1095 = arith.constant 0.000000e+00 : f32
      %broadcast_in_dim3A_1096 = vector.broadcast %jit3A_1095 : f32 to vector<16xf32>
      %select_n3A_1097 = arith.select %eq3A_1090, %mul3A_1094, %broadcast_in_dim3A_1096 : vector<16xi1>, vector<16xf32>
      %add3A_1098 = arith.addf %add3A_1079, %select_n3A_1097 : vector<16xf32>
      %get3A_1099 = arith.constant 1 : i32
      %get3A_1100 = arith.constant 1 : i32
      %get3A_1101 = arith.index_cast %get3A_1099 : i32 to index
      %get3A_1102 = arith.index_cast %get3A_1100 : i32 to index
      %get3A_1103 = arith.constant 48 : index
      %get3A_1104 = tpu.vector_load %arg7[%get3A_1101, %get3A_1102, %get3A_1103] {strides = array<i32>} : memref<16x8x128xf32, #tpu.memory_space<vmem>>, vector<1x1x16xf32>,
      %get3A_1105 = vector.shape_cast %get3A_1104 : vector<1x1x16xf32> to vector<16xf32>
      %add3A_1106 = arith.constant 48 : i32
      %add3A_1107 = vector.broadcast %add3A_1106 : i32 to vector<16xi32>
      %add3A_1108 = arith.addi %add3A_1107, %iota3A : vector<16xi32>
      %eq3A_1109 = arith.cmpi eq, %add3A_1108, %broadcast_in_dim3A_1041 : vector<16xi32>
      %mul3A_1110 = arith.constant -8.999990e-01 : f32
      %mul3A_1111 = vector.broadcast %mul3A_1110 : f32 to vector<16xf32>
      %mul3A_1112 = arith.mulf %mul3A_1111, %broadcast_in_dim3A_1039 : vector<16xf32>
      %mul3A_1113 = arith.mulf %mul3A_1112, %get3A_1105 : vector<16xf32>
      %jit3A_1114 = arith.constant 0.000000e+00 : f32
      %broadcast_in_dim3A_1115 = vector.broadcast %jit3A_1114 : f32 to vector<16xf32>
      %select_n3A_1116 = arith.select %eq3A_1109, %mul3A_1113, %broadcast_in_dim3A_1115 : vector<16xi1>, vector<16xf32>
      %add3A_1117 = arith.addf %add3A_1098, %select_n3A_1116 : vector<16xf32>
      %get3A_1118 = arith.constant 1 : i32
      %get3A_1119 = arith.constant 1 : i32
      %get3A_1120 = arith.index_cast %get3A_1118 : i32 to index
      %get3A_1121 = arith.index_cast %get3A_1119 : i32 to index
      %get3A_1122 = arith.constant 64 : index
      %get3A_1123 = tpu.vector_load %arg7[%get3A_1120, %get3A_1121, %get3A_1122] {strides = array<i32>} : memref<16x8x128xf32, #tpu.memory_space<vmem>>, vector<1x1x16xf32>,
      %get3A_1124 = vector.shape_cast %get3A_1123 : vector<1x1x16xf32> to vector<16xf32>
      %add3A_1125 = arith.constant 64 : i32
      %add3A_1126 = vector.broadcast %add3A_1125 : i32 to vector<16xi32>
      %add3A_1127 = arith.addi %add3A_1126, %iota3A : vector<16xi32>
      %eq3A_1128 = arith.cmpi eq, %add3A_1127, %broadcast_in_dim3A_1041 : vector<16xi32>
      %mul3A_1129 = arith.constant -8.999990e-01 : f32
      %mul3A_1130 = vector.broadcast %mul3A_1129 : f32 to vector<16xf32>
      %mul3A_1131 = arith.mulf %mul3A_1130, %broadcast_in_dim3A_1039 : vector<16xf32>
      %mul3A_1132 = arith.mulf %mul3A_1131, %get3A_1124 : vector<16xf32>
      %jit3A_1133 = arith.constant 0.000000e+00 : f32
      %broadcast_in_dim3A_1134 = vector.broadcast %jit3A_1133 : f32 to vector<16xf32>
      %select_n3A_1135 = arith.select %eq3A_1128, %mul3A_1132, %broadcast_in_dim3A_1134 : vector<16xi1>, vector<16xf32>
      %add3A_1136 = arith.addf %add3A_1117, %select_n3A_1135 : vector<16xf32>
      %get3A_1137 = arith.constant 1 : i32
      %get3A_1138 = arith.constant 1 : i32
      %get3A_1139 = arith.index_cast %get3A_1137 : i32 to index
      %get3A_1140 = arith.index_cast %get3A_1138 : i32 to index
      %get3A_1141 = arith.constant 80 : index
      %get3A_1142 = tpu.vector_load %arg7[%get3A_1139, %get3A_1140, %get3A_1141] {strides = array<i32>} : memref<16x8x128xf32, #tpu.memory_space<vmem>>, vector<1x1x16xf32>,
      %get3A_1143 = vector.shape_cast %get3A_1142 : vector<1x1x16xf32> to vector<16xf32>
      %add3A_1144 = arith.constant 80 : i32
      %add3A_1145 = vector.broadcast %add3A_1144 : i32 to vector<16xi32>
      %add3A_1146 = arith.addi %add3A_1145, %iota3A : vector<16xi32>
      %eq3A_1147 = arith.cmpi eq, %add3A_1146, %broadcast_in_dim3A_1041 : vector<16xi32>
      %mul3A_1148 = arith.constant -8.999990e-01 : f32
      %mul3A_1149 = vector.broadcast %mul3A_1148 : f32 to vector<16xf32>
      %mul3A_1150 = arith.mulf %mul3A_1149, %broadcast_in_dim3A_1039 : vector<16xf32>
      %mul3A_1151 = arith.mulf %mul3A_1150, %get3A_1143 : vector<16xf32>
      %jit3A_1152 = arith.constant 0.000000e+00 : f32
      %broadcast_in_dim3A_1153 = vector.broadcast %jit3A_1152 : f32 to vector<16xf32>
      %select_n3A_1154 = arith.select %eq3A_1147, %mul3A_1151, %broadcast_in_dim3A_1153 : vector<16xi1>, vector<16xf32>
      %add3A_1155 = arith.addf %add3A_1136, %select_n3A_1154 : vector<16xf32>
      %get3A_1156 = arith.constant 1 : i32
      %get3A_1157 = arith.constant 1 : i32
      %get3A_1158 = arith.index_cast %get3A_1156 : i32 to index
      %get3A_1159 = arith.index_cast %get3A_1157 : i32 to index
      %get3A_1160 = arith.constant 96 : index
      %get3A_1161 = tpu.vector_load %arg7[%get3A_1158, %get3A_1159, %get3A_1160] {strides = array<i32>} : memref<16x8x128xf32, #tpu.memory_space<vmem>>, vector<1x1x16xf32>,
      %get3A_1162 = vector.shape_cast %get3A_1161 : vector<1x1x16xf32> to vector<16xf32>
      %add3A_1163 = arith.constant 96 : i32
      %add3A_1164 = vector.broadcast %add3A_1163 : i32 to vector<16xi32>
      %add3A_1165 = arith.addi %add3A_1164, %iota3A : vector<16xi32>
      %eq3A_1166 = arith.cmpi eq, %add3A_1165, %broadcast_in_dim3A_1041 : vector<16xi32>
      %mul3A_1167 = arith.constant -8.999990e-01 : f32
      %mul3A_1168 = vector.broadcast %mul3A_1167 : f32 to vector<16xf32>
      %mul3A_1169 = arith.mulf %mul3A_1168, %broadcast_in_dim3A_1039 : vector<16xf32>
      %mul3A_1170 = arith.mulf %mul3A_1169, %get3A_1162 : vector<16xf32>
      %jit3A_1171 = arith.constant 0.000000e+00 : f32
      %broadcast_in_dim3A_1172 = vector.broadcast %jit3A_1171 : f32 to vector<16xf32>
      %select_n3A_1173 = arith.select %eq3A_1166, %mul3A_1170, %broadcast_in_dim3A_1172 : vector<16xi1>, vector<16xf32>
      %add3A_1174 = arith.addf %add3A_1155, %select_n3A_1173 : vector<16xf32>
      %get3A_1175 = arith.constant 1 : i32
      %get3A_1176 = arith.constant 1 : i32
      %get3A_1177 = arith.index_cast %get3A_1175 : i32 to index
      %get3A_1178 = arith.index_cast %get3A_1176 : i32 to index
      %get3A_1179 = arith.constant 112 : index
      %get3A_1180 = tpu.vector_load %arg7[%get3A_1177, %get3A_1178, %get3A_1179] {strides = array<i32>} : memref<16x8x128xf32, #tpu.memory_space<vmem>>, vector<1x1x16xf32>,
      %get3A_1181 = vector.shape_cast %get3A_1180 : vector<1x1x16xf32> to vector<16xf32>
      %add3A_1182 = arith.constant 112 : i32
      %add3A_1183 = vector.broadcast %add3A_1182 : i32 to vector<16xi32>
      %add3A_1184 = arith.addi %add3A_1183, %iota3A : vector<16xi32>
      %eq3A_1185 = arith.cmpi eq, %add3A_1184, %broadcast_in_dim3A_1041 : vector<16xi32>
      %mul3A_1186 = arith.constant -8.999990e-01 : f32
      %mul3A_1187 = vector.broadcast %mul3A_1186 : f32 to vector<16xf32>
      %mul3A_1188 = arith.mulf %mul3A_1187, %broadcast_in_dim3A_1039 : vector<16xf32>
      %mul3A_1189 = arith.mulf %mul3A_1188, %get3A_1181 : vector<16xf32>
      %jit3A_1190 = arith.constant 0.000000e+00 : f32
      %broadcast_in_dim3A_1191 = vector.broadcast %jit3A_1190 : f32 to vector<16xf32>
      %select_n3A_1192 = arith.select %eq3A_1185, %mul3A_1189, %broadcast_in_dim3A_1191 : vector<16xi1>, vector<16xf32>
      %add3A_1193 = arith.addf %add3A_1174, %select_n3A_1192 : vector<16xf32>
      %slice3A_1194 = vector.extract_strided_slice %get3A_15 {offsets = [2], sizes = [1], strides = [1]} : vector<16xi32> to vector<1xi32>
      %squeeze3A_1195 = vector.extract %slice3A_1194[0] : i32 from vector<1xi32>
      %ne3A_1196 = arith.constant 0 : i32
      %ne3A_1197 = arith.cmpi ne, %squeeze3A_1195, %ne3A_1196 : i32
      %jit3A_1198 = arith.constant 1.000000e+00 : f32
      %jit3A_1199 = arith.constant 0.000000e+00 : f32
      %select_n3A_1200 = arith.select %ne3A_1197, %jit3A_1198, %jit3A_1199 : f32
      %broadcast_in_dim3A_1201 = vector.broadcast %select_n3A_1200 : f32 to vector<16xf32>
      %sub3A_1202 = arith.subi %squeeze3A_1195, %min3A_120 : i32
      %broadcast_in_dim3A_1203 = vector.broadcast %sub3A_1202 : i32 to vector<16xi32>
      %get3A_1204 = arith.constant 2 : i32
      %get3A_1205 = arith.constant 2 : i32
      %get3A_1206 = arith.index_cast %get3A_1204 : i32 to index
      %get3A_1207 = arith.index_cast %get3A_1205 : i32 to index
      %get3A_1208 = arith.constant 0 : index
      %get3A_1209 = tpu.vector_load %arg7[%get3A_1206, %get3A_1207, %get3A_1208] {strides = array<i32>} : memref<16x8x128xf32, #tpu.memory_space<vmem>>, vector<1x1x16xf32>,
      %get3A_1210 = vector.shape_cast %get3A_1209 : vector<1x1x16xf32> to vector<16xf32>
      %add3A_1211 = arith.constant 0 : i32
      %add3A_1212 = vector.broadcast %add3A_1211 : i32 to vector<16xi32>
      %add3A_1213 = arith.addi %add3A_1212, %iota3A : vector<16xi32>
      %eq3A_1214 = arith.cmpi eq, %add3A_1213, %broadcast_in_dim3A_1203 : vector<16xi32>
      %mul3A_1215 = arith.constant -8.999990e-01 : f32
      %mul3A_1216 = vector.broadcast %mul3A_1215 : f32 to vector<16xf32>
      %mul3A_1217 = arith.mulf %mul3A_1216, %broadcast_in_dim3A_1201 : vector<16xf32>
      %mul3A_1218 = arith.mulf %mul3A_1217, %get3A_1210 : vector<16xf32>
      %jit3A_1219 = arith.constant 0.000000e+00 : f32
      %broadcast_in_dim3A_1220 = vector.broadcast %jit3A_1219 : f32 to vector<16xf32>
      %select_n3A_1221 = arith.select %eq3A_1214, %mul3A_1218, %broadcast_in_dim3A_1220 : vector<16xi1>, vector<16xf32>
      %add3A_1222 = arith.addf %add3A_1193, %select_n3A_1221 : vector<16xf32>
      %get3A_1223 = arith.constant 2 : i32
      %get3A_1224 = arith.constant 2 : i32
      %get3A_1225 = arith.index_cast %get3A_1223 : i32 to index
      %get3A_1226 = arith.index_cast %get3A_1224 : i32 to index
      %get3A_1227 = arith.constant 16 : index
      %get3A_1228 = tpu.vector_load %arg7[%get3A_1225, %get3A_1226, %get3A_1227] {strides = array<i32>} : memref<16x8x128xf32, #tpu.memory_space<vmem>>, vector<1x1x16xf32>,
      %get3A_1229 = vector.shape_cast %get3A_1228 : vector<1x1x16xf32> to vector<16xf32>
      %add3A_1230 = arith.constant 16 : i32
      %add3A_1231 = vector.broadcast %add3A_1230 : i32 to vector<16xi32>
      %add3A_1232 = arith.addi %add3A_1231, %iota3A : vector<16xi32>
      %eq3A_1233 = arith.cmpi eq, %add3A_1232, %broadcast_in_dim3A_1203 : vector<16xi32>
      %mul3A_1234 = arith.constant -8.999990e-01 : f32
      %mul3A_1235 = vector.broadcast %mul3A_1234 : f32 to vector<16xf32>
      %mul3A_1236 = arith.mulf %mul3A_1235, %broadcast_in_dim3A_1201 : vector<16xf32>
      %mul3A_1237 = arith.mulf %mul3A_1236, %get3A_1229 : vector<16xf32>
      %jit3A_1238 = arith.constant 0.000000e+00 : f32
      %broadcast_in_dim3A_1239 = vector.broadcast %jit3A_1238 : f32 to vector<16xf32>
      %select_n3A_1240 = arith.select %eq3A_1233, %mul3A_1237, %broadcast_in_dim3A_1239 : vector<16xi1>, vector<16xf32>
      %add3A_1241 = arith.addf %add3A_1222, %select_n3A_1240 : vector<16xf32>
      %get3A_1242 = arith.constant 2 : i32
      %get3A_1243 = arith.constant 2 : i32
      %get3A_1244 = arith.index_cast %get3A_1242 : i32 to index
      %get3A_1245 = arith.index_cast %get3A_1243 : i32 to index
      %get3A_1246 = arith.constant 32 : index
      %get3A_1247 = tpu.vector_load %arg7[%get3A_1244, %get3A_1245, %get3A_1246] {strides = array<i32>} : memref<16x8x128xf32, #tpu.memory_space<vmem>>, vector<1x1x16xf32>,
      %get3A_1248 = vector.shape_cast %get3A_1247 : vector<1x1x16xf32> to vector<16xf32>
      %add3A_1249 = arith.constant 32 : i32
      %add3A_1250 = vector.broadcast %add3A_1249 : i32 to vector<16xi32>
      %add3A_1251 = arith.addi %add3A_1250, %iota3A : vector<16xi32>
      %eq3A_1252 = arith.cmpi eq, %add3A_1251, %broadcast_in_dim3A_1203 : vector<16xi32>
      %mul3A_1253 = arith.constant -8.999990e-01 : f32
      %mul3A_1254 = vector.broadcast %mul3A_1253 : f32 to vector<16xf32>
      %mul3A_1255 = arith.mulf %mul3A_1254, %broadcast_in_dim3A_1201 : vector<16xf32>
      %mul3A_1256 = arith.mulf %mul3A_1255, %get3A_1248 : vector<16xf32>
      %jit3A_1257 = arith.constant 0.000000e+00 : f32
      %broadcast_in_dim3A_1258 = vector.broadcast %jit3A_1257 : f32 to vector<16xf32>
      %select_n3A_1259 = arith.select %eq3A_1252, %mul3A_1256, %broadcast_in_dim3A_1258 : vector<16xi1>, vector<16xf32>
      %add3A_1260 = arith.addf %add3A_1241, %select_n3A_1259 : vector<16xf32>
      %get3A_1261 = arith.constant 2 : i32
      %get3A_1262 = arith.constant 2 : i32
      %get3A_1263 = arith.index_cast %get3A_1261 : i32 to index
      %get3A_1264 = arith.index_cast %get3A_1262 : i32 to index
      %get3A_1265 = arith.constant 48 : index
      %get3A_1266 = tpu.vector_load %arg7[%get3A_1263, %get3A_1264, %get3A_1265] {strides = array<i32>} : memref<16x8x128xf32, #tpu.memory_space<vmem>>, vector<1x1x16xf32>,
      %get3A_1267 = vector.shape_cast %get3A_1266 : vector<1x1x16xf32> to vector<16xf32>
      %add3A_1268 = arith.constant 48 : i32
      %add3A_1269 = vector.broadcast %add3A_1268 : i32 to vector<16xi32>
      %add3A_1270 = arith.addi %add3A_1269, %iota3A : vector<16xi32>
      %eq3A_1271 = arith.cmpi eq, %add3A_1270, %broadcast_in_dim3A_1203 : vector<16xi32>
      %mul3A_1272 = arith.constant -8.999990e-01 : f32
      %mul3A_1273 = vector.broadcast %mul3A_1272 : f32 to vector<16xf32>
      %mul3A_1274 = arith.mulf %mul3A_1273, %broadcast_in_dim3A_1201 : vector<16xf32>
      %mul3A_1275 = arith.mulf %mul3A_1274, %get3A_1267 : vector<16xf32>
      %jit3A_1276 = arith.constant 0.000000e+00 : f32
      %broadcast_in_dim3A_1277 = vector.broadcast %jit3A_1276 : f32 to vector<16xf32>
      %select_n3A_1278 = arith.select %eq3A_1271, %mul3A_1275, %broadcast_in_dim3A_1277 : vector<16xi1>, vector<16xf32>
      %add3A_1279 = arith.addf %add3A_1260, %select_n3A_1278 : vector<16xf32>
      %get3A_1280 = arith.constant 2 : i32
      %get3A_1281 = arith.constant 2 : i32
      %get3A_1282 = arith.index_cast %get3A_1280 : i32 to index
      %get3A_1283 = arith.index_cast %get3A_1281 : i32 to index
      %get3A_1284 = arith.constant 64 : index
      %get3A_1285 = tpu.vector_load %arg7[%get3A_1282, %get3A_1283, %get3A_1284] {strides = array<i32>} : memref<16x8x128xf32, #tpu.memory_space<vmem>>, vector<1x1x16xf32>,
      %get3A_1286 = vector.shape_cast %get3A_1285 : vector<1x1x16xf32> to vector<16xf32>
      %add3A_1287 = arith.constant 64 : i32
      %add3A_1288 = vector.broadcast %add3A_1287 : i32 to vector<16xi32>
      %add3A_1289 = arith.addi %add3A_1288, %iota3A : vector<16xi32>
      %eq3A_1290 = arith.cmpi eq, %add3A_1289, %broadcast_in_dim3A_1203 : vector<16xi32>
      %mul3A_1291 = arith.constant -8.999990e-01 : f32
      %mul3A_1292 = vector.broadcast %mul3A_1291 : f32 to vector<16xf32>
      %mul3A_1293 = arith.mulf %mul3A_1292, %broadcast_in_dim3A_1201 : vector<16xf32>
      %mul3A_1294 = arith.mulf %mul3A_1293, %get3A_1286 : vector<16xf32>
      %jit3A_1295 = arith.constant 0.000000e+00 : f32
      %broadcast_in_dim3A_1296 = vector.broadcast %jit3A_1295 : f32 to vector<16xf32>
      %select_n3A_1297 = arith.select %eq3A_1290, %mul3A_1294, %broadcast_in_dim3A_1296 : vector<16xi1>, vector<16xf32>
      %add3A_1298 = arith.addf %add3A_1279, %select_n3A_1297 : vector<16xf32>
      %get3A_1299 = arith.constant 2 : i32
      %get3A_1300 = arith.constant 2 : i32
      %get3A_1301 = arith.index_cast %get3A_1299 : i32 to index
      %get3A_1302 = arith.index_cast %get3A_1300 : i32 to index
      %get3A_1303 = arith.constant 80 : index
      %get3A_1304 = tpu.vector_load %arg7[%get3A_1301, %get3A_1302, %get3A_1303] {strides = array<i32>} : memref<16x8x128xf32, #tpu.memory_space<vmem>>, vector<1x1x16xf32>,
      %get3A_1305 = vector.shape_cast %get3A_1304 : vector<1x1x16xf32> to vector<16xf32>
      %add3A_1306 = arith.constant 80 : i32
      %add3A_1307 = vector.broadcast %add3A_1306 : i32 to vector<16xi32>
      %add3A_1308 = arith.addi %add3A_1307, %iota3A : vector<16xi32>
      %eq3A_1309 = arith.cmpi eq, %add3A_1308, %broadcast_in_dim3A_1203 : vector<16xi32>
      %mul3A_1310 = arith.constant -8.999990e-01 : f32
      %mul3A_1311 = vector.broadcast %mul3A_1310 : f32 to vector<16xf32>
      %mul3A_1312 = arith.mulf %mul3A_1311, %broadcast_in_dim3A_1201 : vector<16xf32>
      %mul3A_1313 = arith.mulf %mul3A_1312, %get3A_1305 : vector<16xf32>
      %jit3A_1314 = arith.constant 0.000000e+00 : f32
      %broadcast_in_dim3A_1315 = vector.broadcast %jit3A_1314 : f32 to vector<16xf32>
      %select_n3A_1316 = arith.select %eq3A_1309, %mul3A_1313, %broadcast_in_dim3A_1315 : vector<16xi1>, vector<16xf32>
      %add3A_1317 = arith.addf %add3A_1298, %select_n3A_1316 : vector<16xf32>
      %get3A_1318 = arith.constant 2 : i32
      %get3A_1319 = arith.constant 2 : i32
      %get3A_1320 = arith.index_cast %get3A_1318 : i32 to index
      %get3A_1321 = arith.index_cast %get3A_1319 : i32 to index
      %get3A_1322 = arith.constant 96 : index
      %get3A_1323 = tpu.vector_load %arg7[%get3A_1320, %get3A_1321, %get3A_1322] {strides = array<i32>} : memref<16x8x128xf32, #tpu.memory_space<vmem>>, vector<1x1x16xf32>,
      %get3A_1324 = vector.shape_cast %get3A_1323 : vector<1x1x16xf32> to vector<16xf32>
      %add3A_1325 = arith.constant 96 : i32
      %add3A_1326 = vector.broadcast %add3A_1325 : i32 to vector<16xi32>
      %add3A_1327 = arith.addi %add3A_1326, %iota3A : vector<16xi32>
      %eq3A_1328 = arith.cmpi eq, %add3A_1327, %broadcast_in_dim3A_1203 : vector<16xi32>
      %mul3A_1329 = arith.constant -8.999990e-01 : f32
      %mul3A_1330 = vector.broadcast %mul3A_1329 : f32 to vector<16xf32>
      %mul3A_1331 = arith.mulf %mul3A_1330, %broadcast_in_dim3A_1201 : vector<16xf32>
      %mul3A_1332 = arith.mulf %mul3A_1331, %get3A_1324 : vector<16xf32>
      %jit3A_1333 = arith.constant 0.000000e+00 : f32
      %broadcast_in_dim3A_1334 = vector.broadcast %jit3A_1333 : f32 to vector<16xf32>
      %select_n3A_1335 = arith.select %eq3A_1328, %mul3A_1332, %broadcast_in_dim3A_1334 : vector<16xi1>, vector<16xf32>
      %add3A_1336 = arith.addf %add3A_1317, %select_n3A_1335 : vector<16xf32>
      %get3A_1337 = arith.constant 2 : i32
      %get3A_1338 = arith.constant 2 : i32
      %get3A_1339 = arith.index_cast %get3A_1337 : i32 to index
      %get3A_1340 = arith.index_cast %get3A_1338 : i32 to index
      %get3A_1341 = arith.constant 112 : index
      %get3A_1342 = tpu.vector_load %arg7[%get3A_1339, %get3A_1340, %get3A_1341] {strides = array<i32>} : memref<16x8x128xf32, #tpu.memory_space<vmem>>, vector<1x1x16xf32>,
      %get3A_1343 = vector.shape_cast %get3A_1342 : vector<1x1x16xf32> to vector<16xf32>
      %add3A_1344 = arith.constant 112 : i32
      %add3A_1345 = vector.broadcast %add3A_1344 : i32 to vector<16xi32>
      %add3A_1346 = arith.addi %add3A_1345, %iota3A : vector<16xi32>
      %eq3A_1347 = arith.cmpi eq, %add3A_1346, %broadcast_in_dim3A_1203 : vector<16xi32>
      %mul3A_1348 = arith.constant -8.999990e-01 : f32
      %mul3A_1349 = vector.broadcast %mul3A_1348 : f32 to vector<16xf32>
      %mul3A_1350 = arith.mulf %mul3A_1349, %broadcast_in_dim3A_1201 : vector<16xf32>
      %mul3A_1351 = arith.mulf %mul3A_1350, %get3A_1343 : vector<16xf32>
      %jit3A_1352 = arith.constant 0.000000e+00 : f32
      %broadcast_in_dim3A_1353 = vector.broadcast %jit3A_1352 : f32 to vector<16xf32>
      %select_n3A_1354 = arith.select %eq3A_1347, %mul3A_1351, %broadcast_in_dim3A_1353 : vector<16xi1>, vector<16xf32>
      %add3A_1355 = arith.addf %add3A_1336, %select_n3A_1354 : vector<16xf32>
      %slice3A_1356 = vector.extract_strided_slice %get3A_15 {offsets = [3], sizes = [1], strides = [1]} : vector<16xi32> to vector<1xi32>
      %squeeze3A_1357 = vector.extract %slice3A_1356[0] : i32 from vector<1xi32>
      %ne3A_1358 = arith.constant 0 : i32
      %ne3A_1359 = arith.cmpi ne, %squeeze3A_1357, %ne3A_1358 : i32
      %jit3A_1360 = arith.constant 1.000000e+00 : f32
      %jit3A_1361 = arith.constant 0.000000e+00 : f32
      %select_n3A_1362 = arith.select %ne3A_1359, %jit3A_1360, %jit3A_1361 : f32
      %broadcast_in_dim3A_1363 = vector.broadcast %select_n3A_1362 : f32 to vector<16xf32>
      %sub3A_1364 = arith.subi %squeeze3A_1357, %min3A_163 : i32
      %broadcast_in_dim3A_1365 = vector.broadcast %sub3A_1364 : i32 to vector<16xi32>
      %get3A_1366 = arith.constant 3 : i32
      %get3A_1367 = arith.constant 3 : i32
      %get3A_1368 = arith.index_cast %get3A_1366 : i32 to index
      %get3A_1369 = arith.index_cast %get3A_1367 : i32 to index
      %get3A_1370 = arith.constant 0 : index
      %get3A_1371 = tpu.vector_load %arg7[%get3A_1368, %get3A_1369, %get3A_1370] {strides = array<i32>} : memref<16x8x128xf32, #tpu.memory_space<vmem>>, vector<1x1x16xf32>,
      %get3A_1372 = vector.shape_cast %get3A_1371 : vector<1x1x16xf32> to vector<16xf32>
      %add3A_1373 = arith.constant 0 : i32
      %add3A_1374 = vector.broadcast %add3A_1373 : i32 to vector<16xi32>
      %add3A_1375 = arith.addi %add3A_1374, %iota3A : vector<16xi32>
      %eq3A_1376 = arith.cmpi eq, %add3A_1375, %broadcast_in_dim3A_1365 : vector<16xi32>
      %mul3A_1377 = arith.constant -8.999990e-01 : f32
      %mul3A_1378 = vector.broadcast %mul3A_1377 : f32 to vector<16xf32>
      %mul3A_1379 = arith.mulf %mul3A_1378, %broadcast_in_dim3A_1363 : vector<16xf32>
      %mul3A_1380 = arith.mulf %mul3A_1379, %get3A_1372 : vector<16xf32>
      %jit3A_1381 = arith.constant 0.000000e+00 : f32
      %broadcast_in_dim3A_1382 = vector.broadcast %jit3A_1381 : f32 to vector<16xf32>
      %select_n3A_1383 = arith.select %eq3A_1376, %mul3A_1380, %broadcast_in_dim3A_1382 : vector<16xi1>, vector<16xf32>
      %add3A_1384 = arith.addf %add3A_1355, %select_n3A_1383 : vector<16xf32>
      %get3A_1385 = arith.constant 3 : i32
      %get3A_1386 = arith.constant 3 : i32
      %get3A_1387 = arith.index_cast %get3A_1385 : i32 to index
      %get3A_1388 = arith.index_cast %get3A_1386 : i32 to index
      %get3A_1389 = arith.constant 16 : index
      %get3A_1390 = tpu.vector_load %arg7[%get3A_1387, %get3A_1388, %get3A_1389] {strides = array<i32>} : memref<16x8x128xf32, #tpu.memory_space<vmem>>, vector<1x1x16xf32>,
      %get3A_1391 = vector.shape_cast %get3A_1390 : vector<1x1x16xf32> to vector<16xf32>
      %add3A_1392 = arith.constant 16 : i32
      %add3A_1393 = vector.broadcast %add3A_1392 : i32 to vector<16xi32>
      %add3A_1394 = arith.addi %add3A_1393, %iota3A : vector<16xi32>
      %eq3A_1395 = arith.cmpi eq, %add3A_1394, %broadcast_in_dim3A_1365 : vector<16xi32>
      %mul3A_1396 = arith.constant -8.999990e-01 : f32
      %mul3A_1397 = vector.broadcast %mul3A_1396 : f32 to vector<16xf32>
      %mul3A_1398 = arith.mulf %mul3A_1397, %broadcast_in_dim3A_1363 : vector<16xf32>
      %mul3A_1399 = arith.mulf %mul3A_1398, %get3A_1391 : vector<16xf32>
      %jit3A_1400 = arith.constant 0.000000e+00 : f32
      %broadcast_in_dim3A_1401 = vector.broadcast %jit3A_1400 : f32 to vector<16xf32>
      %select_n3A_1402 = arith.select %eq3A_1395, %mul3A_1399, %broadcast_in_dim3A_1401 : vector<16xi1>, vector<16xf32>
      %add3A_1403 = arith.addf %add3A_1384, %select_n3A_1402 : vector<16xf32>
      %get3A_1404 = arith.constant 3 : i32
      %get3A_1405 = arith.constant 3 : i32
      %get3A_1406 = arith.index_cast %get3A_1404 : i32 to index
      %get3A_1407 = arith.index_cast %get3A_1405 : i32 to index
      %get3A_1408 = arith.constant 32 : index
      %get3A_1409 = tpu.vector_load %arg7[%get3A_1406, %get3A_1407, %get3A_1408] {strides = array<i32>} : memref<16x8x128xf32, #tpu.memory_space<vmem>>, vector<1x1x16xf32>,
      %get3A_1410 = vector.shape_cast %get3A_1409 : vector<1x1x16xf32> to vector<16xf32>
      %add3A_1411 = arith.constant 32 : i32
      %add3A_1412 = vector.broadcast %add3A_1411 : i32 to vector<16xi32>
      %add3A_1413 = arith.addi %add3A_1412, %iota3A : vector<16xi32>
      %eq3A_1414 = arith.cmpi eq, %add3A_1413, %broadcast_in_dim3A_1365 : vector<16xi32>
      %mul3A_1415 = arith.constant -8.999990e-01 : f32
      %mul3A_1416 = vector.broadcast %mul3A_1415 : f32 to vector<16xf32>
      %mul3A_1417 = arith.mulf %mul3A_1416, %broadcast_in_dim3A_1363 : vector<16xf32>
      %mul3A_1418 = arith.mulf %mul3A_1417, %get3A_1410 : vector<16xf32>
      %jit3A_1419 = arith.constant 0.000000e+00 : f32
      %broadcast_in_dim3A_1420 = vector.broadcast %jit3A_1419 : f32 to vector<16xf32>
      %select_n3A_1421 = arith.select %eq3A_1414, %mul3A_1418, %broadcast_in_dim3A_1420 : vector<16xi1>, vector<16xf32>
      %add3A_1422 = arith.addf %add3A_1403, %select_n3A_1421 : vector<16xf32>
      %get3A_1423 = arith.constant 3 : i32
      %get3A_1424 = arith.constant 3 : i32
      %get3A_1425 = arith.index_cast %get3A_1423 : i32 to index
      %get3A_1426 = arith.index_cast %get3A_1424 : i32 to index
      %get3A_1427 = arith.constant 48 : index
      %get3A_1428 = tpu.vector_load %arg7[%get3A_1425, %get3A_1426, %get3A_1427] {strides = array<i32>} : memref<16x8x128xf32, #tpu.memory_space<vmem>>, vector<1x1x16xf32>,
      %get3A_1429 = vector.shape_cast %get3A_1428 : vector<1x1x16xf32> to vector<16xf32>
      %add3A_1430 = arith.constant 48 : i32
      %add3A_1431 = vector.broadcast %add3A_1430 : i32 to vector<16xi32>
      %add3A_1432 = arith.addi %add3A_1431, %iota3A : vector<16xi32>
      %eq3A_1433 = arith.cmpi eq, %add3A_1432, %broadcast_in_dim3A_1365 : vector<16xi32>
      %mul3A_1434 = arith.constant -8.999990e-01 : f32
      %mul3A_1435 = vector.broadcast %mul3A_1434 : f32 to vector<16xf32>
      %mul3A_1436 = arith.mulf %mul3A_1435, %broadcast_in_dim3A_1363 : vector<16xf32>
      %mul3A_1437 = arith.mulf %mul3A_1436, %get3A_1429 : vector<16xf32>
      %jit3A_1438 = arith.constant 0.000000e+00 : f32
      %broadcast_in_dim3A_1439 = vector.broadcast %jit3A_1438 : f32 to vector<16xf32>
      %select_n3A_1440 = arith.select %eq3A_1433, %mul3A_1437, %broadcast_in_dim3A_1439 : vector<16xi1>, vector<16xf32>
      %add3A_1441 = arith.addf %add3A_1422, %select_n3A_1440 : vector<16xf32>
      %get3A_1442 = arith.constant 3 : i32
      %get3A_1443 = arith.constant 3 : i32
      %get3A_1444 = arith.index_cast %get3A_1442 : i32 to index
      %get3A_1445 = arith.index_cast %get3A_1443 : i32 to index
      %get3A_1446 = arith.constant 64 : index
      %get3A_1447 = tpu.vector_load %arg7[%get3A_1444, %get3A_1445, %get3A_1446] {strides = array<i32>} : memref<16x8x128xf32, #tpu.memory_space<vmem>>, vector<1x1x16xf32>,
      %get3A_1448 = vector.shape_cast %get3A_1447 : vector<1x1x16xf32> to vector<16xf32>
      %add3A_1449 = arith.constant 64 : i32
      %add3A_1450 = vector.broadcast %add3A_1449 : i32 to vector<16xi32>
      %add3A_1451 = arith.addi %add3A_1450, %iota3A : vector<16xi32>
      %eq3A_1452 = arith.cmpi eq, %add3A_1451, %broadcast_in_dim3A_1365 : vector<16xi32>
      %mul3A_1453 = arith.constant -8.999990e-01 : f32
      %mul3A_1454 = vector.broadcast %mul3A_1453 : f32 to vector<16xf32>
      %mul3A_1455 = arith.mulf %mul3A_1454, %broadcast_in_dim3A_1363 : vector<16xf32>
      %mul3A_1456 = arith.mulf %mul3A_1455, %get3A_1448 : vector<16xf32>
      %jit3A_1457 = arith.constant 0.000000e+00 : f32
      %broadcast_in_dim3A_1458 = vector.broadcast %jit3A_1457 : f32 to vector<16xf32>
      %select_n3A_1459 = arith.select %eq3A_1452, %mul3A_1456, %broadcast_in_dim3A_1458 : vector<16xi1>, vector<16xf32>
      %add3A_1460 = arith.addf %add3A_1441, %select_n3A_1459 : vector<16xf32>
      %get3A_1461 = arith.constant 3 : i32
      %get3A_1462 = arith.constant 3 : i32
      %get3A_1463 = arith.index_cast %get3A_1461 : i32 to index
      %get3A_1464 = arith.index_cast %get3A_1462 : i32 to index
      %get3A_1465 = arith.constant 80 : index
      %get3A_1466 = tpu.vector_load %arg7[%get3A_1463, %get3A_1464, %get3A_1465] {strides = array<i32>} : memref<16x8x128xf32, #tpu.memory_space<vmem>>, vector<1x1x16xf32>,
      %get3A_1467 = vector.shape_cast %get3A_1466 : vector<1x1x16xf32> to vector<16xf32>
      %add3A_1468 = arith.constant 80 : i32
      %add3A_1469 = vector.broadcast %add3A_1468 : i32 to vector<16xi32>
      %add3A_1470 = arith.addi %add3A_1469, %iota3A : vector<16xi32>
      %eq3A_1471 = arith.cmpi eq, %add3A_1470, %broadcast_in_dim3A_1365 : vector<16xi32>
      %mul3A_1472 = arith.constant -8.999990e-01 : f32
      %mul3A_1473 = vector.broadcast %mul3A_1472 : f32 to vector<16xf32>
      %mul3A_1474 = arith.mulf %mul3A_1473, %broadcast_in_dim3A_1363 : vector<16xf32>
      %mul3A_1475 = arith.mulf %mul3A_1474, %get3A_1467 : vector<16xf32>
      %jit3A_1476 = arith.constant 0.000000e+00 : f32
      %broadcast_in_dim3A_1477 = vector.broadcast %jit3A_1476 : f32 to vector<16xf32>
      %select_n3A_1478 = arith.select %eq3A_1471, %mul3A_1475, %broadcast_in_dim3A_1477 : vector<16xi1>, vector<16xf32>
      %add3A_1479 = arith.addf %add3A_1460, %select_n3A_1478 : vector<16xf32>
      %get3A_1480 = arith.constant 3 : i32
      %get3A_1481 = arith.constant 3 : i32
      %get3A_1482 = arith.index_cast %get3A_1480 : i32 to index
      %get3A_1483 = arith.index_cast %get3A_1481 : i32 to index
      %get3A_1484 = arith.constant 96 : index
      %get3A_1485 = tpu.vector_load %arg7[%get3A_1482, %get3A_1483, %get3A_1484] {strides = array<i32>} : memref<16x8x128xf32, #tpu.memory_space<vmem>>, vector<1x1x16xf32>,
      %get3A_1486 = vector.shape_cast %get3A_1485 : vector<1x1x16xf32> to vector<16xf32>
      %add3A_1487 = arith.constant 96 : i32
      %add3A_1488 = vector.broadcast %add3A_1487 : i32 to vector<16xi32>
      %add3A_1489 = arith.addi %add3A_1488, %iota3A : vector<16xi32>
      %eq3A_1490 = arith.cmpi eq, %add3A_1489, %broadcast_in_dim3A_1365 : vector<16xi32>
      %mul3A_1491 = arith.constant -8.999990e-01 : f32
      %mul3A_1492 = vector.broadcast %mul3A_1491 : f32 to vector<16xf32>
      %mul3A_1493 = arith.mulf %mul3A_1492, %broadcast_in_dim3A_1363 : vector<16xf32>
      %mul3A_1494 = arith.mulf %mul3A_1493, %get3A_1486 : vector<16xf32>
      %jit3A_1495 = arith.constant 0.000000e+00 : f32
      %broadcast_in_dim3A_1496 = vector.broadcast %jit3A_1495 : f32 to vector<16xf32>
      %select_n3A_1497 = arith.select %eq3A_1490, %mul3A_1494, %broadcast_in_dim3A_1496 : vector<16xi1>, vector<16xf32>
      %add3A_1498 = arith.addf %add3A_1479, %select_n3A_1497 : vector<16xf32>
      %get3A_1499 = arith.constant 3 : i32
      %get3A_1500 = arith.constant 3 : i32
      %get3A_1501 = arith.index_cast %get3A_1499 : i32 to index
      %get3A_1502 = arith.index_cast %get3A_1500 : i32 to index
      %get3A_1503 = arith.constant 112 : index
      %get3A_1504 = tpu.vector_load %arg7[%get3A_1501, %get3A_1502, %get3A_1503] {strides = array<i32>} : memref<16x8x128xf32, #tpu.memory_space<vmem>>, vector<1x1x16xf32>,
      %get3A_1505 = vector.shape_cast %get3A_1504 : vector<1x1x16xf32> to vector<16xf32>
      %add3A_1506 = arith.constant 112 : i32
      %add3A_1507 = vector.broadcast %add3A_1506 : i32 to vector<16xi32>
      %add3A_1508 = arith.addi %add3A_1507, %iota3A : vector<16xi32>
      %eq3A_1509 = arith.cmpi eq, %add3A_1508, %broadcast_in_dim3A_1365 : vector<16xi32>
      %mul3A_1510 = arith.constant -8.999990e-01 : f32
      %mul3A_1511 = vector.broadcast %mul3A_1510 : f32 to vector<16xf32>
      %mul3A_1512 = arith.mulf %mul3A_1511, %broadcast_in_dim3A_1363 : vector<16xf32>
      %mul3A_1513 = arith.mulf %mul3A_1512, %get3A_1505 : vector<16xf32>
      %jit3A_1514 = arith.constant 0.000000e+00 : f32
      %broadcast_in_dim3A_1515 = vector.broadcast %jit3A_1514 : f32 to vector<16xf32>
      %select_n3A_1516 = arith.select %eq3A_1509, %mul3A_1513, %broadcast_in_dim3A_1515 : vector<16xi1>, vector<16xf32>
      %add3A_1517 = arith.addf %add3A_1498, %select_n3A_1516 : vector<16xf32>
      %slice3A_1518 = vector.extract_strided_slice %get3A_15 {offsets = [4], sizes = [1], strides = [1]} : vector<16xi32> to vector<1xi32>
      %squeeze3A_1519 = vector.extract %slice3A_1518[0] : i32 from vector<1xi32>
      %ne3A_1520 = arith.constant 0 : i32
      %ne3A_1521 = arith.cmpi ne, %squeeze3A_1519, %ne3A_1520 : i32
      %jit3A_1522 = arith.constant 1.000000e+00 : f32
      %jit3A_1523 = arith.constant 0.000000e+00 : f32
      %select_n3A_1524 = arith.select %ne3A_1521, %jit3A_1522, %jit3A_1523 : f32
      %broadcast_in_dim3A_1525 = vector.broadcast %select_n3A_1524 : f32 to vector<16xf32>
      %sub3A_1526 = arith.subi %squeeze3A_1519, %min3A_206 : i32
      %broadcast_in_dim3A_1527 = vector.broadcast %sub3A_1526 : i32 to vector<16xi32>
      %get3A_1528 = arith.constant 4 : i32
      %get3A_1529 = arith.constant 4 : i32
      %get3A_1530 = arith.index_cast %get3A_1528 : i32 to index
      %get3A_1531 = arith.index_cast %get3A_1529 : i32 to index
      %get3A_1532 = arith.constant 0 : index
      %get3A_1533 = tpu.vector_load %arg7[%get3A_1530, %get3A_1531, %get3A_1532] {strides = array<i32>} : memref<16x8x128xf32, #tpu.memory_space<vmem>>, vector<1x1x16xf32>,
      %get3A_1534 = vector.shape_cast %get3A_1533 : vector<1x1x16xf32> to vector<16xf32>
      %add3A_1535 = arith.constant 0 : i32
      %add3A_1536 = vector.broadcast %add3A_1535 : i32 to vector<16xi32>
      %add3A_1537 = arith.addi %add3A_1536, %iota3A : vector<16xi32>
      %eq3A_1538 = arith.cmpi eq, %add3A_1537, %broadcast_in_dim3A_1527 : vector<16xi32>
      %mul3A_1539 = arith.constant -8.999990e-01 : f32
      %mul3A_1540 = vector.broadcast %mul3A_1539 : f32 to vector<16xf32>
      %mul3A_1541 = arith.mulf %mul3A_1540, %broadcast_in_dim3A_1525 : vector<16xf32>
      %mul3A_1542 = arith.mulf %mul3A_1541, %get3A_1534 : vector<16xf32>
      %jit3A_1543 = arith.constant 0.000000e+00 : f32
      %broadcast_in_dim3A_1544 = vector.broadcast %jit3A_1543 : f32 to vector<16xf32>
      %select_n3A_1545 = arith.select %eq3A_1538, %mul3A_1542, %broadcast_in_dim3A_1544 : vector<16xi1>, vector<16xf32>
      %add3A_1546 = arith.addf %add3A_1517, %select_n3A_1545 : vector<16xf32>
      %get3A_1547 = arith.constant 4 : i32
      %get3A_1548 = arith.constant 4 : i32
      %get3A_1549 = arith.index_cast %get3A_1547 : i32 to index
      %get3A_1550 = arith.index_cast %get3A_1548 : i32 to index
      %get3A_1551 = arith.constant 16 : index
      %get3A_1552 = tpu.vector_load %arg7[%get3A_1549, %get3A_1550, %get3A_1551] {strides = array<i32>} : memref<16x8x128xf32, #tpu.memory_space<vmem>>, vector<1x1x16xf32>,
      %get3A_1553 = vector.shape_cast %get3A_1552 : vector<1x1x16xf32> to vector<16xf32>
      %add3A_1554 = arith.constant 16 : i32
      %add3A_1555 = vector.broadcast %add3A_1554 : i32 to vector<16xi32>
      %add3A_1556 = arith.addi %add3A_1555, %iota3A : vector<16xi32>
      %eq3A_1557 = arith.cmpi eq, %add3A_1556, %broadcast_in_dim3A_1527 : vector<16xi32>
      %mul3A_1558 = arith.constant -8.999990e-01 : f32
      %mul3A_1559 = vector.broadcast %mul3A_1558 : f32 to vector<16xf32>
      %mul3A_1560 = arith.mulf %mul3A_1559, %broadcast_in_dim3A_1525 : vector<16xf32>
      %mul3A_1561 = arith.mulf %mul3A_1560, %get3A_1553 : vector<16xf32>
      %jit3A_1562 = arith.constant 0.000000e+00 : f32
      %broadcast_in_dim3A_1563 = vector.broadcast %jit3A_1562 : f32 to vector<16xf32>
      %select_n3A_1564 = arith.select %eq3A_1557, %mul3A_1561, %broadcast_in_dim3A_1563 : vector<16xi1>, vector<16xf32>
      %add3A_1565 = arith.addf %add3A_1546, %select_n3A_1564 : vector<16xf32>
      %get3A_1566 = arith.constant 4 : i32
      %get3A_1567 = arith.constant 4 : i32
      %get3A_1568 = arith.index_cast %get3A_1566 : i32 to index
      %get3A_1569 = arith.index_cast %get3A_1567 : i32 to index
      %get3A_1570 = arith.constant 32 : index
      %get3A_1571 = tpu.vector_load %arg7[%get3A_1568, %get3A_1569, %get3A_1570] {strides = array<i32>} : memref<16x8x128xf32, #tpu.memory_space<vmem>>, vector<1x1x16xf32>,
      %get3A_1572 = vector.shape_cast %get3A_1571 : vector<1x1x16xf32> to vector<16xf32>
      %add3A_1573 = arith.constant 32 : i32
      %add3A_1574 = vector.broadcast %add3A_1573 : i32 to vector<16xi32>
      %add3A_1575 = arith.addi %add3A_1574, %iota3A : vector<16xi32>
      %eq3A_1576 = arith.cmpi eq, %add3A_1575, %broadcast_in_dim3A_1527 : vector<16xi32>
      %mul3A_1577 = arith.constant -8.999990e-01 : f32
      %mul3A_1578 = vector.broadcast %mul3A_1577 : f32 to vector<16xf32>
      %mul3A_1579 = arith.mulf %mul3A_1578, %broadcast_in_dim3A_1525 : vector<16xf32>
      %mul3A_1580 = arith.mulf %mul3A_1579, %get3A_1572 : vector<16xf32>
      %jit3A_1581 = arith.constant 0.000000e+00 : f32
      %broadcast_in_dim3A_1582 = vector.broadcast %jit3A_1581 : f32 to vector<16xf32>
      %select_n3A_1583 = arith.select %eq3A_1576, %mul3A_1580, %broadcast_in_dim3A_1582 : vector<16xi1>, vector<16xf32>
      %add3A_1584 = arith.addf %add3A_1565, %select_n3A_1583 : vector<16xf32>
      %get3A_1585 = arith.constant 4 : i32
      %get3A_1586 = arith.constant 4 : i32
      %get3A_1587 = arith.index_cast %get3A_1585 : i32 to index
      %get3A_1588 = arith.index_cast %get3A_1586 : i32 to index
      %get3A_1589 = arith.constant 48 : index
      %get3A_1590 = tpu.vector_load %arg7[%get3A_1587, %get3A_1588, %get3A_1589] {strides = array<i32>} : memref<16x8x128xf32, #tpu.memory_space<vmem>>, vector<1x1x16xf32>,
      %get3A_1591 = vector.shape_cast %get3A_1590 : vector<1x1x16xf32> to vector<16xf32>
      %add3A_1592 = arith.constant 48 : i32
      %add3A_1593 = vector.broadcast %add3A_1592 : i32 to vector<16xi32>
      %add3A_1594 = arith.addi %add3A_1593, %iota3A : vector<16xi32>
      %eq3A_1595 = arith.cmpi eq, %add3A_1594, %broadcast_in_dim3A_1527 : vector<16xi32>
      %mul3A_1596 = arith.constant -8.999990e-01 : f32
      %mul3A_1597 = vector.broadcast %mul3A_1596 : f32 to vector<16xf32>
      %mul3A_1598 = arith.mulf %mul3A_1597, %broadcast_in_dim3A_1525 : vector<16xf32>
      %mul3A_1599 = arith.mulf %mul3A_1598, %get3A_1591 : vector<16xf32>
      %jit3A_1600 = arith.constant 0.000000e+00 : f32
      %broadcast_in_dim3A_1601 = vector.broadcast %jit3A_1600 : f32 to vector<16xf32>
      %select_n3A_1602 = arith.select %eq3A_1595, %mul3A_1599, %broadcast_in_dim3A_1601 : vector<16xi1>, vector<16xf32>
      %add3A_1603 = arith.addf %add3A_1584, %select_n3A_1602 : vector<16xf32>
      %get3A_1604 = arith.constant 4 : i32
      %get3A_1605 = arith.constant 4 : i32
      %get3A_1606 = arith.index_cast %get3A_1604 : i32 to index
      %get3A_1607 = arith.index_cast %get3A_1605 : i32 to index
      %get3A_1608 = arith.constant 64 : index
      %get3A_1609 = tpu.vector_load %arg7[%get3A_1606, %get3A_1607, %get3A_1608] {strides = array<i32>} : memref<16x8x128xf32, #tpu.memory_space<vmem>>, vector<1x1x16xf32>,
      %get3A_1610 = vector.shape_cast %get3A_1609 : vector<1x1x16xf32> to vector<16xf32>
      %add3A_1611 = arith.constant 64 : i32
      %add3A_1612 = vector.broadcast %add3A_1611 : i32 to vector<16xi32>
      %add3A_1613 = arith.addi %add3A_1612, %iota3A : vector<16xi32>
      %eq3A_1614 = arith.cmpi eq, %add3A_1613, %broadcast_in_dim3A_1527 : vector<16xi32>
      %mul3A_1615 = arith.constant -8.999990e-01 : f32
      %mul3A_1616 = vector.broadcast %mul3A_1615 : f32 to vector<16xf32>
      %mul3A_1617 = arith.mulf %mul3A_1616, %broadcast_in_dim3A_1525 : vector<16xf32>
      %mul3A_1618 = arith.mulf %mul3A_1617, %get3A_1610 : vector<16xf32>
      %jit3A_1619 = arith.constant 0.000000e+00 : f32
      %broadcast_in_dim3A_1620 = vector.broadcast %jit3A_1619 : f32 to vector<16xf32>
      %select_n3A_1621 = arith.select %eq3A_1614, %mul3A_1618, %broadcast_in_dim3A_1620 : vector<16xi1>, vector<16xf32>
      %add3A_1622 = arith.addf %add3A_1603, %select_n3A_1621 : vector<16xf32>
      %get3A_1623 = arith.constant 4 : i32
      %get3A_1624 = arith.constant 4 : i32
      %get3A_1625 = arith.index_cast %get3A_1623 : i32 to index
      %get3A_1626 = arith.index_cast %get3A_1624 : i32 to index
      %get3A_1627 = arith.constant 80 : index
      %get3A_1628 = tpu.vector_load %arg7[%get3A_1625, %get3A_1626, %get3A_1627] {strides = array<i32>} : memref<16x8x128xf32, #tpu.memory_space<vmem>>, vector<1x1x16xf32>,
      %get3A_1629 = vector.shape_cast %get3A_1628 : vector<1x1x16xf32> to vector<16xf32>
      %add3A_1630 = arith.constant 80 : i32
      %add3A_1631 = vector.broadcast %add3A_1630 : i32 to vector<16xi32>
      %add3A_1632 = arith.addi %add3A_1631, %iota3A : vector<16xi32>
      %eq3A_1633 = arith.cmpi eq, %add3A_1632, %broadcast_in_dim3A_1527 : vector<16xi32>
      %mul3A_1634 = arith.constant -8.999990e-01 : f32
      %mul3A_1635 = vector.broadcast %mul3A_1634 : f32 to vector<16xf32>
      %mul3A_1636 = arith.mulf %mul3A_1635, %broadcast_in_dim3A_1525 : vector<16xf32>
      %mul3A_1637 = arith.mulf %mul3A_1636, %get3A_1629 : vector<16xf32>
      %jit3A_1638 = arith.constant 0.000000e+00 : f32
      %broadcast_in_dim3A_1639 = vector.broadcast %jit3A_1638 : f32 to vector<16xf32>
      %select_n3A_1640 = arith.select %eq3A_1633, %mul3A_1637, %broadcast_in_dim3A_1639 : vector<16xi1>, vector<16xf32>
      %add3A_1641 = arith.addf %add3A_1622, %select_n3A_1640 : vector<16xf32>
      %get3A_1642 = arith.constant 4 : i32
      %get3A_1643 = arith.constant 4 : i32
      %get3A_1644 = arith.index_cast %get3A_1642 : i32 to index
      %get3A_1645 = arith.index_cast %get3A_1643 : i32 to index
      %get3A_1646 = arith.constant 96 : index
      %get3A_1647 = tpu.vector_load %arg7[%get3A_1644, %get3A_1645, %get3A_1646] {strides = array<i32>} : memref<16x8x128xf32, #tpu.memory_space<vmem>>, vector<1x1x16xf32>,
      %get3A_1648 = vector.shape_cast %get3A_1647 : vector<1x1x16xf32> to vector<16xf32>
      %add3A_1649 = arith.constant 96 : i32
      %add3A_1650 = vector.broadcast %add3A_1649 : i32 to vector<16xi32>
      %add3A_1651 = arith.addi %add3A_1650, %iota3A : vector<16xi32>
      %eq3A_1652 = arith.cmpi eq, %add3A_1651, %broadcast_in_dim3A_1527 : vector<16xi32>
      %mul3A_1653 = arith.constant -8.999990e-01 : f32
      %mul3A_1654 = vector.broadcast %mul3A_1653 : f32 to vector<16xf32>
      %mul3A_1655 = arith.mulf %mul3A_1654, %broadcast_in_dim3A_1525 : vector<16xf32>
      %mul3A_1656 = arith.mulf %mul3A_1655, %get3A_1648 : vector<16xf32>
      %jit3A_1657 = arith.constant 0.000000e+00 : f32
      %broadcast_in_dim3A_1658 = vector.broadcast %jit3A_1657 : f32 to vector<16xf32>
      %select_n3A_1659 = arith.select %eq3A_1652, %mul3A_1656, %broadcast_in_dim3A_1658 : vector<16xi1>, vector<16xf32>
      %add3A_1660 = arith.addf %add3A_1641, %select_n3A_1659 : vector<16xf32>
      %get3A_1661 = arith.constant 4 : i32
      %get3A_1662 = arith.constant 4 : i32
      %get3A_1663 = arith.index_cast %get3A_1661 : i32 to index
      %get3A_1664 = arith.index_cast %get3A_1662 : i32 to index
      %get3A_1665 = arith.constant 112 : index
      %get3A_1666 = tpu.vector_load %arg7[%get3A_1663, %get3A_1664, %get3A_1665] {strides = array<i32>} : memref<16x8x128xf32, #tpu.memory_space<vmem>>, vector<1x1x16xf32>,
      %get3A_1667 = vector.shape_cast %get3A_1666 : vector<1x1x16xf32> to vector<16xf32>
      %add3A_1668 = arith.constant 112 : i32
      %add3A_1669 = vector.broadcast %add3A_1668 : i32 to vector<16xi32>
      %add3A_1670 = arith.addi %add3A_1669, %iota3A : vector<16xi32>
      %eq3A_1671 = arith.cmpi eq, %add3A_1670, %broadcast_in_dim3A_1527 : vector<16xi32>
      %mul3A_1672 = arith.constant -8.999990e-01 : f32
      %mul3A_1673 = vector.broadcast %mul3A_1672 : f32 to vector<16xf32>
      %mul3A_1674 = arith.mulf %mul3A_1673, %broadcast_in_dim3A_1525 : vector<16xf32>
      %mul3A_1675 = arith.mulf %mul3A_1674, %get3A_1667 : vector<16xf32>
      %jit3A_1676 = arith.constant 0.000000e+00 : f32
      %broadcast_in_dim3A_1677 = vector.broadcast %jit3A_1676 : f32 to vector<16xf32>
      %select_n3A_1678 = arith.select %eq3A_1671, %mul3A_1675, %broadcast_in_dim3A_1677 : vector<16xi1>, vector<16xf32>
      %add3A_1679 = arith.addf %add3A_1660, %select_n3A_1678 : vector<16xf32>
      %slice3A_1680 = vector.extract_strided_slice %get3A_15 {offsets = [5], sizes = [1], strides = [1]} : vector<16xi32> to vector<1xi32>
      %squeeze3A_1681 = vector.extract %slice3A_1680[0] : i32 from vector<1xi32>
      %ne3A_1682 = arith.constant 0 : i32
      %ne3A_1683 = arith.cmpi ne, %squeeze3A_1681, %ne3A_1682 : i32
      %jit3A_1684 = arith.constant 1.000000e+00 : f32
      %jit3A_1685 = arith.constant 0.000000e+00 : f32
      %select_n3A_1686 = arith.select %ne3A_1683, %jit3A_1684, %jit3A_1685 : f32
      %broadcast_in_dim3A_1687 = vector.broadcast %select_n3A_1686 : f32 to vector<16xf32>
      %sub3A_1688 = arith.subi %squeeze3A_1681, %min3A_249 : i32
      %broadcast_in_dim3A_1689 = vector.broadcast %sub3A_1688 : i32 to vector<16xi32>
      %get3A_1690 = arith.constant 5 : i32
      %get3A_1691 = arith.constant 5 : i32
      %get3A_1692 = arith.index_cast %get3A_1690 : i32 to index
      %get3A_1693 = arith.index_cast %get3A_1691 : i32 to index
      %get3A_1694 = arith.constant 0 : index
      %get3A_1695 = tpu.vector_load %arg7[%get3A_1692, %get3A_1693, %get3A_1694] {strides = array<i32>} : memref<16x8x128xf32, #tpu.memory_space<vmem>>, vector<1x1x16xf32>,
      %get3A_1696 = vector.shape_cast %get3A_1695 : vector<1x1x16xf32> to vector<16xf32>
      %add3A_1697 = arith.constant 0 : i32
      %add3A_1698 = vector.broadcast %add3A_1697 : i32 to vector<16xi32>
      %add3A_1699 = arith.addi %add3A_1698, %iota3A : vector<16xi32>
      %eq3A_1700 = arith.cmpi eq, %add3A_1699, %broadcast_in_dim3A_1689 : vector<16xi32>
      %mul3A_1701 = arith.constant -8.999990e-01 : f32
      %mul3A_1702 = vector.broadcast %mul3A_1701 : f32 to vector<16xf32>
      %mul3A_1703 = arith.mulf %mul3A_1702, %broadcast_in_dim3A_1687 : vector<16xf32>
      %mul3A_1704 = arith.mulf %mul3A_1703, %get3A_1696 : vector<16xf32>
      %jit3A_1705 = arith.constant 0.000000e+00 : f32
      %broadcast_in_dim3A_1706 = vector.broadcast %jit3A_1705 : f32 to vector<16xf32>
      %select_n3A_1707 = arith.select %eq3A_1700, %mul3A_1704, %broadcast_in_dim3A_1706 : vector<16xi1>, vector<16xf32>
      %add3A_1708 = arith.addf %add3A_1679, %select_n3A_1707 : vector<16xf32>
      %get3A_1709 = arith.constant 5 : i32
      %get3A_1710 = arith.constant 5 : i32
      %get3A_1711 = arith.index_cast %get3A_1709 : i32 to index
      %get3A_1712 = arith.index_cast %get3A_1710 : i32 to index
      %get3A_1713 = arith.constant 16 : index
      %get3A_1714 = tpu.vector_load %arg7[%get3A_1711, %get3A_1712, %get3A_1713] {strides = array<i32>} : memref<16x8x128xf32, #tpu.memory_space<vmem>>, vector<1x1x16xf32>,
      %get3A_1715 = vector.shape_cast %get3A_1714 : vector<1x1x16xf32> to vector<16xf32>
      %add3A_1716 = arith.constant 16 : i32
      %add3A_1717 = vector.broadcast %add3A_1716 : i32 to vector<16xi32>
      %add3A_1718 = arith.addi %add3A_1717, %iota3A : vector<16xi32>
      %eq3A_1719 = arith.cmpi eq, %add3A_1718, %broadcast_in_dim3A_1689 : vector<16xi32>
      %mul3A_1720 = arith.constant -8.999990e-01 : f32
      %mul3A_1721 = vector.broadcast %mul3A_1720 : f32 to vector<16xf32>
      %mul3A_1722 = arith.mulf %mul3A_1721, %broadcast_in_dim3A_1687 : vector<16xf32>
      %mul3A_1723 = arith.mulf %mul3A_1722, %get3A_1715 : vector<16xf32>
      %jit3A_1724 = arith.constant 0.000000e+00 : f32
      %broadcast_in_dim3A_1725 = vector.broadcast %jit3A_1724 : f32 to vector<16xf32>
      %select_n3A_1726 = arith.select %eq3A_1719, %mul3A_1723, %broadcast_in_dim3A_1725 : vector<16xi1>, vector<16xf32>
      %add3A_1727 = arith.addf %add3A_1708, %select_n3A_1726 : vector<16xf32>
      %get3A_1728 = arith.constant 5 : i32
      %get3A_1729 = arith.constant 5 : i32
      %get3A_1730 = arith.index_cast %get3A_1728 : i32 to index
      %get3A_1731 = arith.index_cast %get3A_1729 : i32 to index
      %get3A_1732 = arith.constant 32 : index
      %get3A_1733 = tpu.vector_load %arg7[%get3A_1730, %get3A_1731, %get3A_1732] {strides = array<i32>} : memref<16x8x128xf32, #tpu.memory_space<vmem>>, vector<1x1x16xf32>,
      %get3A_1734 = vector.shape_cast %get3A_1733 : vector<1x1x16xf32> to vector<16xf32>
      %add3A_1735 = arith.constant 32 : i32
      %add3A_1736 = vector.broadcast %add3A_1735 : i32 to vector<16xi32>
      %add3A_1737 = arith.addi %add3A_1736, %iota3A : vector<16xi32>
      %eq3A_1738 = arith.cmpi eq, %add3A_1737, %broadcast_in_dim3A_1689 : vector<16xi32>
      %mul3A_1739 = arith.constant -8.999990e-01 : f32
      %mul3A_1740 = vector.broadcast %mul3A_1739 : f32 to vector<16xf32>
      %mul3A_1741 = arith.mulf %mul3A_1740, %broadcast_in_dim3A_1687 : vector<16xf32>
      %mul3A_1742 = arith.mulf %mul3A_1741, %get3A_1734 : vector<16xf32>
      %jit3A_1743 = arith.constant 0.000000e+00 : f32
      %broadcast_in_dim3A_1744 = vector.broadcast %jit3A_1743 : f32 to vector<16xf32>
      %select_n3A_1745 = arith.select %eq3A_1738, %mul3A_1742, %broadcast_in_dim3A_1744 : vector<16xi1>, vector<16xf32>
      %add3A_1746 = arith.addf %add3A_1727, %select_n3A_1745 : vector<16xf32>
      %get3A_1747 = arith.constant 5 : i32
      %get3A_1748 = arith.constant 5 : i32
      %get3A_1749 = arith.index_cast %get3A_1747 : i32 to index
      %get3A_1750 = arith.index_cast %get3A_1748 : i32 to index
      %get3A_1751 = arith.constant 48 : index
      %get3A_1752 = tpu.vector_load %arg7[%get3A_1749, %get3A_1750, %get3A_1751] {strides = array<i32>} : memref<16x8x128xf32, #tpu.memory_space<vmem>>, vector<1x1x16xf32>,
      %get3A_1753 = vector.shape_cast %get3A_1752 : vector<1x1x16xf32> to vector<16xf32>
      %add3A_1754 = arith.constant 48 : i32
      %add3A_1755 = vector.broadcast %add3A_1754 : i32 to vector<16xi32>
      %add3A_1756 = arith.addi %add3A_1755, %iota3A : vector<16xi32>
      %eq3A_1757 = arith.cmpi eq, %add3A_1756, %broadcast_in_dim3A_1689 : vector<16xi32>
      %mul3A_1758 = arith.constant -8.999990e-01 : f32
      %mul3A_1759 = vector.broadcast %mul3A_1758 : f32 to vector<16xf32>
      %mul3A_1760 = arith.mulf %mul3A_1759, %broadcast_in_dim3A_1687 : vector<16xf32>
      %mul3A_1761 = arith.mulf %mul3A_1760, %get3A_1753 : vector<16xf32>
      %jit3A_1762 = arith.constant 0.000000e+00 : f32
      %broadcast_in_dim3A_1763 = vector.broadcast %jit3A_1762 : f32 to vector<16xf32>
      %select_n3A_1764 = arith.select %eq3A_1757, %mul3A_1761, %broadcast_in_dim3A_1763 : vector<16xi1>, vector<16xf32>
      %add3A_1765 = arith.addf %add3A_1746, %select_n3A_1764 : vector<16xf32>
      %get3A_1766 = arith.constant 5 : i32
      %get3A_1767 = arith.constant 5 : i32
      %get3A_1768 = arith.index_cast %get3A_1766 : i32 to index
      %get3A_1769 = arith.index_cast %get3A_1767 : i32 to index
      %get3A_1770 = arith.constant 64 : index
      %get3A_1771 = tpu.vector_load %arg7[%get3A_1768, %get3A_1769, %get3A_1770] {strides = array<i32>} : memref<16x8x128xf32, #tpu.memory_space<vmem>>, vector<1x1x16xf32>,
      %get3A_1772 = vector.shape_cast %get3A_1771 : vector<1x1x16xf32> to vector<16xf32>
      %add3A_1773 = arith.constant 64 : i32
      %add3A_1774 = vector.broadcast %add3A_1773 : i32 to vector<16xi32>
      %add3A_1775 = arith.addi %add3A_1774, %iota3A : vector<16xi32>
      %eq3A_1776 = arith.cmpi eq, %add3A_1775, %broadcast_in_dim3A_1689 : vector<16xi32>
      %mul3A_1777 = arith.constant -8.999990e-01 : f32
      %mul3A_1778 = vector.broadcast %mul3A_1777 : f32 to vector<16xf32>
      %mul3A_1779 = arith.mulf %mul3A_1778, %broadcast_in_dim3A_1687 : vector<16xf32>
      %mul3A_1780 = arith.mulf %mul3A_1779, %get3A_1772 : vector<16xf32>
      %jit3A_1781 = arith.constant 0.000000e+00 : f32
      %broadcast_in_dim3A_1782 = vector.broadcast %jit3A_1781 : f32 to vector<16xf32>
      %select_n3A_1783 = arith.select %eq3A_1776, %mul3A_1780, %broadcast_in_dim3A_1782 : vector<16xi1>, vector<16xf32>
      %add3A_1784 = arith.addf %add3A_1765, %select_n3A_1783 : vector<16xf32>
      %get3A_1785 = arith.constant 5 : i32
      %get3A_1786 = arith.constant 5 : i32
      %get3A_1787 = arith.index_cast %get3A_1785 : i32 to index
      %get3A_1788 = arith.index_cast %get3A_1786 : i32 to index
      %get3A_1789 = arith.constant 80 : index
      %get3A_1790 = tpu.vector_load %arg7[%get3A_1787, %get3A_1788, %get3A_1789] {strides = array<i32>} : memref<16x8x128xf32, #tpu.memory_space<vmem>>, vector<1x1x16xf32>,
      %get3A_1791 = vector.shape_cast %get3A_1790 : vector<1x1x16xf32> to vector<16xf32>
      %add3A_1792 = arith.constant 80 : i32
      %add3A_1793 = vector.broadcast %add3A_1792 : i32 to vector<16xi32>
      %add3A_1794 = arith.addi %add3A_1793, %iota3A : vector<16xi32>
      %eq3A_1795 = arith.cmpi eq, %add3A_1794, %broadcast_in_dim3A_1689 : vector<16xi32>
      %mul3A_1796 = arith.constant -8.999990e-01 : f32
      %mul3A_1797 = vector.broadcast %mul3A_1796 : f32 to vector<16xf32>
      %mul3A_1798 = arith.mulf %mul3A_1797, %broadcast_in_dim3A_1687 : vector<16xf32>
      %mul3A_1799 = arith.mulf %mul3A_1798, %get3A_1791 : vector<16xf32>
      %jit3A_1800 = arith.constant 0.000000e+00 : f32
      %broadcast_in_dim3A_1801 = vector.broadcast %jit3A_1800 : f32 to vector<16xf32>
      %select_n3A_1802 = arith.select %eq3A_1795, %mul3A_1799, %broadcast_in_dim3A_1801 : vector<16xi1>, vector<16xf32>
      %add3A_1803 = arith.addf %add3A_1784, %select_n3A_1802 : vector<16xf32>
      %get3A_1804 = arith.constant 5 : i32
      %get3A_1805 = arith.constant 5 : i32
      %get3A_1806 = arith.index_cast %get3A_1804 : i32 to index
      %get3A_1807 = arith.index_cast %get3A_1805 : i32 to index
      %get3A_1808 = arith.constant 96 : index
      %get3A_1809 = tpu.vector_load %arg7[%get3A_1806, %get3A_1807, %get3A_1808] {strides = array<i32>} : memref<16x8x128xf32, #tpu.memory_space<vmem>>, vector<1x1x16xf32>,
      %get3A_1810 = vector.shape_cast %get3A_1809 : vector<1x1x16xf32> to vector<16xf32>
      %add3A_1811 = arith.constant 96 : i32
      %add3A_1812 = vector.broadcast %add3A_1811 : i32 to vector<16xi32>
      %add3A_1813 = arith.addi %add3A_1812, %iota3A : vector<16xi32>
      %eq3A_1814 = arith.cmpi eq, %add3A_1813, %broadcast_in_dim3A_1689 : vector<16xi32>
      %mul3A_1815 = arith.constant -8.999990e-01 : f32
      %mul3A_1816 = vector.broadcast %mul3A_1815 : f32 to vector<16xf32>
      %mul3A_1817 = arith.mulf %mul3A_1816, %broadcast_in_dim3A_1687 : vector<16xf32>
      %mul3A_1818 = arith.mulf %mul3A_1817, %get3A_1810 : vector<16xf32>
      %jit3A_1819 = arith.constant 0.000000e+00 : f32
      %broadcast_in_dim3A_1820 = vector.broadcast %jit3A_1819 : f32 to vector<16xf32>
      %select_n3A_1821 = arith.select %eq3A_1814, %mul3A_1818, %broadcast_in_dim3A_1820 : vector<16xi1>, vector<16xf32>
      %add3A_1822 = arith.addf %add3A_1803, %select_n3A_1821 : vector<16xf32>
      %get3A_1823 = arith.constant 5 : i32
      %get3A_1824 = arith.constant 5 : i32
      %get3A_1825 = arith.index_cast %get3A_1823 : i32 to index
      %get3A_1826 = arith.index_cast %get3A_1824 : i32 to index
      %get3A_1827 = arith.constant 112 : index
      %get3A_1828 = tpu.vector_load %arg7[%get3A_1825, %get3A_1826, %get3A_1827] {strides = array<i32>} : memref<16x8x128xf32, #tpu.memory_space<vmem>>, vector<1x1x16xf32>,
      %get3A_1829 = vector.shape_cast %get3A_1828 : vector<1x1x16xf32> to vector<16xf32>
      %add3A_1830 = arith.constant 112 : i32
      %add3A_1831 = vector.broadcast %add3A_1830 : i32 to vector<16xi32>
      %add3A_1832 = arith.addi %add3A_1831, %iota3A : vector<16xi32>
      %eq3A_1833 = arith.cmpi eq, %add3A_1832, %broadcast_in_dim3A_1689 : vector<16xi32>
      %mul3A_1834 = arith.constant -8.999990e-01 : f32
      %mul3A_1835 = vector.broadcast %mul3A_1834 : f32 to vector<16xf32>
      %mul3A_1836 = arith.mulf %mul3A_1835, %broadcast_in_dim3A_1687 : vector<16xf32>
      %mul3A_1837 = arith.mulf %mul3A_1836, %get3A_1829 : vector<16xf32>
      %jit3A_1838 = arith.constant 0.000000e+00 : f32
      %broadcast_in_dim3A_1839 = vector.broadcast %jit3A_1838 : f32 to vector<16xf32>
      %select_n3A_1840 = arith.select %eq3A_1833, %mul3A_1837, %broadcast_in_dim3A_1839 : vector<16xi1>, vector<16xf32>
      %add3A_1841 = arith.addf %add3A_1822, %select_n3A_1840 : vector<16xf32>
      %slice3A_1842 = vector.extract_strided_slice %get3A_15 {offsets = [6], sizes = [1], strides = [1]} : vector<16xi32> to vector<1xi32>
      %squeeze3A_1843 = vector.extract %slice3A_1842[0] : i32 from vector<1xi32>
      %ne3A_1844 = arith.constant 0 : i32
      %ne3A_1845 = arith.cmpi ne, %squeeze3A_1843, %ne3A_1844 : i32
      %jit3A_1846 = arith.constant 1.000000e+00 : f32
      %jit3A_1847 = arith.constant 0.000000e+00 : f32
      %select_n3A_1848 = arith.select %ne3A_1845, %jit3A_1846, %jit3A_1847 : f32
      %broadcast_in_dim3A_1849 = vector.broadcast %select_n3A_1848 : f32 to vector<16xf32>
      %sub3A_1850 = arith.subi %squeeze3A_1843, %min3A_292 : i32
      %broadcast_in_dim3A_1851 = vector.broadcast %sub3A_1850 : i32 to vector<16xi32>
      %get3A_1852 = arith.constant 6 : i32
      %get3A_1853 = arith.constant 6 : i32
      %get3A_1854 = arith.index_cast %get3A_1852 : i32 to index
      %get3A_1855 = arith.index_cast %get3A_1853 : i32 to index
      %get3A_1856 = arith.constant 0 : index
      %get3A_1857 = tpu.vector_load %arg7[%get3A_1854, %get3A_1855, %get3A_1856] {strides = array<i32>} : memref<16x8x128xf32, #tpu.memory_space<vmem>>, vector<1x1x16xf32>,
      %get3A_1858 = vector.shape_cast %get3A_1857 : vector<1x1x16xf32> to vector<16xf32>
      %add3A_1859 = arith.constant 0 : i32
      %add3A_1860 = vector.broadcast %add3A_1859 : i32 to vector<16xi32>
      %add3A_1861 = arith.addi %add3A_1860, %iota3A : vector<16xi32>
      %eq3A_1862 = arith.cmpi eq, %add3A_1861, %broadcast_in_dim3A_1851 : vector<16xi32>
      %mul3A_1863 = arith.constant -8.999990e-01 : f32
      %mul3A_1864 = vector.broadcast %mul3A_1863 : f32 to vector<16xf32>
      %mul3A_1865 = arith.mulf %mul3A_1864, %broadcast_in_dim3A_1849 : vector<16xf32>
      %mul3A_1866 = arith.mulf %mul3A_1865, %get3A_1858 : vector<16xf32>
      %jit3A_1867 = arith.constant 0.000000e+00 : f32
      %broadcast_in_dim3A_1868 = vector.broadcast %jit3A_1867 : f32 to vector<16xf32>
      %select_n3A_1869 = arith.select %eq3A_1862, %mul3A_1866, %broadcast_in_dim3A_1868 : vector<16xi1>, vector<16xf32>
      %add3A_1870 = arith.addf %add3A_1841, %select_n3A_1869 : vector<16xf32>
      %get3A_1871 = arith.constant 6 : i32
      %get3A_1872 = arith.constant 6 : i32
      %get3A_1873 = arith.index_cast %get3A_1871 : i32 to index
      %get3A_1874 = arith.index_cast %get3A_1872 : i32 to index
      %get3A_1875 = arith.constant 16 : index
      %get3A_1876 = tpu.vector_load %arg7[%get3A_1873, %get3A_1874, %get3A_1875] {strides = array<i32>} : memref<16x8x128xf32, #tpu.memory_space<vmem>>, vector<1x1x16xf32>,
      %get3A_1877 = vector.shape_cast %get3A_1876 : vector<1x1x16xf32> to vector<16xf32>
      %add3A_1878 = arith.constant 16 : i32
      %add3A_1879 = vector.broadcast %add3A_1878 : i32 to vector<16xi32>
      %add3A_1880 = arith.addi %add3A_1879, %iota3A : vector<16xi32>
      %eq3A_1881 = arith.cmpi eq, %add3A_1880, %broadcast_in_dim3A_1851 : vector<16xi32>
      %mul3A_1882 = arith.constant -8.999990e-01 : f32
      %mul3A_1883 = vector.broadcast %mul3A_1882 : f32 to vector<16xf32>
      %mul3A_1884 = arith.mulf %mul3A_1883, %broadcast_in_dim3A_1849 : vector<16xf32>
      %mul3A_1885 = arith.mulf %mul3A_1884, %get3A_1877 : vector<16xf32>
      %jit3A_1886 = arith.constant 0.000000e+00 : f32
      %broadcast_in_dim3A_1887 = vector.broadcast %jit3A_1886 : f32 to vector<16xf32>
      %select_n3A_1888 = arith.select %eq3A_1881, %mul3A_1885, %broadcast_in_dim3A_1887 : vector<16xi1>, vector<16xf32>
      %add3A_1889 = arith.addf %add3A_1870, %select_n3A_1888 : vector<16xf32>
      %get3A_1890 = arith.constant 6 : i32
      %get3A_1891 = arith.constant 6 : i32
      %get3A_1892 = arith.index_cast %get3A_1890 : i32 to index
      %get3A_1893 = arith.index_cast %get3A_1891 : i32 to index
      %get3A_1894 = arith.constant 32 : index
      %get3A_1895 = tpu.vector_load %arg7[%get3A_1892, %get3A_1893, %get3A_1894] {strides = array<i32>} : memref<16x8x128xf32, #tpu.memory_space<vmem>>, vector<1x1x16xf32>,
      %get3A_1896 = vector.shape_cast %get3A_1895 : vector<1x1x16xf32> to vector<16xf32>
      %add3A_1897 = arith.constant 32 : i32
      %add3A_1898 = vector.broadcast %add3A_1897 : i32 to vector<16xi32>
      %add3A_1899 = arith.addi %add3A_1898, %iota3A : vector<16xi32>
      %eq3A_1900 = arith.cmpi eq, %add3A_1899, %broadcast_in_dim3A_1851 : vector<16xi32>
      %mul3A_1901 = arith.constant -8.999990e-01 : f32
      %mul3A_1902 = vector.broadcast %mul3A_1901 : f32 to vector<16xf32>
      %mul3A_1903 = arith.mulf %mul3A_1902, %broadcast_in_dim3A_1849 : vector<16xf32>
      %mul3A_1904 = arith.mulf %mul3A_1903, %get3A_1896 : vector<16xf32>
      %jit3A_1905 = arith.constant 0.000000e+00 : f32
      %broadcast_in_dim3A_1906 = vector.broadcast %jit3A_1905 : f32 to vector<16xf32>
      %select_n3A_1907 = arith.select %eq3A_1900, %mul3A_1904, %broadcast_in_dim3A_1906 : vector<16xi1>, vector<16xf32>
      %add3A_1908 = arith.addf %add3A_1889, %select_n3A_1907 : vector<16xf32>
      %get3A_1909 = arith.constant 6 : i32
      %get3A_1910 = arith.constant 6 : i32
      %get3A_1911 = arith.index_cast %get3A_1909 : i32 to index
      %get3A_1912 = arith.index_cast %get3A_1910 : i32 to index
      %get3A_1913 = arith.constant 48 : index
      %get3A_1914 = tpu.vector_load %arg7[%get3A_1911, %get3A_1912, %get3A_1913] {strides = array<i32>} : memref<16x8x128xf32, #tpu.memory_space<vmem>>, vector<1x1x16xf32>,
      %get3A_1915 = vector.shape_cast %get3A_1914 : vector<1x1x16xf32> to vector<16xf32>
      %add3A_1916 = arith.constant 48 : i32
      %add3A_1917 = vector.broadcast %add3A_1916 : i32 to vector<16xi32>
      %add3A_1918 = arith.addi %add3A_1917, %iota3A : vector<16xi32>
      %eq3A_1919 = arith.cmpi eq, %add3A_1918, %broadcast_in_dim3A_1851 : vector<16xi32>
      %mul3A_1920 = arith.constant -8.999990e-01 : f32
      %mul3A_1921 = vector.broadcast %mul3A_1920 : f32 to vector<16xf32>
      %mul3A_1922 = arith.mulf %mul3A_1921, %broadcast_in_dim3A_1849 : vector<16xf32>
      %mul3A_1923 = arith.mulf %mul3A_1922, %get3A_1915 : vector<16xf32>
      %jit3A_1924 = arith.constant 0.000000e+00 : f32
      %broadcast_in_dim3A_1925 = vector.broadcast %jit3A_1924 : f32 to vector<16xf32>
      %select_n3A_1926 = arith.select %eq3A_1919, %mul3A_1923, %broadcast_in_dim3A_1925 : vector<16xi1>, vector<16xf32>
      %add3A_1927 = arith.addf %add3A_1908, %select_n3A_1926 : vector<16xf32>
      %get3A_1928 = arith.constant 6 : i32
      %get3A_1929 = arith.constant 6 : i32
      %get3A_1930 = arith.index_cast %get3A_1928 : i32 to index
      %get3A_1931 = arith.index_cast %get3A_1929 : i32 to index
      %get3A_1932 = arith.constant 64 : index
      %get3A_1933 = tpu.vector_load %arg7[%get3A_1930, %get3A_1931, %get3A_1932] {strides = array<i32>} : memref<16x8x128xf32, #tpu.memory_space<vmem>>, vector<1x1x16xf32>,
      %get3A_1934 = vector.shape_cast %get3A_1933 : vector<1x1x16xf32> to vector<16xf32>
      %add3A_1935 = arith.constant 64 : i32
      %add3A_1936 = vector.broadcast %add3A_1935 : i32 to vector<16xi32>
      %add3A_1937 = arith.addi %add3A_1936, %iota3A : vector<16xi32>
      %eq3A_1938 = arith.cmpi eq, %add3A_1937, %broadcast_in_dim3A_1851 : vector<16xi32>
      %mul3A_1939 = arith.constant -8.999990e-01 : f32
      %mul3A_1940 = vector.broadcast %mul3A_1939 : f32 to vector<16xf32>
      %mul3A_1941 = arith.mulf %mul3A_1940, %broadcast_in_dim3A_1849 : vector<16xf32>
      %mul3A_1942 = arith.mulf %mul3A_1941, %get3A_1934 : vector<16xf32>
      %jit3A_1943 = arith.constant 0.000000e+00 : f32
      %broadcast_in_dim3A_1944 = vector.broadcast %jit3A_1943 : f32 to vector<16xf32>
      %select_n3A_1945 = arith.select %eq3A_1938, %mul3A_1942, %broadcast_in_dim3A_1944 : vector<16xi1>, vector<16xf32>
      %add3A_1946 = arith.addf %add3A_1927, %select_n3A_1945 : vector<16xf32>
      %get3A_1947 = arith.constant 6 : i32
      %get3A_1948 = arith.constant 6 : i32
      %get3A_1949 = arith.index_cast %get3A_1947 : i32 to index
      %get3A_1950 = arith.index_cast %get3A_1948 : i32 to index
      %get3A_1951 = arith.constant 80 : index
      %get3A_1952 = tpu.vector_load %arg7[%get3A_1949, %get3A_1950, %get3A_1951] {strides = array<i32>} : memref<16x8x128xf32, #tpu.memory_space<vmem>>, vector<1x1x16xf32>,
      %get3A_1953 = vector.shape_cast %get3A_1952 : vector<1x1x16xf32> to vector<16xf32>
      %add3A_1954 = arith.constant 80 : i32
      %add3A_1955 = vector.broadcast %add3A_1954 : i32 to vector<16xi32>
      %add3A_1956 = arith.addi %add3A_1955, %iota3A : vector<16xi32>
      %eq3A_1957 = arith.cmpi eq, %add3A_1956, %broadcast_in_dim3A_1851 : vector<16xi32>
      %mul3A_1958 = arith.constant -8.999990e-01 : f32
      %mul3A_1959 = vector.broadcast %mul3A_1958 : f32 to vector<16xf32>
      %mul3A_1960 = arith.mulf %mul3A_1959, %broadcast_in_dim3A_1849 : vector<16xf32>
      %mul3A_1961 = arith.mulf %mul3A_1960, %get3A_1953 : vector<16xf32>
      %jit3A_1962 = arith.constant 0.000000e+00 : f32
      %broadcast_in_dim3A_1963 = vector.broadcast %jit3A_1962 : f32 to vector<16xf32>
      %select_n3A_1964 = arith.select %eq3A_1957, %mul3A_1961, %broadcast_in_dim3A_1963 : vector<16xi1>, vector<16xf32>
      %add3A_1965 = arith.addf %add3A_1946, %select_n3A_1964 : vector<16xf32>
      %get3A_1966 = arith.constant 6 : i32
      %get3A_1967 = arith.constant 6 : i32
      %get3A_1968 = arith.index_cast %get3A_1966 : i32 to index
      %get3A_1969 = arith.index_cast %get3A_1967 : i32 to index
      %get3A_1970 = arith.constant 96 : index
      %get3A_1971 = tpu.vector_load %arg7[%get3A_1968, %get3A_1969, %get3A_1970] {strides = array<i32>} : memref<16x8x128xf32, #tpu.memory_space<vmem>>, vector<1x1x16xf32>,
      %get3A_1972 = vector.shape_cast %get3A_1971 : vector<1x1x16xf32> to vector<16xf32>
      %add3A_1973 = arith.constant 96 : i32
      %add3A_1974 = vector.broadcast %add3A_1973 : i32 to vector<16xi32>
      %add3A_1975 = arith.addi %add3A_1974, %iota3A : vector<16xi32>
      %eq3A_1976 = arith.cmpi eq, %add3A_1975, %broadcast_in_dim3A_1851 : vector<16xi32>
      %mul3A_1977 = arith.constant -8.999990e-01 : f32
      %mul3A_1978 = vector.broadcast %mul3A_1977 : f32 to vector<16xf32>
      %mul3A_1979 = arith.mulf %mul3A_1978, %broadcast_in_dim3A_1849 : vector<16xf32>
      %mul3A_1980 = arith.mulf %mul3A_1979, %get3A_1972 : vector<16xf32>
      %jit3A_1981 = arith.constant 0.000000e+00 : f32
      %broadcast_in_dim3A_1982 = vector.broadcast %jit3A_1981 : f32 to vector<16xf32>
      %select_n3A_1983 = arith.select %eq3A_1976, %mul3A_1980, %broadcast_in_dim3A_1982 : vector<16xi1>, vector<16xf32>
      %add3A_1984 = arith.addf %add3A_1965, %select_n3A_1983 : vector<16xf32>
      %get3A_1985 = arith.constant 6 : i32
      %get3A_1986 = arith.constant 6 : i32
      %get3A_1987 = arith.index_cast %get3A_1985 : i32 to index
      %get3A_1988 = arith.index_cast %get3A_1986 : i32 to index
      %get3A_1989 = arith.constant 112 : index
      %get3A_1990 = tpu.vector_load %arg7[%get3A_1987, %get3A_1988, %get3A_1989] {strides = array<i32>} : memref<16x8x128xf32, #tpu.memory_space<vmem>>, vector<1x1x16xf32>,
      %get3A_1991 = vector.shape_cast %get3A_1990 : vector<1x1x16xf32> to vector<16xf32>
      %add3A_1992 = arith.constant 112 : i32
      %add3A_1993 = vector.broadcast %add3A_1992 : i32 to vector<16xi32>
      %add3A_1994 = arith.addi %add3A_1993, %iota3A : vector<16xi32>
      %eq3A_1995 = arith.cmpi eq, %add3A_1994, %broadcast_in_dim3A_1851 : vector<16xi32>
      %mul3A_1996 = arith.constant -8.999990e-01 : f32
      %mul3A_1997 = vector.broadcast %mul3A_1996 : f32 to vector<16xf32>
      %mul3A_1998 = arith.mulf %mul3A_1997, %broadcast_in_dim3A_1849 : vector<16xf32>
      %mul3A_1999 = arith.mulf %mul3A_1998, %get3A_1991 : vector<16xf32>
      %jit3A_2000 = arith.constant 0.000000e+00 : f32
      %broadcast_in_dim3A_2001 = vector.broadcast %jit3A_2000 : f32 to vector<16xf32>
      %select_n3A_2002 = arith.select %eq3A_1995, %mul3A_1999, %broadcast_in_dim3A_2001 : vector<16xi1>, vector<16xf32>
      %add3A_2003 = arith.addf %add3A_1984, %select_n3A_2002 : vector<16xf32>
      %slice3A_2004 = vector.extract_strided_slice %get3A_15 {offsets = [7], sizes = [1], strides = [1]} : vector<16xi32> to vector<1xi32>
      %squeeze3A_2005 = vector.extract %slice3A_2004[0] : i32 from vector<1xi32>
      %ne3A_2006 = arith.constant 0 : i32
      %ne3A_2007 = arith.cmpi ne, %squeeze3A_2005, %ne3A_2006 : i32
      %jit3A_2008 = arith.constant 1.000000e+00 : f32
      %jit3A_2009 = arith.constant 0.000000e+00 : f32
      %select_n3A_2010 = arith.select %ne3A_2007, %jit3A_2008, %jit3A_2009 : f32
      %broadcast_in_dim3A_2011 = vector.broadcast %select_n3A_2010 : f32 to vector<16xf32>
      %sub3A_2012 = arith.subi %squeeze3A_2005, %min3A_335 : i32
      %broadcast_in_dim3A_2013 = vector.broadcast %sub3A_2012 : i32 to vector<16xi32>
      %get3A_2014 = arith.constant 7 : i32
      %get3A_2015 = arith.constant 7 : i32
      %get3A_2016 = arith.index_cast %get3A_2014 : i32 to index
      %get3A_2017 = arith.index_cast %get3A_2015 : i32 to index
      %get3A_2018 = arith.constant 0 : index
      %get3A_2019 = tpu.vector_load %arg7[%get3A_2016, %get3A_2017, %get3A_2018] {strides = array<i32>} : memref<16x8x128xf32, #tpu.memory_space<vmem>>, vector<1x1x16xf32>,
      %get3A_2020 = vector.shape_cast %get3A_2019 : vector<1x1x16xf32> to vector<16xf32>
      %add3A_2021 = arith.constant 0 : i32
      %add3A_2022 = vector.broadcast %add3A_2021 : i32 to vector<16xi32>
      %add3A_2023 = arith.addi %add3A_2022, %iota3A : vector<16xi32>
      %eq3A_2024 = arith.cmpi eq, %add3A_2023, %broadcast_in_dim3A_2013 : vector<16xi32>
      %mul3A_2025 = arith.constant -8.999990e-01 : f32
      %mul3A_2026 = vector.broadcast %mul3A_2025 : f32 to vector<16xf32>
      %mul3A_2027 = arith.mulf %mul3A_2026, %broadcast_in_dim3A_2011 : vector<16xf32>
      %mul3A_2028 = arith.mulf %mul3A_2027, %get3A_2020 : vector<16xf32>
      %jit3A_2029 = arith.constant 0.000000e+00 : f32
      %broadcast_in_dim3A_2030 = vector.broadcast %jit3A_2029 : f32 to vector<16xf32>
      %select_n3A_2031 = arith.select %eq3A_2024, %mul3A_2028, %broadcast_in_dim3A_2030 : vector<16xi1>, vector<16xf32>
      %add3A_2032 = arith.addf %add3A_2003, %select_n3A_2031 : vector<16xf32>
      %get3A_2033 = arith.constant 7 : i32
      %get3A_2034 = arith.constant 7 : i32
      %get3A_2035 = arith.index_cast %get3A_2033 : i32 to index
      %get3A_2036 = arith.index_cast %get3A_2034 : i32 to index
      %get3A_2037 = arith.constant 16 : index
      %get3A_2038 = tpu.vector_load %arg7[%get3A_2035, %get3A_2036, %get3A_2037] {strides = array<i32>} : memref<16x8x128xf32, #tpu.memory_space<vmem>>, vector<1x1x16xf32>,
      %get3A_2039 = vector.shape_cast %get3A_2038 : vector<1x1x16xf32> to vector<16xf32>
      %add3A_2040 = arith.constant 16 : i32
      %add3A_2041 = vector.broadcast %add3A_2040 : i32 to vector<16xi32>
      %add3A_2042 = arith.addi %add3A_2041, %iota3A : vector<16xi32>
      %eq3A_2043 = arith.cmpi eq, %add3A_2042, %broadcast_in_dim3A_2013 : vector<16xi32>
      %mul3A_2044 = arith.constant -8.999990e-01 : f32
      %mul3A_2045 = vector.broadcast %mul3A_2044 : f32 to vector<16xf32>
      %mul3A_2046 = arith.mulf %mul3A_2045, %broadcast_in_dim3A_2011 : vector<16xf32>
      %mul3A_2047 = arith.mulf %mul3A_2046, %get3A_2039 : vector<16xf32>
      %jit3A_2048 = arith.constant 0.000000e+00 : f32
      %broadcast_in_dim3A_2049 = vector.broadcast %jit3A_2048 : f32 to vector<16xf32>
      %select_n3A_2050 = arith.select %eq3A_2043, %mul3A_2047, %broadcast_in_dim3A_2049 : vector<16xi1>, vector<16xf32>
      %add3A_2051 = arith.addf %add3A_2032, %select_n3A_2050 : vector<16xf32>
      %get3A_2052 = arith.constant 7 : i32
      %get3A_2053 = arith.constant 7 : i32
      %get3A_2054 = arith.index_cast %get3A_2052 : i32 to index
      %get3A_2055 = arith.index_cast %get3A_2053 : i32 to index
      %get3A_2056 = arith.constant 32 : index
      %get3A_2057 = tpu.vector_load %arg7[%get3A_2054, %get3A_2055, %get3A_2056] {strides = array<i32>} : memref<16x8x128xf32, #tpu.memory_space<vmem>>, vector<1x1x16xf32>,
      %get3A_2058 = vector.shape_cast %get3A_2057 : vector<1x1x16xf32> to vector<16xf32>
      %add3A_2059 = arith.constant 32 : i32
      %add3A_2060 = vector.broadcast %add3A_2059 : i32 to vector<16xi32>
      %add3A_2061 = arith.addi %add3A_2060, %iota3A : vector<16xi32>
      %eq3A_2062 = arith.cmpi eq, %add3A_2061, %broadcast_in_dim3A_2013 : vector<16xi32>
      %mul3A_2063 = arith.constant -8.999990e-01 : f32
      %mul3A_2064 = vector.broadcast %mul3A_2063 : f32 to vector<16xf32>
      %mul3A_2065 = arith.mulf %mul3A_2064, %broadcast_in_dim3A_2011 : vector<16xf32>
      %mul3A_2066 = arith.mulf %mul3A_2065, %get3A_2058 : vector<16xf32>
      %jit3A_2067 = arith.constant 0.000000e+00 : f32
      %broadcast_in_dim3A_2068 = vector.broadcast %jit3A_2067 : f32 to vector<16xf32>
      %select_n3A_2069 = arith.select %eq3A_2062, %mul3A_2066, %broadcast_in_dim3A_2068 : vector<16xi1>, vector<16xf32>
      %add3A_2070 = arith.addf %add3A_2051, %select_n3A_2069 : vector<16xf32>
      %get3A_2071 = arith.constant 7 : i32
      %get3A_2072 = arith.constant 7 : i32
      %get3A_2073 = arith.index_cast %get3A_2071 : i32 to index
      %get3A_2074 = arith.index_cast %get3A_2072 : i32 to index
      %get3A_2075 = arith.constant 48 : index
      %get3A_2076 = tpu.vector_load %arg7[%get3A_2073, %get3A_2074, %get3A_2075] {strides = array<i32>} : memref<16x8x128xf32, #tpu.memory_space<vmem>>, vector<1x1x16xf32>,
      %get3A_2077 = vector.shape_cast %get3A_2076 : vector<1x1x16xf32> to vector<16xf32>
      %add3A_2078 = arith.constant 48 : i32
      %add3A_2079 = vector.broadcast %add3A_2078 : i32 to vector<16xi32>
      %add3A_2080 = arith.addi %add3A_2079, %iota3A : vector<16xi32>
      %eq3A_2081 = arith.cmpi eq, %add3A_2080, %broadcast_in_dim3A_2013 : vector<16xi32>
      %mul3A_2082 = arith.constant -8.999990e-01 : f32
      %mul3A_2083 = vector.broadcast %mul3A_2082 : f32 to vector<16xf32>
      %mul3A_2084 = arith.mulf %mul3A_2083, %broadcast_in_dim3A_2011 : vector<16xf32>
      %mul3A_2085 = arith.mulf %mul3A_2084, %get3A_2077 : vector<16xf32>
      %jit3A_2086 = arith.constant 0.000000e+00 : f32
      %broadcast_in_dim3A_2087 = vector.broadcast %jit3A_2086 : f32 to vector<16xf32>
      %select_n3A_2088 = arith.select %eq3A_2081, %mul3A_2085, %broadcast_in_dim3A_2087 : vector<16xi1>, vector<16xf32>
      %add3A_2089 = arith.addf %add3A_2070, %select_n3A_2088 : vector<16xf32>
      %get3A_2090 = arith.constant 7 : i32
      %get3A_2091 = arith.constant 7 : i32
      %get3A_2092 = arith.index_cast %get3A_2090 : i32 to index
      %get3A_2093 = arith.index_cast %get3A_2091 : i32 to index
      %get3A_2094 = arith.constant 64 : index
      %get3A_2095 = tpu.vector_load %arg7[%get3A_2092, %get3A_2093, %get3A_2094] {strides = array<i32>} : memref<16x8x128xf32, #tpu.memory_space<vmem>>, vector<1x1x16xf32>,
      %get3A_2096 = vector.shape_cast %get3A_2095 : vector<1x1x16xf32> to vector<16xf32>
      %add3A_2097 = arith.constant 64 : i32
      %add3A_2098 = vector.broadcast %add3A_2097 : i32 to vector<16xi32>
      %add3A_2099 = arith.addi %add3A_2098, %iota3A : vector<16xi32>
      %eq3A_2100 = arith.cmpi eq, %add3A_2099, %broadcast_in_dim3A_2013 : vector<16xi32>
      %mul3A_2101 = arith.constant -8.999990e-01 : f32
      %mul3A_2102 = vector.broadcast %mul3A_2101 : f32 to vector<16xf32>
      %mul3A_2103 = arith.mulf %mul3A_2102, %broadcast_in_dim3A_2011 : vector<16xf32>
      %mul3A_2104 = arith.mulf %mul3A_2103, %get3A_2096 : vector<16xf32>
      %jit3A_2105 = arith.constant 0.000000e+00 : f32
      %broadcast_in_dim3A_2106 = vector.broadcast %jit3A_2105 : f32 to vector<16xf32>
      %select_n3A_2107 = arith.select %eq3A_2100, %mul3A_2104, %broadcast_in_dim3A_2106 : vector<16xi1>, vector<16xf32>
      %add3A_2108 = arith.addf %add3A_2089, %select_n3A_2107 : vector<16xf32>
      %get3A_2109 = arith.constant 7 : i32
      %get3A_2110 = arith.constant 7 : i32
      %get3A_2111 = arith.index_cast %get3A_2109 : i32 to index
      %get3A_2112 = arith.index_cast %get3A_2110 : i32 to index
      %get3A_2113 = arith.constant 80 : index
      %get3A_2114 = tpu.vector_load %arg7[%get3A_2111, %get3A_2112, %get3A_2113] {strides = array<i32>} : memref<16x8x128xf32, #tpu.memory_space<vmem>>, vector<1x1x16xf32>,
      %get3A_2115 = vector.shape_cast %get3A_2114 : vector<1x1x16xf32> to vector<16xf32>
      %add3A_2116 = arith.constant 80 : i32
      %add3A_2117 = vector.broadcast %add3A_2116 : i32 to vector<16xi32>
      %add3A_2118 = arith.addi %add3A_2117, %iota3A : vector<16xi32>
      %eq3A_2119 = arith.cmpi eq, %add3A_2118, %broadcast_in_dim3A_2013 : vector<16xi32>
      %mul3A_2120 = arith.constant -8.999990e-01 : f32
      %mul3A_2121 = vector.broadcast %mul3A_2120 : f32 to vector<16xf32>
      %mul3A_2122 = arith.mulf %mul3A_2121, %broadcast_in_dim3A_2011 : vector<16xf32>
      %mul3A_2123 = arith.mulf %mul3A_2122, %get3A_2115 : vector<16xf32>
      %jit3A_2124 = arith.constant 0.000000e+00 : f32
      %broadcast_in_dim3A_2125 = vector.broadcast %jit3A_2124 : f32 to vector<16xf32>
      %select_n3A_2126 = arith.select %eq3A_2119, %mul3A_2123, %broadcast_in_dim3A_2125 : vector<16xi1>, vector<16xf32>
      %add3A_2127 = arith.addf %add3A_2108, %select_n3A_2126 : vector<16xf32>
      %get3A_2128 = arith.constant 7 : i32
      %get3A_2129 = arith.constant 7 : i32
      %get3A_2130 = arith.index_cast %get3A_2128 : i32 to index
      %get3A_2131 = arith.index_cast %get3A_2129 : i32 to index
      %get3A_2132 = arith.constant 96 : index
      %get3A_2133 = tpu.vector_load %arg7[%get3A_2130, %get3A_2131, %get3A_2132] {strides = array<i32>} : memref<16x8x128xf32, #tpu.memory_space<vmem>>, vector<1x1x16xf32>,
      %get3A_2134 = vector.shape_cast %get3A_2133 : vector<1x1x16xf32> to vector<16xf32>
      %add3A_2135 = arith.constant 96 : i32
      %add3A_2136 = vector.broadcast %add3A_2135 : i32 to vector<16xi32>
      %add3A_2137 = arith.addi %add3A_2136, %iota3A : vector<16xi32>
      %eq3A_2138 = arith.cmpi eq, %add3A_2137, %broadcast_in_dim3A_2013 : vector<16xi32>
      %mul3A_2139 = arith.constant -8.999990e-01 : f32
      %mul3A_2140 = vector.broadcast %mul3A_2139 : f32 to vector<16xf32>
      %mul3A_2141 = arith.mulf %mul3A_2140, %broadcast_in_dim3A_2011 : vector<16xf32>
      %mul3A_2142 = arith.mulf %mul3A_2141, %get3A_2134 : vector<16xf32>
      %jit3A_2143 = arith.constant 0.000000e+00 : f32
      %broadcast_in_dim3A_2144 = vector.broadcast %jit3A_2143 : f32 to vector<16xf32>
      %select_n3A_2145 = arith.select %eq3A_2138, %mul3A_2142, %broadcast_in_dim3A_2144 : vector<16xi1>, vector<16xf32>
      %add3A_2146 = arith.addf %add3A_2127, %select_n3A_2145 : vector<16xf32>
      %get3A_2147 = arith.constant 7 : i32
      %get3A_2148 = arith.constant 7 : i32
      %get3A_2149 = arith.index_cast %get3A_2147 : i32 to index
      %get3A_2150 = arith.index_cast %get3A_2148 : i32 to index
      %get3A_2151 = arith.constant 112 : index
      %get3A_2152 = tpu.vector_load %arg7[%get3A_2149, %get3A_2150, %get3A_2151] {strides = array<i32>} : memref<16x8x128xf32, #tpu.memory_space<vmem>>, vector<1x1x16xf32>,
      %get3A_2153 = vector.shape_cast %get3A_2152 : vector<1x1x16xf32> to vector<16xf32>
      %add3A_2154 = arith.constant 112 : i32
      %add3A_2155 = vector.broadcast %add3A_2154 : i32 to vector<16xi32>
      %add3A_2156 = arith.addi %add3A_2155, %iota3A : vector<16xi32>
      %eq3A_2157 = arith.cmpi eq, %add3A_2156, %broadcast_in_dim3A_2013 : vector<16xi32>
      %mul3A_2158 = arith.constant -8.999990e-01 : f32
      %mul3A_2159 = vector.broadcast %mul3A_2158 : f32 to vector<16xf32>
      %mul3A_2160 = arith.mulf %mul3A_2159, %broadcast_in_dim3A_2011 : vector<16xf32>
      %mul3A_2161 = arith.mulf %mul3A_2160, %get3A_2153 : vector<16xf32>
      %jit3A_2162 = arith.constant 0.000000e+00 : f32
      %broadcast_in_dim3A_2163 = vector.broadcast %jit3A_2162 : f32 to vector<16xf32>
      %select_n3A_2164 = arith.select %eq3A_2157, %mul3A_2161, %broadcast_in_dim3A_2163 : vector<16xi1>, vector<16xf32>
      %add3A_2165 = arith.addf %add3A_2146, %select_n3A_2164 : vector<16xf32>
      %slice3A_2166 = vector.extract_strided_slice %get3A_15 {offsets = [8], sizes = [1], strides = [1]} : vector<16xi32> to vector<1xi32>
      %squeeze3A_2167 = vector.extract %slice3A_2166[0] : i32 from vector<1xi32>
      %ne3A_2168 = arith.constant 0 : i32
      %ne3A_2169 = arith.cmpi ne, %squeeze3A_2167, %ne3A_2168 : i32
      %jit3A_2170 = arith.constant 1.000000e+00 : f32
      %jit3A_2171 = arith.constant 0.000000e+00 : f32
      %select_n3A_2172 = arith.select %ne3A_2169, %jit3A_2170, %jit3A_2171 : f32
      %broadcast_in_dim3A_2173 = vector.broadcast %select_n3A_2172 : f32 to vector<16xf32>
      %sub3A_2174 = arith.subi %squeeze3A_2167, %min3A_378 : i32
      %broadcast_in_dim3A_2175 = vector.broadcast %sub3A_2174 : i32 to vector<16xi32>
      %get3A_2176 = arith.constant 8 : i32
      %get3A_2177 = arith.constant 0 : i32
      %get3A_2178 = arith.index_cast %get3A_2176 : i32 to index
      %get3A_2179 = arith.index_cast %get3A_2177 : i32 to index
      %get3A_2180 = arith.constant 0 : index
      %get3A_2181 = tpu.vector_load %arg7[%get3A_2178, %get3A_2179, %get3A_2180] {strides = array<i32>} : memref<16x8x128xf32, #tpu.memory_space<vmem>>, vector<1x1x16xf32>,
      %get3A_2182 = vector.shape_cast %get3A_2181 : vector<1x1x16xf32> to vector<16xf32>
      %add3A_2183 = arith.constant 0 : i32
      %add3A_2184 = vector.broadcast %add3A_2183 : i32 to vector<16xi32>
      %add3A_2185 = arith.addi %add3A_2184, %iota3A : vector<16xi32>
      %eq3A_2186 = arith.cmpi eq, %add3A_2185, %broadcast_in_dim3A_2175 : vector<16xi32>
      %mul3A_2187 = arith.constant -8.999990e-01 : f32
      %mul3A_2188 = vector.broadcast %mul3A_2187 : f32 to vector<16xf32>
      %mul3A_2189 = arith.mulf %mul3A_2188, %broadcast_in_dim3A_2173 : vector<16xf32>
      %mul3A_2190 = arith.mulf %mul3A_2189, %get3A_2182 : vector<16xf32>
      %jit3A_2191 = arith.constant 0.000000e+00 : f32
      %broadcast_in_dim3A_2192 = vector.broadcast %jit3A_2191 : f32 to vector<16xf32>
      %select_n3A_2193 = arith.select %eq3A_2186, %mul3A_2190, %broadcast_in_dim3A_2192 : vector<16xi1>, vector<16xf32>
      %add3A_2194 = arith.addf %add3A_2165, %select_n3A_2193 : vector<16xf32>
      %get3A_2195 = arith.constant 8 : i32
      %get3A_2196 = arith.constant 0 : i32
      %get3A_2197 = arith.index_cast %get3A_2195 : i32 to index
      %get3A_2198 = arith.index_cast %get3A_2196 : i32 to index
      %get3A_2199 = arith.constant 16 : index
      %get3A_2200 = tpu.vector_load %arg7[%get3A_2197, %get3A_2198, %get3A_2199] {strides = array<i32>} : memref<16x8x128xf32, #tpu.memory_space<vmem>>, vector<1x1x16xf32>,
      %get3A_2201 = vector.shape_cast %get3A_2200 : vector<1x1x16xf32> to vector<16xf32>
      %add3A_2202 = arith.constant 16 : i32
      %add3A_2203 = vector.broadcast %add3A_2202 : i32 to vector<16xi32>
      %add3A_2204 = arith.addi %add3A_2203, %iota3A : vector<16xi32>
      %eq3A_2205 = arith.cmpi eq, %add3A_2204, %broadcast_in_dim3A_2175 : vector<16xi32>
      %mul3A_2206 = arith.constant -8.999990e-01 : f32
      %mul3A_2207 = vector.broadcast %mul3A_2206 : f32 to vector<16xf32>
      %mul3A_2208 = arith.mulf %mul3A_2207, %broadcast_in_dim3A_2173 : vector<16xf32>
      %mul3A_2209 = arith.mulf %mul3A_2208, %get3A_2201 : vector<16xf32>
      %jit3A_2210 = arith.constant 0.000000e+00 : f32
      %broadcast_in_dim3A_2211 = vector.broadcast %jit3A_2210 : f32 to vector<16xf32>
      %select_n3A_2212 = arith.select %eq3A_2205, %mul3A_2209, %broadcast_in_dim3A_2211 : vector<16xi1>, vector<16xf32>
      %add3A_2213 = arith.addf %add3A_2194, %select_n3A_2212 : vector<16xf32>
      %get3A_2214 = arith.constant 8 : i32
      %get3A_2215 = arith.constant 0 : i32
      %get3A_2216 = arith.index_cast %get3A_2214 : i32 to index
      %get3A_2217 = arith.index_cast %get3A_2215 : i32 to index
      %get3A_2218 = arith.constant 32 : index
      %get3A_2219 = tpu.vector_load %arg7[%get3A_2216, %get3A_2217, %get3A_2218] {strides = array<i32>} : memref<16x8x128xf32, #tpu.memory_space<vmem>>, vector<1x1x16xf32>,
      %get3A_2220 = vector.shape_cast %get3A_2219 : vector<1x1x16xf32> to vector<16xf32>
      %add3A_2221 = arith.constant 32 : i32
      %add3A_2222 = vector.broadcast %add3A_2221 : i32 to vector<16xi32>
      %add3A_2223 = arith.addi %add3A_2222, %iota3A : vector<16xi32>
      %eq3A_2224 = arith.cmpi eq, %add3A_2223, %broadcast_in_dim3A_2175 : vector<16xi32>
      %mul3A_2225 = arith.constant -8.999990e-01 : f32
      %mul3A_2226 = vector.broadcast %mul3A_2225 : f32 to vector<16xf32>
      %mul3A_2227 = arith.mulf %mul3A_2226, %broadcast_in_dim3A_2173 : vector<16xf32>
      %mul3A_2228 = arith.mulf %mul3A_2227, %get3A_2220 : vector<16xf32>
      %jit3A_2229 = arith.constant 0.000000e+00 : f32
      %broadcast_in_dim3A_2230 = vector.broadcast %jit3A_2229 : f32 to vector<16xf32>
      %select_n3A_2231 = arith.select %eq3A_2224, %mul3A_2228, %broadcast_in_dim3A_2230 : vector<16xi1>, vector<16xf32>
      %add3A_2232 = arith.addf %add3A_2213, %select_n3A_2231 : vector<16xf32>
      %get3A_2233 = arith.constant 8 : i32
      %get3A_2234 = arith.constant 0 : i32
      %get3A_2235 = arith.index_cast %get3A_2233 : i32 to index
      %get3A_2236 = arith.index_cast %get3A_2234 : i32 to index
      %get3A_2237 = arith.constant 48 : index
      %get3A_2238 = tpu.vector_load %arg7[%get3A_2235, %get3A_2236, %get3A_2237] {strides = array<i32>} : memref<16x8x128xf32, #tpu.memory_space<vmem>>, vector<1x1x16xf32>,
      %get3A_2239 = vector.shape_cast %get3A_2238 : vector<1x1x16xf32> to vector<16xf32>
      %add3A_2240 = arith.constant 48 : i32
      %add3A_2241 = vector.broadcast %add3A_2240 : i32 to vector<16xi32>
      %add3A_2242 = arith.addi %add3A_2241, %iota3A : vector<16xi32>
      %eq3A_2243 = arith.cmpi eq, %add3A_2242, %broadcast_in_dim3A_2175 : vector<16xi32>
      %mul3A_2244 = arith.constant -8.999990e-01 : f32
      %mul3A_2245 = vector.broadcast %mul3A_2244 : f32 to vector<16xf32>
      %mul3A_2246 = arith.mulf %mul3A_2245, %broadcast_in_dim3A_2173 : vector<16xf32>
      %mul3A_2247 = arith.mulf %mul3A_2246, %get3A_2239 : vector<16xf32>
      %jit3A_2248 = arith.constant 0.000000e+00 : f32
      %broadcast_in_dim3A_2249 = vector.broadcast %jit3A_2248 : f32 to vector<16xf32>
      %select_n3A_2250 = arith.select %eq3A_2243, %mul3A_2247, %broadcast_in_dim3A_2249 : vector<16xi1>, vector<16xf32>
      %add3A_2251 = arith.addf %add3A_2232, %select_n3A_2250 : vector<16xf32>
      %get3A_2252 = arith.constant 8 : i32
      %get3A_2253 = arith.constant 0 : i32
      %get3A_2254 = arith.index_cast %get3A_2252 : i32 to index
      %get3A_2255 = arith.index_cast %get3A_2253 : i32 to index
      %get3A_2256 = arith.constant 64 : index
      %get3A_2257 = tpu.vector_load %arg7[%get3A_2254, %get3A_2255, %get3A_2256] {strides = array<i32>} : memref<16x8x128xf32, #tpu.memory_space<vmem>>, vector<1x1x16xf32>,
      %get3A_2258 = vector.shape_cast %get3A_2257 : vector<1x1x16xf32> to vector<16xf32>
      %add3A_2259 = arith.constant 64 : i32
      %add3A_2260 = vector.broadcast %add3A_2259 : i32 to vector<16xi32>
      %add3A_2261 = arith.addi %add3A_2260, %iota3A : vector<16xi32>
      %eq3A_2262 = arith.cmpi eq, %add3A_2261, %broadcast_in_dim3A_2175 : vector<16xi32>
      %mul3A_2263 = arith.constant -8.999990e-01 : f32
      %mul3A_2264 = vector.broadcast %mul3A_2263 : f32 to vector<16xf32>
      %mul3A_2265 = arith.mulf %mul3A_2264, %broadcast_in_dim3A_2173 : vector<16xf32>
      %mul3A_2266 = arith.mulf %mul3A_2265, %get3A_2258 : vector<16xf32>
      %jit3A_2267 = arith.constant 0.000000e+00 : f32
      %broadcast_in_dim3A_2268 = vector.broadcast %jit3A_2267 : f32 to vector<16xf32>
      %select_n3A_2269 = arith.select %eq3A_2262, %mul3A_2266, %broadcast_in_dim3A_2268 : vector<16xi1>, vector<16xf32>
      %add3A_2270 = arith.addf %add3A_2251, %select_n3A_2269 : vector<16xf32>
      %get3A_2271 = arith.constant 8 : i32
      %get3A_2272 = arith.constant 0 : i32
      %get3A_2273 = arith.index_cast %get3A_2271 : i32 to index
      %get3A_2274 = arith.index_cast %get3A_2272 : i32 to index
      %get3A_2275 = arith.constant 80 : index
      %get3A_2276 = tpu.vector_load %arg7[%get3A_2273, %get3A_2274, %get3A_2275] {strides = array<i32>} : memref<16x8x128xf32, #tpu.memory_space<vmem>>, vector<1x1x16xf32>,
      %get3A_2277 = vector.shape_cast %get3A_2276 : vector<1x1x16xf32> to vector<16xf32>
      %add3A_2278 = arith.constant 80 : i32
      %add3A_2279 = vector.broadcast %add3A_2278 : i32 to vector<16xi32>
      %add3A_2280 = arith.addi %add3A_2279, %iota3A : vector<16xi32>
      %eq3A_2281 = arith.cmpi eq, %add3A_2280, %broadcast_in_dim3A_2175 : vector<16xi32>
      %mul3A_2282 = arith.constant -8.999990e-01 : f32
      %mul3A_2283 = vector.broadcast %mul3A_2282 : f32 to vector<16xf32>
      %mul3A_2284 = arith.mulf %mul3A_2283, %broadcast_in_dim3A_2173 : vector<16xf32>
      %mul3A_2285 = arith.mulf %mul3A_2284, %get3A_2277 : vector<16xf32>
      %jit3A_2286 = arith.constant 0.000000e+00 : f32
      %broadcast_in_dim3A_2287 = vector.broadcast %jit3A_2286 : f32 to vector<16xf32>
      %select_n3A_2288 = arith.select %eq3A_2281, %mul3A_2285, %broadcast_in_dim3A_2287 : vector<16xi1>, vector<16xf32>
      %add3A_2289 = arith.addf %add3A_2270, %select_n3A_2288 : vector<16xf32>
      %get3A_2290 = arith.constant 8 : i32
      %get3A_2291 = arith.constant 0 : i32
      %get3A_2292 = arith.index_cast %get3A_2290 : i32 to index
      %get3A_2293 = arith.index_cast %get3A_2291 : i32 to index
      %get3A_2294 = arith.constant 96 : index
      %get3A_2295 = tpu.vector_load %arg7[%get3A_2292, %get3A_2293, %get3A_2294] {strides = array<i32>} : memref<16x8x128xf32, #tpu.memory_space<vmem>>, vector<1x1x16xf32>,
      %get3A_2296 = vector.shape_cast %get3A_2295 : vector<1x1x16xf32> to vector<16xf32>
      %add3A_2297 = arith.constant 96 : i32
      %add3A_2298 = vector.broadcast %add3A_2297 : i32 to vector<16xi32>
      %add3A_2299 = arith.addi %add3A_2298, %iota3A : vector<16xi32>
      %eq3A_2300 = arith.cmpi eq, %add3A_2299, %broadcast_in_dim3A_2175 : vector<16xi32>
      %mul3A_2301 = arith.constant -8.999990e-01 : f32
      %mul3A_2302 = vector.broadcast %mul3A_2301 : f32 to vector<16xf32>
      %mul3A_2303 = arith.mulf %mul3A_2302, %broadcast_in_dim3A_2173 : vector<16xf32>
      %mul3A_2304 = arith.mulf %mul3A_2303, %get3A_2296 : vector<16xf32>
      %jit3A_2305 = arith.constant 0.000000e+00 : f32
      %broadcast_in_dim3A_2306 = vector.broadcast %jit3A_2305 : f32 to vector<16xf32>
      %select_n3A_2307 = arith.select %eq3A_2300, %mul3A_2304, %broadcast_in_dim3A_2306 : vector<16xi1>, vector<16xf32>
      %add3A_2308 = arith.addf %add3A_2289, %select_n3A_2307 : vector<16xf32>
      %get3A_2309 = arith.constant 8 : i32
      %get3A_2310 = arith.constant 0 : i32
      %get3A_2311 = arith.index_cast %get3A_2309 : i32 to index
      %get3A_2312 = arith.index_cast %get3A_2310 : i32 to index
      %get3A_2313 = arith.constant 112 : index
      %get3A_2314 = tpu.vector_load %arg7[%get3A_2311, %get3A_2312, %get3A_2313] {strides = array<i32>} : memref<16x8x128xf32, #tpu.memory_space<vmem>>, vector<1x1x16xf32>,
      %get3A_2315 = vector.shape_cast %get3A_2314 : vector<1x1x16xf32> to vector<16xf32>
      %add3A_2316 = arith.constant 112 : i32
      %add3A_2317 = vector.broadcast %add3A_2316 : i32 to vector<16xi32>
      %add3A_2318 = arith.addi %add3A_2317, %iota3A : vector<16xi32>
      %eq3A_2319 = arith.cmpi eq, %add3A_2318, %broadcast_in_dim3A_2175 : vector<16xi32>
      %mul3A_2320 = arith.constant -8.999990e-01 : f32
      %mul3A_2321 = vector.broadcast %mul3A_2320 : f32 to vector<16xf32>
      %mul3A_2322 = arith.mulf %mul3A_2321, %broadcast_in_dim3A_2173 : vector<16xf32>
      %mul3A_2323 = arith.mulf %mul3A_2322, %get3A_2315 : vector<16xf32>
      %jit3A_2324 = arith.constant 0.000000e+00 : f32
      %broadcast_in_dim3A_2325 = vector.broadcast %jit3A_2324 : f32 to vector<16xf32>
      %select_n3A_2326 = arith.select %eq3A_2319, %mul3A_2323, %broadcast_in_dim3A_2325 : vector<16xi1>, vector<16xf32>
      %add3A_2327 = arith.addf %add3A_2308, %select_n3A_2326 : vector<16xf32>
      %slice3A_2328 = vector.extract_strided_slice %get3A_15 {offsets = [9], sizes = [1], strides = [1]} : vector<16xi32> to vector<1xi32>
      %squeeze3A_2329 = vector.extract %slice3A_2328[0] : i32 from vector<1xi32>
      %ne3A_2330 = arith.constant 0 : i32
      %ne3A_2331 = arith.cmpi ne, %squeeze3A_2329, %ne3A_2330 : i32
      %jit3A_2332 = arith.constant 1.000000e+00 : f32
      %jit3A_2333 = arith.constant 0.000000e+00 : f32
      %select_n3A_2334 = arith.select %ne3A_2331, %jit3A_2332, %jit3A_2333 : f32
      %broadcast_in_dim3A_2335 = vector.broadcast %select_n3A_2334 : f32 to vector<16xf32>
      %sub3A_2336 = arith.subi %squeeze3A_2329, %min3A_421 : i32
      %broadcast_in_dim3A_2337 = vector.broadcast %sub3A_2336 : i32 to vector<16xi32>
      %get3A_2338 = arith.constant 9 : i32
      %get3A_2339 = arith.constant 1 : i32
      %get3A_2340 = arith.index_cast %get3A_2338 : i32 to index
      %get3A_2341 = arith.index_cast %get3A_2339 : i32 to index
      %get3A_2342 = arith.constant 0 : index
      %get3A_2343 = tpu.vector_load %arg7[%get3A_2340, %get3A_2341, %get3A_2342] {strides = array<i32>} : memref<16x8x128xf32, #tpu.memory_space<vmem>>, vector<1x1x16xf32>,
      %get3A_2344 = vector.shape_cast %get3A_2343 : vector<1x1x16xf32> to vector<16xf32>
      %add3A_2345 = arith.constant 0 : i32
      %add3A_2346 = vector.broadcast %add3A_2345 : i32 to vector<16xi32>
      %add3A_2347 = arith.addi %add3A_2346, %iota3A : vector<16xi32>
      %eq3A_2348 = arith.cmpi eq, %add3A_2347, %broadcast_in_dim3A_2337 : vector<16xi32>
      %mul3A_2349 = arith.constant -8.999990e-01 : f32
      %mul3A_2350 = vector.broadcast %mul3A_2349 : f32 to vector<16xf32>
      %mul3A_2351 = arith.mulf %mul3A_2350, %broadcast_in_dim3A_2335 : vector<16xf32>
      %mul3A_2352 = arith.mulf %mul3A_2351, %get3A_2344 : vector<16xf32>
      %jit3A_2353 = arith.constant 0.000000e+00 : f32
      %broadcast_in_dim3A_2354 = vector.broadcast %jit3A_2353 : f32 to vector<16xf32>
      %select_n3A_2355 = arith.select %eq3A_2348, %mul3A_2352, %broadcast_in_dim3A_2354 : vector<16xi1>, vector<16xf32>
      %add3A_2356 = arith.addf %add3A_2327, %select_n3A_2355 : vector<16xf32>
      %get3A_2357 = arith.constant 9 : i32
      %get3A_2358 = arith.constant 1 : i32
      %get3A_2359 = arith.index_cast %get3A_2357 : i32 to index
      %get3A_2360 = arith.index_cast %get3A_2358 : i32 to index
      %get3A_2361 = arith.constant 16 : index
      %get3A_2362 = tpu.vector_load %arg7[%get3A_2359, %get3A_2360, %get3A_2361] {strides = array<i32>} : memref<16x8x128xf32, #tpu.memory_space<vmem>>, vector<1x1x16xf32>,
      %get3A_2363 = vector.shape_cast %get3A_2362 : vector<1x1x16xf32> to vector<16xf32>
      %add3A_2364 = arith.constant 16 : i32
      %add3A_2365 = vector.broadcast %add3A_2364 : i32 to vector<16xi32>
      %add3A_2366 = arith.addi %add3A_2365, %iota3A : vector<16xi32>
      %eq3A_2367 = arith.cmpi eq, %add3A_2366, %broadcast_in_dim3A_2337 : vector<16xi32>
      %mul3A_2368 = arith.constant -8.999990e-01 : f32
      %mul3A_2369 = vector.broadcast %mul3A_2368 : f32 to vector<16xf32>
      %mul3A_2370 = arith.mulf %mul3A_2369, %broadcast_in_dim3A_2335 : vector<16xf32>
      %mul3A_2371 = arith.mulf %mul3A_2370, %get3A_2363 : vector<16xf32>
      %jit3A_2372 = arith.constant 0.000000e+00 : f32
      %broadcast_in_dim3A_2373 = vector.broadcast %jit3A_2372 : f32 to vector<16xf32>
      %select_n3A_2374 = arith.select %eq3A_2367, %mul3A_2371, %broadcast_in_dim3A_2373 : vector<16xi1>, vector<16xf32>
      %add3A_2375 = arith.addf %add3A_2356, %select_n3A_2374 : vector<16xf32>
      %get3A_2376 = arith.constant 9 : i32
      %get3A_2377 = arith.constant 1 : i32
      %get3A_2378 = arith.index_cast %get3A_2376 : i32 to index
      %get3A_2379 = arith.index_cast %get3A_2377 : i32 to index
      %get3A_2380 = arith.constant 32 : index
      %get3A_2381 = tpu.vector_load %arg7[%get3A_2378, %get3A_2379, %get3A_2380] {strides = array<i32>} : memref<16x8x128xf32, #tpu.memory_space<vmem>>, vector<1x1x16xf32>,
      %get3A_2382 = vector.shape_cast %get3A_2381 : vector<1x1x16xf32> to vector<16xf32>
      %add3A_2383 = arith.constant 32 : i32
      %add3A_2384 = vector.broadcast %add3A_2383 : i32 to vector<16xi32>
      %add3A_2385 = arith.addi %add3A_2384, %iota3A : vector<16xi32>
      %eq3A_2386 = arith.cmpi eq, %add3A_2385, %broadcast_in_dim3A_2337 : vector<16xi32>
      %mul3A_2387 = arith.constant -8.999990e-01 : f32
      %mul3A_2388 = vector.broadcast %mul3A_2387 : f32 to vector<16xf32>
      %mul3A_2389 = arith.mulf %mul3A_2388, %broadcast_in_dim3A_2335 : vector<16xf32>
      %mul3A_2390 = arith.mulf %mul3A_2389, %get3A_2382 : vector<16xf32>
      %jit3A_2391 = arith.constant 0.000000e+00 : f32
      %broadcast_in_dim3A_2392 = vector.broadcast %jit3A_2391 : f32 to vector<16xf32>
      %select_n3A_2393 = arith.select %eq3A_2386, %mul3A_2390, %broadcast_in_dim3A_2392 : vector<16xi1>, vector<16xf32>
      %add3A_2394 = arith.addf %add3A_2375, %select_n3A_2393 : vector<16xf32>
      %get3A_2395 = arith.constant 9 : i32
      %get3A_2396 = arith.constant 1 : i32
      %get3A_2397 = arith.index_cast %get3A_2395 : i32 to index
      %get3A_2398 = arith.index_cast %get3A_2396 : i32 to index
      %get3A_2399 = arith.constant 48 : index
      %get3A_2400 = tpu.vector_load %arg7[%get3A_2397, %get3A_2398, %get3A_2399] {strides = array<i32>} : memref<16x8x128xf32, #tpu.memory_space<vmem>>, vector<1x1x16xf32>,
      %get3A_2401 = vector.shape_cast %get3A_2400 : vector<1x1x16xf32> to vector<16xf32>
      %add3A_2402 = arith.constant 48 : i32
      %add3A_2403 = vector.broadcast %add3A_2402 : i32 to vector<16xi32>
      %add3A_2404 = arith.addi %add3A_2403, %iota3A : vector<16xi32>
      %eq3A_2405 = arith.cmpi eq, %add3A_2404, %broadcast_in_dim3A_2337 : vector<16xi32>
      %mul3A_2406 = arith.constant -8.999990e-01 : f32
      %mul3A_2407 = vector.broadcast %mul3A_2406 : f32 to vector<16xf32>
      %mul3A_2408 = arith.mulf %mul3A_2407, %broadcast_in_dim3A_2335 : vector<16xf32>
      %mul3A_2409 = arith.mulf %mul3A_2408, %get3A_2401 : vector<16xf32>
      %jit3A_2410 = arith.constant 0.000000e+00 : f32
      %broadcast_in_dim3A_2411 = vector.broadcast %jit3A_2410 : f32 to vector<16xf32>
      %select_n3A_2412 = arith.select %eq3A_2405, %mul3A_2409, %broadcast_in_dim3A_2411 : vector<16xi1>, vector<16xf32>
      %add3A_2413 = arith.addf %add3A_2394, %select_n3A_2412 : vector<16xf32>
      %get3A_2414 = arith.constant 9 : i32
      %get3A_2415 = arith.constant 1 : i32
      %get3A_2416 = arith.index_cast %get3A_2414 : i32 to index
      %get3A_2417 = arith.index_cast %get3A_2415 : i32 to index
      %get3A_2418 = arith.constant 64 : index
      %get3A_2419 = tpu.vector_load %arg7[%get3A_2416, %get3A_2417, %get3A_2418] {strides = array<i32>} : memref<16x8x128xf32, #tpu.memory_space<vmem>>, vector<1x1x16xf32>,
      %get3A_2420 = vector.shape_cast %get3A_2419 : vector<1x1x16xf32> to vector<16xf32>
      %add3A_2421 = arith.constant 64 : i32
      %add3A_2422 = vector.broadcast %add3A_2421 : i32 to vector<16xi32>
      %add3A_2423 = arith.addi %add3A_2422, %iota3A : vector<16xi32>
      %eq3A_2424 = arith.cmpi eq, %add3A_2423, %broadcast_in_dim3A_2337 : vector<16xi32>
      %mul3A_2425 = arith.constant -8.999990e-01 : f32
      %mul3A_2426 = vector.broadcast %mul3A_2425 : f32 to vector<16xf32>
      %mul3A_2427 = arith.mulf %mul3A_2426, %broadcast_in_dim3A_2335 : vector<16xf32>
      %mul3A_2428 = arith.mulf %mul3A_2427, %get3A_2420 : vector<16xf32>
      %jit3A_2429 = arith.constant 0.000000e+00 : f32
      %broadcast_in_dim3A_2430 = vector.broadcast %jit3A_2429 : f32 to vector<16xf32>
      %select_n3A_2431 = arith.select %eq3A_2424, %mul3A_2428, %broadcast_in_dim3A_2430 : vector<16xi1>, vector<16xf32>
      %add3A_2432 = arith.addf %add3A_2413, %select_n3A_2431 : vector<16xf32>
      %get3A_2433 = arith.constant 9 : i32
      %get3A_2434 = arith.constant 1 : i32
      %get3A_2435 = arith.index_cast %get3A_2433 : i32 to index
      %get3A_2436 = arith.index_cast %get3A_2434 : i32 to index
      %get3A_2437 = arith.constant 80 : index
      %get3A_2438 = tpu.vector_load %arg7[%get3A_2435, %get3A_2436, %get3A_2437] {strides = array<i32>} : memref<16x8x128xf32, #tpu.memory_space<vmem>>, vector<1x1x16xf32>,
      %get3A_2439 = vector.shape_cast %get3A_2438 : vector<1x1x16xf32> to vector<16xf32>
      %add3A_2440 = arith.constant 80 : i32
      %add3A_2441 = vector.broadcast %add3A_2440 : i32 to vector<16xi32>
      %add3A_2442 = arith.addi %add3A_2441, %iota3A : vector<16xi32>
      %eq3A_2443 = arith.cmpi eq, %add3A_2442, %broadcast_in_dim3A_2337 : vector<16xi32>
      %mul3A_2444 = arith.constant -8.999990e-01 : f32
      %mul3A_2445 = vector.broadcast %mul3A_2444 : f32 to vector<16xf32>
      %mul3A_2446 = arith.mulf %mul3A_2445, %broadcast_in_dim3A_2335 : vector<16xf32>
      %mul3A_2447 = arith.mulf %mul3A_2446, %get3A_2439 : vector<16xf32>
      %jit3A_2448 = arith.constant 0.000000e+00 : f32
      %broadcast_in_dim3A_2449 = vector.broadcast %jit3A_2448 : f32 to vector<16xf32>
      %select_n3A_2450 = arith.select %eq3A_2443, %mul3A_2447, %broadcast_in_dim3A_2449 : vector<16xi1>, vector<16xf32>
      %add3A_2451 = arith.addf %add3A_2432, %select_n3A_2450 : vector<16xf32>
      %get3A_2452 = arith.constant 9 : i32
      %get3A_2453 = arith.constant 1 : i32
      %get3A_2454 = arith.index_cast %get3A_2452 : i32 to index
      %get3A_2455 = arith.index_cast %get3A_2453 : i32 to index
      %get3A_2456 = arith.constant 96 : index
      %get3A_2457 = tpu.vector_load %arg7[%get3A_2454, %get3A_2455, %get3A_2456] {strides = array<i32>} : memref<16x8x128xf32, #tpu.memory_space<vmem>>, vector<1x1x16xf32>,
      %get3A_2458 = vector.shape_cast %get3A_2457 : vector<1x1x16xf32> to vector<16xf32>
      %add3A_2459 = arith.constant 96 : i32
      %add3A_2460 = vector.broadcast %add3A_2459 : i32 to vector<16xi32>
      %add3A_2461 = arith.addi %add3A_2460, %iota3A : vector<16xi32>
      %eq3A_2462 = arith.cmpi eq, %add3A_2461, %broadcast_in_dim3A_2337 : vector<16xi32>
      %mul3A_2463 = arith.constant -8.999990e-01 : f32
      %mul3A_2464 = vector.broadcast %mul3A_2463 : f32 to vector<16xf32>
      %mul3A_2465 = arith.mulf %mul3A_2464, %broadcast_in_dim3A_2335 : vector<16xf32>
      %mul3A_2466 = arith.mulf %mul3A_2465, %get3A_2458 : vector<16xf32>
      %jit3A_2467 = arith.constant 0.000000e+00 : f32
      %broadcast_in_dim3A_2468 = vector.broadcast %jit3A_2467 : f32 to vector<16xf32>
      %select_n3A_2469 = arith.select %eq3A_2462, %mul3A_2466, %broadcast_in_dim3A_2468 : vector<16xi1>, vector<16xf32>
      %add3A_2470 = arith.addf %add3A_2451, %select_n3A_2469 : vector<16xf32>
      %get3A_2471 = arith.constant 9 : i32
      %get3A_2472 = arith.constant 1 : i32
      %get3A_2473 = arith.index_cast %get3A_2471 : i32 to index
      %get3A_2474 = arith.index_cast %get3A_2472 : i32 to index
      %get3A_2475 = arith.constant 112 : index
      %get3A_2476 = tpu.vector_load %arg7[%get3A_2473, %get3A_2474, %get3A_2475] {strides = array<i32>} : memref<16x8x128xf32, #tpu.memory_space<vmem>>, vector<1x1x16xf32>,
      %get3A_2477 = vector.shape_cast %get3A_2476 : vector<1x1x16xf32> to vector<16xf32>
      %add3A_2478 = arith.constant 112 : i32
      %add3A_2479 = vector.broadcast %add3A_2478 : i32 to vector<16xi32>
      %add3A_2480 = arith.addi %add3A_2479, %iota3A : vector<16xi32>
      %eq3A_2481 = arith.cmpi eq, %add3A_2480, %broadcast_in_dim3A_2337 : vector<16xi32>
      %mul3A_2482 = arith.constant -8.999990e-01 : f32
      %mul3A_2483 = vector.broadcast %mul3A_2482 : f32 to vector<16xf32>
      %mul3A_2484 = arith.mulf %mul3A_2483, %broadcast_in_dim3A_2335 : vector<16xf32>
      %mul3A_2485 = arith.mulf %mul3A_2484, %get3A_2477 : vector<16xf32>
      %jit3A_2486 = arith.constant 0.000000e+00 : f32
      %broadcast_in_dim3A_2487 = vector.broadcast %jit3A_2486 : f32 to vector<16xf32>
      %select_n3A_2488 = arith.select %eq3A_2481, %mul3A_2485, %broadcast_in_dim3A_2487 : vector<16xi1>, vector<16xf32>
      %add3A_2489 = arith.addf %add3A_2470, %select_n3A_2488 : vector<16xf32>
      %slice3A_2490 = vector.extract_strided_slice %get3A_15 {offsets = [10], sizes = [1], strides = [1]} : vector<16xi32> to vector<1xi32>
      %squeeze3A_2491 = vector.extract %slice3A_2490[0] : i32 from vector<1xi32>
      %ne3A_2492 = arith.constant 0 : i32
      %ne3A_2493 = arith.cmpi ne, %squeeze3A_2491, %ne3A_2492 : i32
      %jit3A_2494 = arith.constant 1.000000e+00 : f32
      %jit3A_2495 = arith.constant 0.000000e+00 : f32
      %select_n3A_2496 = arith.select %ne3A_2493, %jit3A_2494, %jit3A_2495 : f32
      %broadcast_in_dim3A_2497 = vector.broadcast %select_n3A_2496 : f32 to vector<16xf32>
      %sub3A_2498 = arith.subi %squeeze3A_2491, %min3A_464 : i32
      %broadcast_in_dim3A_2499 = vector.broadcast %sub3A_2498 : i32 to vector<16xi32>
      %get3A_2500 = arith.constant 10 : i32
      %get3A_2501 = arith.constant 2 : i32
      %get3A_2502 = arith.index_cast %get3A_2500 : i32 to index
      %get3A_2503 = arith.index_cast %get3A_2501 : i32 to index
      %get3A_2504 = arith.constant 0 : index
      %get3A_2505 = tpu.vector_load %arg7[%get3A_2502, %get3A_2503, %get3A_2504] {strides = array<i32>} : memref<16x8x128xf32, #tpu.memory_space<vmem>>, vector<1x1x16xf32>,
      %get3A_2506 = vector.shape_cast %get3A_2505 : vector<1x1x16xf32> to vector<16xf32>
      %add3A_2507 = arith.constant 0 : i32
      %add3A_2508 = vector.broadcast %add3A_2507 : i32 to vector<16xi32>
      %add3A_2509 = arith.addi %add3A_2508, %iota3A : vector<16xi32>
      %eq3A_2510 = arith.cmpi eq, %add3A_2509, %broadcast_in_dim3A_2499 : vector<16xi32>
      %mul3A_2511 = arith.constant -8.999990e-01 : f32
      %mul3A_2512 = vector.broadcast %mul3A_2511 : f32 to vector<16xf32>
      %mul3A_2513 = arith.mulf %mul3A_2512, %broadcast_in_dim3A_2497 : vector<16xf32>
      %mul3A_2514 = arith.mulf %mul3A_2513, %get3A_2506 : vector<16xf32>
      %jit3A_2515 = arith.constant 0.000000e+00 : f32
      %broadcast_in_dim3A_2516 = vector.broadcast %jit3A_2515 : f32 to vector<16xf32>
      %select_n3A_2517 = arith.select %eq3A_2510, %mul3A_2514, %broadcast_in_dim3A_2516 : vector<16xi1>, vector<16xf32>
      %add3A_2518 = arith.addf %add3A_2489, %select_n3A_2517 : vector<16xf32>
      %get3A_2519 = arith.constant 10 : i32
      %get3A_2520 = arith.constant 2 : i32
      %get3A_2521 = arith.index_cast %get3A_2519 : i32 to index
      %get3A_2522 = arith.index_cast %get3A_2520 : i32 to index
      %get3A_2523 = arith.constant 16 : index
      %get3A_2524 = tpu.vector_load %arg7[%get3A_2521, %get3A_2522, %get3A_2523] {strides = array<i32>} : memref<16x8x128xf32, #tpu.memory_space<vmem>>, vector<1x1x16xf32>,
      %get3A_2525 = vector.shape_cast %get3A_2524 : vector<1x1x16xf32> to vector<16xf32>
      %add3A_2526 = arith.constant 16 : i32
      %add3A_2527 = vector.broadcast %add3A_2526 : i32 to vector<16xi32>
      %add3A_2528 = arith.addi %add3A_2527, %iota3A : vector<16xi32>
      %eq3A_2529 = arith.cmpi eq, %add3A_2528, %broadcast_in_dim3A_2499 : vector<16xi32>
      %mul3A_2530 = arith.constant -8.999990e-01 : f32
      %mul3A_2531 = vector.broadcast %mul3A_2530 : f32 to vector<16xf32>
      %mul3A_2532 = arith.mulf %mul3A_2531, %broadcast_in_dim3A_2497 : vector<16xf32>
      %mul3A_2533 = arith.mulf %mul3A_2532, %get3A_2525 : vector<16xf32>
      %jit3A_2534 = arith.constant 0.000000e+00 : f32
      %broadcast_in_dim3A_2535 = vector.broadcast %jit3A_2534 : f32 to vector<16xf32>
      %select_n3A_2536 = arith.select %eq3A_2529, %mul3A_2533, %broadcast_in_dim3A_2535 : vector<16xi1>, vector<16xf32>
      %add3A_2537 = arith.addf %add3A_2518, %select_n3A_2536 : vector<16xf32>
      %get3A_2538 = arith.constant 10 : i32
      %get3A_2539 = arith.constant 2 : i32
      %get3A_2540 = arith.index_cast %get3A_2538 : i32 to index
      %get3A_2541 = arith.index_cast %get3A_2539 : i32 to index
      %get3A_2542 = arith.constant 32 : index
      %get3A_2543 = tpu.vector_load %arg7[%get3A_2540, %get3A_2541, %get3A_2542] {strides = array<i32>} : memref<16x8x128xf32, #tpu.memory_space<vmem>>, vector<1x1x16xf32>,
      %get3A_2544 = vector.shape_cast %get3A_2543 : vector<1x1x16xf32> to vector<16xf32>
      %add3A_2545 = arith.constant 32 : i32
      %add3A_2546 = vector.broadcast %add3A_2545 : i32 to vector<16xi32>
      %add3A_2547 = arith.addi %add3A_2546, %iota3A : vector<16xi32>
      %eq3A_2548 = arith.cmpi eq, %add3A_2547, %broadcast_in_dim3A_2499 : vector<16xi32>
      %mul3A_2549 = arith.constant -8.999990e-01 : f32
      %mul3A_2550 = vector.broadcast %mul3A_2549 : f32 to vector<16xf32>
      %mul3A_2551 = arith.mulf %mul3A_2550, %broadcast_in_dim3A_2497 : vector<16xf32>
      %mul3A_2552 = arith.mulf %mul3A_2551, %get3A_2544 : vector<16xf32>
      %jit3A_2553 = arith.constant 0.000000e+00 : f32
      %broadcast_in_dim3A_2554 = vector.broadcast %jit3A_2553 : f32 to vector<16xf32>
      %select_n3A_2555 = arith.select %eq3A_2548, %mul3A_2552, %broadcast_in_dim3A_2554 : vector<16xi1>, vector<16xf32>
      %add3A_2556 = arith.addf %add3A_2537, %select_n3A_2555 : vector<16xf32>
      %get3A_2557 = arith.constant 10 : i32
      %get3A_2558 = arith.constant 2 : i32
      %get3A_2559 = arith.index_cast %get3A_2557 : i32 to index
      %get3A_2560 = arith.index_cast %get3A_2558 : i32 to index
      %get3A_2561 = arith.constant 48 : index
      %get3A_2562 = tpu.vector_load %arg7[%get3A_2559, %get3A_2560, %get3A_2561] {strides = array<i32>} : memref<16x8x128xf32, #tpu.memory_space<vmem>>, vector<1x1x16xf32>,
      %get3A_2563 = vector.shape_cast %get3A_2562 : vector<1x1x16xf32> to vector<16xf32>
      %add3A_2564 = arith.constant 48 : i32
      %add3A_2565 = vector.broadcast %add3A_2564 : i32 to vector<16xi32>
      %add3A_2566 = arith.addi %add3A_2565, %iota3A : vector<16xi32>
      %eq3A_2567 = arith.cmpi eq, %add3A_2566, %broadcast_in_dim3A_2499 : vector<16xi32>
      %mul3A_2568 = arith.constant -8.999990e-01 : f32
      %mul3A_2569 = vector.broadcast %mul3A_2568 : f32 to vector<16xf32>
      %mul3A_2570 = arith.mulf %mul3A_2569, %broadcast_in_dim3A_2497 : vector<16xf32>
      %mul3A_2571 = arith.mulf %mul3A_2570, %get3A_2563 : vector<16xf32>
      %jit3A_2572 = arith.constant 0.000000e+00 : f32
      %broadcast_in_dim3A_2573 = vector.broadcast %jit3A_2572 : f32 to vector<16xf32>
      %select_n3A_2574 = arith.select %eq3A_2567, %mul3A_2571, %broadcast_in_dim3A_2573 : vector<16xi1>, vector<16xf32>
      %add3A_2575 = arith.addf %add3A_2556, %select_n3A_2574 : vector<16xf32>
      %get3A_2576 = arith.constant 10 : i32
      %get3A_2577 = arith.constant 2 : i32
      %get3A_2578 = arith.index_cast %get3A_2576 : i32 to index
      %get3A_2579 = arith.index_cast %get3A_2577 : i32 to index
      %get3A_2580 = arith.constant 64 : index
      %get3A_2581 = tpu.vector_load %arg7[%get3A_2578, %get3A_2579, %get3A_2580] {strides = array<i32>} : memref<16x8x128xf32, #tpu.memory_space<vmem>>, vector<1x1x16xf32>,
      %get3A_2582 = vector.shape_cast %get3A_2581 : vector<1x1x16xf32> to vector<16xf32>
      %add3A_2583 = arith.constant 64 : i32
      %add3A_2584 = vector.broadcast %add3A_2583 : i32 to vector<16xi32>
      %add3A_2585 = arith.addi %add3A_2584, %iota3A : vector<16xi32>
      %eq3A_2586 = arith.cmpi eq, %add3A_2585, %broadcast_in_dim3A_2499 : vector<16xi32>
      %mul3A_2587 = arith.constant -8.999990e-01 : f32
      %mul3A_2588 = vector.broadcast %mul3A_2587 : f32 to vector<16xf32>
      %mul3A_2589 = arith.mulf %mul3A_2588, %broadcast_in_dim3A_2497 : vector<16xf32>
      %mul3A_2590 = arith.mulf %mul3A_2589, %get3A_2582 : vector<16xf32>
      %jit3A_2591 = arith.constant 0.000000e+00 : f32
      %broadcast_in_dim3A_2592 = vector.broadcast %jit3A_2591 : f32 to vector<16xf32>
      %select_n3A_2593 = arith.select %eq3A_2586, %mul3A_2590, %broadcast_in_dim3A_2592 : vector<16xi1>, vector<16xf32>
      %add3A_2594 = arith.addf %add3A_2575, %select_n3A_2593 : vector<16xf32>
      %get3A_2595 = arith.constant 10 : i32
      %get3A_2596 = arith.constant 2 : i32
      %get3A_2597 = arith.index_cast %get3A_2595 : i32 to index
      %get3A_2598 = arith.index_cast %get3A_2596 : i32 to index
      %get3A_2599 = arith.constant 80 : index
      %get3A_2600 = tpu.vector_load %arg7[%get3A_2597, %get3A_2598, %get3A_2599] {strides = array<i32>} : memref<16x8x128xf32, #tpu.memory_space<vmem>>, vector<1x1x16xf32>,
      %get3A_2601 = vector.shape_cast %get3A_2600 : vector<1x1x16xf32> to vector<16xf32>
      %add3A_2602 = arith.constant 80 : i32
      %add3A_2603 = vector.broadcast %add3A_2602 : i32 to vector<16xi32>
      %add3A_2604 = arith.addi %add3A_2603, %iota3A : vector<16xi32>
      %eq3A_2605 = arith.cmpi eq, %add3A_2604, %broadcast_in_dim3A_2499 : vector<16xi32>
      %mul3A_2606 = arith.constant -8.999990e-01 : f32
      %mul3A_2607 = vector.broadcast %mul3A_2606 : f32 to vector<16xf32>
      %mul3A_2608 = arith.mulf %mul3A_2607, %broadcast_in_dim3A_2497 : vector<16xf32>
      %mul3A_2609 = arith.mulf %mul3A_2608, %get3A_2601 : vector<16xf32>
      %jit3A_2610 = arith.constant 0.000000e+00 : f32
      %broadcast_in_dim3A_2611 = vector.broadcast %jit3A_2610 : f32 to vector<16xf32>
      %select_n3A_2612 = arith.select %eq3A_2605, %mul3A_2609, %broadcast_in_dim3A_2611 : vector<16xi1>, vector<16xf32>
      %add3A_2613 = arith.addf %add3A_2594, %select_n3A_2612 : vector<16xf32>
      %get3A_2614 = arith.constant 10 : i32
      %get3A_2615 = arith.constant 2 : i32
      %get3A_2616 = arith.index_cast %get3A_2614 : i32 to index
      %get3A_2617 = arith.index_cast %get3A_2615 : i32 to index
      %get3A_2618 = arith.constant 96 : index
      %get3A_2619 = tpu.vector_load %arg7[%get3A_2616, %get3A_2617, %get3A_2618] {strides = array<i32>} : memref<16x8x128xf32, #tpu.memory_space<vmem>>, vector<1x1x16xf32>,
      %get3A_2620 = vector.shape_cast %get3A_2619 : vector<1x1x16xf32> to vector<16xf32>
      %add3A_2621 = arith.constant 96 : i32
      %add3A_2622 = vector.broadcast %add3A_2621 : i32 to vector<16xi32>
      %add3A_2623 = arith.addi %add3A_2622, %iota3A : vector<16xi32>
      %eq3A_2624 = arith.cmpi eq, %add3A_2623, %broadcast_in_dim3A_2499 : vector<16xi32>
      %mul3A_2625 = arith.constant -8.999990e-01 : f32
      %mul3A_2626 = vector.broadcast %mul3A_2625 : f32 to vector<16xf32>
      %mul3A_2627 = arith.mulf %mul3A_2626, %broadcast_in_dim3A_2497 : vector<16xf32>
      %mul3A_2628 = arith.mulf %mul3A_2627, %get3A_2620 : vector<16xf32>
      %jit3A_2629 = arith.constant 0.000000e+00 : f32
      %broadcast_in_dim3A_2630 = vector.broadcast %jit3A_2629 : f32 to vector<16xf32>
      %select_n3A_2631 = arith.select %eq3A_2624, %mul3A_2628, %broadcast_in_dim3A_2630 : vector<16xi1>, vector<16xf32>
      %add3A_2632 = arith.addf %add3A_2613, %select_n3A_2631 : vector<16xf32>
      %get3A_2633 = arith.constant 10 : i32
      %get3A_2634 = arith.constant 2 : i32
      %get3A_2635 = arith.index_cast %get3A_2633 : i32 to index
      %get3A_2636 = arith.index_cast %get3A_2634 : i32 to index
      %get3A_2637 = arith.constant 112 : index
      %get3A_2638 = tpu.vector_load %arg7[%get3A_2635, %get3A_2636, %get3A_2637] {strides = array<i32>} : memref<16x8x128xf32, #tpu.memory_space<vmem>>, vector<1x1x16xf32>,
      %get3A_2639 = vector.shape_cast %get3A_2638 : vector<1x1x16xf32> to vector<16xf32>
      %add3A_2640 = arith.constant 112 : i32
      %add3A_2641 = vector.broadcast %add3A_2640 : i32 to vector<16xi32>
      %add3A_2642 = arith.addi %add3A_2641, %iota3A : vector<16xi32>
      %eq3A_2643 = arith.cmpi eq, %add3A_2642, %broadcast_in_dim3A_2499 : vector<16xi32>
      %mul3A_2644 = arith.constant -8.999990e-01 : f32
      %mul3A_2645 = vector.broadcast %mul3A_2644 : f32 to vector<16xf32>
      %mul3A_2646 = arith.mulf %mul3A_2645, %broadcast_in_dim3A_2497 : vector<16xf32>
      %mul3A_2647 = arith.mulf %mul3A_2646, %get3A_2639 : vector<16xf32>
      %jit3A_2648 = arith.constant 0.000000e+00 : f32
      %broadcast_in_dim3A_2649 = vector.broadcast %jit3A_2648 : f32 to vector<16xf32>
      %select_n3A_2650 = arith.select %eq3A_2643, %mul3A_2647, %broadcast_in_dim3A_2649 : vector<16xi1>, vector<16xf32>
      %add3A_2651 = arith.addf %add3A_2632, %select_n3A_2650 : vector<16xf32>
      %slice3A_2652 = vector.extract_strided_slice %get3A_15 {offsets = [11], sizes = [1], strides = [1]} : vector<16xi32> to vector<1xi32>
      %squeeze3A_2653 = vector.extract %slice3A_2652[0] : i32 from vector<1xi32>
      %ne3A_2654 = arith.constant 0 : i32
      %ne3A_2655 = arith.cmpi ne, %squeeze3A_2653, %ne3A_2654 : i32
      %jit3A_2656 = arith.constant 1.000000e+00 : f32
      %jit3A_2657 = arith.constant 0.000000e+00 : f32
      %select_n3A_2658 = arith.select %ne3A_2655, %jit3A_2656, %jit3A_2657 : f32
      %broadcast_in_dim3A_2659 = vector.broadcast %select_n3A_2658 : f32 to vector<16xf32>
      %sub3A_2660 = arith.subi %squeeze3A_2653, %min3A_507 : i32
      %broadcast_in_dim3A_2661 = vector.broadcast %sub3A_2660 : i32 to vector<16xi32>
      %get3A_2662 = arith.constant 11 : i32
      %get3A_2663 = arith.constant 3 : i32
      %get3A_2664 = arith.index_cast %get3A_2662 : i32 to index
      %get3A_2665 = arith.index_cast %get3A_2663 : i32 to index
      %get3A_2666 = arith.constant 0 : index
      %get3A_2667 = tpu.vector_load %arg7[%get3A_2664, %get3A_2665, %get3A_2666] {strides = array<i32>} : memref<16x8x128xf32, #tpu.memory_space<vmem>>, vector<1x1x16xf32>,
      %get3A_2668 = vector.shape_cast %get3A_2667 : vector<1x1x16xf32> to vector<16xf32>
      %add3A_2669 = arith.constant 0 : i32
      %add3A_2670 = vector.broadcast %add3A_2669 : i32 to vector<16xi32>
      %add3A_2671 = arith.addi %add3A_2670, %iota3A : vector<16xi32>
      %eq3A_2672 = arith.cmpi eq, %add3A_2671, %broadcast_in_dim3A_2661 : vector<16xi32>
      %mul3A_2673 = arith.constant -8.999990e-01 : f32
      %mul3A_2674 = vector.broadcast %mul3A_2673 : f32 to vector<16xf32>
      %mul3A_2675 = arith.mulf %mul3A_2674, %broadcast_in_dim3A_2659 : vector<16xf32>
      %mul3A_2676 = arith.mulf %mul3A_2675, %get3A_2668 : vector<16xf32>
      %jit3A_2677 = arith.constant 0.000000e+00 : f32
      %broadcast_in_dim3A_2678 = vector.broadcast %jit3A_2677 : f32 to vector<16xf32>
      %select_n3A_2679 = arith.select %eq3A_2672, %mul3A_2676, %broadcast_in_dim3A_2678 : vector<16xi1>, vector<16xf32>
      %add3A_2680 = arith.addf %add3A_2651, %select_n3A_2679 : vector<16xf32>
      %get3A_2681 = arith.constant 11 : i32
      %get3A_2682 = arith.constant 3 : i32
      %get3A_2683 = arith.index_cast %get3A_2681 : i32 to index
      %get3A_2684 = arith.index_cast %get3A_2682 : i32 to index
      %get3A_2685 = arith.constant 16 : index
      %get3A_2686 = tpu.vector_load %arg7[%get3A_2683, %get3A_2684, %get3A_2685] {strides = array<i32>} : memref<16x8x128xf32, #tpu.memory_space<vmem>>, vector<1x1x16xf32>,
      %get3A_2687 = vector.shape_cast %get3A_2686 : vector<1x1x16xf32> to vector<16xf32>
      %add3A_2688 = arith.constant 16 : i32
      %add3A_2689 = vector.broadcast %add3A_2688 : i32 to vector<16xi32>
      %add3A_2690 = arith.addi %add3A_2689, %iota3A : vector<16xi32>
      %eq3A_2691 = arith.cmpi eq, %add3A_2690, %broadcast_in_dim3A_2661 : vector<16xi32>
      %mul3A_2692 = arith.constant -8.999990e-01 : f32
      %mul3A_2693 = vector.broadcast %mul3A_2692 : f32 to vector<16xf32>
      %mul3A_2694 = arith.mulf %mul3A_2693, %broadcast_in_dim3A_2659 : vector<16xf32>
      %mul3A_2695 = arith.mulf %mul3A_2694, %get3A_2687 : vector<16xf32>
      %jit3A_2696 = arith.constant 0.000000e+00 : f32
      %broadcast_in_dim3A_2697 = vector.broadcast %jit3A_2696 : f32 to vector<16xf32>
      %select_n3A_2698 = arith.select %eq3A_2691, %mul3A_2695, %broadcast_in_dim3A_2697 : vector<16xi1>, vector<16xf32>
      %add3A_2699 = arith.addf %add3A_2680, %select_n3A_2698 : vector<16xf32>
      %get3A_2700 = arith.constant 11 : i32
      %get3A_2701 = arith.constant 3 : i32
      %get3A_2702 = arith.index_cast %get3A_2700 : i32 to index
      %get3A_2703 = arith.index_cast %get3A_2701 : i32 to index
      %get3A_2704 = arith.constant 32 : index
      %get3A_2705 = tpu.vector_load %arg7[%get3A_2702, %get3A_2703, %get3A_2704] {strides = array<i32>} : memref<16x8x128xf32, #tpu.memory_space<vmem>>, vector<1x1x16xf32>,
      %get3A_2706 = vector.shape_cast %get3A_2705 : vector<1x1x16xf32> to vector<16xf32>
      %add3A_2707 = arith.constant 32 : i32
      %add3A_2708 = vector.broadcast %add3A_2707 : i32 to vector<16xi32>
      %add3A_2709 = arith.addi %add3A_2708, %iota3A : vector<16xi32>
      %eq3A_2710 = arith.cmpi eq, %add3A_2709, %broadcast_in_dim3A_2661 : vector<16xi32>
      %mul3A_2711 = arith.constant -8.999990e-01 : f32
      %mul3A_2712 = vector.broadcast %mul3A_2711 : f32 to vector<16xf32>
      %mul3A_2713 = arith.mulf %mul3A_2712, %broadcast_in_dim3A_2659 : vector<16xf32>
      %mul3A_2714 = arith.mulf %mul3A_2713, %get3A_2706 : vector<16xf32>
      %jit3A_2715 = arith.constant 0.000000e+00 : f32
      %broadcast_in_dim3A_2716 = vector.broadcast %jit3A_2715 : f32 to vector<16xf32>
      %select_n3A_2717 = arith.select %eq3A_2710, %mul3A_2714, %broadcast_in_dim3A_2716 : vector<16xi1>, vector<16xf32>
      %add3A_2718 = arith.addf %add3A_2699, %select_n3A_2717 : vector<16xf32>
      %get3A_2719 = arith.constant 11 : i32
      %get3A_2720 = arith.constant 3 : i32
      %get3A_2721 = arith.index_cast %get3A_2719 : i32 to index
      %get3A_2722 = arith.index_cast %get3A_2720 : i32 to index
      %get3A_2723 = arith.constant 48 : index
      %get3A_2724 = tpu.vector_load %arg7[%get3A_2721, %get3A_2722, %get3A_2723] {strides = array<i32>} : memref<16x8x128xf32, #tpu.memory_space<vmem>>, vector<1x1x16xf32>,
      %get3A_2725 = vector.shape_cast %get3A_2724 : vector<1x1x16xf32> to vector<16xf32>
      %add3A_2726 = arith.constant 48 : i32
      %add3A_2727 = vector.broadcast %add3A_2726 : i32 to vector<16xi32>
      %add3A_2728 = arith.addi %add3A_2727, %iota3A : vector<16xi32>
      %eq3A_2729 = arith.cmpi eq, %add3A_2728, %broadcast_in_dim3A_2661 : vector<16xi32>
      %mul3A_2730 = arith.constant -8.999990e-01 : f32
      %mul3A_2731 = vector.broadcast %mul3A_2730 : f32 to vector<16xf32>
      %mul3A_2732 = arith.mulf %mul3A_2731, %broadcast_in_dim3A_2659 : vector<16xf32>
      %mul3A_2733 = arith.mulf %mul3A_2732, %get3A_2725 : vector<16xf32>
      %jit3A_2734 = arith.constant 0.000000e+00 : f32
      %broadcast_in_dim3A_2735 = vector.broadcast %jit3A_2734 : f32 to vector<16xf32>
      %select_n3A_2736 = arith.select %eq3A_2729, %mul3A_2733, %broadcast_in_dim3A_2735 : vector<16xi1>, vector<16xf32>
      %add3A_2737 = arith.addf %add3A_2718, %select_n3A_2736 : vector<16xf32>
      %get3A_2738 = arith.constant 11 : i32
      %get3A_2739 = arith.constant 3 : i32
      %get3A_2740 = arith.index_cast %get3A_2738 : i32 to index
      %get3A_2741 = arith.index_cast %get3A_2739 : i32 to index
      %get3A_2742 = arith.constant 64 : index
      %get3A_2743 = tpu.vector_load %arg7[%get3A_2740, %get3A_2741, %get3A_2742] {strides = array<i32>} : memref<16x8x128xf32, #tpu.memory_space<vmem>>, vector<1x1x16xf32>,
      %get3A_2744 = vector.shape_cast %get3A_2743 : vector<1x1x16xf32> to vector<16xf32>
      %add3A_2745 = arith.constant 64 : i32
      %add3A_2746 = vector.broadcast %add3A_2745 : i32 to vector<16xi32>
      %add3A_2747 = arith.addi %add3A_2746, %iota3A : vector<16xi32>
      %eq3A_2748 = arith.cmpi eq, %add3A_2747, %broadcast_in_dim3A_2661 : vector<16xi32>
      %mul3A_2749 = arith.constant -8.999990e-01 : f32
      %mul3A_2750 = vector.broadcast %mul3A_2749 : f32 to vector<16xf32>
      %mul3A_2751 = arith.mulf %mul3A_2750, %broadcast_in_dim3A_2659 : vector<16xf32>
      %mul3A_2752 = arith.mulf %mul3A_2751, %get3A_2744 : vector<16xf32>
      %jit3A_2753 = arith.constant 0.000000e+00 : f32
      %broadcast_in_dim3A_2754 = vector.broadcast %jit3A_2753 : f32 to vector<16xf32>
      %select_n3A_2755 = arith.select %eq3A_2748, %mul3A_2752, %broadcast_in_dim3A_2754 : vector<16xi1>, vector<16xf32>
      %add3A_2756 = arith.addf %add3A_2737, %select_n3A_2755 : vector<16xf32>
      %get3A_2757 = arith.constant 11 : i32
      %get3A_2758 = arith.constant 3 : i32
      %get3A_2759 = arith.index_cast %get3A_2757 : i32 to index
      %get3A_2760 = arith.index_cast %get3A_2758 : i32 to index
      %get3A_2761 = arith.constant 80 : index
      %get3A_2762 = tpu.vector_load %arg7[%get3A_2759, %get3A_2760, %get3A_2761] {strides = array<i32>} : memref<16x8x128xf32, #tpu.memory_space<vmem>>, vector<1x1x16xf32>,
      %get3A_2763 = vector.shape_cast %get3A_2762 : vector<1x1x16xf32> to vector<16xf32>
      %add3A_2764 = arith.constant 80 : i32
      %add3A_2765 = vector.broadcast %add3A_2764 : i32 to vector<16xi32>
      %add3A_2766 = arith.addi %add3A_2765, %iota3A : vector<16xi32>
      %eq3A_2767 = arith.cmpi eq, %add3A_2766, %broadcast_in_dim3A_2661 : vector<16xi32>
      %mul3A_2768 = arith.constant -8.999990e-01 : f32
      %mul3A_2769 = vector.broadcast %mul3A_2768 : f32 to vector<16xf32>
      %mul3A_2770 = arith.mulf %mul3A_2769, %broadcast_in_dim3A_2659 : vector<16xf32>
      %mul3A_2771 = arith.mulf %mul3A_2770, %get3A_2763 : vector<16xf32>
      %jit3A_2772 = arith.constant 0.000000e+00 : f32
      %broadcast_in_dim3A_2773 = vector.broadcast %jit3A_2772 : f32 to vector<16xf32>
      %select_n3A_2774 = arith.select %eq3A_2767, %mul3A_2771, %broadcast_in_dim3A_2773 : vector<16xi1>, vector<16xf32>
      %add3A_2775 = arith.addf %add3A_2756, %select_n3A_2774 : vector<16xf32>
      %get3A_2776 = arith.constant 11 : i32
      %get3A_2777 = arith.constant 3 : i32
      %get3A_2778 = arith.index_cast %get3A_2776 : i32 to index
      %get3A_2779 = arith.index_cast %get3A_2777 : i32 to index
      %get3A_2780 = arith.constant 96 : index
      %get3A_2781 = tpu.vector_load %arg7[%get3A_2778, %get3A_2779, %get3A_2780] {strides = array<i32>} : memref<16x8x128xf32, #tpu.memory_space<vmem>>, vector<1x1x16xf32>,
      %get3A_2782 = vector.shape_cast %get3A_2781 : vector<1x1x16xf32> to vector<16xf32>
      %add3A_2783 = arith.constant 96 : i32
      %add3A_2784 = vector.broadcast %add3A_2783 : i32 to vector<16xi32>
      %add3A_2785 = arith.addi %add3A_2784, %iota3A : vector<16xi32>
      %eq3A_2786 = arith.cmpi eq, %add3A_2785, %broadcast_in_dim3A_2661 : vector<16xi32>
      %mul3A_2787 = arith.constant -8.999990e-01 : f32
      %mul3A_2788 = vector.broadcast %mul3A_2787 : f32 to vector<16xf32>
      %mul3A_2789 = arith.mulf %mul3A_2788, %broadcast_in_dim3A_2659 : vector<16xf32>
      %mul3A_2790 = arith.mulf %mul3A_2789, %get3A_2782 : vector<16xf32>
      %jit3A_2791 = arith.constant 0.000000e+00 : f32
      %broadcast_in_dim3A_2792 = vector.broadcast %jit3A_2791 : f32 to vector<16xf32>
      %select_n3A_2793 = arith.select %eq3A_2786, %mul3A_2790, %broadcast_in_dim3A_2792 : vector<16xi1>, vector<16xf32>
      %add3A_2794 = arith.addf %add3A_2775, %select_n3A_2793 : vector<16xf32>
      %get3A_2795 = arith.constant 11 : i32
      %get3A_2796 = arith.constant 3 : i32
      %get3A_2797 = arith.index_cast %get3A_2795 : i32 to index
      %get3A_2798 = arith.index_cast %get3A_2796 : i32 to index
      %get3A_2799 = arith.constant 112 : index
      %get3A_2800 = tpu.vector_load %arg7[%get3A_2797, %get3A_2798, %get3A_2799] {strides = array<i32>} : memref<16x8x128xf32, #tpu.memory_space<vmem>>, vector<1x1x16xf32>,
      %get3A_2801 = vector.shape_cast %get3A_2800 : vector<1x1x16xf32> to vector<16xf32>
      %add3A_2802 = arith.constant 112 : i32
      %add3A_2803 = vector.broadcast %add3A_2802 : i32 to vector<16xi32>
      %add3A_2804 = arith.addi %add3A_2803, %iota3A : vector<16xi32>
      %eq3A_2805 = arith.cmpi eq, %add3A_2804, %broadcast_in_dim3A_2661 : vector<16xi32>
      %mul3A_2806 = arith.constant -8.999990e-01 : f32
      %mul3A_2807 = vector.broadcast %mul3A_2806 : f32 to vector<16xf32>
      %mul3A_2808 = arith.mulf %mul3A_2807, %broadcast_in_dim3A_2659 : vector<16xf32>
      %mul3A_2809 = arith.mulf %mul3A_2808, %get3A_2801 : vector<16xf32>
      %jit3A_2810 = arith.constant 0.000000e+00 : f32
      %broadcast_in_dim3A_2811 = vector.broadcast %jit3A_2810 : f32 to vector<16xf32>
      %select_n3A_2812 = arith.select %eq3A_2805, %mul3A_2809, %broadcast_in_dim3A_2811 : vector<16xi1>, vector<16xf32>
      %add3A_2813 = arith.addf %add3A_2794, %select_n3A_2812 : vector<16xf32>
      %slice3A_2814 = vector.extract_strided_slice %get3A_15 {offsets = [12], sizes = [1], strides = [1]} : vector<16xi32> to vector<1xi32>
      %squeeze3A_2815 = vector.extract %slice3A_2814[0] : i32 from vector<1xi32>
      %ne3A_2816 = arith.constant 0 : i32
      %ne3A_2817 = arith.cmpi ne, %squeeze3A_2815, %ne3A_2816 : i32
      %jit3A_2818 = arith.constant 1.000000e+00 : f32
      %jit3A_2819 = arith.constant 0.000000e+00 : f32
      %select_n3A_2820 = arith.select %ne3A_2817, %jit3A_2818, %jit3A_2819 : f32
      %broadcast_in_dim3A_2821 = vector.broadcast %select_n3A_2820 : f32 to vector<16xf32>
      %sub3A_2822 = arith.subi %squeeze3A_2815, %min3A_550 : i32
      %broadcast_in_dim3A_2823 = vector.broadcast %sub3A_2822 : i32 to vector<16xi32>
      %get3A_2824 = arith.constant 12 : i32
      %get3A_2825 = arith.constant 4 : i32
      %get3A_2826 = arith.index_cast %get3A_2824 : i32 to index
      %get3A_2827 = arith.index_cast %get3A_2825 : i32 to index
      %get3A_2828 = arith.constant 0 : index
      %get3A_2829 = tpu.vector_load %arg7[%get3A_2826, %get3A_2827, %get3A_2828] {strides = array<i32>} : memref<16x8x128xf32, #tpu.memory_space<vmem>>, vector<1x1x16xf32>,
      %get3A_2830 = vector.shape_cast %get3A_2829 : vector<1x1x16xf32> to vector<16xf32>
      %add3A_2831 = arith.constant 0 : i32
      %add3A_2832 = vector.broadcast %add3A_2831 : i32 to vector<16xi32>
      %add3A_2833 = arith.addi %add3A_2832, %iota3A : vector<16xi32>
      %eq3A_2834 = arith.cmpi eq, %add3A_2833, %broadcast_in_dim3A_2823 : vector<16xi32>
      %mul3A_2835 = arith.constant -8.999990e-01 : f32
      %mul3A_2836 = vector.broadcast %mul3A_2835 : f32 to vector<16xf32>
      %mul3A_2837 = arith.mulf %mul3A_2836, %broadcast_in_dim3A_2821 : vector<16xf32>
      %mul3A_2838 = arith.mulf %mul3A_2837, %get3A_2830 : vector<16xf32>
      %jit3A_2839 = arith.constant 0.000000e+00 : f32
      %broadcast_in_dim3A_2840 = vector.broadcast %jit3A_2839 : f32 to vector<16xf32>
      %select_n3A_2841 = arith.select %eq3A_2834, %mul3A_2838, %broadcast_in_dim3A_2840 : vector<16xi1>, vector<16xf32>
      %add3A_2842 = arith.addf %add3A_2813, %select_n3A_2841 : vector<16xf32>
      %get3A_2843 = arith.constant 12 : i32
      %get3A_2844 = arith.constant 4 : i32
      %get3A_2845 = arith.index_cast %get3A_2843 : i32 to index
      %get3A_2846 = arith.index_cast %get3A_2844 : i32 to index
      %get3A_2847 = arith.constant 16 : index
      %get3A_2848 = tpu.vector_load %arg7[%get3A_2845, %get3A_2846, %get3A_2847] {strides = array<i32>} : memref<16x8x128xf32, #tpu.memory_space<vmem>>, vector<1x1x16xf32>,
      %get3A_2849 = vector.shape_cast %get3A_2848 : vector<1x1x16xf32> to vector<16xf32>
      %add3A_2850 = arith.constant 16 : i32
      %add3A_2851 = vector.broadcast %add3A_2850 : i32 to vector<16xi32>
      %add3A_2852 = arith.addi %add3A_2851, %iota3A : vector<16xi32>
      %eq3A_2853 = arith.cmpi eq, %add3A_2852, %broadcast_in_dim3A_2823 : vector<16xi32>
      %mul3A_2854 = arith.constant -8.999990e-01 : f32
      %mul3A_2855 = vector.broadcast %mul3A_2854 : f32 to vector<16xf32>
      %mul3A_2856 = arith.mulf %mul3A_2855, %broadcast_in_dim3A_2821 : vector<16xf32>
      %mul3A_2857 = arith.mulf %mul3A_2856, %get3A_2849 : vector<16xf32>
      %jit3A_2858 = arith.constant 0.000000e+00 : f32
      %broadcast_in_dim3A_2859 = vector.broadcast %jit3A_2858 : f32 to vector<16xf32>
      %select_n3A_2860 = arith.select %eq3A_2853, %mul3A_2857, %broadcast_in_dim3A_2859 : vector<16xi1>, vector<16xf32>
      %add3A_2861 = arith.addf %add3A_2842, %select_n3A_2860 : vector<16xf32>
      %get3A_2862 = arith.constant 12 : i32
      %get3A_2863 = arith.constant 4 : i32
      %get3A_2864 = arith.index_cast %get3A_2862 : i32 to index
      %get3A_2865 = arith.index_cast %get3A_2863 : i32 to index
      %get3A_2866 = arith.constant 32 : index
      %get3A_2867 = tpu.vector_load %arg7[%get3A_2864, %get3A_2865, %get3A_2866] {strides = array<i32>} : memref<16x8x128xf32, #tpu.memory_space<vmem>>, vector<1x1x16xf32>,
      %get3A_2868 = vector.shape_cast %get3A_2867 : vector<1x1x16xf32> to vector<16xf32>
      %add3A_2869 = arith.constant 32 : i32
      %add3A_2870 = vector.broadcast %add3A_2869 : i32 to vector<16xi32>
      %add3A_2871 = arith.addi %add3A_2870, %iota3A : vector<16xi32>
      %eq3A_2872 = arith.cmpi eq, %add3A_2871, %broadcast_in_dim3A_2823 : vector<16xi32>
      %mul3A_2873 = arith.constant -8.999990e-01 : f32
      %mul3A_2874 = vector.broadcast %mul3A_2873 : f32 to vector<16xf32>
      %mul3A_2875 = arith.mulf %mul3A_2874, %broadcast_in_dim3A_2821 : vector<16xf32>
      %mul3A_2876 = arith.mulf %mul3A_2875, %get3A_2868 : vector<16xf32>
      %jit3A_2877 = arith.constant 0.000000e+00 : f32
      %broadcast_in_dim3A_2878 = vector.broadcast %jit3A_2877 : f32 to vector<16xf32>
      %select_n3A_2879 = arith.select %eq3A_2872, %mul3A_2876, %broadcast_in_dim3A_2878 : vector<16xi1>, vector<16xf32>
      %add3A_2880 = arith.addf %add3A_2861, %select_n3A_2879 : vector<16xf32>
      %get3A_2881 = arith.constant 12 : i32
      %get3A_2882 = arith.constant 4 : i32
      %get3A_2883 = arith.index_cast %get3A_2881 : i32 to index
      %get3A_2884 = arith.index_cast %get3A_2882 : i32 to index
      %get3A_2885 = arith.constant 48 : index
      %get3A_2886 = tpu.vector_load %arg7[%get3A_2883, %get3A_2884, %get3A_2885] {strides = array<i32>} : memref<16x8x128xf32, #tpu.memory_space<vmem>>, vector<1x1x16xf32>,
      %get3A_2887 = vector.shape_cast %get3A_2886 : vector<1x1x16xf32> to vector<16xf32>
      %add3A_2888 = arith.constant 48 : i32
      %add3A_2889 = vector.broadcast %add3A_2888 : i32 to vector<16xi32>
      %add3A_2890 = arith.addi %add3A_2889, %iota3A : vector<16xi32>
      %eq3A_2891 = arith.cmpi eq, %add3A_2890, %broadcast_in_dim3A_2823 : vector<16xi32>
      %mul3A_2892 = arith.constant -8.999990e-01 : f32
      %mul3A_2893 = vector.broadcast %mul3A_2892 : f32 to vector<16xf32>
      %mul3A_2894 = arith.mulf %mul3A_2893, %broadcast_in_dim3A_2821 : vector<16xf32>
      %mul3A_2895 = arith.mulf %mul3A_2894, %get3A_2887 : vector<16xf32>
      %jit3A_2896 = arith.constant 0.000000e+00 : f32
      %broadcast_in_dim3A_2897 = vector.broadcast %jit3A_2896 : f32 to vector<16xf32>
      %select_n3A_2898 = arith.select %eq3A_2891, %mul3A_2895, %broadcast_in_dim3A_2897 : vector<16xi1>, vector<16xf32>
      %add3A_2899 = arith.addf %add3A_2880, %select_n3A_2898 : vector<16xf32>
      %get3A_2900 = arith.constant 12 : i32
      %get3A_2901 = arith.constant 4 : i32
      %get3A_2902 = arith.index_cast %get3A_2900 : i32 to index
      %get3A_2903 = arith.index_cast %get3A_2901 : i32 to index
      %get3A_2904 = arith.constant 64 : index
      %get3A_2905 = tpu.vector_load %arg7[%get3A_2902, %get3A_2903, %get3A_2904] {strides = array<i32>} : memref<16x8x128xf32, #tpu.memory_space<vmem>>, vector<1x1x16xf32>,
      %get3A_2906 = vector.shape_cast %get3A_2905 : vector<1x1x16xf32> to vector<16xf32>
      %add3A_2907 = arith.constant 64 : i32
      %add3A_2908 = vector.broadcast %add3A_2907 : i32 to vector<16xi32>
      %add3A_2909 = arith.addi %add3A_2908, %iota3A : vector<16xi32>
      %eq3A_2910 = arith.cmpi eq, %add3A_2909, %broadcast_in_dim3A_2823 : vector<16xi32>
      %mul3A_2911 = arith.constant -8.999990e-01 : f32
      %mul3A_2912 = vector.broadcast %mul3A_2911 : f32 to vector<16xf32>
      %mul3A_2913 = arith.mulf %mul3A_2912, %broadcast_in_dim3A_2821 : vector<16xf32>
      %mul3A_2914 = arith.mulf %mul3A_2913, %get3A_2906 : vector<16xf32>
      %jit3A_2915 = arith.constant 0.000000e+00 : f32
      %broadcast_in_dim3A_2916 = vector.broadcast %jit3A_2915 : f32 to vector<16xf32>
      %select_n3A_2917 = arith.select %eq3A_2910, %mul3A_2914, %broadcast_in_dim3A_2916 : vector<16xi1>, vector<16xf32>
      %add3A_2918 = arith.addf %add3A_2899, %select_n3A_2917 : vector<16xf32>
      %get3A_2919 = arith.constant 12 : i32
      %get3A_2920 = arith.constant 4 : i32
      %get3A_2921 = arith.index_cast %get3A_2919 : i32 to index
      %get3A_2922 = arith.index_cast %get3A_2920 : i32 to index
      %get3A_2923 = arith.constant 80 : index
      %get3A_2924 = tpu.vector_load %arg7[%get3A_2921, %get3A_2922, %get3A_2923] {strides = array<i32>} : memref<16x8x128xf32, #tpu.memory_space<vmem>>, vector<1x1x16xf32>,
      %get3A_2925 = vector.shape_cast %get3A_2924 : vector<1x1x16xf32> to vector<16xf32>
      %add3A_2926 = arith.constant 80 : i32
      %add3A_2927 = vector.broadcast %add3A_2926 : i32 to vector<16xi32>
      %add3A_2928 = arith.addi %add3A_2927, %iota3A : vector<16xi32>
      %eq3A_2929 = arith.cmpi eq, %add3A_2928, %broadcast_in_dim3A_2823 : vector<16xi32>
      %mul3A_2930 = arith.constant -8.999990e-01 : f32
      %mul3A_2931 = vector.broadcast %mul3A_2930 : f32 to vector<16xf32>
      %mul3A_2932 = arith.mulf %mul3A_2931, %broadcast_in_dim3A_2821 : vector<16xf32>
      %mul3A_2933 = arith.mulf %mul3A_2932, %get3A_2925 : vector<16xf32>
      %jit3A_2934 = arith.constant 0.000000e+00 : f32
      %broadcast_in_dim3A_2935 = vector.broadcast %jit3A_2934 : f32 to vector<16xf32>
      %select_n3A_2936 = arith.select %eq3A_2929, %mul3A_2933, %broadcast_in_dim3A_2935 : vector<16xi1>, vector<16xf32>
      %add3A_2937 = arith.addf %add3A_2918, %select_n3A_2936 : vector<16xf32>
      %get3A_2938 = arith.constant 12 : i32
      %get3A_2939 = arith.constant 4 : i32
      %get3A_2940 = arith.index_cast %get3A_2938 : i32 to index
      %get3A_2941 = arith.index_cast %get3A_2939 : i32 to index
      %get3A_2942 = arith.constant 96 : index
      %get3A_2943 = tpu.vector_load %arg7[%get3A_2940, %get3A_2941, %get3A_2942] {strides = array<i32>} : memref<16x8x128xf32, #tpu.memory_space<vmem>>, vector<1x1x16xf32>,
      %get3A_2944 = vector.shape_cast %get3A_2943 : vector<1x1x16xf32> to vector<16xf32>
      %add3A_2945 = arith.constant 96 : i32
      %add3A_2946 = vector.broadcast %add3A_2945 : i32 to vector<16xi32>
      %add3A_2947 = arith.addi %add3A_2946, %iota3A : vector<16xi32>
      %eq3A_2948 = arith.cmpi eq, %add3A_2947, %broadcast_in_dim3A_2823 : vector<16xi32>
      %mul3A_2949 = arith.constant -8.999990e-01 : f32
      %mul3A_2950 = vector.broadcast %mul3A_2949 : f32 to vector<16xf32>
      %mul3A_2951 = arith.mulf %mul3A_2950, %broadcast_in_dim3A_2821 : vector<16xf32>
      %mul3A_2952 = arith.mulf %mul3A_2951, %get3A_2944 : vector<16xf32>
      %jit3A_2953 = arith.constant 0.000000e+00 : f32
      %broadcast_in_dim3A_2954 = vector.broadcast %jit3A_2953 : f32 to vector<16xf32>
      %select_n3A_2955 = arith.select %eq3A_2948, %mul3A_2952, %broadcast_in_dim3A_2954 : vector<16xi1>, vector<16xf32>
      %add3A_2956 = arith.addf %add3A_2937, %select_n3A_2955 : vector<16xf32>
      %get3A_2957 = arith.constant 12 : i32
      %get3A_2958 = arith.constant 4 : i32
      %get3A_2959 = arith.index_cast %get3A_2957 : i32 to index
      %get3A_2960 = arith.index_cast %get3A_2958 : i32 to index
      %get3A_2961 = arith.constant 112 : index
      %get3A_2962 = tpu.vector_load %arg7[%get3A_2959, %get3A_2960, %get3A_2961] {strides = array<i32>} : memref<16x8x128xf32, #tpu.memory_space<vmem>>, vector<1x1x16xf32>,
      %get3A_2963 = vector.shape_cast %get3A_2962 : vector<1x1x16xf32> to vector<16xf32>
      %add3A_2964 = arith.constant 112 : i32
      %add3A_2965 = vector.broadcast %add3A_2964 : i32 to vector<16xi32>
      %add3A_2966 = arith.addi %add3A_2965, %iota3A : vector<16xi32>
      %eq3A_2967 = arith.cmpi eq, %add3A_2966, %broadcast_in_dim3A_2823 : vector<16xi32>
      %mul3A_2968 = arith.constant -8.999990e-01 : f32
      %mul3A_2969 = vector.broadcast %mul3A_2968 : f32 to vector<16xf32>
      %mul3A_2970 = arith.mulf %mul3A_2969, %broadcast_in_dim3A_2821 : vector<16xf32>
      %mul3A_2971 = arith.mulf %mul3A_2970, %get3A_2963 : vector<16xf32>
      %jit3A_2972 = arith.constant 0.000000e+00 : f32
      %broadcast_in_dim3A_2973 = vector.broadcast %jit3A_2972 : f32 to vector<16xf32>
      %select_n3A_2974 = arith.select %eq3A_2967, %mul3A_2971, %broadcast_in_dim3A_2973 : vector<16xi1>, vector<16xf32>
      %add3A_2975 = arith.addf %add3A_2956, %select_n3A_2974 : vector<16xf32>
      %slice3A_2976 = vector.extract_strided_slice %get3A_15 {offsets = [13], sizes = [1], strides = [1]} : vector<16xi32> to vector<1xi32>
      %squeeze3A_2977 = vector.extract %slice3A_2976[0] : i32 from vector<1xi32>
      %ne3A_2978 = arith.constant 0 : i32
      %ne3A_2979 = arith.cmpi ne, %squeeze3A_2977, %ne3A_2978 : i32
      %jit3A_2980 = arith.constant 1.000000e+00 : f32
      %jit3A_2981 = arith.constant 0.000000e+00 : f32
      %select_n3A_2982 = arith.select %ne3A_2979, %jit3A_2980, %jit3A_2981 : f32
      %broadcast_in_dim3A_2983 = vector.broadcast %select_n3A_2982 : f32 to vector<16xf32>
      %sub3A_2984 = arith.subi %squeeze3A_2977, %min3A_593 : i32
      %broadcast_in_dim3A_2985 = vector.broadcast %sub3A_2984 : i32 to vector<16xi32>
      %get3A_2986 = arith.constant 13 : i32
      %get3A_2987 = arith.constant 5 : i32
      %get3A_2988 = arith.index_cast %get3A_2986 : i32 to index
      %get3A_2989 = arith.index_cast %get3A_2987 : i32 to index
      %get3A_2990 = arith.constant 0 : index
      %get3A_2991 = tpu.vector_load %arg7[%get3A_2988, %get3A_2989, %get3A_2990] {strides = array<i32>} : memref<16x8x128xf32, #tpu.memory_space<vmem>>, vector<1x1x16xf32>,
      %get3A_2992 = vector.shape_cast %get3A_2991 : vector<1x1x16xf32> to vector<16xf32>
      %add3A_2993 = arith.constant 0 : i32
      %add3A_2994 = vector.broadcast %add3A_2993 : i32 to vector<16xi32>
      %add3A_2995 = arith.addi %add3A_2994, %iota3A : vector<16xi32>
      %eq3A_2996 = arith.cmpi eq, %add3A_2995, %broadcast_in_dim3A_2985 : vector<16xi32>
      %mul3A_2997 = arith.constant -8.999990e-01 : f32
      %mul3A_2998 = vector.broadcast %mul3A_2997 : f32 to vector<16xf32>
      %mul3A_2999 = arith.mulf %mul3A_2998, %broadcast_in_dim3A_2983 : vector<16xf32>
      %mul3A_3000 = arith.mulf %mul3A_2999, %get3A_2992 : vector<16xf32>
      %jit3A_3001 = arith.constant 0.000000e+00 : f32
      %broadcast_in_dim3A_3002 = vector.broadcast %jit3A_3001 : f32 to vector<16xf32>
      %select_n3A_3003 = arith.select %eq3A_2996, %mul3A_3000, %broadcast_in_dim3A_3002 : vector<16xi1>, vector<16xf32>
      %add3A_3004 = arith.addf %add3A_2975, %select_n3A_3003 : vector<16xf32>
      %get3A_3005 = arith.constant 13 : i32
      %get3A_3006 = arith.constant 5 : i32
      %get3A_3007 = arith.index_cast %get3A_3005 : i32 to index
      %get3A_3008 = arith.index_cast %get3A_3006 : i32 to index
      %get3A_3009 = arith.constant 16 : index
      %get3A_3010 = tpu.vector_load %arg7[%get3A_3007, %get3A_3008, %get3A_3009] {strides = array<i32>} : memref<16x8x128xf32, #tpu.memory_space<vmem>>, vector<1x1x16xf32>,
      %get3A_3011 = vector.shape_cast %get3A_3010 : vector<1x1x16xf32> to vector<16xf32>
      %add3A_3012 = arith.constant 16 : i32
      %add3A_3013 = vector.broadcast %add3A_3012 : i32 to vector<16xi32>
      %add3A_3014 = arith.addi %add3A_3013, %iota3A : vector<16xi32>
      %eq3A_3015 = arith.cmpi eq, %add3A_3014, %broadcast_in_dim3A_2985 : vector<16xi32>
      %mul3A_3016 = arith.constant -8.999990e-01 : f32
      %mul3A_3017 = vector.broadcast %mul3A_3016 : f32 to vector<16xf32>
      %mul3A_3018 = arith.mulf %mul3A_3017, %broadcast_in_dim3A_2983 : vector<16xf32>
      %mul3A_3019 = arith.mulf %mul3A_3018, %get3A_3011 : vector<16xf32>
      %jit3A_3020 = arith.constant 0.000000e+00 : f32
      %broadcast_in_dim3A_3021 = vector.broadcast %jit3A_3020 : f32 to vector<16xf32>
      %select_n3A_3022 = arith.select %eq3A_3015, %mul3A_3019, %broadcast_in_dim3A_3021 : vector<16xi1>, vector<16xf32>
      %add3A_3023 = arith.addf %add3A_3004, %select_n3A_3022 : vector<16xf32>
      %get3A_3024 = arith.constant 13 : i32
      %get3A_3025 = arith.constant 5 : i32
      %get3A_3026 = arith.index_cast %get3A_3024 : i32 to index
      %get3A_3027 = arith.index_cast %get3A_3025 : i32 to index
      %get3A_3028 = arith.constant 32 : index
      %get3A_3029 = tpu.vector_load %arg7[%get3A_3026, %get3A_3027, %get3A_3028] {strides = array<i32>} : memref<16x8x128xf32, #tpu.memory_space<vmem>>, vector<1x1x16xf32>,
      %get3A_3030 = vector.shape_cast %get3A_3029 : vector<1x1x16xf32> to vector<16xf32>
      %add3A_3031 = arith.constant 32 : i32
      %add3A_3032 = vector.broadcast %add3A_3031 : i32 to vector<16xi32>
      %add3A_3033 = arith.addi %add3A_3032, %iota3A : vector<16xi32>
      %eq3A_3034 = arith.cmpi eq, %add3A_3033, %broadcast_in_dim3A_2985 : vector<16xi32>
      %mul3A_3035 = arith.constant -8.999990e-01 : f32
      %mul3A_3036 = vector.broadcast %mul3A_3035 : f32 to vector<16xf32>
      %mul3A_3037 = arith.mulf %mul3A_3036, %broadcast_in_dim3A_2983 : vector<16xf32>
      %mul3A_3038 = arith.mulf %mul3A_3037, %get3A_3030 : vector<16xf32>
      %jit3A_3039 = arith.constant 0.000000e+00 : f32
      %broadcast_in_dim3A_3040 = vector.broadcast %jit3A_3039 : f32 to vector<16xf32>
      %select_n3A_3041 = arith.select %eq3A_3034, %mul3A_3038, %broadcast_in_dim3A_3040 : vector<16xi1>, vector<16xf32>
      %add3A_3042 = arith.addf %add3A_3023, %select_n3A_3041 : vector<16xf32>
      %get3A_3043 = arith.constant 13 : i32
      %get3A_3044 = arith.constant 5 : i32
      %get3A_3045 = arith.index_cast %get3A_3043 : i32 to index
      %get3A_3046 = arith.index_cast %get3A_3044 : i32 to index
      %get3A_3047 = arith.constant 48 : index
      %get3A_3048 = tpu.vector_load %arg7[%get3A_3045, %get3A_3046, %get3A_3047] {strides = array<i32>} : memref<16x8x128xf32, #tpu.memory_space<vmem>>, vector<1x1x16xf32>,
      %get3A_3049 = vector.shape_cast %get3A_3048 : vector<1x1x16xf32> to vector<16xf32>
      %add3A_3050 = arith.constant 48 : i32
      %add3A_3051 = vector.broadcast %add3A_3050 : i32 to vector<16xi32>
      %add3A_3052 = arith.addi %add3A_3051, %iota3A : vector<16xi32>
      %eq3A_3053 = arith.cmpi eq, %add3A_3052, %broadcast_in_dim3A_2985 : vector<16xi32>
      %mul3A_3054 = arith.constant -8.999990e-01 : f32
      %mul3A_3055 = vector.broadcast %mul3A_3054 : f32 to vector<16xf32>
      %mul3A_3056 = arith.mulf %mul3A_3055, %broadcast_in_dim3A_2983 : vector<16xf32>
      %mul3A_3057 = arith.mulf %mul3A_3056, %get3A_3049 : vector<16xf32>
      %jit3A_3058 = arith.constant 0.000000e+00 : f32
      %broadcast_in_dim3A_3059 = vector.broadcast %jit3A_3058 : f32 to vector<16xf32>
      %select_n3A_3060 = arith.select %eq3A_3053, %mul3A_3057, %broadcast_in_dim3A_3059 : vector<16xi1>, vector<16xf32>
      %add3A_3061 = arith.addf %add3A_3042, %select_n3A_3060 : vector<16xf32>
      %get3A_3062 = arith.constant 13 : i32
      %get3A_3063 = arith.constant 5 : i32
      %get3A_3064 = arith.index_cast %get3A_3062 : i32 to index
      %get3A_3065 = arith.index_cast %get3A_3063 : i32 to index
      %get3A_3066 = arith.constant 64 : index
      %get3A_3067 = tpu.vector_load %arg7[%get3A_3064, %get3A_3065, %get3A_3066] {strides = array<i32>} : memref<16x8x128xf32, #tpu.memory_space<vmem>>, vector<1x1x16xf32>,
      %get3A_3068 = vector.shape_cast %get3A_3067 : vector<1x1x16xf32> to vector<16xf32>
      %add3A_3069 = arith.constant 64 : i32
      %add3A_3070 = vector.broadcast %add3A_3069 : i32 to vector<16xi32>
      %add3A_3071 = arith.addi %add3A_3070, %iota3A : vector<16xi32>
      %eq3A_3072 = arith.cmpi eq, %add3A_3071, %broadcast_in_dim3A_2985 : vector<16xi32>
      %mul3A_3073 = arith.constant -8.999990e-01 : f32
      %mul3A_3074 = vector.broadcast %mul3A_3073 : f32 to vector<16xf32>
      %mul3A_3075 = arith.mulf %mul3A_3074, %broadcast_in_dim3A_2983 : vector<16xf32>
      %mul3A_3076 = arith.mulf %mul3A_3075, %get3A_3068 : vector<16xf32>
      %jit3A_3077 = arith.constant 0.000000e+00 : f32
      %broadcast_in_dim3A_3078 = vector.broadcast %jit3A_3077 : f32 to vector<16xf32>
      %select_n3A_3079 = arith.select %eq3A_3072, %mul3A_3076, %broadcast_in_dim3A_3078 : vector<16xi1>, vector<16xf32>
      %add3A_3080 = arith.addf %add3A_3061, %select_n3A_3079 : vector<16xf32>
      %get3A_3081 = arith.constant 13 : i32
      %get3A_3082 = arith.constant 5 : i32
      %get3A_3083 = arith.index_cast %get3A_3081 : i32 to index
      %get3A_3084 = arith.index_cast %get3A_3082 : i32 to index
      %get3A_3085 = arith.constant 80 : index
      %get3A_3086 = tpu.vector_load %arg7[%get3A_3083, %get3A_3084, %get3A_3085] {strides = array<i32>} : memref<16x8x128xf32, #tpu.memory_space<vmem>>, vector<1x1x16xf32>,
      %get3A_3087 = vector.shape_cast %get3A_3086 : vector<1x1x16xf32> to vector<16xf32>
      %add3A_3088 = arith.constant 80 : i32
      %add3A_3089 = vector.broadcast %add3A_3088 : i32 to vector<16xi32>
      %add3A_3090 = arith.addi %add3A_3089, %iota3A : vector<16xi32>
      %eq3A_3091 = arith.cmpi eq, %add3A_3090, %broadcast_in_dim3A_2985 : vector<16xi32>
      %mul3A_3092 = arith.constant -8.999990e-01 : f32
      %mul3A_3093 = vector.broadcast %mul3A_3092 : f32 to vector<16xf32>
      %mul3A_3094 = arith.mulf %mul3A_3093, %broadcast_in_dim3A_2983 : vector<16xf32>
      %mul3A_3095 = arith.mulf %mul3A_3094, %get3A_3087 : vector<16xf32>
      %jit3A_3096 = arith.constant 0.000000e+00 : f32
      %broadcast_in_dim3A_3097 = vector.broadcast %jit3A_3096 : f32 to vector<16xf32>
      %select_n3A_3098 = arith.select %eq3A_3091, %mul3A_3095, %broadcast_in_dim3A_3097 : vector<16xi1>, vector<16xf32>
      %add3A_3099 = arith.addf %add3A_3080, %select_n3A_3098 : vector<16xf32>
      %get3A_3100 = arith.constant 13 : i32
      %get3A_3101 = arith.constant 5 : i32
      %get3A_3102 = arith.index_cast %get3A_3100 : i32 to index
      %get3A_3103 = arith.index_cast %get3A_3101 : i32 to index
      %get3A_3104 = arith.constant 96 : index
      %get3A_3105 = tpu.vector_load %arg7[%get3A_3102, %get3A_3103, %get3A_3104] {strides = array<i32>} : memref<16x8x128xf32, #tpu.memory_space<vmem>>, vector<1x1x16xf32>,
      %get3A_3106 = vector.shape_cast %get3A_3105 : vector<1x1x16xf32> to vector<16xf32>
      %add3A_3107 = arith.constant 96 : i32
      %add3A_3108 = vector.broadcast %add3A_3107 : i32 to vector<16xi32>
      %add3A_3109 = arith.addi %add3A_3108, %iota3A : vector<16xi32>
      %eq3A_3110 = arith.cmpi eq, %add3A_3109, %broadcast_in_dim3A_2985 : vector<16xi32>
      %mul3A_3111 = arith.constant -8.999990e-01 : f32
      %mul3A_3112 = vector.broadcast %mul3A_3111 : f32 to vector<16xf32>
      %mul3A_3113 = arith.mulf %mul3A_3112, %broadcast_in_dim3A_2983 : vector<16xf32>
      %mul3A_3114 = arith.mulf %mul3A_3113, %get3A_3106 : vector<16xf32>
      %jit3A_3115 = arith.constant 0.000000e+00 : f32
      %broadcast_in_dim3A_3116 = vector.broadcast %jit3A_3115 : f32 to vector<16xf32>
      %select_n3A_3117 = arith.select %eq3A_3110, %mul3A_3114, %broadcast_in_dim3A_3116 : vector<16xi1>, vector<16xf32>
      %add3A_3118 = arith.addf %add3A_3099, %select_n3A_3117 : vector<16xf32>
      %get3A_3119 = arith.constant 13 : i32
      %get3A_3120 = arith.constant 5 : i32
      %get3A_3121 = arith.index_cast %get3A_3119 : i32 to index
      %get3A_3122 = arith.index_cast %get3A_3120 : i32 to index
      %get3A_3123 = arith.constant 112 : index
      %get3A_3124 = tpu.vector_load %arg7[%get3A_3121, %get3A_3122, %get3A_3123] {strides = array<i32>} : memref<16x8x128xf32, #tpu.memory_space<vmem>>, vector<1x1x16xf32>,
      %get3A_3125 = vector.shape_cast %get3A_3124 : vector<1x1x16xf32> to vector<16xf32>
      %add3A_3126 = arith.constant 112 : i32
      %add3A_3127 = vector.broadcast %add3A_3126 : i32 to vector<16xi32>
      %add3A_3128 = arith.addi %add3A_3127, %iota3A : vector<16xi32>
      %eq3A_3129 = arith.cmpi eq, %add3A_3128, %broadcast_in_dim3A_2985 : vector<16xi32>
      %mul3A_3130 = arith.constant -8.999990e-01 : f32
      %mul3A_3131 = vector.broadcast %mul3A_3130 : f32 to vector<16xf32>
      %mul3A_3132 = arith.mulf %mul3A_3131, %broadcast_in_dim3A_2983 : vector<16xf32>
      %mul3A_3133 = arith.mulf %mul3A_3132, %get3A_3125 : vector<16xf32>
      %jit3A_3134 = arith.constant 0.000000e+00 : f32
      %broadcast_in_dim3A_3135 = vector.broadcast %jit3A_3134 : f32 to vector<16xf32>
      %select_n3A_3136 = arith.select %eq3A_3129, %mul3A_3133, %broadcast_in_dim3A_3135 : vector<16xi1>, vector<16xf32>
      %add3A_3137 = arith.addf %add3A_3118, %select_n3A_3136 : vector<16xf32>
      %slice3A_3138 = vector.extract_strided_slice %get3A_15 {offsets = [14], sizes = [1], strides = [1]} : vector<16xi32> to vector<1xi32>
      %squeeze3A_3139 = vector.extract %slice3A_3138[0] : i32 from vector<1xi32>
      %ne3A_3140 = arith.constant 0 : i32
      %ne3A_3141 = arith.cmpi ne, %squeeze3A_3139, %ne3A_3140 : i32
      %jit3A_3142 = arith.constant 1.000000e+00 : f32
      %jit3A_3143 = arith.constant 0.000000e+00 : f32
      %select_n3A_3144 = arith.select %ne3A_3141, %jit3A_3142, %jit3A_3143 : f32
      %broadcast_in_dim3A_3145 = vector.broadcast %select_n3A_3144 : f32 to vector<16xf32>
      %sub3A_3146 = arith.subi %squeeze3A_3139, %min3A_636 : i32
      %broadcast_in_dim3A_3147 = vector.broadcast %sub3A_3146 : i32 to vector<16xi32>
      %get3A_3148 = arith.constant 14 : i32
      %get3A_3149 = arith.constant 6 : i32
      %get3A_3150 = arith.index_cast %get3A_3148 : i32 to index
      %get3A_3151 = arith.index_cast %get3A_3149 : i32 to index
      %get3A_3152 = arith.constant 0 : index
      %get3A_3153 = tpu.vector_load %arg7[%get3A_3150, %get3A_3151, %get3A_3152] {strides = array<i32>} : memref<16x8x128xf32, #tpu.memory_space<vmem>>, vector<1x1x16xf32>,
      %get3A_3154 = vector.shape_cast %get3A_3153 : vector<1x1x16xf32> to vector<16xf32>
      %add3A_3155 = arith.constant 0 : i32
      %add3A_3156 = vector.broadcast %add3A_3155 : i32 to vector<16xi32>
      %add3A_3157 = arith.addi %add3A_3156, %iota3A : vector<16xi32>
      %eq3A_3158 = arith.cmpi eq, %add3A_3157, %broadcast_in_dim3A_3147 : vector<16xi32>
      %mul3A_3159 = arith.constant -8.999990e-01 : f32
      %mul3A_3160 = vector.broadcast %mul3A_3159 : f32 to vector<16xf32>
      %mul3A_3161 = arith.mulf %mul3A_3160, %broadcast_in_dim3A_3145 : vector<16xf32>
      %mul3A_3162 = arith.mulf %mul3A_3161, %get3A_3154 : vector<16xf32>
      %jit3A_3163 = arith.constant 0.000000e+00 : f32
      %broadcast_in_dim3A_3164 = vector.broadcast %jit3A_3163 : f32 to vector<16xf32>
      %select_n3A_3165 = arith.select %eq3A_3158, %mul3A_3162, %broadcast_in_dim3A_3164 : vector<16xi1>, vector<16xf32>
      %add3A_3166 = arith.addf %add3A_3137, %select_n3A_3165 : vector<16xf32>
      %get3A_3167 = arith.constant 14 : i32
      %get3A_3168 = arith.constant 6 : i32
      %get3A_3169 = arith.index_cast %get3A_3167 : i32 to index
      %get3A_3170 = arith.index_cast %get3A_3168 : i32 to index
      %get3A_3171 = arith.constant 16 : index
      %get3A_3172 = tpu.vector_load %arg7[%get3A_3169, %get3A_3170, %get3A_3171] {strides = array<i32>} : memref<16x8x128xf32, #tpu.memory_space<vmem>>, vector<1x1x16xf32>,
      %get3A_3173 = vector.shape_cast %get3A_3172 : vector<1x1x16xf32> to vector<16xf32>
      %add3A_3174 = arith.constant 16 : i32
      %add3A_3175 = vector.broadcast %add3A_3174 : i32 to vector<16xi32>
      %add3A_3176 = arith.addi %add3A_3175, %iota3A : vector<16xi32>
      %eq3A_3177 = arith.cmpi eq, %add3A_3176, %broadcast_in_dim3A_3147 : vector<16xi32>
      %mul3A_3178 = arith.constant -8.999990e-01 : f32
      %mul3A_3179 = vector.broadcast %mul3A_3178 : f32 to vector<16xf32>
      %mul3A_3180 = arith.mulf %mul3A_3179, %broadcast_in_dim3A_3145 : vector<16xf32>
      %mul3A_3181 = arith.mulf %mul3A_3180, %get3A_3173 : vector<16xf32>
      %jit3A_3182 = arith.constant 0.000000e+00 : f32
      %broadcast_in_dim3A_3183 = vector.broadcast %jit3A_3182 : f32 to vector<16xf32>
      %select_n3A_3184 = arith.select %eq3A_3177, %mul3A_3181, %broadcast_in_dim3A_3183 : vector<16xi1>, vector<16xf32>
      %add3A_3185 = arith.addf %add3A_3166, %select_n3A_3184 : vector<16xf32>
      %get3A_3186 = arith.constant 14 : i32
      %get3A_3187 = arith.constant 6 : i32
      %get3A_3188 = arith.index_cast %get3A_3186 : i32 to index
      %get3A_3189 = arith.index_cast %get3A_3187 : i32 to index
      %get3A_3190 = arith.constant 32 : index
      %get3A_3191 = tpu.vector_load %arg7[%get3A_3188, %get3A_3189, %get3A_3190] {strides = array<i32>} : memref<16x8x128xf32, #tpu.memory_space<vmem>>, vector<1x1x16xf32>,
      %get3A_3192 = vector.shape_cast %get3A_3191 : vector<1x1x16xf32> to vector<16xf32>
      %add3A_3193 = arith.constant 32 : i32
      %add3A_3194 = vector.broadcast %add3A_3193 : i32 to vector<16xi32>
      %add3A_3195 = arith.addi %add3A_3194, %iota3A : vector<16xi32>
      %eq3A_3196 = arith.cmpi eq, %add3A_3195, %broadcast_in_dim3A_3147 : vector<16xi32>
      %mul3A_3197 = arith.constant -8.999990e-01 : f32
      %mul3A_3198 = vector.broadcast %mul3A_3197 : f32 to vector<16xf32>
      %mul3A_3199 = arith.mulf %mul3A_3198, %broadcast_in_dim3A_3145 : vector<16xf32>
      %mul3A_3200 = arith.mulf %mul3A_3199, %get3A_3192 : vector<16xf32>
      %jit3A_3201 = arith.constant 0.000000e+00 : f32
      %broadcast_in_dim3A_3202 = vector.broadcast %jit3A_3201 : f32 to vector<16xf32>
      %select_n3A_3203 = arith.select %eq3A_3196, %mul3A_3200, %broadcast_in_dim3A_3202 : vector<16xi1>, vector<16xf32>
      %add3A_3204 = arith.addf %add3A_3185, %select_n3A_3203 : vector<16xf32>
      %get3A_3205 = arith.constant 14 : i32
      %get3A_3206 = arith.constant 6 : i32
      %get3A_3207 = arith.index_cast %get3A_3205 : i32 to index
      %get3A_3208 = arith.index_cast %get3A_3206 : i32 to index
      %get3A_3209 = arith.constant 48 : index
      %get3A_3210 = tpu.vector_load %arg7[%get3A_3207, %get3A_3208, %get3A_3209] {strides = array<i32>} : memref<16x8x128xf32, #tpu.memory_space<vmem>>, vector<1x1x16xf32>,
      %get3A_3211 = vector.shape_cast %get3A_3210 : vector<1x1x16xf32> to vector<16xf32>
      %add3A_3212 = arith.constant 48 : i32
      %add3A_3213 = vector.broadcast %add3A_3212 : i32 to vector<16xi32>
      %add3A_3214 = arith.addi %add3A_3213, %iota3A : vector<16xi32>
      %eq3A_3215 = arith.cmpi eq, %add3A_3214, %broadcast_in_dim3A_3147 : vector<16xi32>
      %mul3A_3216 = arith.constant -8.999990e-01 : f32
      %mul3A_3217 = vector.broadcast %mul3A_3216 : f32 to vector<16xf32>
      %mul3A_3218 = arith.mulf %mul3A_3217, %broadcast_in_dim3A_3145 : vector<16xf32>
      %mul3A_3219 = arith.mulf %mul3A_3218, %get3A_3211 : vector<16xf32>
      %jit3A_3220 = arith.constant 0.000000e+00 : f32
      %broadcast_in_dim3A_3221 = vector.broadcast %jit3A_3220 : f32 to vector<16xf32>
      %select_n3A_3222 = arith.select %eq3A_3215, %mul3A_3219, %broadcast_in_dim3A_3221 : vector<16xi1>, vector<16xf32>
      %add3A_3223 = arith.addf %add3A_3204, %select_n3A_3222 : vector<16xf32>
      %get3A_3224 = arith.constant 14 : i32
      %get3A_3225 = arith.constant 6 : i32
      %get3A_3226 = arith.index_cast %get3A_3224 : i32 to index
      %get3A_3227 = arith.index_cast %get3A_3225 : i32 to index
      %get3A_3228 = arith.constant 64 : index
      %get3A_3229 = tpu.vector_load %arg7[%get3A_3226, %get3A_3227, %get3A_3228] {strides = array<i32>} : memref<16x8x128xf32, #tpu.memory_space<vmem>>, vector<1x1x16xf32>,
      %get3A_3230 = vector.shape_cast %get3A_3229 : vector<1x1x16xf32> to vector<16xf32>
      %add3A_3231 = arith.constant 64 : i32
      %add3A_3232 = vector.broadcast %add3A_3231 : i32 to vector<16xi32>
      %add3A_3233 = arith.addi %add3A_3232, %iota3A : vector<16xi32>
      %eq3A_3234 = arith.cmpi eq, %add3A_3233, %broadcast_in_dim3A_3147 : vector<16xi32>
      %mul3A_3235 = arith.constant -8.999990e-01 : f32
      %mul3A_3236 = vector.broadcast %mul3A_3235 : f32 to vector<16xf32>
      %mul3A_3237 = arith.mulf %mul3A_3236, %broadcast_in_dim3A_3145 : vector<16xf32>
      %mul3A_3238 = arith.mulf %mul3A_3237, %get3A_3230 : vector<16xf32>
      %jit3A_3239 = arith.constant 0.000000e+00 : f32
      %broadcast_in_dim3A_3240 = vector.broadcast %jit3A_3239 : f32 to vector<16xf32>
      %select_n3A_3241 = arith.select %eq3A_3234, %mul3A_3238, %broadcast_in_dim3A_3240 : vector<16xi1>, vector<16xf32>
      %add3A_3242 = arith.addf %add3A_3223, %select_n3A_3241 : vector<16xf32>
      %get3A_3243 = arith.constant 14 : i32
      %get3A_3244 = arith.constant 6 : i32
      %get3A_3245 = arith.index_cast %get3A_3243 : i32 to index
      %get3A_3246 = arith.index_cast %get3A_3244 : i32 to index
      %get3A_3247 = arith.constant 80 : index
      %get3A_3248 = tpu.vector_load %arg7[%get3A_3245, %get3A_3246, %get3A_3247] {strides = array<i32>} : memref<16x8x128xf32, #tpu.memory_space<vmem>>, vector<1x1x16xf32>,
      %get3A_3249 = vector.shape_cast %get3A_3248 : vector<1x1x16xf32> to vector<16xf32>
      %add3A_3250 = arith.constant 80 : i32
      %add3A_3251 = vector.broadcast %add3A_3250 : i32 to vector<16xi32>
      %add3A_3252 = arith.addi %add3A_3251, %iota3A : vector<16xi32>
      %eq3A_3253 = arith.cmpi eq, %add3A_3252, %broadcast_in_dim3A_3147 : vector<16xi32>
      %mul3A_3254 = arith.constant -8.999990e-01 : f32
      %mul3A_3255 = vector.broadcast %mul3A_3254 : f32 to vector<16xf32>
      %mul3A_3256 = arith.mulf %mul3A_3255, %broadcast_in_dim3A_3145 : vector<16xf32>
      %mul3A_3257 = arith.mulf %mul3A_3256, %get3A_3249 : vector<16xf32>
      %jit3A_3258 = arith.constant 0.000000e+00 : f32
      %broadcast_in_dim3A_3259 = vector.broadcast %jit3A_3258 : f32 to vector<16xf32>
      %select_n3A_3260 = arith.select %eq3A_3253, %mul3A_3257, %broadcast_in_dim3A_3259 : vector<16xi1>, vector<16xf32>
      %add3A_3261 = arith.addf %add3A_3242, %select_n3A_3260 : vector<16xf32>
      %get3A_3262 = arith.constant 14 : i32
      %get3A_3263 = arith.constant 6 : i32
      %get3A_3264 = arith.index_cast %get3A_3262 : i32 to index
      %get3A_3265 = arith.index_cast %get3A_3263 : i32 to index
      %get3A_3266 = arith.constant 96 : index
      %get3A_3267 = tpu.vector_load %arg7[%get3A_3264, %get3A_3265, %get3A_3266] {strides = array<i32>} : memref<16x8x128xf32, #tpu.memory_space<vmem>>, vector<1x1x16xf32>,
      %get3A_3268 = vector.shape_cast %get3A_3267 : vector<1x1x16xf32> to vector<16xf32>
      %add3A_3269 = arith.constant 96 : i32
      %add3A_3270 = vector.broadcast %add3A_3269 : i32 to vector<16xi32>
      %add3A_3271 = arith.addi %add3A_3270, %iota3A : vector<16xi32>
      %eq3A_3272 = arith.cmpi eq, %add3A_3271, %broadcast_in_dim3A_3147 : vector<16xi32>
      %mul3A_3273 = arith.constant -8.999990e-01 : f32
      %mul3A_3274 = vector.broadcast %mul3A_3273 : f32 to vector<16xf32>
      %mul3A_3275 = arith.mulf %mul3A_3274, %broadcast_in_dim3A_3145 : vector<16xf32>
      %mul3A_3276 = arith.mulf %mul3A_3275, %get3A_3268 : vector<16xf32>
      %jit3A_3277 = arith.constant 0.000000e+00 : f32
      %broadcast_in_dim3A_3278 = vector.broadcast %jit3A_3277 : f32 to vector<16xf32>
      %select_n3A_3279 = arith.select %eq3A_3272, %mul3A_3276, %broadcast_in_dim3A_3278 : vector<16xi1>, vector<16xf32>
      %add3A_3280 = arith.addf %add3A_3261, %select_n3A_3279 : vector<16xf32>
      %get3A_3281 = arith.constant 14 : i32
      %get3A_3282 = arith.constant 6 : i32
      %get3A_3283 = arith.index_cast %get3A_3281 : i32 to index
      %get3A_3284 = arith.index_cast %get3A_3282 : i32 to index
      %get3A_3285 = arith.constant 112 : index
      %get3A_3286 = tpu.vector_load %arg7[%get3A_3283, %get3A_3284, %get3A_3285] {strides = array<i32>} : memref<16x8x128xf32, #tpu.memory_space<vmem>>, vector<1x1x16xf32>,
      %get3A_3287 = vector.shape_cast %get3A_3286 : vector<1x1x16xf32> to vector<16xf32>
      %add3A_3288 = arith.constant 112 : i32
      %add3A_3289 = vector.broadcast %add3A_3288 : i32 to vector<16xi32>
      %add3A_3290 = arith.addi %add3A_3289, %iota3A : vector<16xi32>
      %eq3A_3291 = arith.cmpi eq, %add3A_3290, %broadcast_in_dim3A_3147 : vector<16xi32>
      %mul3A_3292 = arith.constant -8.999990e-01 : f32
      %mul3A_3293 = vector.broadcast %mul3A_3292 : f32 to vector<16xf32>
      %mul3A_3294 = arith.mulf %mul3A_3293, %broadcast_in_dim3A_3145 : vector<16xf32>
      %mul3A_3295 = arith.mulf %mul3A_3294, %get3A_3287 : vector<16xf32>
      %jit3A_3296 = arith.constant 0.000000e+00 : f32
      %broadcast_in_dim3A_3297 = vector.broadcast %jit3A_3296 : f32 to vector<16xf32>
      %select_n3A_3298 = arith.select %eq3A_3291, %mul3A_3295, %broadcast_in_dim3A_3297 : vector<16xi1>, vector<16xf32>
      %add3A_3299 = arith.addf %add3A_3280, %select_n3A_3298 : vector<16xf32>
      %slice3A_3300 = vector.extract_strided_slice %get3A_15 {offsets = [15], sizes = [1], strides = [1]} : vector<16xi32> to vector<1xi32>
      %squeeze3A_3301 = vector.extract %slice3A_3300[0] : i32 from vector<1xi32>
      %ne3A_3302 = arith.constant 0 : i32
      %ne3A_3303 = arith.cmpi ne, %squeeze3A_3301, %ne3A_3302 : i32
      %jit3A_3304 = arith.constant 1.000000e+00 : f32
      %jit3A_3305 = arith.constant 0.000000e+00 : f32
      %select_n3A_3306 = arith.select %ne3A_3303, %jit3A_3304, %jit3A_3305 : f32
      %broadcast_in_dim3A_3307 = vector.broadcast %select_n3A_3306 : f32 to vector<16xf32>
      %sub3A_3308 = arith.subi %squeeze3A_3301, %min3A_679 : i32
      %broadcast_in_dim3A_3309 = vector.broadcast %sub3A_3308 : i32 to vector<16xi32>
      %get3A_3310 = arith.constant 15 : i32
      %get3A_3311 = arith.constant 7 : i32
      %get3A_3312 = arith.index_cast %get3A_3310 : i32 to index
      %get3A_3313 = arith.index_cast %get3A_3311 : i32 to index
      %get3A_3314 = arith.constant 0 : index
      %get3A_3315 = tpu.vector_load %arg7[%get3A_3312, %get3A_3313, %get3A_3314] {strides = array<i32>} : memref<16x8x128xf32, #tpu.memory_space<vmem>>, vector<1x1x16xf32>,
      %get3A_3316 = vector.shape_cast %get3A_3315 : vector<1x1x16xf32> to vector<16xf32>
      %add3A_3317 = arith.constant 0 : i32
      %add3A_3318 = vector.broadcast %add3A_3317 : i32 to vector<16xi32>
      %add3A_3319 = arith.addi %add3A_3318, %iota3A : vector<16xi32>
      %eq3A_3320 = arith.cmpi eq, %add3A_3319, %broadcast_in_dim3A_3309 : vector<16xi32>
      %mul3A_3321 = arith.constant -8.999990e-01 : f32
      %mul3A_3322 = vector.broadcast %mul3A_3321 : f32 to vector<16xf32>
      %mul3A_3323 = arith.mulf %mul3A_3322, %broadcast_in_dim3A_3307 : vector<16xf32>
      %mul3A_3324 = arith.mulf %mul3A_3323, %get3A_3316 : vector<16xf32>
      %jit3A_3325 = arith.constant 0.000000e+00 : f32
      %broadcast_in_dim3A_3326 = vector.broadcast %jit3A_3325 : f32 to vector<16xf32>
      %select_n3A_3327 = arith.select %eq3A_3320, %mul3A_3324, %broadcast_in_dim3A_3326 : vector<16xi1>, vector<16xf32>
      %add3A_3328 = arith.addf %add3A_3299, %select_n3A_3327 : vector<16xf32>
      %get3A_3329 = arith.constant 15 : i32
      %get3A_3330 = arith.constant 7 : i32
      %get3A_3331 = arith.index_cast %get3A_3329 : i32 to index
      %get3A_3332 = arith.index_cast %get3A_3330 : i32 to index
      %get3A_3333 = arith.constant 16 : index
      %get3A_3334 = tpu.vector_load %arg7[%get3A_3331, %get3A_3332, %get3A_3333] {strides = array<i32>} : memref<16x8x128xf32, #tpu.memory_space<vmem>>, vector<1x1x16xf32>,
      %get3A_3335 = vector.shape_cast %get3A_3334 : vector<1x1x16xf32> to vector<16xf32>
      %add3A_3336 = arith.constant 16 : i32
      %add3A_3337 = vector.broadcast %add3A_3336 : i32 to vector<16xi32>
      %add3A_3338 = arith.addi %add3A_3337, %iota3A : vector<16xi32>
      %eq3A_3339 = arith.cmpi eq, %add3A_3338, %broadcast_in_dim3A_3309 : vector<16xi32>
      %mul3A_3340 = arith.constant -8.999990e-01 : f32
      %mul3A_3341 = vector.broadcast %mul3A_3340 : f32 to vector<16xf32>
      %mul3A_3342 = arith.mulf %mul3A_3341, %broadcast_in_dim3A_3307 : vector<16xf32>
      %mul3A_3343 = arith.mulf %mul3A_3342, %get3A_3335 : vector<16xf32>
      %jit3A_3344 = arith.constant 0.000000e+00 : f32
      %broadcast_in_dim3A_3345 = vector.broadcast %jit3A_3344 : f32 to vector<16xf32>
      %select_n3A_3346 = arith.select %eq3A_3339, %mul3A_3343, %broadcast_in_dim3A_3345 : vector<16xi1>, vector<16xf32>
      %add3A_3347 = arith.addf %add3A_3328, %select_n3A_3346 : vector<16xf32>
      %get3A_3348 = arith.constant 15 : i32
      %get3A_3349 = arith.constant 7 : i32
      %get3A_3350 = arith.index_cast %get3A_3348 : i32 to index
      %get3A_3351 = arith.index_cast %get3A_3349 : i32 to index
      %get3A_3352 = arith.constant 32 : index
      %get3A_3353 = tpu.vector_load %arg7[%get3A_3350, %get3A_3351, %get3A_3352] {strides = array<i32>} : memref<16x8x128xf32, #tpu.memory_space<vmem>>, vector<1x1x16xf32>,
      %get3A_3354 = vector.shape_cast %get3A_3353 : vector<1x1x16xf32> to vector<16xf32>
      %add3A_3355 = arith.constant 32 : i32
      %add3A_3356 = vector.broadcast %add3A_3355 : i32 to vector<16xi32>
      %add3A_3357 = arith.addi %add3A_3356, %iota3A : vector<16xi32>
      %eq3A_3358 = arith.cmpi eq, %add3A_3357, %broadcast_in_dim3A_3309 : vector<16xi32>
      %mul3A_3359 = arith.constant -8.999990e-01 : f32
      %mul3A_3360 = vector.broadcast %mul3A_3359 : f32 to vector<16xf32>
      %mul3A_3361 = arith.mulf %mul3A_3360, %broadcast_in_dim3A_3307 : vector<16xf32>
      %mul3A_3362 = arith.mulf %mul3A_3361, %get3A_3354 : vector<16xf32>
      %jit3A_3363 = arith.constant 0.000000e+00 : f32
      %broadcast_in_dim3A_3364 = vector.broadcast %jit3A_3363 : f32 to vector<16xf32>
      %select_n3A_3365 = arith.select %eq3A_3358, %mul3A_3362, %broadcast_in_dim3A_3364 : vector<16xi1>, vector<16xf32>
      %add3A_3366 = arith.addf %add3A_3347, %select_n3A_3365 : vector<16xf32>
      %get3A_3367 = arith.constant 15 : i32
      %get3A_3368 = arith.constant 7 : i32
      %get3A_3369 = arith.index_cast %get3A_3367 : i32 to index
      %get3A_3370 = arith.index_cast %get3A_3368 : i32 to index
      %get3A_3371 = arith.constant 48 : index
      %get3A_3372 = tpu.vector_load %arg7[%get3A_3369, %get3A_3370, %get3A_3371] {strides = array<i32>} : memref<16x8x128xf32, #tpu.memory_space<vmem>>, vector<1x1x16xf32>,
      %get3A_3373 = vector.shape_cast %get3A_3372 : vector<1x1x16xf32> to vector<16xf32>
      %add3A_3374 = arith.constant 48 : i32
      %add3A_3375 = vector.broadcast %add3A_3374 : i32 to vector<16xi32>
      %add3A_3376 = arith.addi %add3A_3375, %iota3A : vector<16xi32>
      %eq3A_3377 = arith.cmpi eq, %add3A_3376, %broadcast_in_dim3A_3309 : vector<16xi32>
      %mul3A_3378 = arith.constant -8.999990e-01 : f32
      %mul3A_3379 = vector.broadcast %mul3A_3378 : f32 to vector<16xf32>
      %mul3A_3380 = arith.mulf %mul3A_3379, %broadcast_in_dim3A_3307 : vector<16xf32>
      %mul3A_3381 = arith.mulf %mul3A_3380, %get3A_3373 : vector<16xf32>
      %jit3A_3382 = arith.constant 0.000000e+00 : f32
      %broadcast_in_dim3A_3383 = vector.broadcast %jit3A_3382 : f32 to vector<16xf32>
      %select_n3A_3384 = arith.select %eq3A_3377, %mul3A_3381, %broadcast_in_dim3A_3383 : vector<16xi1>, vector<16xf32>
      %add3A_3385 = arith.addf %add3A_3366, %select_n3A_3384 : vector<16xf32>
      %get3A_3386 = arith.constant 15 : i32
      %get3A_3387 = arith.constant 7 : i32
      %get3A_3388 = arith.index_cast %get3A_3386 : i32 to index
      %get3A_3389 = arith.index_cast %get3A_3387 : i32 to index
      %get3A_3390 = arith.constant 64 : index
      %get3A_3391 = tpu.vector_load %arg7[%get3A_3388, %get3A_3389, %get3A_3390] {strides = array<i32>} : memref<16x8x128xf32, #tpu.memory_space<vmem>>, vector<1x1x16xf32>,
      %get3A_3392 = vector.shape_cast %get3A_3391 : vector<1x1x16xf32> to vector<16xf32>
      %add3A_3393 = arith.constant 64 : i32
      %add3A_3394 = vector.broadcast %add3A_3393 : i32 to vector<16xi32>
      %add3A_3395 = arith.addi %add3A_3394, %iota3A : vector<16xi32>
      %eq3A_3396 = arith.cmpi eq, %add3A_3395, %broadcast_in_dim3A_3309 : vector<16xi32>
      %mul3A_3397 = arith.constant -8.999990e-01 : f32
      %mul3A_3398 = vector.broadcast %mul3A_3397 : f32 to vector<16xf32>
      %mul3A_3399 = arith.mulf %mul3A_3398, %broadcast_in_dim3A_3307 : vector<16xf32>
      %mul3A_3400 = arith.mulf %mul3A_3399, %get3A_3392 : vector<16xf32>
      %jit3A_3401 = arith.constant 0.000000e+00 : f32
      %broadcast_in_dim3A_3402 = vector.broadcast %jit3A_3401 : f32 to vector<16xf32>
      %select_n3A_3403 = arith.select %eq3A_3396, %mul3A_3400, %broadcast_in_dim3A_3402 : vector<16xi1>, vector<16xf32>
      %add3A_3404 = arith.addf %add3A_3385, %select_n3A_3403 : vector<16xf32>
      %get3A_3405 = arith.constant 15 : i32
      %get3A_3406 = arith.constant 7 : i32
      %get3A_3407 = arith.index_cast %get3A_3405 : i32 to index
      %get3A_3408 = arith.index_cast %get3A_3406 : i32 to index
      %get3A_3409 = arith.constant 80 : index
      %get3A_3410 = tpu.vector_load %arg7[%get3A_3407, %get3A_3408, %get3A_3409] {strides = array<i32>} : memref<16x8x128xf32, #tpu.memory_space<vmem>>, vector<1x1x16xf32>,
      %get3A_3411 = vector.shape_cast %get3A_3410 : vector<1x1x16xf32> to vector<16xf32>
      %add3A_3412 = arith.constant 80 : i32
      %add3A_3413 = vector.broadcast %add3A_3412 : i32 to vector<16xi32>
      %add3A_3414 = arith.addi %add3A_3413, %iota3A : vector<16xi32>
      %eq3A_3415 = arith.cmpi eq, %add3A_3414, %broadcast_in_dim3A_3309 : vector<16xi32>
      %mul3A_3416 = arith.constant -8.999990e-01 : f32
      %mul3A_3417 = vector.broadcast %mul3A_3416 : f32 to vector<16xf32>
      %mul3A_3418 = arith.mulf %mul3A_3417, %broadcast_in_dim3A_3307 : vector<16xf32>
      %mul3A_3419 = arith.mulf %mul3A_3418, %get3A_3411 : vector<16xf32>
      %jit3A_3420 = arith.constant 0.000000e+00 : f32
      %broadcast_in_dim3A_3421 = vector.broadcast %jit3A_3420 : f32 to vector<16xf32>
      %select_n3A_3422 = arith.select %eq3A_3415, %mul3A_3419, %broadcast_in_dim3A_3421 : vector<16xi1>, vector<16xf32>
      %add3A_3423 = arith.addf %add3A_3404, %select_n3A_3422 : vector<16xf32>
      %get3A_3424 = arith.constant 15 : i32
      %get3A_3425 = arith.constant 7 : i32
      %get3A_3426 = arith.index_cast %get3A_3424 : i32 to index
      %get3A_3427 = arith.index_cast %get3A_3425 : i32 to index
      %get3A_3428 = arith.constant 96 : index
      %get3A_3429 = tpu.vector_load %arg7[%get3A_3426, %get3A_3427, %get3A_3428] {strides = array<i32>} : memref<16x8x128xf32, #tpu.memory_space<vmem>>, vector<1x1x16xf32>,
      %get3A_3430 = vector.shape_cast %get3A_3429 : vector<1x1x16xf32> to vector<16xf32>
      %add3A_3431 = arith.constant 96 : i32
      %add3A_3432 = vector.broadcast %add3A_3431 : i32 to vector<16xi32>
      %add3A_3433 = arith.addi %add3A_3432, %iota3A : vector<16xi32>
      %eq3A_3434 = arith.cmpi eq, %add3A_3433, %broadcast_in_dim3A_3309 : vector<16xi32>
      %mul3A_3435 = arith.constant -8.999990e-01 : f32
      %mul3A_3436 = vector.broadcast %mul3A_3435 : f32 to vector<16xf32>
      %mul3A_3437 = arith.mulf %mul3A_3436, %broadcast_in_dim3A_3307 : vector<16xf32>
      %mul3A_3438 = arith.mulf %mul3A_3437, %get3A_3430 : vector<16xf32>
      %jit3A_3439 = arith.constant 0.000000e+00 : f32
      %broadcast_in_dim3A_3440 = vector.broadcast %jit3A_3439 : f32 to vector<16xf32>
      %select_n3A_3441 = arith.select %eq3A_3434, %mul3A_3438, %broadcast_in_dim3A_3440 : vector<16xi1>, vector<16xf32>
      %add3A_3442 = arith.addf %add3A_3423, %select_n3A_3441 : vector<16xf32>
      %get3A_3443 = arith.constant 15 : i32
      %get3A_3444 = arith.constant 7 : i32
      %get3A_3445 = arith.index_cast %get3A_3443 : i32 to index
      %get3A_3446 = arith.index_cast %get3A_3444 : i32 to index
      %get3A_3447 = arith.constant 112 : index
      %get3A_3448 = tpu.vector_load %arg7[%get3A_3445, %get3A_3446, %get3A_3447] {strides = array<i32>} : memref<16x8x128xf32, #tpu.memory_space<vmem>>, vector<1x1x16xf32>,
      %get3A_3449 = vector.shape_cast %get3A_3448 : vector<1x1x16xf32> to vector<16xf32>
      %add3A_3450 = arith.constant 112 : i32
      %add3A_3451 = vector.broadcast %add3A_3450 : i32 to vector<16xi32>
      %add3A_3452 = arith.addi %add3A_3451, %iota3A : vector<16xi32>
      %eq3A_3453 = arith.cmpi eq, %add3A_3452, %broadcast_in_dim3A_3309 : vector<16xi32>
      %mul3A_3454 = arith.constant -8.999990e-01 : f32
      %mul3A_3455 = vector.broadcast %mul3A_3454 : f32 to vector<16xf32>
      %mul3A_3456 = arith.mulf %mul3A_3455, %broadcast_in_dim3A_3307 : vector<16xf32>
      %mul3A_3457 = arith.mulf %mul3A_3456, %get3A_3449 : vector<16xf32>
      %jit3A_3458 = arith.constant 0.000000e+00 : f32
      %broadcast_in_dim3A_3459 = vector.broadcast %jit3A_3458 : f32 to vector<16xf32>
      %select_n3A_3460 = arith.select %eq3A_3453, %mul3A_3457, %broadcast_in_dim3A_3459 : vector<16xi1>, vector<16xf32>
      %add3A_3461 = arith.addf %add3A_3442, %select_n3A_3460 : vector<16xf32>
      %swap3A = arith.constant 0 : index
      %swap3A_3462 = tpu.vector_load %arg8[%swap3A] {strides = array<i32>} : memref<16xf32, #tpu.memory_space<vmem>>, vector<16xf32>,
      %swap3A_3463 = vector.shape_cast %swap3A_3462 : vector<16xf32> to vector<16xf32>
      %swap3A_3464 = vector.shape_cast %add3A_3461 : vector<16xf32> to vector<16xf32>
      tpu.vector_store %arg8[%swap3A], %swap3A_3464 {strides = array<i32>} : memref<16xf32, #tpu.memory_space<vmem>>, vector<16xf32>,
      %dma_start3A_3465 = arith.constant 0 : i32
      %dma_start3A_3466 = tpu.memref_slice %arg4[%arg1, %dma_start3A_3465] : memref<16x16xf32, #tpu.memory_space<hbm>> -> memref<1x16xf32, #tpu.memory_space<hbm>>
      %dma_start3A_3467 = tpu.memref_squeeze %dma_start3A_3466 : memref<1x16xf32, #tpu.memory_space<hbm>> -> memref<16xf32, #tpu.memory_space<hbm>>
      %dma_start3A_3468 = arith.constant 0 : i32
      %dma_start3A_3469 = tpu.memref_slice %arg4[%arg1, %dma_start3A_3468] : memref<16x16xf32, #tpu.memory_space<hbm>> -> memref<1x16xf32, #tpu.memory_space<hbm>>
      %dma_start3A_3470 = tpu.memref_squeeze %dma_start3A_3469 : memref<1x16xf32, #tpu.memory_space<hbm>> -> memref<16xf32, #tpu.memory_space<hbm>>
      tpu.enqueue_dma source(%arg8 : memref<16xf32, #tpu.memory_space<vmem>>) target(%dma_start3A_3470 : memref<16xf32, #tpu.memory_space<hbm>>) target_semaphore(%arg10 : memref<!tpu.dma_semaphore, #tpu.memory_space<semaphore_mem>>)
      %dma_wait3A_3471 = arith.constant 0 : i32
      %dma_wait3A_3472 = tpu.memref_slice %arg4[%arg1, %dma_wait3A_3471] : memref<16x16xf32, #tpu.memory_space<hbm>> -> memref<1x16xf32, #tpu.memory_space<hbm>>
      %dma_wait3A_3473 = tpu.memref_squeeze %dma_wait3A_3472 : memref<1x16xf32, #tpu.memory_space<hbm>> -> memref<16xf32, #tpu.memory_space<hbm>>
      %dma_wait3A_3474 = arith.constant 0 : i32
      %dma_wait3A_3475 = tpu.memref_slice %arg4[%arg1, %dma_wait3A_3474] : memref<16x16xf32, #tpu.memory_space<hbm>> -> memref<1x16xf32, #tpu.memory_space<hbm>>
      %dma_wait3A_3476 = tpu.memref_squeeze %dma_wait3A_3475 : memref<1x16xf32, #tpu.memory_space<hbm>> -> memref<16xf32, #tpu.memory_space<hbm>>
      tpu.wait_dma2 semaphore(%arg10 : memref<!tpu.dma_semaphore, #tpu.memory_space<semaphore_mem>>) src(%arg8 : memref<16xf32, #tpu.memory_space<vmem>>) dst(%dma_wait3A_3476 : memref<16xf32, #tpu.memory_space<hbm>>)
    } else {
    }
    %barrier3A = arith.constant 0 : index
    tpu.barrier barrier_id(%barrier3A)
    %eq3A_3 = arith.constant 0 : i32
    %eq3A_4 = arith.cmpi eq, %arg0, %eq3A_3 : i32
    %eq3A_5 = arith.constant 0 : i32
    %eq3A_6 = arith.cmpi eq, %arg1, %eq3A_5 : i32
    %and3A_7 = arith.andi %eq3A_4, %eq3A_6 : i1
    %convert_element_type3A_8 = arith.extui %and3A_7 : i1 to i32
    %cond3A_9 = arith.constant 0 : i32
    %cond3A_10 = arith.cmpi ne, %convert_element_type3A_8, %cond3A_9 : i32
    scf.if %cond3A_10 {
      tpu.enqueue_dma source(%arg4 : memref<16x16xf32, #tpu.memory_space<hbm>>) target(%arg9 : memref<16x16xf32, #tpu.memory_space<vmem>>) target_semaphore(%arg10 : memref<!tpu.dma_semaphore, #tpu.memory_space<semaphore_mem>>)
      tpu.wait_dma2 semaphore(%arg10 : memref<!tpu.dma_semaphore, #tpu.memory_space<semaphore_mem>>) src(%arg4 : memref<16x16xf32, #tpu.memory_space<hbm>>) dst(%arg9 : memref<16x16xf32, #tpu.memory_space<vmem>>)
      %broadcast_in_dim3A = arith.constant 0.000000e+00 : f32
      %broadcast_in_dim3A_11 = vector.broadcast %broadcast_in_dim3A : f32 to vector<16xf32>
      %get3A = arith.constant 0 : i32
      %get3A_12 = arith.index_cast %get3A : i32 to index
      %get3A_13 = arith.constant 0 : index
      %get3A_14 = tpu.vector_load %arg9[%get3A_12, %get3A_13] {strides = array<i32>} : memref<16x16xf32, #tpu.memory_space<vmem>>, vector<1x16xf32>,
      %get3A_15 = vector.shape_cast %get3A_14 : vector<1x16xf32> to vector<16xf32>
      %add3A = arith.addf %broadcast_in_dim3A_11, %get3A_15 : vector<16xf32>
      %get3A_16 = arith.constant 1 : i32
      %get3A_17 = arith.index_cast %get3A_16 : i32 to index
      %get3A_18 = arith.constant 0 : index
      %get3A_19 = tpu.vector_load %arg9[%get3A_17, %get3A_18] {strides = array<i32>} : memref<16x16xf32, #tpu.memory_space<vmem>>, vector<1x16xf32>,
      %get3A_20 = vector.shape_cast %get3A_19 : vector<1x16xf32> to vector<16xf32>
      %add3A_21 = arith.addf %add3A, %get3A_20 : vector<16xf32>
      %get3A_22 = arith.constant 2 : i32
      %get3A_23 = arith.index_cast %get3A_22 : i32 to index
      %get3A_24 = arith.constant 0 : index
      %get3A_25 = tpu.vector_load %arg9[%get3A_23, %get3A_24] {strides = array<i32>} : memref<16x16xf32, #tpu.memory_space<vmem>>, vector<1x16xf32>,
      %get3A_26 = vector.shape_cast %get3A_25 : vector<1x16xf32> to vector<16xf32>
      %add3A_27 = arith.addf %add3A_21, %get3A_26 : vector<16xf32>
      %get3A_28 = arith.constant 3 : i32
      %get3A_29 = arith.index_cast %get3A_28 : i32 to index
      %get3A_30 = arith.constant 0 : index
      %get3A_31 = tpu.vector_load %arg9[%get3A_29, %get3A_30] {strides = array<i32>} : memref<16x16xf32, #tpu.memory_space<vmem>>, vector<1x16xf32>,
      %get3A_32 = vector.shape_cast %get3A_31 : vector<1x16xf32> to vector<16xf32>
      %add3A_33 = arith.addf %add3A_27, %get3A_32 : vector<16xf32>
      %get3A_34 = arith.constant 4 : i32
      %get3A_35 = arith.index_cast %get3A_34 : i32 to index
      %get3A_36 = arith.constant 0 : index
      %get3A_37 = tpu.vector_load %arg9[%get3A_35, %get3A_36] {strides = array<i32>} : memref<16x16xf32, #tpu.memory_space<vmem>>, vector<1x16xf32>,
      %get3A_38 = vector.shape_cast %get3A_37 : vector<1x16xf32> to vector<16xf32>
      %add3A_39 = arith.addf %add3A_33, %get3A_38 : vector<16xf32>
      %get3A_40 = arith.constant 5 : i32
      %get3A_41 = arith.index_cast %get3A_40 : i32 to index
      %get3A_42 = arith.constant 0 : index
      %get3A_43 = tpu.vector_load %arg9[%get3A_41, %get3A_42] {strides = array<i32>} : memref<16x16xf32, #tpu.memory_space<vmem>>, vector<1x16xf32>,
      %get3A_44 = vector.shape_cast %get3A_43 : vector<1x16xf32> to vector<16xf32>
      %add3A_45 = arith.addf %add3A_39, %get3A_44 : vector<16xf32>
      %get3A_46 = arith.constant 6 : i32
      %get3A_47 = arith.index_cast %get3A_46 : i32 to index
      %get3A_48 = arith.constant 0 : index
      %get3A_49 = tpu.vector_load %arg9[%get3A_47, %get3A_48] {strides = array<i32>} : memref<16x16xf32, #tpu.memory_space<vmem>>, vector<1x16xf32>,
      %get3A_50 = vector.shape_cast %get3A_49 : vector<1x16xf32> to vector<16xf32>
      %add3A_51 = arith.addf %add3A_45, %get3A_50 : vector<16xf32>
      %get3A_52 = arith.constant 7 : i32
      %get3A_53 = arith.index_cast %get3A_52 : i32 to index
      %get3A_54 = arith.constant 0 : index
      %get3A_55 = tpu.vector_load %arg9[%get3A_53, %get3A_54] {strides = array<i32>} : memref<16x16xf32, #tpu.memory_space<vmem>>, vector<1x16xf32>,
      %get3A_56 = vector.shape_cast %get3A_55 : vector<1x16xf32> to vector<16xf32>
      %add3A_57 = arith.addf %add3A_51, %get3A_56 : vector<16xf32>
      %get3A_58 = arith.constant 8 : i32
      %get3A_59 = arith.index_cast %get3A_58 : i32 to index
      %get3A_60 = arith.constant 0 : index
      %get3A_61 = tpu.vector_load %arg9[%get3A_59, %get3A_60] {strides = array<i32>} : memref<16x16xf32, #tpu.memory_space<vmem>>, vector<1x16xf32>,
      %get3A_62 = vector.shape_cast %get3A_61 : vector<1x16xf32> to vector<16xf32>
      %add3A_63 = arith.addf %add3A_57, %get3A_62 : vector<16xf32>
      %get3A_64 = arith.constant 9 : i32
      %get3A_65 = arith.index_cast %get3A_64 : i32 to index
      %get3A_66 = arith.constant 0 : index
      %get3A_67 = tpu.vector_load %arg9[%get3A_65, %get3A_66] {strides = array<i32>} : memref<16x16xf32, #tpu.memory_space<vmem>>, vector<1x16xf32>,
      %get3A_68 = vector.shape_cast %get3A_67 : vector<1x16xf32> to vector<16xf32>
      %add3A_69 = arith.addf %add3A_63, %get3A_68 : vector<16xf32>
      %get3A_70 = arith.constant 10 : i32
      %get3A_71 = arith.index_cast %get3A_70 : i32 to index
      %get3A_72 = arith.constant 0 : index
      %get3A_73 = tpu.vector_load %arg9[%get3A_71, %get3A_72] {strides = array<i32>} : memref<16x16xf32, #tpu.memory_space<vmem>>, vector<1x16xf32>,
      %get3A_74 = vector.shape_cast %get3A_73 : vector<1x16xf32> to vector<16xf32>
      %add3A_75 = arith.addf %add3A_69, %get3A_74 : vector<16xf32>
      %get3A_76 = arith.constant 11 : i32
      %get3A_77 = arith.index_cast %get3A_76 : i32 to index
      %get3A_78 = arith.constant 0 : index
      %get3A_79 = tpu.vector_load %arg9[%get3A_77, %get3A_78] {strides = array<i32>} : memref<16x16xf32, #tpu.memory_space<vmem>>, vector<1x16xf32>,
      %get3A_80 = vector.shape_cast %get3A_79 : vector<1x16xf32> to vector<16xf32>
      %add3A_81 = arith.addf %add3A_75, %get3A_80 : vector<16xf32>
      %get3A_82 = arith.constant 12 : i32
      %get3A_83 = arith.index_cast %get3A_82 : i32 to index
      %get3A_84 = arith.constant 0 : index
      %get3A_85 = tpu.vector_load %arg9[%get3A_83, %get3A_84] {strides = array<i32>} : memref<16x16xf32, #tpu.memory_space<vmem>>, vector<1x16xf32>,
      %get3A_86 = vector.shape_cast %get3A_85 : vector<1x16xf32> to vector<16xf32>
      %add3A_87 = arith.addf %add3A_81, %get3A_86 : vector<16xf32>
      %get3A_88 = arith.constant 13 : i32
      %get3A_89 = arith.index_cast %get3A_88 : i32 to index
      %get3A_90 = arith.constant 0 : index
      %get3A_91 = tpu.vector_load %arg9[%get3A_89, %get3A_90] {strides = array<i32>} : memref<16x16xf32, #tpu.memory_space<vmem>>, vector<1x16xf32>,
      %get3A_92 = vector.shape_cast %get3A_91 : vector<1x16xf32> to vector<16xf32>
      %add3A_93 = arith.addf %add3A_87, %get3A_92 : vector<16xf32>
      %get3A_94 = arith.constant 14 : i32
      %get3A_95 = arith.index_cast %get3A_94 : i32 to index
      %get3A_96 = arith.constant 0 : index
      %get3A_97 = tpu.vector_load %arg9[%get3A_95, %get3A_96] {strides = array<i32>} : memref<16x16xf32, #tpu.memory_space<vmem>>, vector<1x16xf32>,
      %get3A_98 = vector.shape_cast %get3A_97 : vector<1x16xf32> to vector<16xf32>
      %add3A_99 = arith.addf %add3A_93, %get3A_98 : vector<16xf32>
      %get3A_100 = arith.constant 15 : i32
      %get3A_101 = arith.index_cast %get3A_100 : i32 to index
      %get3A_102 = arith.constant 0 : index
      %get3A_103 = tpu.vector_load %arg9[%get3A_101, %get3A_102] {strides = array<i32>} : memref<16x16xf32, #tpu.memory_space<vmem>>, vector<1x16xf32>,
      %get3A_104 = vector.shape_cast %get3A_103 : vector<1x16xf32> to vector<16xf32>
      %add3A_105 = arith.addf %add3A_99, %get3A_104 : vector<16xf32>
      %xor3A = arith.constant 8 : i32
      %xor3A_106 = vector.broadcast %xor3A : i32 to vector<16xi32>
      %xor3A_107 = arith.xori %iota3A, %xor3A_106 : vector<16xi32>
      %reshape3A = vector.shape_cast %xor3A_107 : vector<16xi32> to vector<16x1xi32>
      %gather3A = vector.shape_cast %reshape3A : vector<16x1xi32> to vector<16xi32>
      %gather3A_108 = tpu.dynamic_gather %add3A_105[%gather3A] in [0] : vector<16xf32>, vector<16xi32> -> vector<16xf32>
      %add3A_109 = arith.addf %add3A_105, %gather3A_108 : vector<16xf32>
      %xor3A_110 = arith.constant 4 : i32
      %xor3A_111 = vector.broadcast %xor3A_110 : i32 to vector<16xi32>
      %xor3A_112 = arith.xori %iota3A, %xor3A_111 : vector<16xi32>
      %reshape3A_113 = vector.shape_cast %xor3A_112 : vector<16xi32> to vector<16x1xi32>
      %gather3A_114 = vector.shape_cast %reshape3A_113 : vector<16x1xi32> to vector<16xi32>
      %gather3A_115 = tpu.dynamic_gather %add3A_109[%gather3A_114] in [0] : vector<16xf32>, vector<16xi32> -> vector<16xf32>
      %add3A_116 = arith.addf %add3A_109, %gather3A_115 : vector<16xf32>
      %xor3A_117 = arith.constant 2 : i32
      %xor3A_118 = vector.broadcast %xor3A_117 : i32 to vector<16xi32>
      %xor3A_119 = arith.xori %iota3A, %xor3A_118 : vector<16xi32>
      %reshape3A_120 = vector.shape_cast %xor3A_119 : vector<16xi32> to vector<16x1xi32>
      %gather3A_121 = vector.shape_cast %reshape3A_120 : vector<16x1xi32> to vector<16xi32>
      %gather3A_122 = tpu.dynamic_gather %add3A_116[%gather3A_121] in [0] : vector<16xf32>, vector<16xi32> -> vector<16xf32>
      %add3A_123 = arith.addf %add3A_116, %gather3A_122 : vector<16xf32>
      %xor3A_124 = arith.constant 1 : i32
      %xor3A_125 = vector.broadcast %xor3A_124 : i32 to vector<16xi32>
      %xor3A_126 = arith.xori %iota3A, %xor3A_125 : vector<16xi32>
      %reshape3A_127 = vector.shape_cast %xor3A_126 : vector<16xi32> to vector<16x1xi32>
      %gather3A_128 = vector.shape_cast %reshape3A_127 : vector<16x1xi32> to vector<16xi32>
      %gather3A_129 = tpu.dynamic_gather %add3A_123[%gather3A_128] in [0] : vector<16xf32>, vector<16xi32> -> vector<16xf32>
      %add3A_130 = arith.addf %add3A_123, %gather3A_129 : vector<16xf32>
      %swap3A = arith.constant 0 : index
      %swap3A_131 = tpu.vector_load %arg8[%swap3A] {strides = array<i32>} : memref<16xf32, #tpu.memory_space<vmem>>, vector<16xf32>,
      %swap3A_132 = vector.shape_cast %swap3A_131 : vector<16xf32> to vector<16xf32>
      %swap3A_133 = vector.shape_cast %add3A_130 : vector<16xf32> to vector<16xf32>
      tpu.vector_store %arg8[%swap3A], %swap3A_133 {strides = array<i32>} : memref<16xf32, #tpu.memory_space<vmem>>, vector<16xf32>,
      tpu.enqueue_dma source(%arg8 : memref<16xf32, #tpu.memory_space<vmem>>) target(%arg5 : memref<16xf32, #tpu.memory_space<hbm>>) target_semaphore(%arg10 : memref<!tpu.dma_semaphore, #tpu.memory_space<semaphore_mem>>)
      tpu.wait_dma2 semaphore(%arg10 : memref<!tpu.dma_semaphore, #tpu.memory_space<semaphore_mem>>) src(%arg8 : memref<16xf32, #tpu.memory_space<vmem>>) dst(%arg5 : memref<16xf32, #tpu.memory_space<hbm>>)
    } else {
    }
    return
  }
}

module attributes {stable_mosaic.version = 14 : i64} {
  func.func @body(%arg0: i32, %arg1: memref<32x1xi32, #tpu.memory_space<vmem>>, %arg2: memref<32x100000xf32, #tpu.memory_space<vmem>>, %arg3: memref<1x1xf32, #tpu.memory_space<vmem>>, %arg4: memref<1x1xf32, #tpu.memory_space<vmem>>) attributes {dimension_semantics = [#tpu.dimension_semantics<arbitrary>], iteration_bounds = array<i64: 8>, scalar_prefetch = 0 : i64, scratch_operands = 1 : i64, tpu.core_type = #tpu.core_type<tc>, window_params = [{transform_indices = @transform_0, window_bounds = array<i64: 32, 1>}, {transform_indices = @transform_1, window_bounds = array<i64: 32, 100000>}, {pipeline_mode = #tpu.pipeline_mode<synchronous>, transform_indices = @transform_2, window_bounds = array<i64: 1, 1>}]} {
    %eq3A = arith.constant 0 : i32
    %eq3A_0 = arith.cmpi eq, %arg0, %eq3A : i32
    %convert_element_type3A = arith.extui %eq3A_0 : i1 to i32
    %cond3A = arith.constant 0 : i32
    %cond3A_1 = arith.cmpi ne, %convert_element_type3A, %cond3A : i32
    scf.if %cond3A_1 {
      %broadcast_in_dim3A_66 = arith.constant 0.000000e+00 : f32
      %broadcast_in_dim3A_67 = vector.broadcast %broadcast_in_dim3A_66 : f32 to vector<1x1xf32>
      %swap3A_68 = arith.constant 0 : index
      %swap3A_69 = arith.constant 0 : index
      %swap3A_70 = vector.load %arg4[%swap3A_68, %swap3A_69] : memref<1x1xf32, #tpu.memory_space<vmem>>, vector<1x1xf32>
      tpu.vector_store %arg4[%swap3A_68, %swap3A_69], %broadcast_in_dim3A_67 {strides = array<i32>} : memref<1x1xf32, #tpu.memory_space<vmem>>, vector<1x1xf32>,
    } else {
    }
    %get3A = arith.constant 0 : index
    %get3A_2 = arith.constant 0 : index
    %get3A_3 = vector.load %arg2[%get3A, %get3A_2] : memref<32x100000xf32, #tpu.memory_space<vmem>>, vector<32x100000xf32>
    %reduce_sum3A = arith.constant dense<0.000000e+00> : vector<32xf32>
    %reduce_sum3A_4 = vector.multi_reduction <add>, %get3A_3, %reduce_sum3A [1] : vector<32x100000xf32> to vector<32xf32>
    %broadcast_in_dim3A = vector.shape_cast %reduce_sum3A_4 : vector<32xf32> to vector<32x1xf32>
    %get3A_5 = arith.constant 0 : index
    %get3A_6 = arith.constant 0 : index
    %get3A_7 = vector.load %arg2[%get3A_5, %get3A_6] : memref<32x100000xf32, #tpu.memory_space<vmem>>, vector<32x1xf32>
    %get3A_8 = arith.constant 0 : index
    %get3A_9 = arith.constant 0 : index
    %get3A_10 = vector.load %arg1[%get3A_8, %get3A_9] : memref<32x1xi32, #tpu.memory_space<vmem>>, vector<32x1xi32>
    %ne3A = arith.constant 0 : i32
    %ne3A_11 = vector.broadcast %ne3A : i32 to vector<32x1xi32>
    %ne3A_12 = arith.cmpi ne, %get3A_10, %ne3A_11 : vector<32x1xi32>
    %mul3A = arith.constant 1.000020e-06 : f32
    %mul3A_13 = vector.broadcast %mul3A : f32 to vector<32x1xf32>
    %mul3A_14 = arith.mulf %mul3A_13, %get3A_7 : vector<32x1xf32>
    %add3A = arith.constant -1.47637355 : f32
    %add3A_15 = vector.broadcast %add3A : f32 to vector<32x1xf32>
    %add3A_16 = arith.addf %add3A_15, %mul3A_14 : vector<32x1xf32>
    %mul3A_17 = arith.constant 1.000020e-06 : f32
    %mul3A_18 = vector.broadcast %mul3A_17 : f32 to vector<32x1xf32>
    %mul3A_19 = arith.mulf %mul3A_18, %broadcast_in_dim3A : vector<32x1xf32>
    %sub3A = arith.subf %add3A_16, %mul3A_19 : vector<32x1xf32>
    %jit3A = arith.constant 0.000000e+00 : f32
    %broadcast_in_dim3A_20 = vector.broadcast %jit3A : f32 to vector<32x1xf32>
    %select_n3A = arith.select %ne3A_12, %sub3A, %broadcast_in_dim3A_20 : vector<32x1xi1>, vector<32x1xf32>
    %reduce_sum3A_21 = vector.shape_cast %select_n3A : vector<32x1xf32> to vector<1x32x1xf32>
    %reduce_sum3A_22 = arith.constant dense<0.000000e+00> : vector<1xf32>
    %reduce_sum3A_23 = vector.multi_reduction <add>, %reduce_sum3A_21, %reduce_sum3A_22 [1, 2] : vector<1x32x1xf32> to vector<1xf32>
    %reduce_sum3A_24 = vector.shape_cast %reduce_sum3A_23 : vector<1xf32> to vector<1x1x1xf32>
    %reduce_sum3A_25 = vector.extract %reduce_sum3A_24[0, 0, 0] : f32 from vector<1x1x1xf32>
    %get3A_26 = arith.constant 0 : index
    %get3A_27 = arith.constant 99872 : index
    %get3A_28 = vector.load %arg2[%get3A_26, %get3A_27] : memref<32x100000xf32, #tpu.memory_space<vmem>>, vector<32x128xf32>
    %iota3A = tpu.iota {dimensions = array<i32: 1>} : vector<32x128xi32>
    %add3A_29 = arith.constant 99872 : i32
    %add3A_30 = vector.broadcast %add3A_29 : i32 to vector<32x128xi32>
    %add3A_31 = arith.addi %add3A_30, %iota3A : vector<32x128xi32>
    %get3A_32 = arith.constant 0 : index
    %get3A_33 = arith.constant 0 : index
    %get3A_34 = vector.load %arg1[%get3A_32, %get3A_33] : memref<32x1xi32, #tpu.memory_space<vmem>>, vector<32x1xi32>
    %ge3A = arith.constant 99968 : i32
    %ge3A_35 = vector.broadcast %ge3A : i32 to vector<32x1xi32>
    %ge3A_36 = arith.cmpi sge, %get3A_34, %ge3A_35 : vector<32x1xi32>
    %get3A_37 = arith.constant 0 : index
    %get3A_38 = arith.constant 0 : index
    %get3A_39 = vector.load %arg1[%get3A_37, %get3A_38] : memref<32x1xi32, #tpu.memory_space<vmem>>, vector<32x1xi32>
    %eq3A_40 = vector.broadcast %get3A_39 : vector<32x1xi32> to vector<32x128xi32>
    %eq3A_41 = arith.cmpi eq, %add3A_31, %eq3A_40 : vector<32x128xi32>
    %and3A = vector.broadcast %ge3A_36 : vector<32x1xi1> to vector<32x128xi1>
    %and3A_42 = arith.andi %and3A, %eq3A_41 : vector<32x128xi1>
    %mul3A_43 = arith.constant -8.999990e-01 : f32
    %mul3A_44 = vector.broadcast %mul3A_43 : f32 to vector<32x128xf32>
    %mul3A_45 = arith.mulf %mul3A_44, %get3A_28 : vector<32x128xf32>
    %jit3A_46 = arith.constant 0.000000e+00 : f32
    %broadcast_in_dim3A_47 = vector.broadcast %jit3A_46 : f32 to vector<32x128xf32>
    %select_n3A_48 = arith.select %and3A_42, %mul3A_45, %broadcast_in_dim3A_47 : vector<32x128xi1>, vector<32x128xf32>
    %reduce_sum3A_49 = vector.shape_cast %select_n3A_48 : vector<32x128xf32> to vector<1x32x128xf32>
    %reduce_sum3A_50 = arith.constant dense<0.000000e+00> : vector<1xf32>
    %reduce_sum3A_51 = vector.multi_reduction <add>, %reduce_sum3A_49, %reduce_sum3A_50 [1, 2] : vector<1x32x128xf32> to vector<1xf32>
    %reduce_sum3A_52 = vector.shape_cast %reduce_sum3A_51 : vector<1xf32> to vector<1x1x1xf32>
    %reduce_sum3A_53 = vector.extract %reduce_sum3A_52[0, 0, 0] : f32 from vector<1x1x1xf32>
    %add3A_54 = arith.addf %reduce_sum3A_25, %reduce_sum3A_53 : f32
    %get3A_55 = arith.constant 0 : index
    %get3A_56 = arith.constant 0 : index
    %get3A_57 = vector.load %arg4[%get3A_55, %get3A_56] : memref<1x1xf32, #tpu.memory_space<vmem>>, vector<1x1xf32>
    %reshape3A = vector.broadcast %add3A_54 : f32 to vector<1x1xf32>
    %add3A_58 = arith.addf %get3A_57, %reshape3A : vector<1x1xf32>
    %swap3A = arith.constant 0 : index
    %swap3A_59 = arith.constant 0 : index
    %swap3A_60 = vector.load %arg4[%swap3A, %swap3A_59] : memref<1x1xf32, #tpu.memory_space<vmem>>, vector<1x1xf32>
    tpu.vector_store %arg4[%swap3A, %swap3A_59], %add3A_58 {strides = array<i32>} : memref<1x1xf32, #tpu.memory_space<vmem>>, vector<1x1xf32>,
    %eq3A_61 = arith.constant 7 : i32
    %eq3A_62 = arith.cmpi eq, %arg0, %eq3A_61 : i32
    %convert_element_type3A_63 = arith.extui %eq3A_62 : i1 to i32
    %cond3A_64 = arith.constant 0 : i32
    %cond3A_65 = arith.cmpi ne, %convert_element_type3A_63, %cond3A_64 : i32
    scf.if %cond3A_65 {
      %get3A_66 = arith.constant 0 : index
      %get3A_67 = arith.constant 0 : index
      %get3A_68 = vector.load %arg4[%get3A_66, %get3A_67] : memref<1x1xf32, #tpu.memory_space<vmem>>, vector<1x1xf32>
      %swap3A_69 = arith.constant 0 : index
      %swap3A_70 = arith.constant 0 : index
      %swap3A_71 = vector.load %arg3[%swap3A_69, %swap3A_70] : memref<1x1xf32, #tpu.memory_space<vmem>>, vector<1x1xf32>
      tpu.vector_store %arg3[%swap3A_69, %swap3A_70], %get3A_68 {strides = array<i32>} : memref<1x1xf32, #tpu.memory_space<vmem>>, vector<1x1xf32>,
    } else {
    }
    return
  }
  func.func @transform_0(%arg0: i32) -> (i32, i32) {
    %c0_i32 = arith.constant 0 : i32
    %c0_i32_0 = arith.constant 0 : i32
    return %arg0, %c0_i32 : i32, i32
  }
  func.func @transform_1(%arg0: i32) -> (i32, i32) {
    %c0_i32 = arith.constant 0 : i32
    %c0_i32_0 = arith.constant 0 : i32
    return %arg0, %c0_i32 : i32, i32
  }
  func.func @transform_2(%arg0: i32) -> (i32, i32) {
    %c0_i32 = arith.constant 0 : i32
    %c0_i32_0 = arith.constant 0 : i32
    %c0_i32_1 = arith.constant 0 : i32
    return %c0_i32, %c0_i32_0 : i32, i32
  }
}

</mosaic_0001>

<sc_bundles>
// kernel: kernel.4.cloned.1.call-start
scs
__scs_entry_jumppad:
0x0: {  	(pc) =	sbr.rel $0x88, $3  }
0x1: {  	(tag) =	ssettag $0x0;
	lr =	simm.s32 $0x1  }
0x2: {  	[smem:$0x3F9F] =	sst lr;
	_ =	strace $0xD0000000  }
0x3: {  	_ = 	snop  }
0x4: {  	_ = 	snop  }
0x5: {  	_ = 	snop  }
0x6: {  	_ = 	snop  }
0x7: {  	_ = 	snop  }
__scs_overlays_trampoline_lowered:
0x8: {  	[smem:$0x3FAE] =	sst s0  }
0x9: {  	[smem:$0x3FAF] =	sst s1  }
0xa: {  	[smem:$0x3FB0] =	sst s2  }
0xb: {  	[smem:$0x3FB1] =	sst s3  }
0xc: {  	[smem:$0x3FB2] =	sst s4  }
0xd: {  	[smem:$0x3FB3] =	sst s5  }
0xe: {  	[smem:$0x3FB4] =	sst s6  }
0xf: {  	[smem:$0x3FB5] =	sst s7  }
0x10: {  	[smem:$0x3FB6] =	sst s8  }
0x11: {  	[smem:$0x3FB7] =	sst s9;
	s0 =	simm.s32 @!p0 $0x0  }
0x12: {  	s1 =	sld [smem:$0x3F9D];
	s0 =	simm.s32 @p0 $0x1  }
0x13: {  	[smem:$0x3FB8] =	sst s0;
	s0 =	simm.s32 @!p1 $0x0  }
0x14: {  	s2 =	sld [smem:$0x3F9C];
	s0 =	simm.s32 @p1 $0x1  }
0x15: {  	[smem:$0x3FB9] =	sst s0;
	s0 =	simm.s32 @!p2 $0x0  }
0x16: {  	s3 =	sld [smem:$0x3FDB];
	s0 =	simm.s32 @p2 $0x1  }
0x17: {  	s4 =	simm.s32 $0x1BF5;
	[smem:$0x3FBB] =	sst s0  }
0x18: {  	s0 =	sld [smem:$0x3F9E];
	_ =	swait.ge [sflag:s4], $0x0  }
0x19: {  	s7 =	sld [smem:$0x3F9F]  }
0x1a: {  	s8 =	sadd.s32 $0xFFFFE003, lr  }
0x1b: {  	s9 =	sadd.s32 $0xFFFFFEF7, lr;
	s5 =	simm.s32 $0xFFFFFFFF;
	p2 =	slt.u32 s8, $0xFFFFF086  }
0x1c: {  	p1 =	slt.u32 s9, $0xF7A;
	s5 =	simm.s32 @!p2 $0x0  }
0x1d: {  	s5 =	simm.s32 @p1 $0x1;
	p0 =	seq.s32 s7, s2  }
0x1e: {  	s7 =	smul.u32 @!p0 $0xF7A, s2;
	p2 =	seq.s32 @!p0 s5, $0x0  }
0x1f: {  	s9 =	smul.u32 $0xF7A, s1;
	s8 =	simm.s32 @!p0 $0x1BF5;
	p2 =	por !p2, p0  }
0x20: {  	[sflag:s8] =	ssyncset.s32 @!p0 $0xFFFFF086;
	s6 =	sadd.s32 @!p0 s3, s7;
	s7 =	simm.s32 @!p0 $0x108  }
0x21: {  	s3 =	sadd.s32 s3, s9;
	s6 =	sadd.s32 @!p0 $0x88, s6;
	s7 =	simm.s32 @p2 $0x1082  }
0x22: {  	[simem:s7], [sflag:s8] =	dma.local @!p0 [hbm:s6], $0xF7A  }
0x23: {  	s9 =	sor.u32 $0xD0000000, s2;
	s6 =	simm.s32 $0x108;
	_ =	swait.ge @!p0 [sflag:s8], $0x0  }
0x24: {  	s3 =	sadd.s32 $0x88, s3;
	s6 =	simm.s32 @!p1 $0x1082;
	[sflag:s4] =	ssyncset.s32 $0xFFFFF086  }
0x25: {  	[simem:s6], [sflag:s4] =	dma.local [hbm:s3], $0xF7A  }
0x26: {  	[smem:$0x3F9F] =	sst s1;
	(tag) =	ssettag s2;
	_ =	strace s9  }
0x27: {  	s1 =	sld [smem:$0x3FAF]  }
0x28: {  	s2 =	sld [smem:$0x3FB0]  }
0x29: {  	s4 =	sld [smem:$0x3FB2]  }
0x2a: {  	p0 =	seq.s32 s5, $0x0;
	s5 =	sld [smem:$0x3FB3]  }
0x2b: {  	s6 =	sld [smem:$0x3FB4]  }
0x2c: {  	s7 =	sld [smem:$0x3FB5]  }
0x2d: {  	s3 =	simm.s32 $0x108;
	s8 =	sld [smem:$0x3FB6]  }
0x2e: {  	s3 =	simm.s32 @!p0 $0x1082;
	s9 =	sld [smem:$0x3FB7]  }
0x2f: {  	lr =	sadd.s32 s0, s3;
	s0 =	sld [smem:$0x3FAE]  }
0x30: {  	s3 =	sld [smem:$0x3FB1]  }
0x31: {  	[smem:$0x3FBA] =	sst s10  }
0x32: {  	s10 =	sld [smem:$0x3FB8];
	_ =	sdelay $0x3  }
0x33: {  	p0 =	seq.s32 s10, $0x1;
	s10 =	sld [smem:$0x3FBA];
	_ =	sdelay $0x3  }
0x34: {  	[smem:$0x3FBA] =	sst s10  }
0x35: {  	s10 =	sld [smem:$0x3FB9];
	_ =	sdelay $0x3  }
0x36: {  	p1 =	seq.s32 s10, $0x1;
	s10 =	sld [smem:$0x3FBA];
	_ =	sdelay $0x3  }
0x37: {  	[smem:$0x3FBA] =	sst s10  }
0x38: {  	s10 =	sld [smem:$0x3FBB]  }
0x39: {  	_ = 	snop;
	(pc) =	sbr.ind lr, $3  }
0x3a: {  	_ = 	snop  }
0x3b: {  	_ = 	snop  }
0x3c: {  	p2 =	seq.s32 s10, $0x1;
	s10 =	sld [smem:$0x3FBA]  }
0x3d: {  	_ =	shalt  }
0x3e: {  	_ =	shalt  }
0x3f: {  	_ =	shalt  }
0x40: {  	_ =	shalt  }
0x41: {  	_ =	shalt  }
0x42: {  	_ =	shalt  }
0x43: {  	_ =	shalt  }
0x44: {  	_ =	shalt  }
0x45: {  	_ =	shalt  }
0x46: {  	_ =	shalt  }
0x47: {  	_ =	shalt  }
0x48: {  	_ =	shalt  }
0x49: {  	_ =	shalt  }
0x4a: {  	_ =	shalt  }
0x4b: {  	_ =	shalt  }
0x4c: {  	_ =	shalt  }
0x4d: {  	_ =	shalt  }
0x4e: {  	_ =	shalt  }
0x4f: {  	_ =	shalt  }
0x50: {  	_ =	shalt  }
0x51: {  	_ =	shalt  }
0x52: {  	_ =	shalt  }
0x53: {  	_ =	shalt  }
0x54: {  	_ =	shalt  }
0x55: {  	_ =	shalt  }
0x56: {  	_ =	shalt  }
0x57: {  	_ =	shalt  }
0x58: {  	_ =	shalt  }
0x59: {  	_ =	shalt  }
0x5a: {  	_ =	shalt  }
0x5b: {  	_ =	shalt  }
0x5c: {  	_ =	shalt  }
0x5d: {  	_ =	shalt  }
0x5e: {  	_ =	shalt  }
0x5f: {  	_ =	shalt  }
0x60: {  	_ =	shalt  }
0x61: {  	_ =	shalt  }
0x62: {  	_ =	shalt  }
0x63: {  	_ =	shalt  }
0x64: {  	_ =	shalt  }
0x65: {  	_ =	shalt  }
0x66: {  	_ =	shalt  }
0x67: {  	_ =	shalt  }
0x68: {  	_ =	shalt  }
0x69: {  	_ =	shalt  }
0x6a: {  	_ =	shalt  }
0x6b: {  	_ =	shalt  }
0x6c: {  	_ =	shalt  }
0x6d: {  	_ =	shalt  }
0x6e: {  	_ =	shalt  }
0x6f: {  	_ =	shalt  }
0x70: {  	_ =	shalt  }
0x71: {  	_ =	shalt  }
0x72: {  	_ =	shalt  }
0x73: {  	_ =	shalt  }
0x74: {  	_ =	shalt  }
0x75: {  	_ =	shalt  }
0x76: {  	_ =	shalt  }
0x77: {  	_ =	shalt  }
0x78: {  	_ =	shalt  }
0x79: {  	_ =	shalt  }
0x7a: {  	_ =	shalt  }
0x7b: {  	_ =	shalt  }
0x7c: {  	_ =	shalt  }
0x7d: {  	_ =	shalt  }
0x7e: {  	_ =	shalt  }
0x7f: {  	_ =	shalt  }
0x80: {  	_ =	shalt  }
0x81: {  	_ =	shalt  }
0x82: {  	_ =	shalt  }
0x83: {  	_ =	shalt  }
0x84: {  	_ =	shalt  }
0x85: {  	_ =	shalt  }
0x86: {  	_ =	shalt  }
0x87: {  	_ =	shalt  }
.Lfunc_end0:
.L_simem_size_0:
called_computation_lowered:
.L_overlay_start_0:
0x88: {  	s0 =	sld [smem:$0x3FD9]  }
0x89: {  	s1 =	sld [smem:$0x3FFE];
	_ =	sdelay $0x3  }
0x8a: {  	s0 =	sadd.s32 s1, s0  }
0x8b: {  	[smem:$0x3FC6] =	sst s0  }
0x8c: {  	_ = 	snop  }
0x8d: {  	s0 =	sld [smem:$0x3FC9];
	(tm) =	ssettm $0x1  }
0x8e: {  	s16 =	sld [smem:$0x3FFB];
	_ =	sdelay $0x3  }
0x8f: {  	_ =	strace s16  }
0x90: {  	s1 =	sld [smem:$0x3FFC];
	_ =	sdelay $0x3  }
0x91: {  	_ =	strace s1  }
0x92: {  	s1 =	sld [smem:$0x3FFD];
	_ =	sdelay $0x3  }
0x93: {  	_ =	strace s1  }
0x94: {  	_ =	strace $0x8FFFFFFF  }
0x95: {  	s17 =	sld [smem:$0x3FDB];
	_ =	sdelay $0x1  }
0x96: {  	s2 =	simm.s32 $_scs_section_size  }
0x97: {  	s3 =	simm.s32 $_size__tile_overlayer_lowered;
	s4 =	simm.s32 $_tile_overlayer_lowered  }
0x98: {  	s20 =	simm.s32 $0x1BFF;
	s19 =	sshll.u32 s4, $0x1;
	s1 =	sadd.s32 s2, s17  }
0x99: {  	s5 =	simm.s32 $0x0;
	s18 =	sshll.u32 s3, $0x1;
	s3 =	sadd.s32 s19, s1  }
0x9a: {  	[timem:s5], [sflag:s20] =	dma.local [hbm:s3], s18  }
0x9b: {  	_ =	swait.ge [sflag:s20], s18  }
0x9c: {  	s2 =	ssub.s32 $0x0, s18;
	[sflag:s20] =	ssyncset.done $0x0  }
0x9d: {  	[sflag:s20] =	ssyncadd.s32 s2;
	_ =	sdelay $0x1  }
0x9e: {  	s21 =	simm.s32 $0x1B8B  }
0x9f: {  	_ =	swait.ge [sflag:s21], $0x1  }
0xa0: {  	[sflag:s21] =	ssyncset.done $0x0  }
0xa1: {  	s23 =	simm.s32 $0x1B8E;
	s22 =	sld [smem:$0x3FFE];
	[sflag:s21] =	ssyncadd.s32 $0xFFFFFFFF  }
0xa2: {  	s24 =	simm.s32 $execute0_lowered;
	[smem:$0x3FD2] =	sst s23  }
0xa3: {  	s3 =	sshll.u32 s24, $0x1;
	_ =	strace $0x80000046;
	[dreg:$0x1] =	wrdreg $0xFFFFFFFF  }
0xa4: {  	s25 =	simm.s32 $_size_execute0_lowered;
	s1 =	sadd.s32 s1, s3;
	[dreg:$0x0] =	wrdreg $0x0  }
0xa5: {  	s3 =	sshll.u32 s25, $0x1;
	[dreg:$0x2] =	wrdreg s1  }
0xa6: {  	[dreg:$0x3] =	wrdreg s3  }
0xa7: {  	[dreg:$0x4] =	wrdreg $0xC0  }
0xa8: {  	_ =	task [dreg:s5], $0x5FFFF  }
0xa9: {  	[dreg:$0x1] =	wrdreg $0xFFFFFFFF  }
0xaa: {  	[dreg:$0x0] =	wrdreg $0x60  }
0xab: {  	[dreg:$0x2] =	wrdreg s0  }
0xac: {  	[dreg:$0x3] =	wrdreg s22  }
0xad: {  	[dreg:$0x4] =	wrdreg $0x9  }
0xae: {  	_ =	task.clear_ibuf [dreg:s5], $0x5FFFF;
	_ =	strace $0x90000046  }
0xaf: {  	s26 =	simm.s32 $0x9;
	_ =	strace $0x80000048  }
0xb0: {  	_ =	swait.ge [sflag:s26], $0x1  }
0xb1: {  	[sflag:s26] =	ssyncadd.s32 $0xFFFFFFFF  }
0xb2: {  	_ =	strace $0x90000048  }
0xb3: {  	_ =	sfence  }
0xb4: {  	s28 =	sld [smem:$0x0];
	_ =	sdelay $0x1  }
0xb5: {  	s29 =	srdreg.scid  }
0xb6: {  	s30 =	sshll.u32 s29, $0xD;
	s31 =	sshrl.u32 s29, $0x2  }
0xb7: {  	s2 =	sand.u32 $0x4000, s30;
	s1 =	sand.u32 $0x1, s29;
	s0 =	sadd.s32 s31, s28  }
0xb8: {  	s1 =	sor.u32 s2, s1;
	s0 =	sshll.u32 s0, $0x11  }
0xb9: {  	s0 =	sor.u32 s0, s1  }
0xba: {  	s0 =	sadd.s32 $0x8F2B, s0  }
0xbb: {  	[sflag:s0] =	ssyncadd.remote.s32 $0x1  }
0xbc: {  	_ =	sfence.sel $0xFFFF  }
0xbd: {  	[dreg:$0x0] =	wrdreg $0xFFFFFFFF;
	(pc) =	sbr.abs _section_cstart, $3  }
0xbe: {  	[dreg:$0x1] =	wrdreg $0xFFFFFFFF  }
0xbf: {  	_ =	task.clear_ibuf [dreg:s5], $0x2FFFF;
	_ =	strace $0x9FFFFFFF  }
0xc0: {  	(tm) =	ssettm $0x7FFFFFFF  }
0xc1: {  	_ =	shalt  }
tec
execute0_lowered:
.L_overlay_start_1:
0x0: {  	(tag) =	ssettag $0x1  }
0x1: {  	s13 =	rddreg [dreg:$0x0];
	s0 =	stileid.u32  }
0x2: {  	s1 =	rddreg [dreg:$0x1];
	s6 =	simm.s32 $0x0;
	s0 =	sshll.u32 s0, $0x1  }
0x3: {  	[smem:$0x7FF] =	sst s6;
	s0 =	sadd.s32 s0, s1  }
0x4: {  	s16 =	simm.s32 $0x1;
	_ =	strace $0x80000047;
	s0 =	sadd.s32 $0xA00, s0  }
0x5: {  	[tilespmem:s6], [sflag:$0x1] =	stream.linear.gather [hbm4b:s0+s6], $0x10, $0x38;
	[tilespmem:$0x4900] =	vst v63  }
0x6: {  	_ =	swait.ge [sflag:s16], $0x10  }
0x7: {  	[sflag:s16] =	ssyncset.done $0x0  }
0x8: {  	[sflag:s16] =	ssyncadd.s32 $0xFFFFFFF0  }
0x9: {  	v0 =	vld [tilespmem:$0x0];
	_ =	sdelay $0x4  }
0xa: {  	(v2sf) =	vpush v0, $0x0;
	_ =	sdelay $0x4  }
0xb: {  	(v2sf) =	vpush v0, $0x1;
	_ =	sdelay $0x9  }
0xc: {  	s2 =	stileid.u32;
	s8 =	spop (v2sf)  }
0xd: {  	s25 =	simm.s32 $0x80;
	s2 =	smul.u32 $0x187000, s2;
	(v2sf) =	vpush v0, $0x2;
	s21 =	sand.u32 $0x7F, s8  }
0xe: {  	s22 =	sshra.s32 s8, $0x1F;
	p0 =	slt.s32 s8, $0x1;
	p1 =	sne.s32 s21, $0x0  }
0xf: {  	s1 =	simm.s32 $0x1;
	s23 =	sshrl.u32 s22, $0x19;
	p0 =	por !p0, !p1  }
0x10: {  	s5 =	sshrl.u32 s2, $0x3;
	s0 =	sadd.s32 s23, s8;
	p0 =	por !p0, !p0  }
0x11: {  	s2 =	spop (v2sf);
	s0 =	sshrl.u32 s0, $0x7;
	s1 =	simm.s32 @!p0 $0x0  }
0x12: {  	s26 =	sand.u32 $0x7F, s2;
	s4 =	sshra.s32 s2, $0x1F;
	s0 =	ssub.s32 s0, s1  }
0x13: {  	p1 =	slt.s32 s2, $0x1;
	p2 =	sne.s32 s26, $0x0;
	s10 =	sshll.u32 s0, $0x7  }
0x14: {  	s28 =	sshrl.u32 s4, $0x19;
	s4 =	simm.s32 $0x1;
	p0 =	slt.s32 s10, $0x18600  }
0x15: {  	(v2sf) =	vpush v0, $0x3;
	s0 =	sadd.s32 s13, s5;
	s10 =	simm.s32 @!p0 $0x18600;
	p0 =	por !p1, !p2  }
0x16: {  	s1 =	sadd.s32 s28, s2;
	s24 =	sadd.s32 s10, s0;
	p0 =	por !p0, !p0  }
0x17: {  	[tilespmem:s25], [sflag:$0x1] =	stream.linear.gather [hbm4b:s24+s6], $0x400, $0x38;
	[tilespmem:$0x4900] =	vst v63  }
0x18: {  	s1 =	sshrl.u32 s1, $0x7;
	s4 =	simm.s32 @!p0 $0x0  }
0x19: {  	s1 =	ssub.s32 s1, s4  }
0x1a: {  	s4 =	sshll.u32 s1, $0x7  }
0x1b: {  	p0 =	slt.s32 s4, $0x18600  }
0x1c: {  	s4 =	simm.s32 @!p0 $0x18600;
	s1 =	spop (v2sf)  }
0x1d: {  	s7 =	simm.s32 $0x480;
	s29 =	sadd.s32 s4, s0;
	s30 =	sand.u32 $0x7F, s1  }
0x1e: {  	(v2sf) =	vpush v0, $0x4;
	[tilespmem:s7], [sflag:$0x1] =	stream.linear.gather [hbm4b:s29+s6], $0x400, $0x38;
	[tilespmem:$0x4900] =	vst v63  }
0x1f: {  	s9 =	sshra.s32 s1, $0x1F;
	p3 =	slt.s32 s1, $0x1;
	p4 =	sne.s32 s30, $0x0  }
0x20: {  	s31 =	sshrl.u32 s9, $0x19;
	p0 =	por !p3, !p4  }
0x21: {  	s9 =	simm.s32 $0x1;
	s7 =	sadd.s32 s31, s1;
	p0 =	por !p0, !p0  }
0x22: {  	s7 =	sshrl.u32 s7, $0x7;
	s9 =	simm.s32 @!p0 $0x0  }
0x23: {  	s7 =	ssub.s32 s7, s9  }
0x24: {  	s11 =	simm.s32 $0x880;
	s30 =	spop (v2sf);
	(v2sf) =	vpush v0, $0x5;
	s7 =	sshll.u32 s7, $0x7  }
0x25: {  	s12 =	sand.u32 $0x7F, s30;
	s14 =	sshra.s32 s30, $0x1F;
	p0 =	slt.s32 s7, $0x18600  }
0x26: {  	p5 =	slt.s32 s30, $0x1;
	p6 =	sne.s32 s12, $0x0;
	s7 =	simm.s32 @!p0 $0x18600  }
0x27: {  	s15 =	sshrl.u32 s14, $0x19;
	p0 =	por !p5, !p6;
	s3 =	sadd.s32 s7, s0  }
0x28: {  	[tilespmem:s11], [sflag:$0x1] =	stream.linear.gather [hbm4b:s3+s6], $0x400, $0x38;
	[tilespmem:$0x4900] =	vst v63  }
0x29: {  	s9 =	sadd.s32 s15, s30;
	p0 =	por !p0, !p0;
	s11 =	simm.s32 $0x1  }
0x2a: {  	s9 =	sshrl.u32 s9, $0x7;
	s11 =	simm.s32 @!p0 $0x0  }
0x2b: {  	s9 =	ssub.s32 s9, s11  }
0x2c: {  	s31 =	sshll.u32 s9, $0x7  }
0x2d: {  	s18 =	simm.s32 $0xC80;
	p0 =	slt.s32 s31, $0x18600;
	s28 =	spop (v2sf)  }
0x2e: {  	s31 =	simm.s32 @!p0 $0x18600;
	s19 =	sand.u32 $0x7F, s28;
	s20 =	sshra.s32 s28, $0x1F  }
0x2f: {  	(v2sf) =	vpush v0, $0x6;
	p1 =	slt.s32 s28, $0x1;
	s17 =	sadd.s32 s31, s0;
	p2 =	sne.s32 s19, $0x0  }
0x30: {  	[tilespmem:s18], [sflag:$0x1] =	stream.linear.gather [hbm4b:s17+s6], $0x400, $0x38;
	[tilespmem:$0x4900] =	vst v63  }
0x31: {  	s21 =	sshrl.u32 s20, $0x19;
	p0 =	por !p1, !p2  }
0x32: {  	s11 =	simm.s32 $0x1;
	s9 =	sadd.s32 s21, s28;
	p0 =	por !p0, !p0  }
0x33: {  	s25 =	spop (v2sf);
	s9 =	sshrl.u32 s9, $0x7;
	s11 =	simm.s32 @!p0 $0x0  }
0x34: {  	s23 =	simm.s32 $0x1080;
	s24 =	sand.u32 $0x7F, s25;
	s9 =	ssub.s32 s9, s11  }
0x35: {  	(v2sf) =	vpush v0, $0x7;
	s26 =	sshra.s32 s25, $0x1F;
	p3 =	slt.s32 s25, $0x1;
	s29 =	sshll.u32 s9, $0x7  }
0x36: {  	p4 =	sne.s32 s24, $0x0;
	s3 =	sshrl.u32 s26, $0x19;
	p0 =	slt.s32 s29, $0x18600  }
0x37: {  	s11 =	simm.s32 $0x1;
	s29 =	simm.s32 @!p0 $0x18600;
	p0 =	por !p3, !p4  }
0x38: {  	s9 =	sadd.s32 s3, s25;
	s22 =	sadd.s32 s29, s0;
	p0 =	por !p0, !p0  }
0x39: {  	[tilespmem:s23], [sflag:$0x1] =	stream.linear.gather [hbm4b:s22+s6], $0x400, $0x38;
	[tilespmem:$0x4900] =	vst v63  }
0x3a: {  	s9 =	sshrl.u32 s9, $0x7;
	s11 =	simm.s32 @!p0 $0x0  }
0x3b: {  	s9 =	ssub.s32 s9, s11  }
0x3c: {  	s26 =	sshll.u32 s9, $0x7  }
0x3d: {  	p0 =	slt.s32 s26, $0x18600  }
0x3e: {  	s26 =	simm.s32 @!p0 $0x18600;
	s23 =	spop (v2sf)  }
0x3f: {  	s12 =	simm.s32 $0x1480;
	s11 =	sadd.s32 s26, s0;
	s14 =	sand.u32 $0x7F, s23  }
0x40: {  	(v2sf) =	vpush v0, $0x8;
	[tilespmem:s12], [sflag:$0x1] =	stream.linear.gather [hbm4b:s11+s6], $0x400, $0x38;
	[tilespmem:$0x4900] =	vst v63  }
0x41: {  	s15 =	sshra.s32 s23, $0x1F;
	p5 =	slt.s32 s23, $0x1;
	p6 =	sne.s32 s14, $0x0  }
0x42: {  	s17 =	sshrl.u32 s15, $0x19;
	p0 =	por !p5, !p6  }
0x43: {  	s11 =	simm.s32 $0x1;
	s9 =	sadd.s32 s17, s23;
	p0 =	por !p0, !p0  }
0x44: {  	s21 =	spop (v2sf);
	s9 =	sshrl.u32 s9, $0x7;
	s11 =	simm.s32 @!p0 $0x0  }
0x45: {  	s19 =	simm.s32 $0x1880;
	s20 =	sand.u32 $0x7F, s21;
	s9 =	ssub.s32 s9, s11  }
0x46: {  	s22 =	sshra.s32 s21, $0x1F;
	p1 =	slt.s32 s21, $0x1;
	s24 =	sshll.u32 s9, $0x7  }
0x47: {  	p2 =	sne.s32 s20, $0x0;
	s3 =	sshrl.u32 s22, $0x19;
	p0 =	slt.s32 s24, $0x18600  }
0x48: {  	s11 =	simm.s32 $0x1;
	s24 =	simm.s32 @!p0 $0x18600;
	p0 =	por !p1, !p2  }
0x49: {  	s9 =	sadd.s32 s3, s21;
	s18 =	sadd.s32 s24, s0;
	p0 =	por !p0, !p0  }
0x4a: {  	[tilespmem:s19], [sflag:$0x1] =	stream.linear.gather [hbm4b:s18+s6], $0x400, $0x38;
	[tilespmem:$0x4900] =	vst v63  }
0x4b: {  	s9 =	sshrl.u32 s9, $0x7;
	s11 =	simm.s32 @!p0 $0x0  }
0x4c: {  	s9 =	ssub.s32 s9, s11  }
0x4d: {  	s22 =	sshll.u32 s9, $0x7  }
0x4e: {  	p0 =	slt.s32 s22, $0x18600  }
0x4f: {  	(v2sf) =	vpush v0, $0x9;
	s22 =	simm.s32 @!p0 $0x18600;
	s19 =	spop (v2sf)  }
0x50: {  	s11 =	simm.s32 $0x1C80;
	s0 =	sadd.s32 s22, s0;
	s12 =	sand.u32 $0x7F, s19  }
0x51: {  	[tilespmem:s11], [sflag:$0x1] =	stream.linear.gather [hbm4b:s0+s6], $0x400, $0x38;
	[tilespmem:$0x4900] =	vst v63  }
0x52: {  	s14 =	sshra.s32 s19, $0x1F;
	p3 =	slt.s32 s19, $0x1;
	p4 =	sne.s32 s12, $0x0  }
0x53: {  	s15 =	sshrl.u32 s14, $0x19;
	p0 =	por !p3, !p4  }
0x54: {  	s9 =	simm.s32 $0x1;
	s0 =	sadd.s32 s15, s19;
	p0 =	por !p0, !p0  }
0x55: {  	s0 =	sshrl.u32 s0, $0x7;
	s9 =	simm.s32 @!p0 $0x0  }
0x56: {  	s0 =	ssub.s32 s0, s9  }
0x57: {  	s20 =	sshll.u32 s0, $0x7  }
0x58: {  	p0 =	slt.s32 s20, $0x18600  }
0x59: {  	(v2sf) =	vpush v0, $0xA;
	s0 =	sadd.s32 $0x18700, s5;
	s20 =	simm.s32 @!p0 $0x18600  }
0x5a: {  	s5 =	sadd.s32 s0, s20  }
0x5b: {  	s5 =	sand.u32 $0x1FFFFF80, s5  }
0x5c: {  	s17 =	simm.s32 $0x2080;
	s5 =	sadd.s32 s13, s5  }
0x5d: {  	[tilespmem:s17], [sflag:$0x1] =	stream.linear.gather [hbm4b:s5+s6], $0x400, $0x38;
	[tilespmem:$0x4900] =	vst v63  }
0x5e: {  	s17 =	spop (v2sf)  }
0x5f: {  	s18 =	sand.u32 $0x7F, s17  }
0x60: {  	p6 =	slt.s32 s17, $0x1;
	s3 =	sshra.s32 s17, $0x1F;
	p5 =	sne.s32 s18, $0x0  }
0x61: {  	s5 =	sshrl.u32 s3, $0x19;
	p0 =	por !p6, !p5  }
0x62: {  	s9 =	simm.s32 $0x1;
	s5 =	sadd.s32 s5, s17;
	p0 =	por !p0, !p0  }
0x63: {  	(v2sf) =	vpush v0, $0xB;
	s5 =	sshrl.u32 s5, $0x7;
	s9 =	simm.s32 @!p0 $0x0  }
0x64: {  	s5 =	ssub.s32 s5, s9  }
0x65: {  	s3 =	sshll.u32 s5, $0x7  }
0x66: {  	p0 =	slt.s32 s3, $0x18600  }
0x67: {  	s3 =	simm.s32 @!p0 $0x18600  }
0x68: {  	s11 =	simm.s32 $0x2480;
	s15 =	spop (v2sf);
	s9 =	sadd.s32 s0, s3  }
0x69: {  	s12 =	sand.u32 $0x7F, s15;
	p2 =	slt.s32 s15, $0x1;
	s5 =	sand.u32 $0x1FFFFF80, s9  }
0x6a: {  	s14 =	sshra.s32 s15, $0x1F;
	p1 =	sne.s32 s12, $0x0;
	s5 =	sadd.s32 s13, s5  }
0x6b: {  	[tilespmem:s11], [sflag:$0x1] =	stream.linear.gather [hbm4b:s5+s6], $0x400, $0x38;
	[tilespmem:$0x4900] =	vst v63  }
0x6c: {  	p0 =	por !p2, !p1;
	s5 =	sshrl.u32 s14, $0x19  }
0x6d: {  	p0 =	por !p0, !p0;
	s9 =	simm.s32 $0x1;
	s5 =	sadd.s32 s5, s15  }
0x6e: {  	s9 =	simm.s32 @!p0 $0x0;
	s5 =	sshrl.u32 s5, $0x7  }
0x6f: {  	s5 =	ssub.s32 s5, s9  }
0x70: {  	[dreg:$0x8] =	wrdreg s3;
	s3 =	sshll.u32 s5, $0x7  }
0x71: {  	p0 =	slt.s32 s3, $0x18600  }
0x72: {  	s11 =	spop (v2sf);
	s3 =	simm.s32 @!p0 $0x18600  }
0x73: {  	(v2sf) =	vpush v0, $0xC;
	s9 =	sand.u32 $0x7F, s11;
	p4 =	slt.s32 s11, $0x1;
	s18 =	sadd.s32 s0, s3  }
0x74: {  	s12 =	sshra.s32 s11, $0x1F;
	p3 =	sne.s32 s9, $0x0;
	s5 =	sand.u32 $0x1FFFFF80, s18  }
0x75: {  	[dreg:$0x7] =	wrdreg s3;
	s3 =	simm.s32 $0x2880;
	s5 =	sadd.s32 s13, s5  }
0x76: {  	[tilespmem:s3], [sflag:$0x1] =	stream.linear.gather [hbm4b:s5+s6], $0x400, $0x38;
	[tilespmem:$0x4900] =	vst v63  }
0x77: {  	p0 =	por !p4, !p3;
	s5 =	sshrl.u32 s12, $0x19  }
0x78: {  	s9 =	simm.s32 $0x1;
	p0 =	por !p0, !p0;
	s5 =	sadd.s32 s5, s11  }
0x79: {  	s9 =	simm.s32 @!p0 $0x0;
	s5 =	sshrl.u32 s5, $0x7  }
0x7a: {  	s5 =	ssub.s32 s5, s9  }
0x7b: {  	s3 =	sshll.u32 s5, $0x7  }
0x7c: {  	(v2sf) =	vpush v0, $0xD;
	p0 =	slt.s32 s3, $0x18600  }
0x7d: {  	s3 =	simm.s32 @!p0 $0x18600  }
0x7e: {  	s14 =	sadd.s32 s0, s3  }
0x7f: {  	s5 =	sand.u32 $0x1FFFFF80, s14  }
0x80: {  	s18 =	simm.s32 $0x2C80;
	s5 =	sadd.s32 s13, s5  }
0x81: {  	[tilespmem:s18], [sflag:$0x1] =	stream.linear.gather [hbm4b:s5+s6], $0x400, $0x38;
	[tilespmem:$0x4900] =	vst v63  }
0x82: {  	s18 =	spop (v2sf)  }
0x83: {  	[dreg:$0x6] =	wrdreg s3;
	s3 =	sand.u32 $0x7F, s18  }
0x84: {  	p6 =	slt.s32 s18, $0x1;
	s9 =	sshra.s32 s18, $0x1F;
	p5 =	sne.s32 s3, $0x0  }
0x85: {  	s5 =	sshrl.u32 s9, $0x19;
	p0 =	por !p6, !p5  }
0x86: {  	s9 =	simm.s32 $0x1;
	s5 =	sadd.s32 s5, s18;
	p0 =	por !p0, !p0  }
0x87: {  	s5 =	sshrl.u32 s5, $0x7;
	s9 =	simm.s32 @!p0 $0x0  }
0x88: {  	s5 =	ssub.s32 s5, s9  }
0x89: {  	s3 =	sshll.u32 s5, $0x7  }
0x8a: {  	p0 =	slt.s32 s3, $0x18600  }
0x8b: {  	s9 =	spop (v2sf);
	s3 =	simm.s32 @!p0 $0x18600  }
0x8c: {  	s14 =	simm.s32 $0x3080;
	(v2sf) =	vpush v0, $0xE;
	p2 =	slt.s32 s9, $0x1;
	s12 =	sadd.s32 s0, s3  }
0x8d: {  	[dreg:$0x5] =	wrdreg s3;
	s3 =	sand.u32 $0x7F, s9;
	s5 =	sand.u32 $0x1FFFFF80, s12  }
0x8e: {  	p1 =	sne.s32 s3, $0x0;
	s12 =	sshra.s32 s9, $0x1F;
	s5 =	sadd.s32 s13, s5  }
0x8f: {  	[tilespmem:s14], [sflag:$0x1] =	stream.linear.gather [hbm4b:s5+s6], $0x400, $0x38;
	[tilespmem:$0x4900] =	vst v63  }
0x90: {  	p0 =	por !p2, !p1;
	s5 =	sshrl.u32 s12, $0x19  }
0x91: {  	p0 =	por !p0, !p0;
	s12 =	simm.s32 $0x1;
	s5 =	sadd.s32 s5, s9  }
0x92: {  	s12 =	simm.s32 @!p0 $0x0;
	s5 =	sshrl.u32 s5, $0x7  }
0x93: {  	s5 =	ssub.s32 s5, s12  }
0x94: {  	s3 =	sshll.u32 s5, $0x7  }
0x95: {  	p0 =	slt.s32 s3, $0x18600  }
0x96: {  	s3 =	simm.s32 @!p0 $0x18600  }
0x97: {  	s14 =	sadd.s32 s0, s3  }
0x98: {  	(v2sf) =	vpush v0, $0xF;
	s5 =	sand.u32 $0x1FFFFF80, s14  }
0x99: {  	[dreg:$0x4] =	wrdreg s3;
	s3 =	simm.s32 $0x3480;
	s5 =	sadd.s32 s13, s5  }
0x9a: {  	[tilespmem:s3], [sflag:$0x1] =	stream.linear.gather [hbm4b:s5+s6], $0x400, $0x38;
	[tilespmem:$0x4900] =	vst v63  }
0x9b: {  	s5 =	spop (v2sf)  }
0x9c: {  	s14 =	sand.u32 $0x7F, s5  }
0x9d: {  	p4 =	slt.s32 s5, $0x1;
	s3 =	sshra.s32 s5, $0x1F;
	p3 =	sne.s32 s14, $0x0  }
0x9e: {  	s12 =	sshrl.u32 s3, $0x19;
	p0 =	por !p4, !p3  }
0x9f: {  	s3 =	simm.s32 $0x1;
	s12 =	sadd.s32 s12, s5;
	p0 =	por !p0, !p0  }
0xa0: {  	s12 =	sshrl.u32 s12, $0x7;
	s3 =	simm.s32 @!p0 $0x0  }
0xa1: {  	s3 =	ssub.s32 s12, s3  }
0xa2: {  	s3 =	sshll.u32 s3, $0x7  }
0xa3: {  	p0 =	slt.s32 s3, $0x18600  }
0xa4: {  	s3 =	simm.s32 @!p0 $0x18600  }
0xa5: {  	[dreg:$0x3] =	wrdreg s3;
	s3 =	sadd.s32 s0, s3  }
0xa6: {  	s3 =	sand.u32 $0x1FFFFF80, s3  }
0xa7: {  	s14 =	simm.s32 $0x3880;
	s12 =	spop (v2sf);
	s3 =	sadd.s32 s13, s3  }
0xa8: {  	[tilespmem:s14], [sflag:$0x1] =	stream.linear.gather [hbm4b:s3+s6], $0x400, $0x38;
	[tilespmem:$0x4900] =	vst v63  }
0xa9: {  	s14 =	sand.u32 $0x7F, s12  }
0xaa: {  	p6 =	slt.s32 s12, $0x1;
	p5 =	sne.s32 s14, $0x0;
	s14 =	sshra.s32 s12, $0x1F  }
0xab: {  	s3 =	sshrl.u32 s14, $0x19;
	p0 =	por !p6, !p5  }
0xac: {  	s14 =	simm.s32 $0x1;
	s3 =	sadd.s32 s3, s12;
	p0 =	por !p0, !p0  }
0xad: {  	s3 =	sshrl.u32 s3, $0x7;
	s14 =	simm.s32 @!p0 $0x0  }
0xae: {  	s3 =	ssub.s32 s3, s14  }
0xaf: {  	s14 =	sshll.u32 s3, $0x7  }
0xb0: {  	p0 =	slt.s32 s14, $0x18600  }
0xb1: {  	s14 =	simm.s32 @!p0 $0x18600  }
0xb2: {  	s0 =	sadd.s32 s0, s14  }
0xb3: {  	s0 =	sand.u32 $0x1FFFFF80, s0  }
0xb4: {  	s0 =	sadd.s32 s13, s0;
	s13 =	simm.s32 $0x3C80  }
0xb5: {  	[tilespmem:s13], [sflag:$0x1] =	stream.linear.gather [hbm4b:s0+s6], $0x400, $0x38;
	[tilespmem:$0x4900] =	vst v63  }
0xb6: {  	s3 =	rddreg [dreg:$0x1];
	_ =	swait.ge [sflag:s16], $0x400  }
0xb7: {  	[sflag:s16] =	ssyncset.done $0x0  }
0xb8: {  	[sflag:s16] =	ssyncadd.s32 $0xFFFFFC00  }
0xb9: {  	_ =	swait.ge [sflag:s16], $0x400  }
0xba: {  	[sflag:s16] =	ssyncset.done $0x0  }
0xbb: {  	[sflag:s16] =	ssyncadd.s32 $0xFFFFFC00  }
0xbc: {  	_ =	swait.ge [sflag:s16], $0x400  }
0xbd: {  	[sflag:s16] =	ssyncset.done $0x0  }
0xbe: {  	[sflag:s16] =	ssyncadd.s32 $0xFFFFFC00  }
0xbf: {  	_ =	swait.ge [sflag:s16], $0x400  }
0xc0: {  	[sflag:s16] =	ssyncset.done $0x0  }
0xc1: {  	[sflag:s16] =	ssyncadd.s32 $0xFFFFFC00  }
0xc2: {  	_ =	swait.ge [sflag:s16], $0x400  }
0xc3: {  	[sflag:s16] =	ssyncset.done $0x0  }
0xc4: {  	[sflag:s16] =	ssyncadd.s32 $0xFFFFFC00  }
0xc5: {  	_ =	swait.ge [sflag:s16], $0x400  }
0xc6: {  	[sflag:s16] =	ssyncset.done $0x0  }
0xc7: {  	[sflag:s16] =	ssyncadd.s32 $0xFFFFFC00  }
0xc8: {  	_ =	swait.ge [sflag:s16], $0x400  }
0xc9: {  	[sflag:s16] =	ssyncset.done $0x0  }
0xca: {  	[sflag:s16] =	ssyncadd.s32 $0xFFFFFC00  }
0xcb: {  	_ =	swait.ge [sflag:s16], $0x400  }
0xcc: {  	[sflag:s16] =	ssyncset.done $0x0  }
0xcd: {  	[sflag:s16] =	ssyncadd.s32 $0xFFFFFC00  }
0xce: {  	_ =	swait.ge [sflag:s16], $0x400  }
0xcf: {  	[sflag:s16] =	ssyncset.done $0x0  }
0xd0: {  	[sflag:s16] =	ssyncadd.s32 $0xFFFFFC00  }
0xd1: {  	_ =	swait.ge [sflag:s16], $0x400  }
0xd2: {  	[sflag:s16] =	ssyncset.done $0x0  }
0xd3: {  	[sflag:s16] =	ssyncadd.s32 $0xFFFFFC00  }
0xd4: {  	_ =	swait.ge [sflag:s16], $0x400  }
0xd5: {  	[sflag:s16] =	ssyncset.done $0x0  }
0xd6: {  	[sflag:s16] =	ssyncadd.s32 $0xFFFFFC00  }
0xd7: {  	_ =	swait.ge [sflag:s16], $0x400  }
0xd8: {  	[sflag:s16] =	ssyncset.done $0x0  }
0xd9: {  	[sflag:s16] =	ssyncadd.s32 $0xFFFFFC00  }
0xda: {  	_ =	swait.ge [sflag:s16], $0x400  }
0xdb: {  	[sflag:s16] =	ssyncset.done $0x0  }
0xdc: {  	[sflag:s16] =	ssyncadd.s32 $0xFFFFFC00  }
0xdd: {  	_ =	swait.ge [sflag:s16], $0x400  }
0xde: {  	[sflag:s16] =	ssyncset.done $0x0  }
0xdf: {  	[sflag:s16] =	ssyncadd.s32 $0xFFFFFC00  }
0xe0: {  	_ =	swait.ge [sflag:s16], $0x400  }
0xe1: {  	[sflag:s16] =	ssyncset.done $0x0  }
0xe2: {  	[sflag:s16] =	ssyncadd.s32 $0xFFFFFC00  }
0xe3: {  	_ =	swait.ge [sflag:s16], $0x400  }
0xe4: {  	p0 =	seq.s32 s8, $0x0;
	s0 =	simm.f32 $0.0e+00;
	[sflag:s16] =	ssyncset.done $0x0  }
0xe5: {  	s0 =	simm.s32 @!p0 $0x3F800000;
	[sflag:s16] =	ssyncadd.s32 $0xFFFFFC00  }
0xe6: {  	v30 =	vmov s0;
	v1 =	vld [tilespmem:$0x80]  }
0xe7: {  	v0 =	vmul.f32 $-8.999990220e-01, v30  }
0xe8: {  	v2 =	vld [tilespmem:$0x90]  }
0xe9: {  	v8 =	vbroadcast v0, $0x0;
	v3 =	vld [tilespmem:$0xA0];
	_ =	sdelay $0x1  }
0xea: {  	s10 =	ssub.s32 s8, s10;
	v0 =	vmul.f32 v1, v8  }
0xeb: {  	v9 =	vmov s10;
	v5 =	vld [tilespmem:$0xB0];
	v1 =	vlaneseq.u32  }
0xec: {  	v2 =	vmul.f32 v2, v8;
	v4 =	vadd.f32 $0.0e+00, v0;
	v0 =	vor.u32 $0x10, v1  }
0xed: {  	v6 =	vld [tilespmem:$0xC0];
	v3 =	vmul.f32 v3, v8;
	vm0 =	veq.s32 v9, v1;
	vm9 =	veq.s32 v9, v0  }
0xee: {  	v4 =	vnsel vm0, $0x0, v4;
	v7 =	vnsel vm9, $0x0, v2;
	v2 =	vor.u32 $0x20, v1  }
0xef: {  	v4 =	vadd.f32 v7, v4;
	vm10 =	veq.s32 v9, v2  }
0xf0: {  	v10 =	vld [tilespmem:$0xD0];
	v5 =	vmul.f32 v5, v8;
	v31 =	vnsel vm10, $0x0, v3;
	v3 =	vor.u32 $0x30, v1  }
0xf1: {  	v7 =	vadd.f32 v31, v4;
	vm11 =	veq.s32 v9, v3  }
0xf2: {  	p0 =	seq.s32 s2, $0x0;
	s0 =	simm.f32 $0.0e+00;
	v11 =	vld [tilespmem:$0xE0];
	v6 =	vmul.f32 v6, v8;
	v4 =	vor.u32 $0x40, v1;
	v5 =	vnsel vm11, $0x0, v5  }
0xf3: {  	s0 =	simm.s32 @!p0 $0x3F800000;
	vm12 =	veq.s32 v9, v4;
	v5 =	vadd.f32 v5, v7  }
0xf4: {  	v32 =	vmov s0;
	v12 =	vld [tilespmem:$0xF0];
	v6 =	vnsel vm12, $0x0, v6  }
0xf5: {  	v10 =	vmul.f32 v10, v8;
	v13 =	vadd.f32 v6, v5;
	v6 =	vor.u32 $0x50, v1  }
0xf6: {  	v15 =	vmul.f32 $-8.999990220e-01, v32;
	v14 =	vld [tilespmem:$0x500];
	vm13 =	veq.s32 v9, v6  }
0xf7: {  	v11 =	vmul.f32 v11, v8;
	v5 =	vor.u32 $0x60, v1;
	v10 =	vnsel vm13, $0x0, v10  }
0xf8: {  	v34 =	vbroadcast v15, $0x0;
	v33 =	vld [tilespmem:$0x510];
	vm14 =	veq.s32 v9, v5;
	v10 =	vadd.f32 v10, v13  }
0xf9: {  	v8 =	vmul.f32 v12, v8;
	v7 =	vor.u32 $0x70, v1;
	v11 =	vnsel vm14, $0x0, v11  }
0xfa: {  	s13 =	ssub.s32 s2, s4;
	v35 =	vld [tilespmem:$0x520];
	vm15 =	veq.s32 v9, v7;
	v10 =	vadd.f32 v11, v10  }
0xfb: {  	v36 =	vmov s13;
	v14 =	vmul.f32 v14, v34;
	v8 =	vnsel vm15, $0x0, v8  }
0xfc: {  	v37 =	vld [tilespmem:$0x530];
	vm4 =	veq.s32 v36, v1;
	v8 =	vadd.f32 v8, v10  }
0xfd: {  	v14 =	vnsel vm4, $0x0, v14;
	v13 =	vmul.f32 v33, v34  }
0xfe: {  	v38 =	vld [tilespmem:$0x540];
	vm5 =	veq.s32 v36, v0;
	v8 =	vadd.f32 v14, v8  }
0xff: {  	v9 =	vmul.f32 v35, v34;
	v13 =	vnsel vm5, $0x0, v13  }
0x100: {  	v39 =	vld [tilespmem:$0x550];
	vm6 =	veq.s32 v36, v2;
	v8 =	vadd.f32 v13, v8  }
0x101: {  	v9 =	vnsel vm6, $0x0, v9;
	v10 =	vmul.f32 v37, v34  }
0x102: {  	v40 =	vld [tilespmem:$0x560];
	vm7 =	veq.s32 v36, v3;
	v8 =	vadd.f32 v9, v8  }
0x103: {  	v10 =	vnsel vm7, $0x0, v10;
	v14 =	vmul.f32 v38, v34  }
0x104: {  	p0 =	seq.s32 s1, $0x0;
	s0 =	simm.f32 $0.0e+00;
	v41 =	vld [tilespmem:$0x570];
	vm8 =	veq.s32 v36, v4;
	v8 =	vadd.f32 v10, v8  }
0x105: {  	s0 =	simm.s32 @!p0 $0x3F800000;
	v14 =	vnsel vm8, $0x0, v14;
	v13 =	vmul.f32 v39, v34  }
0x106: {  	v42 =	vmov s0;
	v43 =	vld [tilespmem:$0x980];
	vm9 =	veq.s32 v36, v6;
	v8 =	vadd.f32 v14, v8  }
0x107: {  	v15 =	vmul.f32 $-8.999990220e-01, v42;
	v13 =	vnsel vm9, $0x0, v13;
	v9 =	vmul.f32 v40, v34  }
0x108: {  	v44 =	vld [tilespmem:$0x990];
	vm10 =	veq.s32 v36, v5;
	v8 =	vadd.f32 v13, v8  }
0x109: {  	v45 =	vbroadcast v15, $0x0;
	v9 =	vnsel vm10, $0x0, v9;
	v10 =	vmul.f32 v41, v34  }
0x10a: {  	s2 =	ssub.s32 s1, s7;
	v46 =	vld [tilespmem:$0x9A0];
	vm11 =	veq.s32 v36, v7;
	v8 =	vadd.f32 v9, v8  }
0x10b: {  	v47 =	vmov s2;
	v10 =	vnsel vm11, $0x0, v10;
	v14 =	vmul.f32 v43, v45  }
0x10c: {  	v48 =	vld [tilespmem:$0x9B0];
	vm12 =	veq.s32 v47, v1;
	v8 =	vadd.f32 v10, v8  }
0x10d: {  	v14 =	vnsel vm12, $0x0, v14;
	v13 =	vmul.f32 v44, v45  }
0x10e: {  	v49 =	vld [tilespmem:$0x9C0];
	vm13 =	veq.s32 v47, v0;
	v8 =	vadd.f32 v14, v8  }
0x10f: {  	v13 =	vnsel vm13, $0x0, v13;
	v9 =	vmul.f32 v46, v45  }
0x110: {  	v50 =	vld [tilespmem:$0x9D0];
	vm14 =	veq.s32 v47, v2;
	v8 =	vadd.f32 v13, v8  }
0x111: {  	v9 =	vnsel vm14, $0x0, v9;
	v10 =	vmul.f32 v48, v45  }
0x112: {  	v51 =	vld [tilespmem:$0x9E0];
	vm15 =	veq.s32 v47, v3;
	v8 =	vadd.f32 v9, v8  }
0x113: {  	v10 =	vnsel vm15, $0x0, v10;
	v14 =	vmul.f32 v49, v45  }
0x114: {  	p0 =	seq.s32 s30, $0x0;
	s0 =	simm.f32 $0.0e+00;
	v52 =	vld [tilespmem:$0x9F0];
	vm4 =	veq.s32 v47, v4;
	v8 =	vadd.f32 v10, v8  }
0x115: {  	s0 =	simm.s32 @!p0 $0x3F800000;
	v14 =	vnsel vm4, $0x0, v14;
	v13 =	vmul.f32 v50, v45  }
0x116: {  	v53 =	vmov s0;
	v54 =	vld [tilespmem:$0xE00];
	vm5 =	veq.s32 v47, v6;
	v8 =	vadd.f32 v14, v8  }
0x117: {  	v15 =	vmul.f32 $-8.999990220e-01, v53;
	v13 =	vnsel vm5, $0x0, v13;
	v9 =	vmul.f32 v51, v45  }
0x118: {  	v55 =	vld [tilespmem:$0xE10];
	vm6 =	veq.s32 v47, v5;
	v8 =	vadd.f32 v13, v8  }
0x119: {  	v56 =	vbroadcast v15, $0x0;
	v9 =	vnsel vm6, $0x0, v9;
	v10 =	vmul.f32 v52, v45  }
0x11a: {  	s6 =	ssub.s32 s30, s31;
	v57 =	vld [tilespmem:$0xE20];
	vm7 =	veq.s32 v47, v7;
	v8 =	vadd.f32 v9, v8  }
0x11b: {  	v58 =	vmov s6;
	v10 =	vnsel vm7, $0x0, v10;
	v14 =	vmul.f32 v54, v56  }
0x11c: {  	v59 =	vld [tilespmem:$0xE30];
	vm8 =	veq.s32 v58, v1;
	v8 =	vadd.f32 v10, v8  }
0x11d: {  	v14 =	vnsel vm8, $0x0, v14;
	v13 =	vmul.f32 v55, v56  }
0x11e: {  	v60 =	vld [tilespmem:$0xE40];
	vm9 =	veq.s32 v58, v0;
	v8 =	vadd.f32 v14, v8  }
0x11f: {  	v13 =	vnsel vm9, $0x0, v13;
	v9 =	vmul.f32 v57, v56  }
0x120: {  	v61 =	vld [tilespmem:$0xE50];
	vm10 =	veq.s32 v58, v2;
	v8 =	vadd.f32 v13, v8  }
0x121: {  	v9 =	vnsel vm10, $0x0, v9;
	v10 =	vmul.f32 v59, v56  }
0x122: {  	v62 =	vld [tilespmem:$0xE60];
	vm11 =	veq.s32 v58, v3;
	v8 =	vadd.f32 v9, v8  }
0x123: {  	v10 =	vnsel vm11, $0x0, v10;
	v14 =	vmul.f32 v60, v56  }
0x124: {  	p0 =	seq.s32 s28, $0x0;
	s0 =	simm.f32 $0.0e+00;
	v63 =	vld [tilespmem:$0xE70];
	vm12 =	veq.s32 v58, v4;
	v8 =	vadd.f32 v10, v8  }
0x125: {  	s0 =	simm.s32 @!p0 $0x3F800000;
	v14 =	vnsel vm12, $0x0, v14;
	v13 =	vmul.f32 v61, v56  }
0x126: {  	v18 =	vmov s0;
	v19 =	vld [tilespmem:$0x1280];
	vm13 =	veq.s32 v58, v6;
	v8 =	vadd.f32 v14, v8  }
0x127: {  	v15 =	vmul.f32 $-8.999990220e-01, v18;
	v13 =	vnsel vm13, $0x0, v13;
	v9 =	vmul.f32 v62, v56  }
0x128: {  	v20 =	vld [tilespmem:$0x1290];
	vm14 =	veq.s32 v58, v5;
	v8 =	vadd.f32 v13, v8  }
0x129: {  	v21 =	vbroadcast v15, $0x0;
	v9 =	vnsel vm14, $0x0, v9;
	v10 =	vmul.f32 v63, v56  }
0x12a: {  	s7 =	ssub.s32 s28, s29;
	v22 =	vld [tilespmem:$0x12A0];
	vm15 =	veq.s32 v58, v7;
	v8 =	vadd.f32 v9, v8  }
0x12b: {  	v23 =	vmov s7;
	v10 =	vnsel vm15, $0x0, v10;
	v14 =	vmul.f32 v19, v21  }
0x12c: {  	v24 =	vld [tilespmem:$0x12B0];
	vm4 =	veq.s32 v23, v1;
	v8 =	vadd.f32 v10, v8  }
0x12d: {  	v14 =	vnsel vm4, $0x0, v14;
	v13 =	vmul.f32 v20, v21  }
0x12e: {  	v25 =	vld [tilespmem:$0x12C0];
	vm5 =	veq.s32 v23, v0;
	v8 =	vadd.f32 v14, v8  }
0x12f: {  	v13 =	vnsel vm5, $0x0, v13;
	v9 =	vmul.f32 v22, v21  }
0x130: {  	v26 =	vld [tilespmem:$0x12D0];
	vm6 =	veq.s32 v23, v2;
	v8 =	vadd.f32 v13, v8  }
0x131: {  	v9 =	vnsel vm6, $0x0, v9;
	v10 =	vmul.f32 v24, v21  }
0x132: {  	v27 =	vld [tilespmem:$0x12E0];
	vm7 =	veq.s32 v23, v3;
	v8 =	vadd.f32 v9, v8  }
0x133: {  	v10 =	vnsel vm7, $0x0, v10;
	v14 =	vmul.f32 v25, v21  }
0x134: {  	p0 =	seq.s32 s25, $0x0;
	s0 =	simm.f32 $0.0e+00;
	v28 =	vld [tilespmem:$0x12F0];
	vm8 =	veq.s32 v23, v4;
	v8 =	vadd.f32 v10, v8  }
0x135: {  	s0 =	simm.s32 @!p0 $0x3F800000;
	v14 =	vnsel vm8, $0x0, v14;
	v13 =	vmul.f32 v26, v21  }
0x136: {  	v29 =	vmov s0;
	v30 =	vld [tilespmem:$0x1700];
	vm9 =	veq.s32 v23, v6;
	v8 =	vadd.f32 v14, v8  }
0x137: {  	v15 =	vmul.f32 $-8.999990220e-01, v29;
	v13 =	vnsel vm9, $0x0, v13;
	v9 =	vmul.f32 v27, v21  }
0x138: {  	v31 =	vld [tilespmem:$0x1710];
	vm10 =	veq.s32 v23, v5;
	v8 =	vadd.f32 v13, v8  }
0x139: {  	v32 =	vbroadcast v15, $0x0;
	v9 =	vnsel vm10, $0x0, v9;
	v10 =	vmul.f32 v28, v21  }
0x13a: {  	s8 =	ssub.s32 s25, s26;
	v33 =	vld [tilespmem:$0x1720];
	vm11 =	veq.s32 v23, v7;
	v8 =	vadd.f32 v9, v8  }
0x13b: {  	v34 =	vmov s8;
	v10 =	vnsel vm11, $0x0, v10;
	v14 =	vmul.f32 v30, v32  }
0x13c: {  	v35 =	vld [tilespmem:$0x1730];
	vm12 =	veq.s32 v34, v1;
	v8 =	vadd.f32 v10, v8  }
0x13d: {  	v14 =	vnsel vm12, $0x0, v14;
	v13 =	vmul.f32 v31, v32  }
0x13e: {  	v36 =	vld [tilespmem:$0x1740];
	vm13 =	veq.s32 v34, v0;
	v8 =	vadd.f32 v14, v8  }
0x13f: {  	v13 =	vnsel vm13, $0x0, v13;
	v9 =	vmul.f32 v33, v32  }
0x140: {  	v37 =	vld [tilespmem:$0x1750];
	vm14 =	veq.s32 v34, v2;
	v8 =	vadd.f32 v13, v8  }
0x141: {  	v9 =	vnsel vm14, $0x0, v9;
	v10 =	vmul.f32 v35, v32  }
0x142: {  	v38 =	vld [tilespmem:$0x1760];
	vm15 =	veq.s32 v34, v3;
	v8 =	vadd.f32 v9, v8  }
0x143: {  	v10 =	vnsel vm15, $0x0, v10;
	v14 =	vmul.f32 v36, v32  }
0x144: {  	p0 =	seq.s32 s23, $0x0;
	s0 =	simm.f32 $0.0e+00;
	v39 =	vld [tilespmem:$0x1770];
	vm4 =	veq.s32 v34, v4;
	v8 =	vadd.f32 v10, v8  }
0x145: {  	s0 =	simm.s32 @!p0 $0x3F800000;
	v14 =	vnsel vm4, $0x0, v14;
	v13 =	vmul.f32 v37, v32  }
0x146: {  	v40 =	vmov s0;
	v41 =	vld [tilespmem:$0x1B80];
	vm5 =	veq.s32 v34, v6;
	v8 =	vadd.f32 v14, v8  }
0x147: {  	v15 =	vmul.f32 $-8.999990220e-01, v40;
	v13 =	vnsel vm5, $0x0, v13;
	v9 =	vmul.f32 v38, v32  }
0x148: {  	v42 =	vld [tilespmem:$0x1B90];
	vm6 =	veq.s32 v34, v5;
	v8 =	vadd.f32 v13, v8  }
0x149: {  	v43 =	vbroadcast v15, $0x0;
	v9 =	vnsel vm6, $0x0, v9;
	v10 =	vmul.f32 v39, v32  }
0x14a: {  	s10 =	ssub.s32 s23, s24;
	v44 =	vld [tilespmem:$0x1BA0];
	vm7 =	veq.s32 v34, v7;
	v8 =	vadd.f32 v9, v8  }
0x14b: {  	v45 =	vmov s10;
	v10 =	vnsel vm7, $0x0, v10;
	v14 =	vmul.f32 v41, v43  }
0x14c: {  	v46 =	vld [tilespmem:$0x1BB0];
	vm8 =	veq.s32 v45, v1;
	v8 =	vadd.f32 v10, v8  }
0x14d: {  	v14 =	vnsel vm8, $0x0, v14;
	v13 =	vmul.f32 v42, v43  }
0x14e: {  	v47 =	vld [tilespmem:$0x1BC0];
	vm9 =	veq.s32 v45, v0;
	v8 =	vadd.f32 v14, v8  }
0x14f: {  	v13 =	vnsel vm9, $0x0, v13;
	v9 =	vmul.f32 v44, v43  }
0x150: {  	v48 =	vld [tilespmem:$0x1BD0];
	vm10 =	veq.s32 v45, v2;
	v8 =	vadd.f32 v13, v8  }
0x151: {  	v9 =	vnsel vm10, $0x0, v9;
	v10 =	vmul.f32 v46, v43  }
0x152: {  	v49 =	vld [tilespmem:$0x1BE0];
	vm11 =	veq.s32 v45, v3;
	v8 =	vadd.f32 v9, v8  }
0x153: {  	v10 =	vnsel vm11, $0x0, v10;
	v14 =	vmul.f32 v47, v43  }
0x154: {  	p0 =	seq.s32 s21, $0x0;
	s0 =	simm.f32 $0.0e+00;
	v50 =	vld [tilespmem:$0x1BF0];
	vm12 =	veq.s32 v45, v4;
	v8 =	vadd.f32 v10, v8  }
0x155: {  	s0 =	simm.s32 @!p0 $0x3F800000;
	v14 =	vnsel vm12, $0x0, v14;
	v13 =	vmul.f32 v48, v43  }
0x156: {  	v51 =	vmov s0;
	v52 =	vld [tilespmem:$0x2000];
	vm13 =	veq.s32 v45, v6;
	v8 =	vadd.f32 v14, v8  }
0x157: {  	v15 =	vmul.f32 $-8.999990220e-01, v51;
	v13 =	vnsel vm13, $0x0, v13;
	v9 =	vmul.f32 v49, v43  }
0x158: {  	v53 =	vld [tilespmem:$0x2010];
	vm14 =	veq.s32 v45, v5;
	v8 =	vadd.f32 v13, v8  }
0x159: {  	v54 =	vbroadcast v15, $0x0;
	v9 =	vnsel vm14, $0x0, v9;
	v10 =	vmul.f32 v50, v43  }
0x15a: {  	s13 =	ssub.s32 s21, s22;
	v55 =	vld [tilespmem:$0x2020];
	vm15 =	veq.s32 v45, v7;
	v8 =	vadd.f32 v9, v8  }
0x15b: {  	v56 =	vmov s13;
	v10 =	vnsel vm15, $0x0, v10;
	v14 =	vmul.f32 v52, v54  }
0x15c: {  	v57 =	vld [tilespmem:$0x2030];
	vm4 =	veq.s32 v56, v1;
	v8 =	vadd.f32 v10, v8  }
0x15d: {  	v14 =	vnsel vm4, $0x0, v14;
	v13 =	vmul.f32 v53, v54  }
0x15e: {  	v58 =	vld [tilespmem:$0x2040];
	vm5 =	veq.s32 v56, v0;
	v8 =	vadd.f32 v14, v8  }
0x15f: {  	v13 =	vnsel vm5, $0x0, v13;
	v9 =	vmul.f32 v55, v54  }
0x160: {  	v59 =	vld [tilespmem:$0x2050];
	vm6 =	veq.s32 v56, v2;
	v8 =	vadd.f32 v13, v8  }
0x161: {  	v9 =	vnsel vm6, $0x0, v9;
	v10 =	vmul.f32 v57, v54  }
0x162: {  	v60 =	vld [tilespmem:$0x2060];
	vm7 =	veq.s32 v56, v3;
	v8 =	vadd.f32 v9, v8  }
0x163: {  	v10 =	vnsel vm7, $0x0, v10;
	v14 =	vmul.f32 v58, v54  }
0x164: {  	p0 =	seq.s32 s19, $0x0;
	s0 =	simm.f32 $0.0e+00;
	v61 =	vld [tilespmem:$0x2070];
	vm8 =	veq.s32 v56, v4;
	v8 =	vadd.f32 v10, v8  }
0x165: {  	s0 =	simm.s32 @!p0 $0x3F800000;
	v14 =	vnsel vm8, $0x0, v14;
	v13 =	vmul.f32 v59, v54  }
0x166: {  	v62 =	vmov s0;
	v63 =	vld [tilespmem:$0x2080];
	vm9 =	veq.s32 v56, v6;
	v8 =	vadd.f32 v14, v8  }
0x167: {  	v15 =	vmul.f32 $-8.999990220e-01, v62;
	v13 =	vnsel vm9, $0x0, v13;
	v9 =	vmul.f32 v60, v54  }
0x168: {  	v18 =	vld [tilespmem:$0x2090];
	vm10 =	veq.s32 v56, v5;
	v8 =	vadd.f32 v13, v8  }
0x169: {  	v19 =	vbroadcast v15, $0x0;
	v9 =	vnsel vm10, $0x0, v9;
	v10 =	vmul.f32 v61, v54  }
0x16a: {  	s20 =	ssub.s32 s19, s20;
	v20 =	vld [tilespmem:$0x20A0];
	vm11 =	veq.s32 v56, v7;
	v8 =	vadd.f32 v9, v8  }
0x16b: {  	v21 =	vmov s20;
	v10 =	vnsel vm11, $0x0, v10;
	v14 =	vmul.f32 v63, v19  }
0x16c: {  	v22 =	vld [tilespmem:$0x20B0];
	vm12 =	veq.s32 v21, v1;
	v8 =	vadd.f32 v10, v8  }
0x16d: {  	v14 =	vnsel vm12, $0x0, v14;
	v13 =	vmul.f32 v18, v19  }
0x16e: {  	v23 =	vld [tilespmem:$0x20C0];
	vm13 =	veq.s32 v21, v0;
	v8 =	vadd.f32 v14, v8  }
0x16f: {  	v13 =	vnsel vm13, $0x0, v13;
	v9 =	vmul.f32 v20, v19  }
0x170: {  	v24 =	vld [tilespmem:$0x20D0];
	vm14 =	veq.s32 v21, v2;
	v8 =	vadd.f32 v13, v8  }
0x171: {  	v9 =	vnsel vm14, $0x0, v9;
	v10 =	vmul.f32 v22, v19  }
0x172: {  	v25 =	vld [tilespmem:$0x20E0];
	vm15 =	veq.s32 v21, v3;
	v8 =	vadd.f32 v9, v8  }
0x173: {  	v10 =	vnsel vm15, $0x0, v10;
	v14 =	vmul.f32 v23, v19  }
0x174: {  	p0 =	seq.s32 s17, $0x0;
	s0 =	simm.f32 $0.0e+00;
	v26 =	vld [tilespmem:$0x20F0];
	vm4 =	veq.s32 v21, v4;
	v8 =	vadd.f32 v10, v8  }
0x175: {  	s0 =	simm.s32 @!p0 $0x3F800000;
	v14 =	vnsel vm4, $0x0, v14;
	v13 =	vmul.f32 v24, v19  }
0x176: {  	v27 =	vmov s0;
	v28 =	vld [tilespmem:$0x2500];
	vm5 =	veq.s32 v21, v6;
	v8 =	vadd.f32 v14, v8  }
0x177: {  	v15 =	vmul.f32 $-8.999990220e-01, v27;
	v13 =	vnsel vm5, $0x0, v13;
	v9 =	vmul.f32 v25, v19  }
0x178: {  	v29 =	vld [tilespmem:$0x2510];
	vm6 =	veq.s32 v21, v5;
	v8 =	vadd.f32 v13, v8  }
0x179: {  	s21 =	rddreg [dreg:$0x8];
	v30 =	vbroadcast v15, $0x0;
	v9 =	vnsel vm6, $0x0, v9;
	v10 =	vmul.f32 v26, v19  }
0x17a: {  	s0 =	ssub.s32 s17, s21;
	v31 =	vld [tilespmem:$0x2520];
	vm7 =	veq.s32 v21, v7;
	v8 =	vadd.f32 v9, v8  }
0x17b: {  	v32 =	vmov s0;
	v10 =	vnsel vm7, $0x0, v10;
	v14 =	vmul.f32 v28, v30  }
0x17c: {  	v33 =	vld [tilespmem:$0x2530];
	vm8 =	veq.s32 v32, v1;
	v8 =	vadd.f32 v10, v8  }
0x17d: {  	v14 =	vnsel vm8, $0x0, v14;
	v13 =	vmul.f32 v29, v30  }
0x17e: {  	v34 =	vld [tilespmem:$0x2540];
	vm9 =	veq.s32 v32, v0;
	v8 =	vadd.f32 v14, v8  }
0x17f: {  	v13 =	vnsel vm9, $0x0, v13;
	v9 =	vmul.f32 v31, v30  }
0x180: {  	v35 =	vld [tilespmem:$0x2550];
	vm10 =	veq.s32 v32, v2;
	v8 =	vadd.f32 v13, v8  }
0x181: {  	v9 =	vnsel vm10, $0x0, v9;
	v10 =	vmul.f32 v33, v30  }
0x182: {  	v36 =	vld [tilespmem:$0x2560];
	vm11 =	veq.s32 v32, v3;
	v8 =	vadd.f32 v9, v8  }
0x183: {  	v10 =	vnsel vm11, $0x0, v10;
	v14 =	vmul.f32 v34, v30  }
0x184: {  	p0 =	seq.s32 s15, $0x0;
	v37 =	vld [tilespmem:$0x2570];
	s0 =	simm.f32 $0.0e+00;
	vm12 =	veq.s32 v32, v4;
	v8 =	vadd.f32 v10, v8  }
0x185: {  	s0 =	simm.s32 @!p0 $0x3F800000;
	v14 =	vnsel vm12, $0x0, v14;
	v13 =	vmul.f32 v35, v30  }
0x186: {  	v39 =	vld [tilespmem:$0x2980];
	v38 =	vmov s0;
	vm13 =	veq.s32 v32, v6;
	v8 =	vadd.f32 v14, v8  }
0x187: {  	v15 =	vmul.f32 $-8.999990220e-01, v38;
	v13 =	vnsel vm13, $0x0, v13;
	v9 =	vmul.f32 v36, v30  }
0x188: {  	v40 =	vld [tilespmem:$0x2990];
	vm14 =	veq.s32 v32, v5;
	v8 =	vadd.f32 v13, v8  }
0x189: {  	s22 =	rddreg [dreg:$0x7];
	v41 =	vbroadcast v15, $0x0;
	v9 =	vnsel vm14, $0x0, v9;
	v10 =	vmul.f32 v37, v30  }
0x18a: {  	s0 =	ssub.s32 s15, s22;
	v42 =	vld [tilespmem:$0x29A0];
	vm15 =	veq.s32 v32, v7;
	v8 =	vadd.f32 v9, v8  }
0x18b: {  	v43 =	vmov s0;
	v10 =	vnsel vm15, $0x0, v10;
	v14 =	vmul.f32 v39, v41  }
0x18c: {  	v44 =	vld [tilespmem:$0x29B0];
	vm4 =	veq.s32 v43, v1;
	v8 =	vadd.f32 v10, v8  }
0x18d: {  	v14 =	vnsel vm4, $0x0, v14;
	v13 =	vmul.f32 v40, v41  }
0x18e: {  	v45 =	vld [tilespmem:$0x29C0];
	vm5 =	veq.s32 v43, v0;
	v8 =	vadd.f32 v14, v8  }
0x18f: {  	v13 =	vnsel vm5, $0x0, v13;
	v9 =	vmul.f32 v42, v41  }
0x190: {  	v46 =	vld [tilespmem:$0x29D0];
	vm6 =	veq.s32 v43, v2;
	v8 =	vadd.f32 v13, v8  }
0x191: {  	v9 =	vnsel vm6, $0x0, v9;
	v10 =	vmul.f32 v44, v41  }
0x192: {  	v47 =	vld [tilespmem:$0x29E0];
	vm7 =	veq.s32 v43, v3;
	v8 =	vadd.f32 v9, v8  }
0x193: {  	v10 =	vnsel vm7, $0x0, v10;
	v14 =	vmul.f32 v45, v41  }
0x194: {  	p0 =	seq.s32 s11, $0x0;
	v48 =	vld [tilespmem:$0x29F0];
	s0 =	simm.f32 $0.0e+00;
	vm8 =	veq.s32 v43, v4;
	v8 =	vadd.f32 v10, v8  }
0x195: {  	s0 =	simm.s32 @!p0 $0x3F800000;
	v14 =	vnsel vm8, $0x0, v14;
	v13 =	vmul.f32 v46, v41  }
0x196: {  	v50 =	vld [tilespmem:$0x2E00];
	v49 =	vmov s0;
	vm9 =	veq.s32 v43, v6;
	v8 =	vadd.f32 v14, v8  }
0x197: {  	v15 =	vmul.f32 $-8.999990220e-01, v49;
	v13 =	vnsel vm9, $0x0, v13;
	v9 =	vmul.f32 v47, v41  }
0x198: {  	v51 =	vld [tilespmem:$0x2E10];
	vm10 =	veq.s32 v43, v5;
	v8 =	vadd.f32 v13, v8  }
0x199: {  	s23 =	rddreg [dreg:$0x6];
	v52 =	vbroadcast v15, $0x0;
	v9 =	vnsel vm10, $0x0, v9;
	v10 =	vmul.f32 v48, v41  }
0x19a: {  	s0 =	ssub.s32 s11, s23;
	v53 =	vld [tilespmem:$0x2E20];
	vm11 =	veq.s32 v43, v7;
	v8 =	vadd.f32 v9, v8  }
0x19b: {  	v54 =	vmov s0;
	v10 =	vnsel vm11, $0x0, v10;
	v14 =	vmul.f32 v50, v52  }
0x19c: {  	v55 =	vld [tilespmem:$0x2E30];
	vm12 =	veq.s32 v54, v1;
	v8 =	vadd.f32 v10, v8  }
0x19d: {  	v14 =	vnsel vm12, $0x0, v14;
	v13 =	vmul.f32 v51, v52  }
0x19e: {  	v56 =	vld [tilespmem:$0x2E40];
	vm13 =	veq.s32 v54, v0;
	v8 =	vadd.f32 v14, v8  }
0x19f: {  	v13 =	vnsel vm13, $0x0, v13;
	v9 =	vmul.f32 v53, v52  }
0x1a0: {  	v57 =	vld [tilespmem:$0x2E50];
	vm14 =	veq.s32 v54, v2;
	v8 =	vadd.f32 v13, v8  }
0x1a1: {  	v9 =	vnsel vm14, $0x0, v9;
	v10 =	vmul.f32 v55, v52  }
0x1a2: {  	v58 =	vld [tilespmem:$0x2E60];
	vm15 =	veq.s32 v54, v3;
	v8 =	vadd.f32 v9, v8  }
0x1a3: {  	v10 =	vnsel vm15, $0x0, v10;
	v14 =	vmul.f32 v56, v52  }
0x1a4: {  	p0 =	seq.s32 s18, $0x0;
	v59 =	vld [tilespmem:$0x2E70];
	s0 =	simm.f32 $0.0e+00;
	vm4 =	veq.s32 v54, v4;
	v8 =	vadd.f32 v10, v8  }
0x1a5: {  	s0 =	simm.s32 @!p0 $0x3F800000;
	v14 =	vnsel vm4, $0x0, v14;
	v13 =	vmul.f32 v57, v52  }
0x1a6: {  	v61 =	vld [tilespmem:$0x3280];
	v60 =	vmov s0;
	vm5 =	veq.s32 v54, v6;
	v8 =	vadd.f32 v14, v8  }
0x1a7: {  	v15 =	vmul.f32 $-8.999990220e-01, v60;
	v13 =	vnsel vm5, $0x0, v13;
	v9 =	vmul.f32 v58, v52  }
0x1a8: {  	v62 =	vld [tilespmem:$0x3290];
	vm6 =	veq.s32 v54, v5;
	v8 =	vadd.f32 v13, v8  }
0x1a9: {  	s24 =	rddreg [dreg:$0x5];
	v63 =	vbroadcast v15, $0x0;
	v9 =	vnsel vm6, $0x0, v9;
	v10 =	vmul.f32 v59, v52  }
0x1aa: {  	v17 =	vld [tilespmem:$0x32A0];
	s0 =	ssub.s32 s18, s24;
	vm7 =	veq.s32 v54, v7;
	v8 =	vadd.f32 v9, v8  }
0x1ab: {  	v18 =	vmov s0;
	v10 =	vnsel vm7, $0x0, v10;
	v14 =	vmul.f32 v61, v63  }
0x1ac: {  	v19 =	vld [tilespmem:$0x32B0];
	vm8 =	veq.s32 v18, v1;
	v8 =	vadd.f32 v10, v8  }
0x1ad: {  	v14 =	vnsel vm8, $0x0, v14;
	v13 =	vmul.f32 v62, v63  }
0x1ae: {  	v20 =	vld [tilespmem:$0x32C0];
	vm9 =	veq.s32 v18, v0;
	v8 =	vadd.f32 v14, v8  }
0x1af: {  	v13 =	vnsel vm9, $0x0, v13;
	v9 =	vmul.f32 v17, v63  }
0x1b0: {  	v21 =	vld [tilespmem:$0x32D0];
	vm10 =	veq.s32 v18, v2;
	v8 =	vadd.f32 v13, v8  }
0x1b1: {  	v9 =	vnsel vm10, $0x0, v9;
	v10 =	vmul.f32 v19, v63  }
0x1b2: {  	v22 =	vld [tilespmem:$0x32E0];
	vm11 =	veq.s32 v18, v3;
	v8 =	vadd.f32 v9, v8  }
0x1b3: {  	v10 =	vnsel vm11, $0x0, v10;
	v14 =	vmul.f32 v20, v63  }
0x1b4: {  	p0 =	seq.s32 s9, $0x0;
	s0 =	simm.f32 $0.0e+00;
	v23 =	vld [tilespmem:$0x32F0];
	vm12 =	veq.s32 v18, v4;
	v8 =	vadd.f32 v10, v8  }
0x1b5: {  	s0 =	simm.s32 @!p0 $0x3F800000;
	v14 =	vnsel vm12, $0x0, v14;
	v13 =	vmul.f32 v21, v63  }
0x1b6: {  	v24 =	vmov s0;
	v25 =	vld [tilespmem:$0x3700];
	vm13 =	veq.s32 v18, v6;
	v8 =	vadd.f32 v14, v8  }
0x1b7: {  	v15 =	vmul.f32 $-8.999990220e-01, v24;
	v13 =	vnsel vm13, $0x0, v13;
	v9 =	vmul.f32 v22, v63  }
0x1b8: {  	v26 =	vld [tilespmem:$0x3710];
	vm14 =	veq.s32 v18, v5;
	v8 =	vadd.f32 v13, v8  }
0x1b9: {  	s25 =	rddreg [dreg:$0x4];
	v27 =	vbroadcast v15, $0x0;
	v9 =	vnsel vm14, $0x0, v9;
	v10 =	vmul.f32 v23, v63  }
0x1ba: {  	s0 =	ssub.s32 s9, s25;
	v28 =	vld [tilespmem:$0x3720];
	vm15 =	veq.s32 v18, v7;
	v8 =	vadd.f32 v9, v8  }
0x1bb: {  	v29 =	vmov s0;
	v10 =	vnsel vm15, $0x0, v10;
	v14 =	vmul.f32 v25, v27  }
0x1bc: {  	v30 =	vld [tilespmem:$0x3730];
	vm4 =	veq.s32 v29, v1;
	v8 =	vadd.f32 v10, v8  }
0x1bd: {  	v14 =	vnsel vm4, $0x0, v14;
	v13 =	vmul.f32 v26, v27  }
0x1be: {  	v31 =	vld [tilespmem:$0x3740];
	vm5 =	veq.s32 v29, v0;
	v8 =	vadd.f32 v14, v8  }
0x1bf: {  	v13 =	vnsel vm5, $0x0, v13;
	v9 =	vmul.f32 v28, v27  }
0x1c0: {  	v32 =	vld [tilespmem:$0x3750];
	vm6 =	veq.s32 v29, v2;
	v8 =	vadd.f32 v13, v8  }
0x1c1: {  	v9 =	vnsel vm6, $0x0, v9;
	v10 =	vmul.f32 v30, v27  }
0x1c2: {  	v33 =	vld [tilespmem:$0x3760];
	vm7 =	veq.s32 v29, v3;
	v8 =	vadd.f32 v9, v8  }
0x1c3: {  	v10 =	vnsel vm7, $0x0, v10;
	v14 =	vmul.f32 v31, v27  }
0x1c4: {  	p0 =	seq.s32 s5, $0x0;
	s0 =	simm.f32 $0.0e+00;
	v34 =	vld [tilespmem:$0x3770];
	vm8 =	veq.s32 v29, v4;
	v8 =	vadd.f32 v10, v8  }
0x1c5: {  	s0 =	simm.s32 @!p0 $0x3F800000;
	v14 =	vnsel vm8, $0x0, v14;
	v13 =	vmul.f32 v32, v27  }
0x1c6: {  	v35 =	vmov s0;
	v36 =	vld [tilespmem:$0x3B80];
	vm9 =	veq.s32 v29, v6;
	v8 =	vadd.f32 v14, v8  }
0x1c7: {  	v15 =	vmul.f32 $-8.999990220e-01, v35;
	v13 =	vnsel vm9, $0x0, v13;
	v9 =	vmul.f32 v33, v27  }
0x1c8: {  	v37 =	vld [tilespmem:$0x3B90];
	vm10 =	veq.s32 v29, v5;
	v8 =	vadd.f32 v13, v8  }
0x1c9: {  	s26 =	rddreg [dreg:$0x3];
	v38 =	vbroadcast v15, $0x0;
	v9 =	vnsel vm10, $0x0, v9;
	v10 =	vmul.f32 v34, v27  }
0x1ca: {  	s0 =	ssub.s32 s5, s26;
	v39 =	vld [tilespmem:$0x3BA0];
	vm11 =	veq.s32 v29, v7;
	v8 =	vadd.f32 v9, v8  }
0x1cb: {  	v40 =	vmov s0;
	v10 =	vnsel vm11, $0x0, v10;
	v14 =	vmul.f32 v36, v38  }
0x1cc: {  	v41 =	vld [tilespmem:$0x3BB0];
	vm12 =	veq.s32 v40, v1;
	v8 =	vadd.f32 v10, v8  }
0x1cd: {  	v14 =	vnsel vm12, $0x0, v14;
	v13 =	vmul.f32 v37, v38  }
0x1ce: {  	v42 =	vld [tilespmem:$0x3BC0];
	vm13 =	veq.s32 v40, v0;
	v8 =	vadd.f32 v14, v8  }
0x1cf: {  	v13 =	vnsel vm13, $0x0, v13;
	v9 =	vmul.f32 v39, v38  }
0x1d0: {  	v43 =	vld [tilespmem:$0x3BD0];
	vm14 =	veq.s32 v40, v2;
	v8 =	vadd.f32 v13, v8  }
0x1d1: {  	v9 =	vnsel vm14, $0x0, v9;
	v10 =	vmul.f32 v41, v38  }
0x1d2: {  	v44 =	vld [tilespmem:$0x3BE0];
	vm15 =	veq.s32 v40, v3;
	v8 =	vadd.f32 v9, v8  }
0x1d3: {  	v10 =	vnsel vm15, $0x0, v10;
	v14 =	vmul.f32 v42, v38  }
0x1d4: {  	p0 =	seq.s32 s12, $0x0;
	s0 =	simm.f32 $0.0e+00;
	v45 =	vld [tilespmem:$0x3BF0];
	vm4 =	veq.s32 v40, v4;
	v8 =	vadd.f32 v10, v8  }
0x1d5: {  	s0 =	simm.s32 @!p0 $0x3F800000;
	v14 =	vnsel vm4, $0x0, v14;
	v13 =	vmul.f32 v43, v38  }
0x1d6: {  	v46 =	vmov s0;
	v47 =	vld [tilespmem:$0x4000];
	vm5 =	veq.s32 v40, v6;
	v8 =	vadd.f32 v14, v8  }
0x1d7: {  	v13 =	vnsel vm5, $0x0, v13;
	v9 =	vmul.f32 v44, v38;
	v14 =	vmul.f32 $-8.999990220e-01, v46  }
0x1d8: {  	v48 =	vld [tilespmem:$0x4010];
	vm6 =	veq.s32 v40, v5;
	v8 =	vadd.f32 v13, v8  }
0x1d9: {  	v10 =	vmul.f32 v45, v38;
	v9 =	vnsel vm6, $0x0, v9;
	v49 =	vbroadcast v14, $0x0  }
0x1da: {  	s28 =	ssub.s32 s12, s14;
	v50 =	vld [tilespmem:$0x4020];
	vm7 =	veq.s32 v40, v7;
	v8 =	vadd.f32 v9, v8  }
0x1db: {  	v51 =	vmov s28;
	v10 =	vnsel vm7, $0x0, v10;
	v14 =	vmul.f32 v47, v49  }
0x1dc: {  	v52 =	vld [tilespmem:$0x4030];
	vm8 =	veq.s32 v51, v1;
	v8 =	vadd.f32 v10, v8  }
0x1dd: {  	v13 =	vmul.f32 v48, v49;
	v53 =	vnsel vm8, $0x0, v14  }
0x1de: {  	v54 =	vld [tilespmem:$0x4040];
	vm9 =	veq.s32 v51, v0;
	v8 =	vadd.f32 v53, v8  }
0x1df: {  	v9 =	vmul.f32 v50, v49;
	v55 =	vnsel vm9, $0x0, v13  }
0x1e0: {  	v56 =	vld [tilespmem:$0x4050];
	vm10 =	veq.s32 v51, v2;
	v8 =	vadd.f32 v55, v8  }
0x1e1: {  	v1 =	vmul.f32 v52, v49;
	v9 =	vnsel vm10, $0x0, v9  }
0x1e2: {  	v57 =	vld [tilespmem:$0x4060];
	vm11 =	veq.s32 v51, v3;
	v8 =	vadd.f32 v9, v8  }
0x1e3: {  	v0 =	vmul.f32 v54, v49;
	v1 =	vnsel vm11, $0x0, v1  }
0x1e4: {  	v58 =	vld [tilespmem:$0x4070];
	vm12 =	veq.s32 v51, v4;
	v1 =	vadd.f32 v1, v8  }
0x1e5: {  	v2 =	vmul.f32 v56, v49;
	v0 =	vnsel vm12, $0x0, v0  }
0x1e6: {  	vm13 =	veq.s32 v51, v6;
	v0 =	vadd.f32 v0, v1  }
0x1e7: {  	v60 =	vmul.f32 v57, v49;
	v59 =	vnsel vm13, $0x0, v2  }
0x1e8: {  	vm14 =	veq.s32 v51, v5;
	v0 =	vadd.f32 v59, v0  }
0x1e9: {  	v62 =	vmul.f32 v58, v49;
	v61 =	vnsel vm14, $0x0, v60  }
0x1ea: {  	vm15 =	veq.s32 v51, v7;
	v0 =	vadd.f32 v61, v0  }
0x1eb: {  	v63 =	vnsel vm15, $0x0, v62  }
0x1ec: {  	s29 =	stileid.u32;
	v0 =	vadd.f32 v63, v0  }
0x1ed: {  	s1 =	sadd.s32 $0xC00, s3;
	s30 =	sshll.u32 s29, $0x4  }
0x1ee: {  	s4 =	simm.s32 $0x0;
	s31 =	sadd.s32 s1, s30;
	s0 =	simm.s32 $0x4080;
	[tilespmem:$0x4080] =	vst v0  }
0x1ef: {  	[hbm4b:s31+s4] =	stream.linear.scatter [tilespmem:s0], [sflag:$0x1], $0x80, $0x38;
	[tilespmem:$0x4900] =	vst v63  }
0x1f0: {  	_ =	swait.ge [sflag:s16], $0x80  }
0x1f1: {  	[sflag:s16] =	ssyncset.done $0x0  }
0x1f2: {  	[sflag:s16] =	ssyncadd.s32 $0xFFFFFF80  }
0x1f3: {  	p0 =	sne.s32 s29, $0x0;
	[bflag:$0x0] =	sbarrier.arrive $0xFFFF  }
0x1f4: {  	_ =	sfence.sel @p0 $0x180000  }
0x1f5: {  	[bflag:$0x0] =	sbarrier.arrive @p0 $0xFFFF  }
0x1f6: {  	_ =	strace @p0 $0x90000047  }
0x1f7: {  	[bflag:$0x2] =	sbarrier.arrive @p0 $0xFFFF  }
0x1f8: {  	_ =	shalt @p0  }
.LBB2_1:
0x1f9: {  	s2 =	simm.s32 $0x4100  }
0x1fa: {  	[tilespmem:s2], [sflag:$0x1] =	stream.linear.gather [hbm4b:s1+s4], $0x800, $0x38;
	[tilespmem:$0x4900] =	vst v63  }
0x1fb: {  	_ =	swait.ge [sflag:s16], $0x800  }
0x1fc: {  	[sflag:s16] =	ssyncset.done $0x0  }
0x1fd: {  	[sflag:s16] =	ssyncadd.s32 $0xFFFFF800  }
0x1fe: {  	v0 =	vld [tilespmem:$0x4100];
	_ =	sdelay $0x1  }
0x1ff: {  	v1 =	vld [tilespmem:$0x4180];
	_ =	sdelay $0x1  }
0x200: {  	v2 =	vld [tilespmem:$0x4200]  }
0x201: {  	v0 =	vadd.f32 $0.0e+00, v0  }
0x202: {  	v3 =	vld [tilespmem:$0x4280]  }
0x203: {  	v0 =	vadd.f32 v1, v0  }
0x204: {  	v42 =	vld [tilespmem:$0x4300]  }
0x205: {  	v0 =	vadd.f32 v2, v0  }
0x206: {  	v43 =	vld [tilespmem:$0x4380]  }
0x207: {  	v0 =	vadd.f32 v3, v0  }
0x208: {  	v44 =	vld [tilespmem:$0x4400]  }
0x209: {  	v0 =	vadd.f32 v42, v0  }
0x20a: {  	v45 =	vld [tilespmem:$0x4480]  }
0x20b: {  	v0 =	vadd.f32 v43, v0  }
0x20c: {  	v46 =	vld [tilespmem:$0x4500]  }
0x20d: {  	v0 =	vadd.f32 v44, v0  }
0x20e: {  	v47 =	vld [tilespmem:$0x4580]  }
0x20f: {  	v0 =	vadd.f32 v45, v0  }
0x210: {  	v48 =	vld [tilespmem:$0x4600]  }
0x211: {  	v0 =	vadd.f32 v46, v0  }
0x212: {  	v49 =	vld [tilespmem:$0x4680]  }
0x213: {  	v0 =	vadd.f32 v47, v0  }
0x214: {  	v50 =	vld [tilespmem:$0x4700]  }
0x215: {  	v0 =	vadd.f32 v48, v0  }
0x216: {  	v51 =	vld [tilespmem:$0x4780]  }
0x217: {  	v0 =	vadd.f32 v49, v0  }
0x218: {  	v4 =	vimm.s32 $0xFEDCBA98;
	v52 =	vld [tilespmem:$0x4800]  }
0x219: {  	v54 =	vimm.s32 $0x76543210;
	v4 =	vunpack.c.l.s4.s8 v4;
	v0 =	vadd.f32 v50, v0  }
0x21a: {  	v53 =	vld [tilespmem:$0x4880];
	v1 =	vunpack.c.l.s4.s8 v54  }
0x21b: {  	v55 =	vunpack.c.0.s8.s32 v4;
	v0 =	vadd.f32 v51, v0  }
0x21c: {  	v56 =	vimm.s32 $0xBA98FEDC;
	v1 =	vunpack.c.0.s8.s32 v1  }
0x21d: {  	v57 =	vimm.s32 $0x32107654;
	v2 =	vand.u32 $0xF, v55;
	v0 =	vadd.f32 v52, v0  }
0x21e: {  	v1 =	vcombine.low v2, v1;
	v2 =	vunpack.c.l.s4.s8 v56;
	v3 =	vunpack.c.l.s4.s8 v57  }
0x21f: {  	v0 =	vadd.f32 v53, v0  }
0x220: {  	v2 =	vunpack.c.0.s8.s32 v2;
	v3 =	vunpack.c.0.s8.s32 v3  }
0x221: {  	v1 =	vperm.xlane v0, v1  }
0x222: {  	v59 =	vimm.s32 $0xDCFE98BA;
	v60 =	vimm.s32 $0x54761032;
	v58 =	vcombine.low v3, v2  }
0x223: {  	v2 =	vunpack.c.l.s4.s8 v59;
	v3 =	vunpack.c.l.s4.s8 v60;
	v0 =	vadd.f32 v1, v0  }
0x224: {  	v62 =	vimm.s32 $0x67452301  }
0x225: {  	v2 =	vunpack.c.0.s8.s32 v2;
	v3 =	vunpack.c.0.s8.s32 v3;
	v1 =	vperm.xlane v0, v58  }
0x226: {  	v61 =	vimm.s32 $0xEFCDAB89;
	v63 =	vunpack.c.l.s4.s8 v62  }
0x227: {  	v2 =	vcombine.low v3, v2;
	v0 =	vadd.f32 v1, v0;
	v1 =	vunpack.c.l.s4.s8 v61;
	_ =	sdelay $0x1  }
0x228: {  	v3 =	vunpack.c.0.s8.s32 v63;
	v2 =	vperm.xlane v0, v2;
	v1 =	vunpack.c.0.s8.s32 v1;
	_ =	sdelay $0x1  }
0x229: {  	v0 =	vadd.f32 v2, v0;
	v1 =	vcombine.low v3, v1;
	_ =	sdelay $0x1  }
0x22a: {  	v1 =	vperm.xlane v0, v1;
	_ =	sdelay $0x1  }
0x22b: {  	v0 =	vadd.f32 v1, v0;
	_ =	sdelay $0x1  }
0x22c: {  	s30 =	sadd.s32 $0xE00, s3;
	[tilespmem:$0x4080] =	vst v0  }
0x22d: {  	[hbm4b:s30+s4] =	stream.linear.scatter [tilespmem:s0], [sflag:$0x1], $0x80, $0x38;
	[tilespmem:$0x4900] =	vst v63  }
0x22e: {  	_ =	swait.ge [sflag:s16], $0x80  }
0x22f: {  	[sflag:s16] =	ssyncset.done $0x0  }
0x230: {  	[sflag:s16] =	ssyncadd.s32 $0xFFFFFF80  }
0x231: {  	_ =	sfence.sel $0x180000  }
0x232: {  	[bflag:$0x0] =	sbarrier.arrive $0xFFFF  }
0x233: {  	_ =	strace $0x90000047  }
0x234: {  	[bflag:$0x2] =	sbarrier.arrive $0xFFFF  }
0x235: {  	s31 =	rddreg [dreg:$0x2]  }
0x236: {  	s0 =	sadd.s32 $0x100000, s31  }
0x237: {  	[sflag:s0] =	ssyncadd.tile.s32 $0x1;
	_ =	shalt  }
.Lfunc_end2:
_tile_overlayer_lowered:
.L_overlay_start_2:
0x238: {  	(tag) =	ssettag $0x2  }
0x239: {  	s0 =	rddreg [dreg:$0x0];
	s2 =	stileid.u32  }
0x23a: {  	s1 =	rddreg [dreg:$0x1];
	p0 =	sne.s32 s2, $0x0  }
0x23b: {  	s3 =	rddreg [dreg:$0x2];
	[bflag:$0x3] =	sbarrier.arrive $0xFFFF;
	s2 =	simm.s32 @!p0 $0x1C02  }
0x23c: {  	[timem:s3], [sflag:s2] =	dma.local @!p0 [hbm:s0], s1  }
0x23d: {  	s0 =	simm.s32 @!p0 $0x2  }
0x23e: {  	_ =	swait.ge @!p0 [sflag:s0], s1  }
0x23f: {  	s1 =	ssub.s32 @!p0 $0x0, s1;
	[sflag:s0] =	ssyncset.done @!p0 $0x0  }
0x240: {  	[sflag:s0] =	ssyncadd.s32 @!p0 s1  }
0x241: {  	[bflag:$0x3] =	sbarrier.arrive $0xFFFF  }
0x242: {  	_ =	shalt  }

</sc_bundles>
